<compile_context>
chip_gen: v7x
topology: tpu7x:2x2x1
jax: 0.10.2.dev20260603
libtpu: 0.0.44.dev20260713+nightly
codegen_flags: <defaults>
</compile_context>

<pallas_src>
import functools

import jax
import jax.numpy as jnp
from jax import lax
from jax.experimental import pallas as pl
from jax.experimental.pallas import tpu as pltpu
from jax.experimental.pallas import tpu_sc as plsc

_N = 10000
_E = 320000
_FIN = 128
_H = 16
_C = 40

_NC = 2
_NS = 16
_NW = _NC * _NS
_CHUNK = 128
_EPT_CH = 80
_EPAD = _NW * _EPT_CH * _CHUNK
_NBUF = 8
_NPAD = 10240
_TRASH = 10016
_RPT = _NPAD // _NS
_D2 = 40

@functools.cache
def _mesh():
    return plsc.VectorSubcoreMesh(core_axis_name="core",
                                  subcore_axis_name="subcore")


_sc_params = pltpu.CompilerParams(use_tc_tiling_on_sc=False)
_sc_params_nolayout = pltpu.CompilerParams(use_tc_tiling_on_sc=False,
                                           needs_layout_passes=False)


def _deg_body(dst_hbm, ones_hbm, zeros_hbm, out_hbm, idx_v, ones_v, dbuf,
              dbuf16, acc_sh, dsem):
    c = lax.axis_index("core")
    s = lax.axis_index("subcore")
    wid = c * _NS + s
    pltpu.sync_copy(zeros_hbm.at[pl.ds(s * _RPT, _RPT)],
                    acc_sh.at[pl.ds(s * _RPT, _RPT)])
    pltpu.sync_copy(ones_hbm, ones_v)
    pltpu.sync_copy(dst_hbm.at[wid], idx_v)
    plsc.subcore_barrier()

    @pl.loop(0, _EPT_CH)
    def _(j):
        pltpu.async_copy(ones_v, acc_sh.at[idx_v.at[j]], dsem, add=True)

    @pl.loop(0, _EPT_CH)
    def _(j):
        pltpu.make_async_copy(ones_v, acc_sh.at[idx_v.at[0]], dsem).wait()

    plsc.subcore_barrier()
    pltpu.sync_copy(acc_sh.at[pl.ds(s * _RPT, _RPT)], dbuf)

    @pl.loop(0, _RPT // 16)
    def _(q):
        v = dbuf[pl.ds(q * 16, 16)]
        rowi = q * 16 + lax.iota(jnp.int32, 16)
        coli = jnp.zeros((16,), jnp.int32)
        plsc.store_scatter(dbuf16, [rowi, coli], v)

    pltpu.sync_copy(dbuf16,
                    out_hbm.at[pl.ds(s * _RPT, _RPT), pl.ds(c * 16, 16)])


def _deg_pass(dstp, ones, zeros1):
    return pl.kernel(
        _deg_body,
        out_type=jax.ShapeDtypeStruct((_NPAD, 128), jnp.float32),
        mesh=_mesh(),
        scratch_types=[
            pltpu.VMEM((_EPT_CH, _CHUNK), jnp.int32),
            pltpu.VMEM((_CHUNK,), jnp.float32),
            pltpu.VMEM((_RPT,), jnp.float32),
            pltpu.VMEM((_RPT, 16), jnp.float32),
            pltpu.VMEM_SHARED((_NPAD,), jnp.float32),
            pltpu.SemaphoreType.DMA,
        ],
        compiler_params=_sc_params_nolayout,
    )(dstp, ones, zeros1)


def _edge_body(d, src_hbm, dst_hbm, gp_hbm, zeros_hbm, gtab_hbm, out_hbm,
               sidx, didx, rows, gbuf, acc_sh, *sems):
    c = lax.axis_index("core")
    s = lax.axis_index("subcore")
    wid = c * _NS + s
    pltpu.sync_copy(zeros_hbm.at[pl.ds(s * _RPT, _RPT), :],
                    acc_sh.at[pl.ds(s * _RPT, _RPT), :])
    pltpu.sync_copy(gp_hbm.at[pl.ds(s * _RPT, _RPT), pl.ds(0, d)], gbuf)
    pltpu.sync_copy(gbuf, gtab_hbm.at[c, pl.ds(s * _RPT, _RPT), :])
    pltpu.sync_copy(src_hbm.at[wid], sidx)
    pltpu.sync_copy(dst_hbm.at[wid], didx)
    plsc.subcore_barrier()
    gtab = gtab_hbm.at[c]

    def g_start(j, k):
        pltpu.async_copy(gtab.at[sidx.at[j]], rows.at[k], sems[k])

    def g_wait(k):
        pltpu.make_async_copy(gtab.at[sidx.at[0]], rows.at[k], sems[k]).wait()

    def s_start(j, k):
        pltpu.async_copy(rows.at[k], acc_sh.at[didx.at[j]], sems[k], add=True)

    def s_wait(k):
        pltpu.make_async_copy(rows.at[k], acc_sh.at[didx.at[0]],
                              sems[k]).wait()

    for k in range(_NBUF):
        g_start(k, k)

    @pl.loop(0, _EPT_CH // _NBUF - 1)
    def _(q):
        j = q * _NBUF
        for k in range(_NBUF):
            g_wait(k)
            s_start(j + k, k)
        for k in range(_NBUF):
            s_wait(k)
            g_start(j + _NBUF + k, k)

    jl = _EPT_CH - _NBUF
    for k in range(_NBUF):
        g_wait(k)
        s_start(jl + k, k)
    for k in range(_NBUF):
        s_wait(k)

    plsc.subcore_barrier()
    loff = c * (16 if d == _H else 64)
    pltpu.sync_copy(acc_sh.at[pl.ds(s * _RPT, _RPT), :],
                    out_hbm.at[pl.ds(s * _RPT, _RPT), pl.ds(loff, d)])


def _edge_pass(d, srcp, dstp, gp, zeros):
    _, accb = pl.kernel(
        functools.partial(_edge_body, d),
        out_type=[
            jax.ShapeDtypeStruct((_NC, _NPAD, d), jnp.float32),
            jax.ShapeDtypeStruct((_NPAD, 128), jnp.float32),
        ],
        mesh=_mesh(),
        scratch_types=[
            pltpu.VMEM((_EPT_CH, _CHUNK), jnp.int32),
            pltpu.VMEM((_EPT_CH, _CHUNK), jnp.int32),
            pltpu.VMEM((_NBUF, _CHUNK, d), jnp.float32),
            pltpu.VMEM((_RPT, d), jnp.float32),
            pltpu.VMEM_SHARED((_NPAD, d), jnp.float32),
        ] + [pltpu.SemaphoreType.DMA] * _NBUF,
        compiler_params=_sc_params,
    )(srcp, dstp, gp, zeros)
    return accb



def _b1_body(degb_ref, x_ref, w1_ref, g1p_ref, dis_ref):
    deg = degb_ref[:, 0:1] + degb_ref[:, 16:17] + 1.0
    dis = lax.rsqrt(deg)
    hp = jnp.dot(x_ref[...], w1_ref[...], preferred_element_type=jnp.float32)
    g1p_ref[pl.ds(0, _N), :] = hp * dis[0:_N, :]
    g1p_ref[pl.ds(_N, _NPAD - _N), :] = jnp.zeros((_NPAD - _N, 128),
                                                  jnp.float32)
    dis_ref[...] = dis[0:_N, :]


def _b2_body(acc_ref, g1_ref, dis_ref, w2_ref, b1_ref, g2p_ref):
    dis = dis_ref[...]
    out1 = ((acc_ref[pl.ds(0, _N), 0:_H] + acc_ref[pl.ds(0, _N), 16:32]
             + g1_ref[pl.ds(0, _N), 0:_H]) * dis + b1_ref[...])
    h2p = jnp.dot(out1, w2_ref[...], preferred_element_type=jnp.float32)
    g2p_ref[pl.ds(0, _N), :] = h2p * dis
    g2p_ref[pl.ds(_N, _NPAD - _N), :] = jnp.zeros((_NPAD - _N, 128),
                                                  jnp.float32)


def _b3_body(acc_ref, g2_ref, dis_ref, b2_ref, out_ref):
    o48 = ((acc_ref[pl.ds(0, _N), 0:_D2] + acc_ref[pl.ds(0, _N), 64:64 + _D2]
            + g2_ref[pl.ds(0, _N), 0:_D2]) * dis_ref[...] + b2_ref[...])
    out_ref[...] = o48[:, 0:_C]


def kernel(x, edge_index, W1, b1, W2, b2):
    src, dst = edge_index[0], edge_index[1]
    pad = _TRASH + (jnp.arange(_EPAD - _E, dtype=jnp.int32) % _CHUNK)
    srcp = jnp.concatenate([src, pad]).reshape(_NW, _EPT_CH, _CHUNK)
    dstp = jnp.concatenate([dst, pad]).reshape(_NW, _EPT_CH, _CHUNK)
    dstp = lax.optimization_barrier(dstp)
    srcp = lax.optimization_barrier(srcp)
    ones = jnp.ones((_CHUNK,), jnp.float32)
    zeros1 = jnp.zeros((_NPAD,), jnp.float32)
    zeros_h = jnp.zeros((_NPAD, _H), jnp.float32)
    zeros_d2 = jnp.zeros((_NPAD, _D2), jnp.float32)
    w1p = jnp.pad(W1, ((0, 0), (0, 128 - _H)))
    w2p = jnp.pad(W2, ((0, 0), (0, 128 - _C)))
    b1r = b1.reshape(1, _H)
    b2p = jnp.pad(b2, (0, _D2 - _C)).reshape(1, _D2)

    degb = _deg_pass(dstp, ones, zeros1)

    g1p, dis = pl.pallas_call(
        _b1_body,
        out_shape=[
            jax.ShapeDtypeStruct((_NPAD, 128), jnp.float32),
            jax.ShapeDtypeStruct((_N, 1), jnp.float32),
        ],
    )(degb, x, w1p)

    acc1 = _edge_pass(_H, srcp, dstp, g1p, zeros_h)

    g2p = pl.pallas_call(
        _b2_body,
        out_shape=jax.ShapeDtypeStruct((_NPAD, 128), jnp.float32),
    )(acc1, g1p, dis, w2p, b1r)

    acc2 = _edge_pass(_D2, srcp, dstp, g2p, zeros_d2)

    return pl.pallas_call(
        _b3_body,
        out_shape=jax.ShapeDtypeStruct((_N, _C), jnp.float32),
    )(acc2, g2p, dis, b2p)

# --- scband reference (transcript-rebuilt; emitter-appended) ---
"""Pipeline reference for scband-gcn-24541443130055 (READ-ONLY COPY).

The authoritative reference and input builder live on the scoring server;
editing this copy changes nothing except your own understanding.
"""

import jax, jax.numpy as jnp
import numpy as np

N = 10000
E = 320000
F_IN = 128
H = 16
C = 40


def setup_inputs(seed: int = 0) -> dict:
    key = jax.random.key(seed)
    k1, k2, k3, k4 = jax.random.split(key, 4)
    x = jax.random.normal(k1, (N, F_IN), dtype=jnp.float32)
    edge_index = jax.random.randint(k2, (2, E), 0, N, dtype=jnp.int32)
    # GCNConv layer 1: F_IN -> H (glorot-like init, zero bias as in PyG default)
    W1 = jax.random.normal(k3, (F_IN, H), dtype=jnp.float32) * (1.0 / np.sqrt(F_IN))
    b1 = jnp.zeros((H,), dtype=jnp.float32)
    # GCNConv layer 2: H -> C
    W2 = jax.random.normal(k4, (H, C), dtype=jnp.float32) * (1.0 / np.sqrt(H))
    b2 = jnp.zeros((C,), dtype=jnp.float32)
    return {"x": x, "edge_index": edge_index, "W1": W1, "b1": b1, "W2": W2, "b2": b2}


def _gcn_layer(x, src, dst, W, b):
    # x' = D^{-1/2} (A + I) D^{-1/2} X W + b  (self-loops already appended to src/dst)
    h = x @ W
    deg = jnp.zeros((N,), dtype=x.dtype).at[dst].add(1.0)
    deg_inv_sqrt = jnp.where(deg > 0, jax.lax.rsqrt(jnp.maximum(deg, 1e-12)), 0.0)
    norm = deg_inv_sqrt[src] * deg_inv_sqrt[dst]
    msg = h[src] * norm[:, None]
    out = jnp.zeros((N, h.shape[1]), dtype=x.dtype).at[dst].add(msg)
    return out + b


def reference(x, edge_index, W1, b1, W2, b2):
    loops = jnp.arange(N, dtype=edge_index.dtype)
    src = jnp.concatenate([edge_index[0], loops])
    dst = jnp.concatenate([edge_index[1], loops])
    x = _gcn_layer(x, src, dst, W1, b1)
    x = _gcn_layer(x, src, dst, W2, b2)
    return x

if __name__ == "__main__":
    import jax
    _d = setup_inputs()
    print(jax.jit(kernel)(*tuple(_d.values())))

</pallas_src>

<mosaic_0001>
#map = affine_map<(d0, d1) -> (0, 0, 0)>
#map1 = affine_map<(d0, d1) -> (0)>
#map2 = affine_map<(d0, d1) -> (0, 0)>
module attributes {stable_mosaic.version = 14 : i64} {
  func.func @_deg_body(%arg0: i32, %arg1: i32, %arg2: memref<32x80x128xi32, #tpu.memory_space<hbm>>, %arg3: memref<128xf32, #tpu.memory_space<hbm>>, %arg4: memref<10240xf32, #tpu.memory_space<hbm>>, %arg5: memref<10240x128xf32, #tpu.memory_space<hbm>>, %arg6: memref<80x128xi32, #tpu.memory_space<vmem>>, %arg7: memref<128xf32, #tpu.memory_space<vmem>>, %arg8: memref<640xf32, #tpu.memory_space<vmem>>, %arg9: memref<640x16xf32, #tpu.memory_space<vmem>>, %arg10: memref<10240xf32, #tpu.memory_space<vmem_shared>>, %arg11: memref<!tpu.dma_semaphore, #tpu.memory_space<semaphore_mem>>) attributes {dimension_semantics = [#tpu.dimension_semantics<core_parallel>, #tpu.dimension_semantics<subcore_parallel>], iteration_bounds = array<i64: 2, 16>, scalar_prefetch = 0 : i64, scratch_operands = 6 : i64, tpu.core_type = #tpu.core_type<sc_vector_subcore>, window_params = [{transform_indices = #map}, {transform_indices = #map1}, {transform_indices = #map1}, {transform_indices = #map2}]} {
    %mul3A = arith.constant 16 : i32
    %mul3A_0 = arith.muli %arg0, %mul3A : i32
    %add3A = arith.addi %mul3A_0, %arg1 : i32
    %mul3A_1 = arith.constant 640 : i32
    %mul3A_2 = arith.muli %arg1, %mul3A_1 : i32
    %mul3A_3 = arith.constant 640 : i32
    %mul3A_4 = arith.muli %arg1, %mul3A_3 : i32
    "tpu.region"() ({
      %run_scoped3A = tpu.sem_alloc : memref<!tpu.dma_semaphore, #tpu.memory_space<semaphore_mem>>
      %dma_start3A = tpu.memref_slice %arg10[%mul3A_4] : memref<10240xf32, #tpu.memory_space<vmem_shared>> -> memref<640xf32, #tpu.memory_space<vmem_shared>>
      %dma_start3A_26 = tpu.memref_slice %arg4[%mul3A_2] : memref<10240xf32, #tpu.memory_space<hbm>> -> memref<640xf32, #tpu.memory_space<hbm>>
      tpu.enqueue_dma source(%dma_start3A_26 : memref<640xf32, #tpu.memory_space<hbm>>) target(%dma_start3A : memref<640xf32, #tpu.memory_space<vmem_shared>>) target_semaphore(%run_scoped3A : memref<!tpu.dma_semaphore, #tpu.memory_space<semaphore_mem>>)
      %dma_wait3A = tpu.memref_slice %arg10[%mul3A_4] : memref<10240xf32, #tpu.memory_space<vmem_shared>> -> memref<640xf32, #tpu.memory_space<vmem_shared>>
      %dma_wait3A_27 = tpu.memref_slice %arg4[%mul3A_2] : memref<10240xf32, #tpu.memory_space<hbm>> -> memref<640xf32, #tpu.memory_space<hbm>>
      tpu.wait_dma2 semaphore(%run_scoped3A : memref<!tpu.dma_semaphore, #tpu.memory_space<semaphore_mem>>) src(%dma_wait3A_27 : memref<640xf32, #tpu.memory_space<hbm>>) dst(%dma_wait3A : memref<640xf32, #tpu.memory_space<vmem_shared>>)
      tpu.yield
    }) : () -> ()
    "tpu.region"() ({
      %run_scoped3A = tpu.sem_alloc : memref<!tpu.dma_semaphore, #tpu.memory_space<semaphore_mem>>
      tpu.enqueue_dma source(%arg3 : memref<128xf32, #tpu.memory_space<hbm>>) target(%arg7 : memref<128xf32, #tpu.memory_space<vmem>>) target_semaphore(%run_scoped3A : memref<!tpu.dma_semaphore, #tpu.memory_space<semaphore_mem>>)
      tpu.wait_dma2 semaphore(%run_scoped3A : memref<!tpu.dma_semaphore, #tpu.memory_space<semaphore_mem>>) src(%arg3 : memref<128xf32, #tpu.memory_space<hbm>>) dst(%arg7 : memref<128xf32, #tpu.memory_space<vmem>>)
      tpu.yield
    }) : () -> ()
    "tpu.region"() ({
      %run_scoped3A = tpu.sem_alloc : memref<!tpu.dma_semaphore, #tpu.memory_space<semaphore_mem>>
      %dma_start3A = arith.constant 0 : i32
      %dma_start3A_26 = arith.constant 0 : i32
      %dma_start3A_27 = tpu.memref_slice %arg2[%add3A, %dma_start3A, %dma_start3A_26] : memref<32x80x128xi32, #tpu.memory_space<hbm>> -> memref<1x80x128xi32, #tpu.memory_space<hbm>>
      %dma_start3A_28 = tpu.memref_squeeze %dma_start3A_27 : memref<1x80x128xi32, #tpu.memory_space<hbm>> -> memref<80x128xi32, #tpu.memory_space<hbm>>
      %dma_start3A_29 = arith.constant 0 : i32
      %dma_start3A_30 = arith.constant 0 : i32
      %dma_start3A_31 = tpu.memref_slice %arg2[%add3A, %dma_start3A_29, %dma_start3A_30] : memref<32x80x128xi32, #tpu.memory_space<hbm>> -> memref<1x80x128xi32, #tpu.memory_space<hbm>>
      %dma_start3A_32 = tpu.memref_squeeze %dma_start3A_31 : memref<1x80x128xi32, #tpu.memory_space<hbm>> -> memref<80x128xi32, #tpu.memory_space<hbm>>
      tpu.enqueue_dma source(%dma_start3A_32 : memref<80x128xi32, #tpu.memory_space<hbm>>) target(%arg6 : memref<80x128xi32, #tpu.memory_space<vmem>>) target_semaphore(%run_scoped3A : memref<!tpu.dma_semaphore, #tpu.memory_space<semaphore_mem>>)
      %dma_wait3A = arith.constant 0 : i32
      %dma_wait3A_33 = arith.constant 0 : i32
      %dma_wait3A_34 = tpu.memref_slice %arg2[%add3A, %dma_wait3A, %dma_wait3A_33] : memref<32x80x128xi32, #tpu.memory_space<hbm>> -> memref<1x80x128xi32, #tpu.memory_space<hbm>>
      %dma_wait3A_35 = tpu.memref_squeeze %dma_wait3A_34 : memref<1x80x128xi32, #tpu.memory_space<hbm>> -> memref<80x128xi32, #tpu.memory_space<hbm>>
      %dma_wait3A_36 = arith.constant 0 : i32
      %dma_wait3A_37 = arith.constant 0 : i32
      %dma_wait3A_38 = tpu.memref_slice %arg2[%add3A, %dma_wait3A_36, %dma_wait3A_37] : memref<32x80x128xi32, #tpu.memory_space<hbm>> -> memref<1x80x128xi32, #tpu.memory_space<hbm>>
      %dma_wait3A_39 = tpu.memref_squeeze %dma_wait3A_38 : memref<1x80x128xi32, #tpu.memory_space<hbm>> -> memref<80x128xi32, #tpu.memory_space<hbm>>
      tpu.wait_dma2 semaphore(%run_scoped3A : memref<!tpu.dma_semaphore, #tpu.memory_space<semaphore_mem>>) src(%dma_wait3A_39 : memref<80x128xi32, #tpu.memory_space<hbm>>) dst(%arg6 : memref<80x128xi32, #tpu.memory_space<vmem>>)
      tpu.yield
    }) : () -> ()
    %barrier3A = arith.constant 0 : index
    tpu.barrier barrier_id(%barrier3A)
    %scan3A = arith.constant 0 : i32
    %scan3A_5 = arith.constant 80 : i32
    %scan3A_6 = arith.addi %scan3A, %scan3A_5 : i32
    %scan3A_7 = arith.constant 1 : i32
    scf.for %scan3A_26 = %scan3A to %scan3A_6 step %scan3A_7  : i32 {
      %mul3A_27 = arith.constant 1 : i32
      %mul3A_28 = arith.muli %scan3A_26, %mul3A_27 : i32
      %add3A_29 = arith.constant 0 : i32
      %add3A_30 = arith.addi %add3A_29, %mul3A_28 : i32
      %dma_start3A = arith.constant 0 : i32
      %dma_start3A_31 = tpu.memref_slice %arg6[%add3A_30, %dma_start3A] : memref<80x128xi32, #tpu.memory_space<vmem>> -> memref<1x128xi32, #tpu.memory_space<vmem>>
      %dma_start3A_32 = tpu.memref_squeeze %dma_start3A_31 : memref<1x128xi32, #tpu.memory_space<vmem>> -> memref<128xi32, #tpu.memory_space<vmem>>
      %dma_start3A_33 = arith.constant 0 : i32
      %dma_start3A_34 = tpu.memref_slice %arg10[%dma_start3A_33] : memref<10240xf32, #tpu.memory_space<vmem_shared>> -> memref<10240xf32, #tpu.memory_space<vmem_shared>>
      tpu.enqueue_indirect_dma source(%arg7 : memref<128xf32, #tpu.memory_space<vmem>>) target(%dma_start3A_34 : memref<10240xf32, #tpu.memory_space<vmem_shared>>) offsets(%dma_start3A_32 : memref<128xi32, #tpu.memory_space<vmem>>) semaphore(%arg11 : memref<!tpu.dma_semaphore, #tpu.memory_space<semaphore_mem>>) {add = true}
    }
    %scan3A_8 = arith.constant 80 : i32
    %scan3A_9 = arith.constant 0 : i32
    %scan3A_10 = arith.constant 80 : i32
    %scan3A_11 = arith.addi %scan3A_9, %scan3A_10 : i32
    %scan3A_12 = arith.constant 1 : i32
    scf.for %scan3A_26 = %scan3A_9 to %scan3A_11 step %scan3A_12  : i32 {
      %mul3A_27 = arith.constant 1 : i32
      %mul3A_28 = arith.muli %scan3A_26, %mul3A_27 : i32
      %add3A_29 = arith.constant 0 : i32
      %add3A_30 = arith.addi %add3A_29, %mul3A_28 : i32
      %dma_wait3A = arith.constant 0 : i32
      %dma_wait3A_31 = arith.constant 0 : i32
      %dma_wait3A_32 = tpu.memref_slice %arg6[%dma_wait3A, %dma_wait3A_31] : memref<80x128xi32, #tpu.memory_space<vmem>> -> memref<1x128xi32, #tpu.memory_space<vmem>>
      %dma_wait3A_33 = tpu.memref_squeeze %dma_wait3A_32 : memref<1x128xi32, #tpu.memory_space<vmem>> -> memref<128xi32, #tpu.memory_space<vmem>>
      %dma_wait3A_34 = arith.constant 0 : i32
      %dma_wait3A_35 = tpu.memref_slice %arg10[%dma_wait3A_34] : memref<10240xf32, #tpu.memory_space<vmem_shared>> -> memref<10240xf32, #tpu.memory_space<vmem_shared>>
      tpu.wait_indirect_dma semaphore(%arg11 : memref<!tpu.dma_semaphore, #tpu.memory_space<semaphore_mem>>) src(%arg7 : memref<128xf32, #tpu.memory_space<vmem>>) dst(%dma_wait3A_35 : memref<10240xf32, #tpu.memory_space<vmem_shared>>)
    }
    %scan3A_13 = arith.constant 80 : i32
    %barrier3A_14 = arith.constant 0 : index
    tpu.barrier barrier_id(%barrier3A_14)
    %mul3A_15 = arith.constant 640 : i32
    %mul3A_16 = arith.muli %arg1, %mul3A_15 : i32
    "tpu.region"() ({
      %run_scoped3A = tpu.sem_alloc : memref<!tpu.dma_semaphore, #tpu.memory_space<semaphore_mem>>
      %dma_start3A = tpu.memref_slice %arg10[%mul3A_16] : memref<10240xf32, #tpu.memory_space<vmem_shared>> -> memref<640xf32, #tpu.memory_space<vmem_shared>>
      %dma_start3A_26 = tpu.memref_slice %arg10[%mul3A_16] : memref<10240xf32, #tpu.memory_space<vmem_shared>> -> memref<640xf32, #tpu.memory_space<vmem_shared>>
      tpu.enqueue_dma source(%dma_start3A_26 : memref<640xf32, #tpu.memory_space<vmem_shared>>) target(%arg8 : memref<640xf32, #tpu.memory_space<vmem>>) target_semaphore(%run_scoped3A : memref<!tpu.dma_semaphore, #tpu.memory_space<semaphore_mem>>)
      %dma_wait3A = tpu.memref_slice %arg10[%mul3A_16] : memref<10240xf32, #tpu.memory_space<vmem_shared>> -> memref<640xf32, #tpu.memory_space<vmem_shared>>
      %dma_wait3A_27 = tpu.memref_slice %arg10[%mul3A_16] : memref<10240xf32, #tpu.memory_space<vmem_shared>> -> memref<640xf32, #tpu.memory_space<vmem_shared>>
      tpu.wait_dma2 semaphore(%run_scoped3A : memref<!tpu.dma_semaphore, #tpu.memory_space<semaphore_mem>>) src(%dma_wait3A_27 : memref<640xf32, #tpu.memory_space<vmem_shared>>) dst(%arg8 : memref<640xf32, #tpu.memory_space<vmem>>)
      tpu.yield
    }) : () -> ()
    %scan3A_17 = arith.constant 0 : i32
    %scan3A_18 = arith.constant 40 : i32
    %scan3A_19 = arith.addi %scan3A_17, %scan3A_18 : i32
    %scan3A_20 = arith.constant 1 : i32
    scf.for %scan3A_26 = %scan3A_17 to %scan3A_19 step %scan3A_20  : i32 {
      %mul3A_27 = arith.constant 1 : i32
      %mul3A_28 = arith.muli %scan3A_26, %mul3A_27 : i32
      %add3A_29 = arith.constant 0 : i32
      %add3A_30 = arith.addi %add3A_29, %mul3A_28 : i32
      %mul3A_31 = arith.constant 16 : i32
      %mul3A_32 = arith.muli %add3A_30, %mul3A_31 : i32
      %get3A = arith.index_cast %mul3A_32 : i32 to index
      %get3A_33 = tpu.vector_load %arg8[%get3A] {strides = array<i32>} : memref<640xf32, #tpu.memory_space<vmem>>, vector<16xf32>,
      %mul3A_34 = arith.constant 16 : i32
      %mul3A_35 = arith.muli %add3A_30, %mul3A_34 : i32
      %iota3A = tpu.iota {dimensions = array<i32: 0>} : vector<16xi32>
      %add3A_36 = vector.broadcast %mul3A_35 : i32 to vector<16xi32>
      %add3A_37 = arith.addi %add3A_36, %iota3A : vector<16xi32>
      %broadcast_in_dim3A = arith.constant 0 : i32
      %broadcast_in_dim3A_38 = vector.broadcast %broadcast_in_dim3A : i32 to vector<16xi32>
      tpu.vector_store_idx %arg9[%add3A_37, %broadcast_in_dim3A_38], %get3A_33 : memref<640x16xf32, #tpu.memory_space<vmem>>[vector<16xi32>, vector<16xi32>], vector<16xf32>,
    }
    %scan3A_21 = arith.constant 40 : i32
    %mul3A_22 = arith.constant 640 : i32
    %mul3A_23 = arith.muli %arg1, %mul3A_22 : i32
    %mul3A_24 = arith.constant 16 : i32
    %mul3A_25 = arith.muli %arg0, %mul3A_24 : i32
    "tpu.region"() ({
      %run_scoped3A = tpu.sem_alloc : memref<!tpu.dma_semaphore, #tpu.memory_space<semaphore_mem>>
      %dma_start3A = tpu.memref_slice %arg5[%mul3A_23, %mul3A_25] : memref<10240x128xf32, #tpu.memory_space<hbm>> -> memref<640x16xf32, #tpu.memory_space<hbm>>
      %dma_start3A_26 = tpu.memref_slice %arg5[%mul3A_23, %mul3A_25] : memref<10240x128xf32, #tpu.memory_space<hbm>> -> memref<640x16xf32, #tpu.memory_space<hbm>>
      tpu.enqueue_dma source(%arg9 : memref<640x16xf32, #tpu.memory_space<vmem>>) target(%dma_start3A_26 : memref<640x16xf32, #tpu.memory_space<hbm>>) target_semaphore(%run_scoped3A : memref<!tpu.dma_semaphore, #tpu.memory_space<semaphore_mem>>)
      %dma_wait3A = tpu.memref_slice %arg5[%mul3A_23, %mul3A_25] : memref<10240x128xf32, #tpu.memory_space<hbm>> -> memref<640x16xf32, #tpu.memory_space<hbm>>
      %dma_wait3A_27 = tpu.memref_slice %arg5[%mul3A_23, %mul3A_25] : memref<10240x128xf32, #tpu.memory_space<hbm>> -> memref<640x16xf32, #tpu.memory_space<hbm>>
      tpu.wait_dma2 semaphore(%run_scoped3A : memref<!tpu.dma_semaphore, #tpu.memory_space<semaphore_mem>>) src(%arg9 : memref<640x16xf32, #tpu.memory_space<vmem>>) dst(%dma_wait3A_27 : memref<640x16xf32, #tpu.memory_space<hbm>>)
      tpu.yield
    }) : () -> ()
    return
  }
}

#map = affine_map<(d0, d1) -> (0, 0, 0)>
#map1 = affine_map<(d0, d1) -> (0, 0)>
module attributes {stable_mosaic.version = 14 : i64} {
  func.func @_edge_body(%arg0: i32, %arg1: i32, %arg2: memref<32x80x128xi32, #tpu.memory_space<hbm>>, %arg3: memref<32x80x128xi32, #tpu.memory_space<hbm>>, %arg4: memref<10240x128xf32, #tpu.memory_space<hbm>>, %arg5: memref<10240x16xf32, #tpu.memory_space<hbm>>, %arg6: memref<2x10240x16xf32, #tpu.memory_space<hbm>>, %arg7: memref<10240x128xf32, #tpu.memory_space<hbm>>, %arg8: memref<80x128xi32, #tpu.memory_space<vmem>>, %arg9: memref<80x128xi32, #tpu.memory_space<vmem>>, %arg10: memref<8x128x16xf32, #tpu.memory_space<vmem>>, %arg11: memref<640x16xf32, #tpu.memory_space<vmem>>, %arg12: memref<10240x16xf32, #tpu.memory_space<vmem_shared>>, %arg13: memref<!tpu.dma_semaphore, #tpu.memory_space<semaphore_mem>>, %arg14: memref<!tpu.dma_semaphore, #tpu.memory_space<semaphore_mem>>, %arg15: memref<!tpu.dma_semaphore, #tpu.memory_space<semaphore_mem>>, %arg16: memref<!tpu.dma_semaphore, #tpu.memory_space<semaphore_mem>>, %arg17: memref<!tpu.dma_semaphore, #tpu.memory_space<semaphore_mem>>, %arg18: memref<!tpu.dma_semaphore, #tpu.memory_space<semaphore_mem>>, %arg19: memref<!tpu.dma_semaphore, #tpu.memory_space<semaphore_mem>>, %arg20: memref<!tpu.dma_semaphore, #tpu.memory_space<semaphore_mem>>) attributes {dimension_semantics = [#tpu.dimension_semantics<core_parallel>, #tpu.dimension_semantics<subcore_parallel>], iteration_bounds = array<i64: 2, 16>, scalar_prefetch = 0 : i64, scratch_operands = 13 : i64, tpu.core_type = #tpu.core_type<sc_vector_subcore>, window_params = [{transform_indices = #map}, {transform_indices = #map}, {transform_indices = #map1}, {transform_indices = #map1}, {transform_indices = #map}, {transform_indices = #map1}]} {
    %mul3A = arith.constant 16 : i32
    %mul3A_0 = arith.muli %arg0, %mul3A : i32
    %add3A = arith.addi %mul3A_0, %arg1 : i32
    %mul3A_1 = arith.constant 640 : i32
    %mul3A_2 = arith.muli %arg1, %mul3A_1 : i32
    %mul3A_3 = arith.constant 640 : i32
    %mul3A_4 = arith.muli %arg1, %mul3A_3 : i32
    "tpu.region"() ({
      %run_scoped3A = tpu.sem_alloc : memref<!tpu.dma_semaphore, #tpu.memory_space<semaphore_mem>>
      %dma_start3A_466 = arith.constant 0 : i32
      %dma_start3A_467 = tpu.memref_slice %arg12[%mul3A_4, %dma_start3A_466] : memref<10240x16xf32, #tpu.memory_space<vmem_shared>> -> memref<640x16xf32, #tpu.memory_space<vmem_shared>>
      %dma_start3A_468 = arith.constant 0 : i32
      %dma_start3A_469 = tpu.memref_slice %arg5[%mul3A_2, %dma_start3A_468] : memref<10240x16xf32, #tpu.memory_space<hbm>> -> memref<640x16xf32, #tpu.memory_space<hbm>>
      tpu.enqueue_dma source(%dma_start3A_469 : memref<640x16xf32, #tpu.memory_space<hbm>>) target(%dma_start3A_467 : memref<640x16xf32, #tpu.memory_space<vmem_shared>>) target_semaphore(%run_scoped3A : memref<!tpu.dma_semaphore, #tpu.memory_space<semaphore_mem>>)
      %dma_wait3A_470 = arith.constant 0 : i32
      %dma_wait3A_471 = tpu.memref_slice %arg12[%mul3A_4, %dma_wait3A_470] : memref<10240x16xf32, #tpu.memory_space<vmem_shared>> -> memref<640x16xf32, #tpu.memory_space<vmem_shared>>
      %dma_wait3A_472 = arith.constant 0 : i32
      %dma_wait3A_473 = tpu.memref_slice %arg5[%mul3A_2, %dma_wait3A_472] : memref<10240x16xf32, #tpu.memory_space<hbm>> -> memref<640x16xf32, #tpu.memory_space<hbm>>
      tpu.wait_dma2 semaphore(%run_scoped3A : memref<!tpu.dma_semaphore, #tpu.memory_space<semaphore_mem>>) src(%dma_wait3A_473 : memref<640x16xf32, #tpu.memory_space<hbm>>) dst(%dma_wait3A_471 : memref<640x16xf32, #tpu.memory_space<vmem_shared>>)
      tpu.yield
    }) : () -> ()
    %mul3A_5 = arith.constant 640 : i32
    %mul3A_6 = arith.muli %arg1, %mul3A_5 : i32
    "tpu.region"() ({
      %run_scoped3A = tpu.sem_alloc : memref<!tpu.dma_semaphore, #tpu.memory_space<semaphore_mem>>
      %dma_start3A_466 = arith.constant 0 : i32
      %dma_start3A_467 = tpu.memref_slice %arg4[%mul3A_6, %dma_start3A_466] : memref<10240x128xf32, #tpu.memory_space<hbm>> -> memref<640x16xf32, #tpu.memory_space<hbm>>
      %dma_start3A_468 = arith.constant 0 : i32
      %dma_start3A_469 = tpu.memref_slice %arg4[%mul3A_6, %dma_start3A_468] : memref<10240x128xf32, #tpu.memory_space<hbm>> -> memref<640x16xf32, #tpu.memory_space<hbm>>
      tpu.enqueue_dma source(%dma_start3A_469 : memref<640x16xf32, #tpu.memory_space<hbm>>) target(%arg11 : memref<640x16xf32, #tpu.memory_space<vmem>>) target_semaphore(%run_scoped3A : memref<!tpu.dma_semaphore, #tpu.memory_space<semaphore_mem>>)
      %dma_wait3A_470 = arith.constant 0 : i32
      %dma_wait3A_471 = tpu.memref_slice %arg4[%mul3A_6, %dma_wait3A_470] : memref<10240x128xf32, #tpu.memory_space<hbm>> -> memref<640x16xf32, #tpu.memory_space<hbm>>
      %dma_wait3A_472 = arith.constant 0 : i32
      %dma_wait3A_473 = tpu.memref_slice %arg4[%mul3A_6, %dma_wait3A_472] : memref<10240x128xf32, #tpu.memory_space<hbm>> -> memref<640x16xf32, #tpu.memory_space<hbm>>
      tpu.wait_dma2 semaphore(%run_scoped3A : memref<!tpu.dma_semaphore, #tpu.memory_space<semaphore_mem>>) src(%dma_wait3A_473 : memref<640x16xf32, #tpu.memory_space<hbm>>) dst(%arg11 : memref<640x16xf32, #tpu.memory_space<vmem>>)
      tpu.yield
    }) : () -> ()
    %mul3A_7 = arith.constant 640 : i32
    %mul3A_8 = arith.muli %arg1, %mul3A_7 : i32
    "tpu.region"() ({
      %run_scoped3A = tpu.sem_alloc : memref<!tpu.dma_semaphore, #tpu.memory_space<semaphore_mem>>
      %dma_start3A_466 = arith.constant 0 : i32
      %dma_start3A_467 = tpu.memref_slice %arg6[%arg0, %mul3A_8, %dma_start3A_466] : memref<2x10240x16xf32, #tpu.memory_space<hbm>> -> memref<1x640x16xf32, #tpu.memory_space<hbm>>
      %dma_start3A_468 = tpu.memref_squeeze %dma_start3A_467 : memref<1x640x16xf32, #tpu.memory_space<hbm>> -> memref<640x16xf32, #tpu.memory_space<hbm>>
      %dma_start3A_469 = arith.constant 0 : i32
      %dma_start3A_470 = tpu.memref_slice %arg6[%arg0, %mul3A_8, %dma_start3A_469] : memref<2x10240x16xf32, #tpu.memory_space<hbm>> -> memref<1x640x16xf32, #tpu.memory_space<hbm>>
      %dma_start3A_471 = tpu.memref_squeeze %dma_start3A_470 : memref<1x640x16xf32, #tpu.memory_space<hbm>> -> memref<640x16xf32, #tpu.memory_space<hbm>>
      tpu.enqueue_dma source(%arg11 : memref<640x16xf32, #tpu.memory_space<vmem>>) target(%dma_start3A_471 : memref<640x16xf32, #tpu.memory_space<hbm>>) target_semaphore(%run_scoped3A : memref<!tpu.dma_semaphore, #tpu.memory_space<semaphore_mem>>)
      %dma_wait3A_472 = arith.constant 0 : i32
      %dma_wait3A_473 = tpu.memref_slice %arg6[%arg0, %mul3A_8, %dma_wait3A_472] : memref<2x10240x16xf32, #tpu.memory_space<hbm>> -> memref<1x640x16xf32, #tpu.memory_space<hbm>>
      %dma_wait3A_474 = tpu.memref_squeeze %dma_wait3A_473 : memref<1x640x16xf32, #tpu.memory_space<hbm>> -> memref<640x16xf32, #tpu.memory_space<hbm>>
      %dma_wait3A_475 = arith.constant 0 : i32
      %dma_wait3A_476 = tpu.memref_slice %arg6[%arg0, %mul3A_8, %dma_wait3A_475] : memref<2x10240x16xf32, #tpu.memory_space<hbm>> -> memref<1x640x16xf32, #tpu.memory_space<hbm>>
      %dma_wait3A_477 = tpu.memref_squeeze %dma_wait3A_476 : memref<1x640x16xf32, #tpu.memory_space<hbm>> -> memref<640x16xf32, #tpu.memory_space<hbm>>
      tpu.wait_dma2 semaphore(%run_scoped3A : memref<!tpu.dma_semaphore, #tpu.memory_space<semaphore_mem>>) src(%arg11 : memref<640x16xf32, #tpu.memory_space<vmem>>) dst(%dma_wait3A_477 : memref<640x16xf32, #tpu.memory_space<hbm>>)
      tpu.yield
    }) : () -> ()
    "tpu.region"() ({
      %run_scoped3A = tpu.sem_alloc : memref<!tpu.dma_semaphore, #tpu.memory_space<semaphore_mem>>
      %dma_start3A_466 = arith.constant 0 : i32
      %dma_start3A_467 = arith.constant 0 : i32
      %dma_start3A_468 = tpu.memref_slice %arg2[%add3A, %dma_start3A_466, %dma_start3A_467] : memref<32x80x128xi32, #tpu.memory_space<hbm>> -> memref<1x80x128xi32, #tpu.memory_space<hbm>>
      %dma_start3A_469 = tpu.memref_squeeze %dma_start3A_468 : memref<1x80x128xi32, #tpu.memory_space<hbm>> -> memref<80x128xi32, #tpu.memory_space<hbm>>
      %dma_start3A_470 = arith.constant 0 : i32
      %dma_start3A_471 = arith.constant 0 : i32
      %dma_start3A_472 = tpu.memref_slice %arg2[%add3A, %dma_start3A_470, %dma_start3A_471] : memref<32x80x128xi32, #tpu.memory_space<hbm>> -> memref<1x80x128xi32, #tpu.memory_space<hbm>>
      %dma_start3A_473 = tpu.memref_squeeze %dma_start3A_472 : memref<1x80x128xi32, #tpu.memory_space<hbm>> -> memref<80x128xi32, #tpu.memory_space<hbm>>
      tpu.enqueue_dma source(%dma_start3A_473 : memref<80x128xi32, #tpu.memory_space<hbm>>) target(%arg8 : memref<80x128xi32, #tpu.memory_space<vmem>>) target_semaphore(%run_scoped3A : memref<!tpu.dma_semaphore, #tpu.memory_space<semaphore_mem>>)
      %dma_wait3A_474 = arith.constant 0 : i32
      %dma_wait3A_475 = arith.constant 0 : i32
      %dma_wait3A_476 = tpu.memref_slice %arg2[%add3A, %dma_wait3A_474, %dma_wait3A_475] : memref<32x80x128xi32, #tpu.memory_space<hbm>> -> memref<1x80x128xi32, #tpu.memory_space<hbm>>
      %dma_wait3A_477 = tpu.memref_squeeze %dma_wait3A_476 : memref<1x80x128xi32, #tpu.memory_space<hbm>> -> memref<80x128xi32, #tpu.memory_space<hbm>>
      %dma_wait3A_478 = arith.constant 0 : i32
      %dma_wait3A_479 = arith.constant 0 : i32
      %dma_wait3A_480 = tpu.memref_slice %arg2[%add3A, %dma_wait3A_478, %dma_wait3A_479] : memref<32x80x128xi32, #tpu.memory_space<hbm>> -> memref<1x80x128xi32, #tpu.memory_space<hbm>>
      %dma_wait3A_481 = tpu.memref_squeeze %dma_wait3A_480 : memref<1x80x128xi32, #tpu.memory_space<hbm>> -> memref<80x128xi32, #tpu.memory_space<hbm>>
      tpu.wait_dma2 semaphore(%run_scoped3A : memref<!tpu.dma_semaphore, #tpu.memory_space<semaphore_mem>>) src(%dma_wait3A_481 : memref<80x128xi32, #tpu.memory_space<hbm>>) dst(%arg8 : memref<80x128xi32, #tpu.memory_space<vmem>>)
      tpu.yield
    }) : () -> ()
    "tpu.region"() ({
      %run_scoped3A = tpu.sem_alloc : memref<!tpu.dma_semaphore, #tpu.memory_space<semaphore_mem>>
      %dma_start3A_466 = arith.constant 0 : i32
      %dma_start3A_467 = arith.constant 0 : i32
      %dma_start3A_468 = tpu.memref_slice %arg3[%add3A, %dma_start3A_466, %dma_start3A_467] : memref<32x80x128xi32, #tpu.memory_space<hbm>> -> memref<1x80x128xi32, #tpu.memory_space<hbm>>
      %dma_start3A_469 = tpu.memref_squeeze %dma_start3A_468 : memref<1x80x128xi32, #tpu.memory_space<hbm>> -> memref<80x128xi32, #tpu.memory_space<hbm>>
      %dma_start3A_470 = arith.constant 0 : i32
      %dma_start3A_471 = arith.constant 0 : i32
      %dma_start3A_472 = tpu.memref_slice %arg3[%add3A, %dma_start3A_470, %dma_start3A_471] : memref<32x80x128xi32, #tpu.memory_space<hbm>> -> memref<1x80x128xi32, #tpu.memory_space<hbm>>
      %dma_start3A_473 = tpu.memref_squeeze %dma_start3A_472 : memref<1x80x128xi32, #tpu.memory_space<hbm>> -> memref<80x128xi32, #tpu.memory_space<hbm>>
      tpu.enqueue_dma source(%dma_start3A_473 : memref<80x128xi32, #tpu.memory_space<hbm>>) target(%arg9 : memref<80x128xi32, #tpu.memory_space<vmem>>) target_semaphore(%run_scoped3A : memref<!tpu.dma_semaphore, #tpu.memory_space<semaphore_mem>>)
      %dma_wait3A_474 = arith.constant 0 : i32
      %dma_wait3A_475 = arith.constant 0 : i32
      %dma_wait3A_476 = tpu.memref_slice %arg3[%add3A, %dma_wait3A_474, %dma_wait3A_475] : memref<32x80x128xi32, #tpu.memory_space<hbm>> -> memref<1x80x128xi32, #tpu.memory_space<hbm>>
      %dma_wait3A_477 = tpu.memref_squeeze %dma_wait3A_476 : memref<1x80x128xi32, #tpu.memory_space<hbm>> -> memref<80x128xi32, #tpu.memory_space<hbm>>
      %dma_wait3A_478 = arith.constant 0 : i32
      %dma_wait3A_479 = arith.constant 0 : i32
      %dma_wait3A_480 = tpu.memref_slice %arg3[%add3A, %dma_wait3A_478, %dma_wait3A_479] : memref<32x80x128xi32, #tpu.memory_space<hbm>> -> memref<1x80x128xi32, #tpu.memory_space<hbm>>
      %dma_wait3A_481 = tpu.memref_squeeze %dma_wait3A_480 : memref<1x80x128xi32, #tpu.memory_space<hbm>> -> memref<80x128xi32, #tpu.memory_space<hbm>>
      tpu.wait_dma2 semaphore(%run_scoped3A : memref<!tpu.dma_semaphore, #tpu.memory_space<semaphore_mem>>) src(%dma_wait3A_481 : memref<80x128xi32, #tpu.memory_space<hbm>>) dst(%arg9 : memref<80x128xi32, #tpu.memory_space<vmem>>)
      tpu.yield
    }) : () -> ()
    %barrier3A = arith.constant 0 : index
    tpu.barrier barrier_id(%barrier3A)
    %dma_start3A = arith.constant 0 : i32
    %dma_start3A_9 = arith.constant 0 : i32
    %dma_start3A_10 = arith.constant 0 : i32
    %dma_start3A_11 = arith.constant 0 : i32
    %dma_start3A_12 = tpu.memref_slice %arg10[%dma_start3A_9, %dma_start3A_10, %dma_start3A_11] : memref<8x128x16xf32, #tpu.memory_space<vmem>> -> memref<1x128x16xf32, #tpu.memory_space<vmem>>
    %dma_start3A_13 = tpu.memref_squeeze %dma_start3A_12 : memref<1x128x16xf32, #tpu.memory_space<vmem>> -> memref<128x16xf32, #tpu.memory_space<vmem>>
    %dma_start3A_14 = arith.constant 0 : i32
    %dma_start3A_15 = tpu.memref_slice %arg8[%dma_start3A, %dma_start3A_14] : memref<80x128xi32, #tpu.memory_space<vmem>> -> memref<1x128xi32, #tpu.memory_space<vmem>>
    %dma_start3A_16 = tpu.memref_squeeze %dma_start3A_15 : memref<1x128xi32, #tpu.memory_space<vmem>> -> memref<128xi32, #tpu.memory_space<vmem>>
    %dma_start3A_17 = arith.constant 0 : i32
    %dma_start3A_18 = arith.constant 0 : i32
    %dma_start3A_19 = tpu.memref_slice %arg6[%arg0, %dma_start3A_17, %dma_start3A_18] : memref<2x10240x16xf32, #tpu.memory_space<hbm>> -> memref<1x10240x16xf32, #tpu.memory_space<hbm>>
    %dma_start3A_20 = tpu.memref_squeeze %dma_start3A_19 : memref<1x10240x16xf32, #tpu.memory_space<hbm>> -> memref<10240x16xf32, #tpu.memory_space<hbm>>
    %dma_start3A_21 = arith.constant 0 : i32
    %dma_start3A_22 = arith.constant 0 : i32
    %dma_start3A_23 = tpu.memref_slice %dma_start3A_20[%dma_start3A_21, %dma_start3A_22] : memref<10240x16xf32, #tpu.memory_space<hbm>> -> memref<10240x16xf32, #tpu.memory_space<hbm>>
    tpu.enqueue_indirect_dma source(%dma_start3A_23 : memref<10240x16xf32, #tpu.memory_space<hbm>>) target(%dma_start3A_13 : memref<128x16xf32, #tpu.memory_space<vmem>>) offsets(%dma_start3A_16 : memref<128xi32, #tpu.memory_space<vmem>>) semaphore(%arg13 : memref<!tpu.dma_semaphore, #tpu.memory_space<semaphore_mem>>)
    %dma_start3A_24 = arith.constant 1 : i32
    %dma_start3A_25 = arith.constant 1 : i32
    %dma_start3A_26 = arith.constant 0 : i32
    %dma_start3A_27 = arith.constant 0 : i32
    %dma_start3A_28 = tpu.memref_slice %arg10[%dma_start3A_25, %dma_start3A_26, %dma_start3A_27] : memref<8x128x16xf32, #tpu.memory_space<vmem>> -> memref<1x128x16xf32, #tpu.memory_space<vmem>>
    %dma_start3A_29 = tpu.memref_squeeze %dma_start3A_28 : memref<1x128x16xf32, #tpu.memory_space<vmem>> -> memref<128x16xf32, #tpu.memory_space<vmem>>
    %dma_start3A_30 = arith.constant 0 : i32
    %dma_start3A_31 = tpu.memref_slice %arg8[%dma_start3A_24, %dma_start3A_30] : memref<80x128xi32, #tpu.memory_space<vmem>> -> memref<1x128xi32, #tpu.memory_space<vmem>>
    %dma_start3A_32 = tpu.memref_squeeze %dma_start3A_31 : memref<1x128xi32, #tpu.memory_space<vmem>> -> memref<128xi32, #tpu.memory_space<vmem>>
    %dma_start3A_33 = arith.constant 0 : i32
    %dma_start3A_34 = arith.constant 0 : i32
    %dma_start3A_35 = tpu.memref_slice %arg6[%arg0, %dma_start3A_33, %dma_start3A_34] : memref<2x10240x16xf32, #tpu.memory_space<hbm>> -> memref<1x10240x16xf32, #tpu.memory_space<hbm>>
    %dma_start3A_36 = tpu.memref_squeeze %dma_start3A_35 : memref<1x10240x16xf32, #tpu.memory_space<hbm>> -> memref<10240x16xf32, #tpu.memory_space<hbm>>
    %dma_start3A_37 = arith.constant 0 : i32
    %dma_start3A_38 = arith.constant 0 : i32
    %dma_start3A_39 = tpu.memref_slice %dma_start3A_36[%dma_start3A_37, %dma_start3A_38] : memref<10240x16xf32, #tpu.memory_space<hbm>> -> memref<10240x16xf32, #tpu.memory_space<hbm>>
    tpu.enqueue_indirect_dma source(%dma_start3A_39 : memref<10240x16xf32, #tpu.memory_space<hbm>>) target(%dma_start3A_29 : memref<128x16xf32, #tpu.memory_space<vmem>>) offsets(%dma_start3A_32 : memref<128xi32, #tpu.memory_space<vmem>>) semaphore(%arg14 : memref<!tpu.dma_semaphore, #tpu.memory_space<semaphore_mem>>)
    %dma_start3A_40 = arith.constant 2 : i32
    %dma_start3A_41 = arith.constant 2 : i32
    %dma_start3A_42 = arith.constant 0 : i32
    %dma_start3A_43 = arith.constant 0 : i32
    %dma_start3A_44 = tpu.memref_slice %arg10[%dma_start3A_41, %dma_start3A_42, %dma_start3A_43] : memref<8x128x16xf32, #tpu.memory_space<vmem>> -> memref<1x128x16xf32, #tpu.memory_space<vmem>>
    %dma_start3A_45 = tpu.memref_squeeze %dma_start3A_44 : memref<1x128x16xf32, #tpu.memory_space<vmem>> -> memref<128x16xf32, #tpu.memory_space<vmem>>
    %dma_start3A_46 = arith.constant 0 : i32
    %dma_start3A_47 = tpu.memref_slice %arg8[%dma_start3A_40, %dma_start3A_46] : memref<80x128xi32, #tpu.memory_space<vmem>> -> memref<1x128xi32, #tpu.memory_space<vmem>>
    %dma_start3A_48 = tpu.memref_squeeze %dma_start3A_47 : memref<1x128xi32, #tpu.memory_space<vmem>> -> memref<128xi32, #tpu.memory_space<vmem>>
    %dma_start3A_49 = arith.constant 0 : i32
    %dma_start3A_50 = arith.constant 0 : i32
    %dma_start3A_51 = tpu.memref_slice %arg6[%arg0, %dma_start3A_49, %dma_start3A_50] : memref<2x10240x16xf32, #tpu.memory_space<hbm>> -> memref<1x10240x16xf32, #tpu.memory_space<hbm>>
    %dma_start3A_52 = tpu.memref_squeeze %dma_start3A_51 : memref<1x10240x16xf32, #tpu.memory_space<hbm>> -> memref<10240x16xf32, #tpu.memory_space<hbm>>
    %dma_start3A_53 = arith.constant 0 : i32
    %dma_start3A_54 = arith.constant 0 : i32
    %dma_start3A_55 = tpu.memref_slice %dma_start3A_52[%dma_start3A_53, %dma_start3A_54] : memref<10240x16xf32, #tpu.memory_space<hbm>> -> memref<10240x16xf32, #tpu.memory_space<hbm>>
    tpu.enqueue_indirect_dma source(%dma_start3A_55 : memref<10240x16xf32, #tpu.memory_space<hbm>>) target(%dma_start3A_45 : memref<128x16xf32, #tpu.memory_space<vmem>>) offsets(%dma_start3A_48 : memref<128xi32, #tpu.memory_space<vmem>>) semaphore(%arg15 : memref<!tpu.dma_semaphore, #tpu.memory_space<semaphore_mem>>)
    %dma_start3A_56 = arith.constant 3 : i32
    %dma_start3A_57 = arith.constant 3 : i32
    %dma_start3A_58 = arith.constant 0 : i32
    %dma_start3A_59 = arith.constant 0 : i32
    %dma_start3A_60 = tpu.memref_slice %arg10[%dma_start3A_57, %dma_start3A_58, %dma_start3A_59] : memref<8x128x16xf32, #tpu.memory_space<vmem>> -> memref<1x128x16xf32, #tpu.memory_space<vmem>>
    %dma_start3A_61 = tpu.memref_squeeze %dma_start3A_60 : memref<1x128x16xf32, #tpu.memory_space<vmem>> -> memref<128x16xf32, #tpu.memory_space<vmem>>
    %dma_start3A_62 = arith.constant 0 : i32
    %dma_start3A_63 = tpu.memref_slice %arg8[%dma_start3A_56, %dma_start3A_62] : memref<80x128xi32, #tpu.memory_space<vmem>> -> memref<1x128xi32, #tpu.memory_space<vmem>>
    %dma_start3A_64 = tpu.memref_squeeze %dma_start3A_63 : memref<1x128xi32, #tpu.memory_space<vmem>> -> memref<128xi32, #tpu.memory_space<vmem>>
    %dma_start3A_65 = arith.constant 0 : i32
    %dma_start3A_66 = arith.constant 0 : i32
    %dma_start3A_67 = tpu.memref_slice %arg6[%arg0, %dma_start3A_65, %dma_start3A_66] : memref<2x10240x16xf32, #tpu.memory_space<hbm>> -> memref<1x10240x16xf32, #tpu.memory_space<hbm>>
    %dma_start3A_68 = tpu.memref_squeeze %dma_start3A_67 : memref<1x10240x16xf32, #tpu.memory_space<hbm>> -> memref<10240x16xf32, #tpu.memory_space<hbm>>
    %dma_start3A_69 = arith.constant 0 : i32
    %dma_start3A_70 = arith.constant 0 : i32
    %dma_start3A_71 = tpu.memref_slice %dma_start3A_68[%dma_start3A_69, %dma_start3A_70] : memref<10240x16xf32, #tpu.memory_space<hbm>> -> memref<10240x16xf32, #tpu.memory_space<hbm>>
    tpu.enqueue_indirect_dma source(%dma_start3A_71 : memref<10240x16xf32, #tpu.memory_space<hbm>>) target(%dma_start3A_61 : memref<128x16xf32, #tpu.memory_space<vmem>>) offsets(%dma_start3A_64 : memref<128xi32, #tpu.memory_space<vmem>>) semaphore(%arg16 : memref<!tpu.dma_semaphore, #tpu.memory_space<semaphore_mem>>)
    %dma_start3A_72 = arith.constant 4 : i32
    %dma_start3A_73 = arith.constant 4 : i32
    %dma_start3A_74 = arith.constant 0 : i32
    %dma_start3A_75 = arith.constant 0 : i32
    %dma_start3A_76 = tpu.memref_slice %arg10[%dma_start3A_73, %dma_start3A_74, %dma_start3A_75] : memref<8x128x16xf32, #tpu.memory_space<vmem>> -> memref<1x128x16xf32, #tpu.memory_space<vmem>>
    %dma_start3A_77 = tpu.memref_squeeze %dma_start3A_76 : memref<1x128x16xf32, #tpu.memory_space<vmem>> -> memref<128x16xf32, #tpu.memory_space<vmem>>
    %dma_start3A_78 = arith.constant 0 : i32
    %dma_start3A_79 = tpu.memref_slice %arg8[%dma_start3A_72, %dma_start3A_78] : memref<80x128xi32, #tpu.memory_space<vmem>> -> memref<1x128xi32, #tpu.memory_space<vmem>>
    %dma_start3A_80 = tpu.memref_squeeze %dma_start3A_79 : memref<1x128xi32, #tpu.memory_space<vmem>> -> memref<128xi32, #tpu.memory_space<vmem>>
    %dma_start3A_81 = arith.constant 0 : i32
    %dma_start3A_82 = arith.constant 0 : i32
    %dma_start3A_83 = tpu.memref_slice %arg6[%arg0, %dma_start3A_81, %dma_start3A_82] : memref<2x10240x16xf32, #tpu.memory_space<hbm>> -> memref<1x10240x16xf32, #tpu.memory_space<hbm>>
    %dma_start3A_84 = tpu.memref_squeeze %dma_start3A_83 : memref<1x10240x16xf32, #tpu.memory_space<hbm>> -> memref<10240x16xf32, #tpu.memory_space<hbm>>
    %dma_start3A_85 = arith.constant 0 : i32
    %dma_start3A_86 = arith.constant 0 : i32
    %dma_start3A_87 = tpu.memref_slice %dma_start3A_84[%dma_start3A_85, %dma_start3A_86] : memref<10240x16xf32, #tpu.memory_space<hbm>> -> memref<10240x16xf32, #tpu.memory_space<hbm>>
    tpu.enqueue_indirect_dma source(%dma_start3A_87 : memref<10240x16xf32, #tpu.memory_space<hbm>>) target(%dma_start3A_77 : memref<128x16xf32, #tpu.memory_space<vmem>>) offsets(%dma_start3A_80 : memref<128xi32, #tpu.memory_space<vmem>>) semaphore(%arg17 : memref<!tpu.dma_semaphore, #tpu.memory_space<semaphore_mem>>)
    %dma_start3A_88 = arith.constant 5 : i32
    %dma_start3A_89 = arith.constant 5 : i32
    %dma_start3A_90 = arith.constant 0 : i32
    %dma_start3A_91 = arith.constant 0 : i32
    %dma_start3A_92 = tpu.memref_slice %arg10[%dma_start3A_89, %dma_start3A_90, %dma_start3A_91] : memref<8x128x16xf32, #tpu.memory_space<vmem>> -> memref<1x128x16xf32, #tpu.memory_space<vmem>>
    %dma_start3A_93 = tpu.memref_squeeze %dma_start3A_92 : memref<1x128x16xf32, #tpu.memory_space<vmem>> -> memref<128x16xf32, #tpu.memory_space<vmem>>
    %dma_start3A_94 = arith.constant 0 : i32
    %dma_start3A_95 = tpu.memref_slice %arg8[%dma_start3A_88, %dma_start3A_94] : memref<80x128xi32, #tpu.memory_space<vmem>> -> memref<1x128xi32, #tpu.memory_space<vmem>>
    %dma_start3A_96 = tpu.memref_squeeze %dma_start3A_95 : memref<1x128xi32, #tpu.memory_space<vmem>> -> memref<128xi32, #tpu.memory_space<vmem>>
    %dma_start3A_97 = arith.constant 0 : i32
    %dma_start3A_98 = arith.constant 0 : i32
    %dma_start3A_99 = tpu.memref_slice %arg6[%arg0, %dma_start3A_97, %dma_start3A_98] : memref<2x10240x16xf32, #tpu.memory_space<hbm>> -> memref<1x10240x16xf32, #tpu.memory_space<hbm>>
    %dma_start3A_100 = tpu.memref_squeeze %dma_start3A_99 : memref<1x10240x16xf32, #tpu.memory_space<hbm>> -> memref<10240x16xf32, #tpu.memory_space<hbm>>
    %dma_start3A_101 = arith.constant 0 : i32
    %dma_start3A_102 = arith.constant 0 : i32
    %dma_start3A_103 = tpu.memref_slice %dma_start3A_100[%dma_start3A_101, %dma_start3A_102] : memref<10240x16xf32, #tpu.memory_space<hbm>> -> memref<10240x16xf32, #tpu.memory_space<hbm>>
    tpu.enqueue_indirect_dma source(%dma_start3A_103 : memref<10240x16xf32, #tpu.memory_space<hbm>>) target(%dma_start3A_93 : memref<128x16xf32, #tpu.memory_space<vmem>>) offsets(%dma_start3A_96 : memref<128xi32, #tpu.memory_space<vmem>>) semaphore(%arg18 : memref<!tpu.dma_semaphore, #tpu.memory_space<semaphore_mem>>)
    %dma_start3A_104 = arith.constant 6 : i32
    %dma_start3A_105 = arith.constant 6 : i32
    %dma_start3A_106 = arith.constant 0 : i32
    %dma_start3A_107 = arith.constant 0 : i32
    %dma_start3A_108 = tpu.memref_slice %arg10[%dma_start3A_105, %dma_start3A_106, %dma_start3A_107] : memref<8x128x16xf32, #tpu.memory_space<vmem>> -> memref<1x128x16xf32, #tpu.memory_space<vmem>>
    %dma_start3A_109 = tpu.memref_squeeze %dma_start3A_108 : memref<1x128x16xf32, #tpu.memory_space<vmem>> -> memref<128x16xf32, #tpu.memory_space<vmem>>
    %dma_start3A_110 = arith.constant 0 : i32
    %dma_start3A_111 = tpu.memref_slice %arg8[%dma_start3A_104, %dma_start3A_110] : memref<80x128xi32, #tpu.memory_space<vmem>> -> memref<1x128xi32, #tpu.memory_space<vmem>>
    %dma_start3A_112 = tpu.memref_squeeze %dma_start3A_111 : memref<1x128xi32, #tpu.memory_space<vmem>> -> memref<128xi32, #tpu.memory_space<vmem>>
    %dma_start3A_113 = arith.constant 0 : i32
    %dma_start3A_114 = arith.constant 0 : i32
    %dma_start3A_115 = tpu.memref_slice %arg6[%arg0, %dma_start3A_113, %dma_start3A_114] : memref<2x10240x16xf32, #tpu.memory_space<hbm>> -> memref<1x10240x16xf32, #tpu.memory_space<hbm>>
    %dma_start3A_116 = tpu.memref_squeeze %dma_start3A_115 : memref<1x10240x16xf32, #tpu.memory_space<hbm>> -> memref<10240x16xf32, #tpu.memory_space<hbm>>
    %dma_start3A_117 = arith.constant 0 : i32
    %dma_start3A_118 = arith.constant 0 : i32
    %dma_start3A_119 = tpu.memref_slice %dma_start3A_116[%dma_start3A_117, %dma_start3A_118] : memref<10240x16xf32, #tpu.memory_space<hbm>> -> memref<10240x16xf32, #tpu.memory_space<hbm>>
    tpu.enqueue_indirect_dma source(%dma_start3A_119 : memref<10240x16xf32, #tpu.memory_space<hbm>>) target(%dma_start3A_109 : memref<128x16xf32, #tpu.memory_space<vmem>>) offsets(%dma_start3A_112 : memref<128xi32, #tpu.memory_space<vmem>>) semaphore(%arg19 : memref<!tpu.dma_semaphore, #tpu.memory_space<semaphore_mem>>)
    %dma_start3A_120 = arith.constant 7 : i32
    %dma_start3A_121 = arith.constant 7 : i32
    %dma_start3A_122 = arith.constant 0 : i32
    %dma_start3A_123 = arith.constant 0 : i32
    %dma_start3A_124 = tpu.memref_slice %arg10[%dma_start3A_121, %dma_start3A_122, %dma_start3A_123] : memref<8x128x16xf32, #tpu.memory_space<vmem>> -> memref<1x128x16xf32, #tpu.memory_space<vmem>>
    %dma_start3A_125 = tpu.memref_squeeze %dma_start3A_124 : memref<1x128x16xf32, #tpu.memory_space<vmem>> -> memref<128x16xf32, #tpu.memory_space<vmem>>
    %dma_start3A_126 = arith.constant 0 : i32
    %dma_start3A_127 = tpu.memref_slice %arg8[%dma_start3A_120, %dma_start3A_126] : memref<80x128xi32, #tpu.memory_space<vmem>> -> memref<1x128xi32, #tpu.memory_space<vmem>>
    %dma_start3A_128 = tpu.memref_squeeze %dma_start3A_127 : memref<1x128xi32, #tpu.memory_space<vmem>> -> memref<128xi32, #tpu.memory_space<vmem>>
    %dma_start3A_129 = arith.constant 0 : i32
    %dma_start3A_130 = arith.constant 0 : i32
    %dma_start3A_131 = tpu.memref_slice %arg6[%arg0, %dma_start3A_129, %dma_start3A_130] : memref<2x10240x16xf32, #tpu.memory_space<hbm>> -> memref<1x10240x16xf32, #tpu.memory_space<hbm>>
    %dma_start3A_132 = tpu.memref_squeeze %dma_start3A_131 : memref<1x10240x16xf32, #tpu.memory_space<hbm>> -> memref<10240x16xf32, #tpu.memory_space<hbm>>
    %dma_start3A_133 = arith.constant 0 : i32
    %dma_start3A_134 = arith.constant 0 : i32
    %dma_start3A_135 = tpu.memref_slice %dma_start3A_132[%dma_start3A_133, %dma_start3A_134] : memref<10240x16xf32, #tpu.memory_space<hbm>> -> memref<10240x16xf32, #tpu.memory_space<hbm>>
    tpu.enqueue_indirect_dma source(%dma_start3A_135 : memref<10240x16xf32, #tpu.memory_space<hbm>>) target(%dma_start3A_125 : memref<128x16xf32, #tpu.memory_space<vmem>>) offsets(%dma_start3A_128 : memref<128xi32, #tpu.memory_space<vmem>>) semaphore(%arg20 : memref<!tpu.dma_semaphore, #tpu.memory_space<semaphore_mem>>)
    %scan3A = arith.constant 0 : i32
    %scan3A_136 = arith.constant 9 : i32
    %scan3A_137 = arith.addi %scan3A, %scan3A_136 : i32
    %scan3A_138 = arith.constant 1 : i32
    scf.for %scan3A_466 = %scan3A to %scan3A_137 step %scan3A_138  : i32 {
      %mul3A_467 = arith.constant 1 : i32
      %mul3A_468 = arith.muli %scan3A_466, %mul3A_467 : i32
      %add3A_469 = arith.constant 0 : i32
      %add3A_470 = arith.addi %add3A_469, %mul3A_468 : i32
      %mul3A_471 = arith.constant 8 : i32
      %mul3A_472 = arith.muli %add3A_470, %mul3A_471 : i32
      %dma_wait3A_473 = arith.constant 0 : i32
      %dma_wait3A_474 = arith.constant 0 : i32
      %dma_wait3A_475 = arith.constant 0 : i32
      %dma_wait3A_476 = arith.constant 0 : i32
      %dma_wait3A_477 = tpu.memref_slice %arg10[%dma_wait3A_474, %dma_wait3A_475, %dma_wait3A_476] : memref<8x128x16xf32, #tpu.memory_space<vmem>> -> memref<1x128x16xf32, #tpu.memory_space<vmem>>
      %dma_wait3A_478 = tpu.memref_squeeze %dma_wait3A_477 : memref<1x128x16xf32, #tpu.memory_space<vmem>> -> memref<128x16xf32, #tpu.memory_space<vmem>>
      %dma_wait3A_479 = arith.constant 0 : i32
      %dma_wait3A_480 = tpu.memref_slice %arg8[%dma_wait3A_473, %dma_wait3A_479] : memref<80x128xi32, #tpu.memory_space<vmem>> -> memref<1x128xi32, #tpu.memory_space<vmem>>
      %dma_wait3A_481 = tpu.memref_squeeze %dma_wait3A_480 : memref<1x128xi32, #tpu.memory_space<vmem>> -> memref<128xi32, #tpu.memory_space<vmem>>
      %dma_wait3A_482 = arith.constant 0 : i32
      %dma_wait3A_483 = arith.constant 0 : i32
      %dma_wait3A_484 = tpu.memref_slice %arg6[%arg0, %dma_wait3A_482, %dma_wait3A_483] : memref<2x10240x16xf32, #tpu.memory_space<hbm>> -> memref<1x10240x16xf32, #tpu.memory_space<hbm>>
      %dma_wait3A_485 = tpu.memref_squeeze %dma_wait3A_484 : memref<1x10240x16xf32, #tpu.memory_space<hbm>> -> memref<10240x16xf32, #tpu.memory_space<hbm>>
      %dma_wait3A_486 = arith.constant 0 : i32
      %dma_wait3A_487 = arith.constant 0 : i32
      %dma_wait3A_488 = tpu.memref_slice %dma_wait3A_485[%dma_wait3A_486, %dma_wait3A_487] : memref<10240x16xf32, #tpu.memory_space<hbm>> -> memref<10240x16xf32, #tpu.memory_space<hbm>>
      tpu.wait_indirect_dma semaphore(%arg13 : memref<!tpu.dma_semaphore, #tpu.memory_space<semaphore_mem>>) src(%dma_wait3A_488 : memref<10240x16xf32, #tpu.memory_space<hbm>>) dst(%dma_wait3A_478 : memref<128x16xf32, #tpu.memory_space<vmem>>)
      %add3A_489 = arith.constant 0 : i32
      %add3A_490 = arith.addi %mul3A_472, %add3A_489 : i32
      %dma_start3A_491 = arith.constant 0 : i32
      %dma_start3A_492 = arith.constant 0 : i32
      %dma_start3A_493 = arith.constant 0 : i32
      %dma_start3A_494 = tpu.memref_slice %arg10[%dma_start3A_491, %dma_start3A_492, %dma_start3A_493] : memref<8x128x16xf32, #tpu.memory_space<vmem>> -> memref<1x128x16xf32, #tpu.memory_space<vmem>>
      %dma_start3A_495 = tpu.memref_squeeze %dma_start3A_494 : memref<1x128x16xf32, #tpu.memory_space<vmem>> -> memref<128x16xf32, #tpu.memory_space<vmem>>
      %dma_start3A_496 = arith.constant 0 : i32
      %dma_start3A_497 = tpu.memref_slice %arg9[%add3A_490, %dma_start3A_496] : memref<80x128xi32, #tpu.memory_space<vmem>> -> memref<1x128xi32, #tpu.memory_space<vmem>>
      %dma_start3A_498 = tpu.memref_squeeze %dma_start3A_497 : memref<1x128xi32, #tpu.memory_space<vmem>> -> memref<128xi32, #tpu.memory_space<vmem>>
      %dma_start3A_499 = arith.constant 0 : i32
      %dma_start3A_500 = arith.constant 0 : i32
      %dma_start3A_501 = tpu.memref_slice %arg12[%dma_start3A_499, %dma_start3A_500] : memref<10240x16xf32, #tpu.memory_space<vmem_shared>> -> memref<10240x16xf32, #tpu.memory_space<vmem_shared>>
      tpu.enqueue_indirect_dma source(%dma_start3A_495 : memref<128x16xf32, #tpu.memory_space<vmem>>) target(%dma_start3A_501 : memref<10240x16xf32, #tpu.memory_space<vmem_shared>>) offsets(%dma_start3A_498 : memref<128xi32, #tpu.memory_space<vmem>>) semaphore(%arg13 : memref<!tpu.dma_semaphore, #tpu.memory_space<semaphore_mem>>) {add = true}
      %dma_wait3A_502 = arith.constant 0 : i32
      %dma_wait3A_503 = arith.constant 1 : i32
      %dma_wait3A_504 = arith.constant 0 : i32
      %dma_wait3A_505 = arith.constant 0 : i32
      %dma_wait3A_506 = tpu.memref_slice %arg10[%dma_wait3A_503, %dma_wait3A_504, %dma_wait3A_505] : memref<8x128x16xf32, #tpu.memory_space<vmem>> -> memref<1x128x16xf32, #tpu.memory_space<vmem>>
      %dma_wait3A_507 = tpu.memref_squeeze %dma_wait3A_506 : memref<1x128x16xf32, #tpu.memory_space<vmem>> -> memref<128x16xf32, #tpu.memory_space<vmem>>
      %dma_wait3A_508 = arith.constant 0 : i32
      %dma_wait3A_509 = tpu.memref_slice %arg8[%dma_wait3A_502, %dma_wait3A_508] : memref<80x128xi32, #tpu.memory_space<vmem>> -> memref<1x128xi32, #tpu.memory_space<vmem>>
      %dma_wait3A_510 = tpu.memref_squeeze %dma_wait3A_509 : memref<1x128xi32, #tpu.memory_space<vmem>> -> memref<128xi32, #tpu.memory_space<vmem>>
      %dma_wait3A_511 = arith.constant 0 : i32
      %dma_wait3A_512 = arith.constant 0 : i32
      %dma_wait3A_513 = tpu.memref_slice %arg6[%arg0, %dma_wait3A_511, %dma_wait3A_512] : memref<2x10240x16xf32, #tpu.memory_space<hbm>> -> memref<1x10240x16xf32, #tpu.memory_space<hbm>>
      %dma_wait3A_514 = tpu.memref_squeeze %dma_wait3A_513 : memref<1x10240x16xf32, #tpu.memory_space<hbm>> -> memref<10240x16xf32, #tpu.memory_space<hbm>>
      %dma_wait3A_515 = arith.constant 0 : i32
      %dma_wait3A_516 = arith.constant 0 : i32
      %dma_wait3A_517 = tpu.memref_slice %dma_wait3A_514[%dma_wait3A_515, %dma_wait3A_516] : memref<10240x16xf32, #tpu.memory_space<hbm>> -> memref<10240x16xf32, #tpu.memory_space<hbm>>
      tpu.wait_indirect_dma semaphore(%arg14 : memref<!tpu.dma_semaphore, #tpu.memory_space<semaphore_mem>>) src(%dma_wait3A_517 : memref<10240x16xf32, #tpu.memory_space<hbm>>) dst(%dma_wait3A_507 : memref<128x16xf32, #tpu.memory_space<vmem>>)
      %add3A_518 = arith.constant 1 : i32
      %add3A_519 = arith.addi %mul3A_472, %add3A_518 : i32
      %dma_start3A_520 = arith.constant 1 : i32
      %dma_start3A_521 = arith.constant 0 : i32
      %dma_start3A_522 = arith.constant 0 : i32
      %dma_start3A_523 = tpu.memref_slice %arg10[%dma_start3A_520, %dma_start3A_521, %dma_start3A_522] : memref<8x128x16xf32, #tpu.memory_space<vmem>> -> memref<1x128x16xf32, #tpu.memory_space<vmem>>
      %dma_start3A_524 = tpu.memref_squeeze %dma_start3A_523 : memref<1x128x16xf32, #tpu.memory_space<vmem>> -> memref<128x16xf32, #tpu.memory_space<vmem>>
      %dma_start3A_525 = arith.constant 0 : i32
      %dma_start3A_526 = tpu.memref_slice %arg9[%add3A_519, %dma_start3A_525] : memref<80x128xi32, #tpu.memory_space<vmem>> -> memref<1x128xi32, #tpu.memory_space<vmem>>
      %dma_start3A_527 = tpu.memref_squeeze %dma_start3A_526 : memref<1x128xi32, #tpu.memory_space<vmem>> -> memref<128xi32, #tpu.memory_space<vmem>>
      %dma_start3A_528 = arith.constant 0 : i32
      %dma_start3A_529 = arith.constant 0 : i32
      %dma_start3A_530 = tpu.memref_slice %arg12[%dma_start3A_528, %dma_start3A_529] : memref<10240x16xf32, #tpu.memory_space<vmem_shared>> -> memref<10240x16xf32, #tpu.memory_space<vmem_shared>>
      tpu.enqueue_indirect_dma source(%dma_start3A_524 : memref<128x16xf32, #tpu.memory_space<vmem>>) target(%dma_start3A_530 : memref<10240x16xf32, #tpu.memory_space<vmem_shared>>) offsets(%dma_start3A_527 : memref<128xi32, #tpu.memory_space<vmem>>) semaphore(%arg14 : memref<!tpu.dma_semaphore, #tpu.memory_space<semaphore_mem>>) {add = true}
      %dma_wait3A_531 = arith.constant 0 : i32
      %dma_wait3A_532 = arith.constant 2 : i32
      %dma_wait3A_533 = arith.constant 0 : i32
      %dma_wait3A_534 = arith.constant 0 : i32
      %dma_wait3A_535 = tpu.memref_slice %arg10[%dma_wait3A_532, %dma_wait3A_533, %dma_wait3A_534] : memref<8x128x16xf32, #tpu.memory_space<vmem>> -> memref<1x128x16xf32, #tpu.memory_space<vmem>>
      %dma_wait3A_536 = tpu.memref_squeeze %dma_wait3A_535 : memref<1x128x16xf32, #tpu.memory_space<vmem>> -> memref<128x16xf32, #tpu.memory_space<vmem>>
      %dma_wait3A_537 = arith.constant 0 : i32
      %dma_wait3A_538 = tpu.memref_slice %arg8[%dma_wait3A_531, %dma_wait3A_537] : memref<80x128xi32, #tpu.memory_space<vmem>> -> memref<1x128xi32, #tpu.memory_space<vmem>>
      %dma_wait3A_539 = tpu.memref_squeeze %dma_wait3A_538 : memref<1x128xi32, #tpu.memory_space<vmem>> -> memref<128xi32, #tpu.memory_space<vmem>>
      %dma_wait3A_540 = arith.constant 0 : i32
      %dma_wait3A_541 = arith.constant 0 : i32
      %dma_wait3A_542 = tpu.memref_slice %arg6[%arg0, %dma_wait3A_540, %dma_wait3A_541] : memref<2x10240x16xf32, #tpu.memory_space<hbm>> -> memref<1x10240x16xf32, #tpu.memory_space<hbm>>
      %dma_wait3A_543 = tpu.memref_squeeze %dma_wait3A_542 : memref<1x10240x16xf32, #tpu.memory_space<hbm>> -> memref<10240x16xf32, #tpu.memory_space<hbm>>
      %dma_wait3A_544 = arith.constant 0 : i32
      %dma_wait3A_545 = arith.constant 0 : i32
      %dma_wait3A_546 = tpu.memref_slice %dma_wait3A_543[%dma_wait3A_544, %dma_wait3A_545] : memref<10240x16xf32, #tpu.memory_space<hbm>> -> memref<10240x16xf32, #tpu.memory_space<hbm>>
      tpu.wait_indirect_dma semaphore(%arg15 : memref<!tpu.dma_semaphore, #tpu.memory_space<semaphore_mem>>) src(%dma_wait3A_546 : memref<10240x16xf32, #tpu.memory_space<hbm>>) dst(%dma_wait3A_536 : memref<128x16xf32, #tpu.memory_space<vmem>>)
      %add3A_547 = arith.constant 2 : i32
      %add3A_548 = arith.addi %mul3A_472, %add3A_547 : i32
      %dma_start3A_549 = arith.constant 2 : i32
      %dma_start3A_550 = arith.constant 0 : i32
      %dma_start3A_551 = arith.constant 0 : i32
      %dma_start3A_552 = tpu.memref_slice %arg10[%dma_start3A_549, %dma_start3A_550, %dma_start3A_551] : memref<8x128x16xf32, #tpu.memory_space<vmem>> -> memref<1x128x16xf32, #tpu.memory_space<vmem>>
      %dma_start3A_553 = tpu.memref_squeeze %dma_start3A_552 : memref<1x128x16xf32, #tpu.memory_space<vmem>> -> memref<128x16xf32, #tpu.memory_space<vmem>>
      %dma_start3A_554 = arith.constant 0 : i32
      %dma_start3A_555 = tpu.memref_slice %arg9[%add3A_548, %dma_start3A_554] : memref<80x128xi32, #tpu.memory_space<vmem>> -> memref<1x128xi32, #tpu.memory_space<vmem>>
      %dma_start3A_556 = tpu.memref_squeeze %dma_start3A_555 : memref<1x128xi32, #tpu.memory_space<vmem>> -> memref<128xi32, #tpu.memory_space<vmem>>
      %dma_start3A_557 = arith.constant 0 : i32
      %dma_start3A_558 = arith.constant 0 : i32
      %dma_start3A_559 = tpu.memref_slice %arg12[%dma_start3A_557, %dma_start3A_558] : memref<10240x16xf32, #tpu.memory_space<vmem_shared>> -> memref<10240x16xf32, #tpu.memory_space<vmem_shared>>
      tpu.enqueue_indirect_dma source(%dma_start3A_553 : memref<128x16xf32, #tpu.memory_space<vmem>>) target(%dma_start3A_559 : memref<10240x16xf32, #tpu.memory_space<vmem_shared>>) offsets(%dma_start3A_556 : memref<128xi32, #tpu.memory_space<vmem>>) semaphore(%arg15 : memref<!tpu.dma_semaphore, #tpu.memory_space<semaphore_mem>>) {add = true}
      %dma_wait3A_560 = arith.constant 0 : i32
      %dma_wait3A_561 = arith.constant 3 : i32
      %dma_wait3A_562 = arith.constant 0 : i32
      %dma_wait3A_563 = arith.constant 0 : i32
      %dma_wait3A_564 = tpu.memref_slice %arg10[%dma_wait3A_561, %dma_wait3A_562, %dma_wait3A_563] : memref<8x128x16xf32, #tpu.memory_space<vmem>> -> memref<1x128x16xf32, #tpu.memory_space<vmem>>
      %dma_wait3A_565 = tpu.memref_squeeze %dma_wait3A_564 : memref<1x128x16xf32, #tpu.memory_space<vmem>> -> memref<128x16xf32, #tpu.memory_space<vmem>>
      %dma_wait3A_566 = arith.constant 0 : i32
      %dma_wait3A_567 = tpu.memref_slice %arg8[%dma_wait3A_560, %dma_wait3A_566] : memref<80x128xi32, #tpu.memory_space<vmem>> -> memref<1x128xi32, #tpu.memory_space<vmem>>
      %dma_wait3A_568 = tpu.memref_squeeze %dma_wait3A_567 : memref<1x128xi32, #tpu.memory_space<vmem>> -> memref<128xi32, #tpu.memory_space<vmem>>
      %dma_wait3A_569 = arith.constant 0 : i32
      %dma_wait3A_570 = arith.constant 0 : i32
      %dma_wait3A_571 = tpu.memref_slice %arg6[%arg0, %dma_wait3A_569, %dma_wait3A_570] : memref<2x10240x16xf32, #tpu.memory_space<hbm>> -> memref<1x10240x16xf32, #tpu.memory_space<hbm>>
      %dma_wait3A_572 = tpu.memref_squeeze %dma_wait3A_571 : memref<1x10240x16xf32, #tpu.memory_space<hbm>> -> memref<10240x16xf32, #tpu.memory_space<hbm>>
      %dma_wait3A_573 = arith.constant 0 : i32
      %dma_wait3A_574 = arith.constant 0 : i32
      %dma_wait3A_575 = tpu.memref_slice %dma_wait3A_572[%dma_wait3A_573, %dma_wait3A_574] : memref<10240x16xf32, #tpu.memory_space<hbm>> -> memref<10240x16xf32, #tpu.memory_space<hbm>>
      tpu.wait_indirect_dma semaphore(%arg16 : memref<!tpu.dma_semaphore, #tpu.memory_space<semaphore_mem>>) src(%dma_wait3A_575 : memref<10240x16xf32, #tpu.memory_space<hbm>>) dst(%dma_wait3A_565 : memref<128x16xf32, #tpu.memory_space<vmem>>)
      %add3A_576 = arith.constant 3 : i32
      %add3A_577 = arith.addi %mul3A_472, %add3A_576 : i32
      %dma_start3A_578 = arith.constant 3 : i32
      %dma_start3A_579 = arith.constant 0 : i32
      %dma_start3A_580 = arith.constant 0 : i32
      %dma_start3A_581 = tpu.memref_slice %arg10[%dma_start3A_578, %dma_start3A_579, %dma_start3A_580] : memref<8x128x16xf32, #tpu.memory_space<vmem>> -> memref<1x128x16xf32, #tpu.memory_space<vmem>>
      %dma_start3A_582 = tpu.memref_squeeze %dma_start3A_581 : memref<1x128x16xf32, #tpu.memory_space<vmem>> -> memref<128x16xf32, #tpu.memory_space<vmem>>
      %dma_start3A_583 = arith.constant 0 : i32
      %dma_start3A_584 = tpu.memref_slice %arg9[%add3A_577, %dma_start3A_583] : memref<80x128xi32, #tpu.memory_space<vmem>> -> memref<1x128xi32, #tpu.memory_space<vmem>>
      %dma_start3A_585 = tpu.memref_squeeze %dma_start3A_584 : memref<1x128xi32, #tpu.memory_space<vmem>> -> memref<128xi32, #tpu.memory_space<vmem>>
      %dma_start3A_586 = arith.constant 0 : i32
      %dma_start3A_587 = arith.constant 0 : i32
      %dma_start3A_588 = tpu.memref_slice %arg12[%dma_start3A_586, %dma_start3A_587] : memref<10240x16xf32, #tpu.memory_space<vmem_shared>> -> memref<10240x16xf32, #tpu.memory_space<vmem_shared>>
      tpu.enqueue_indirect_dma source(%dma_start3A_582 : memref<128x16xf32, #tpu.memory_space<vmem>>) target(%dma_start3A_588 : memref<10240x16xf32, #tpu.memory_space<vmem_shared>>) offsets(%dma_start3A_585 : memref<128xi32, #tpu.memory_space<vmem>>) semaphore(%arg16 : memref<!tpu.dma_semaphore, #tpu.memory_space<semaphore_mem>>) {add = true}
      %dma_wait3A_589 = arith.constant 0 : i32
      %dma_wait3A_590 = arith.constant 4 : i32
      %dma_wait3A_591 = arith.constant 0 : i32
      %dma_wait3A_592 = arith.constant 0 : i32
      %dma_wait3A_593 = tpu.memref_slice %arg10[%dma_wait3A_590, %dma_wait3A_591, %dma_wait3A_592] : memref<8x128x16xf32, #tpu.memory_space<vmem>> -> memref<1x128x16xf32, #tpu.memory_space<vmem>>
      %dma_wait3A_594 = tpu.memref_squeeze %dma_wait3A_593 : memref<1x128x16xf32, #tpu.memory_space<vmem>> -> memref<128x16xf32, #tpu.memory_space<vmem>>
      %dma_wait3A_595 = arith.constant 0 : i32
      %dma_wait3A_596 = tpu.memref_slice %arg8[%dma_wait3A_589, %dma_wait3A_595] : memref<80x128xi32, #tpu.memory_space<vmem>> -> memref<1x128xi32, #tpu.memory_space<vmem>>
      %dma_wait3A_597 = tpu.memref_squeeze %dma_wait3A_596 : memref<1x128xi32, #tpu.memory_space<vmem>> -> memref<128xi32, #tpu.memory_space<vmem>>
      %dma_wait3A_598 = arith.constant 0 : i32
      %dma_wait3A_599 = arith.constant 0 : i32
      %dma_wait3A_600 = tpu.memref_slice %arg6[%arg0, %dma_wait3A_598, %dma_wait3A_599] : memref<2x10240x16xf32, #tpu.memory_space<hbm>> -> memref<1x10240x16xf32, #tpu.memory_space<hbm>>
      %dma_wait3A_601 = tpu.memref_squeeze %dma_wait3A_600 : memref<1x10240x16xf32, #tpu.memory_space<hbm>> -> memref<10240x16xf32, #tpu.memory_space<hbm>>
      %dma_wait3A_602 = arith.constant 0 : i32
      %dma_wait3A_603 = arith.constant 0 : i32
      %dma_wait3A_604 = tpu.memref_slice %dma_wait3A_601[%dma_wait3A_602, %dma_wait3A_603] : memref<10240x16xf32, #tpu.memory_space<hbm>> -> memref<10240x16xf32, #tpu.memory_space<hbm>>
      tpu.wait_indirect_dma semaphore(%arg17 : memref<!tpu.dma_semaphore, #tpu.memory_space<semaphore_mem>>) src(%dma_wait3A_604 : memref<10240x16xf32, #tpu.memory_space<hbm>>) dst(%dma_wait3A_594 : memref<128x16xf32, #tpu.memory_space<vmem>>)
      %add3A_605 = arith.constant 4 : i32
      %add3A_606 = arith.addi %mul3A_472, %add3A_605 : i32
      %dma_start3A_607 = arith.constant 4 : i32
      %dma_start3A_608 = arith.constant 0 : i32
      %dma_start3A_609 = arith.constant 0 : i32
      %dma_start3A_610 = tpu.memref_slice %arg10[%dma_start3A_607, %dma_start3A_608, %dma_start3A_609] : memref<8x128x16xf32, #tpu.memory_space<vmem>> -> memref<1x128x16xf32, #tpu.memory_space<vmem>>
      %dma_start3A_611 = tpu.memref_squeeze %dma_start3A_610 : memref<1x128x16xf32, #tpu.memory_space<vmem>> -> memref<128x16xf32, #tpu.memory_space<vmem>>
      %dma_start3A_612 = arith.constant 0 : i32
      %dma_start3A_613 = tpu.memref_slice %arg9[%add3A_606, %dma_start3A_612] : memref<80x128xi32, #tpu.memory_space<vmem>> -> memref<1x128xi32, #tpu.memory_space<vmem>>
      %dma_start3A_614 = tpu.memref_squeeze %dma_start3A_613 : memref<1x128xi32, #tpu.memory_space<vmem>> -> memref<128xi32, #tpu.memory_space<vmem>>
      %dma_start3A_615 = arith.constant 0 : i32
      %dma_start3A_616 = arith.constant 0 : i32
      %dma_start3A_617 = tpu.memref_slice %arg12[%dma_start3A_615, %dma_start3A_616] : memref<10240x16xf32, #tpu.memory_space<vmem_shared>> -> memref<10240x16xf32, #tpu.memory_space<vmem_shared>>
      tpu.enqueue_indirect_dma source(%dma_start3A_611 : memref<128x16xf32, #tpu.memory_space<vmem>>) target(%dma_start3A_617 : memref<10240x16xf32, #tpu.memory_space<vmem_shared>>) offsets(%dma_start3A_614 : memref<128xi32, #tpu.memory_space<vmem>>) semaphore(%arg17 : memref<!tpu.dma_semaphore, #tpu.memory_space<semaphore_mem>>) {add = true}
      %dma_wait3A_618 = arith.constant 0 : i32
      %dma_wait3A_619 = arith.constant 5 : i32
      %dma_wait3A_620 = arith.constant 0 : i32
      %dma_wait3A_621 = arith.constant 0 : i32
      %dma_wait3A_622 = tpu.memref_slice %arg10[%dma_wait3A_619, %dma_wait3A_620, %dma_wait3A_621] : memref<8x128x16xf32, #tpu.memory_space<vmem>> -> memref<1x128x16xf32, #tpu.memory_space<vmem>>
      %dma_wait3A_623 = tpu.memref_squeeze %dma_wait3A_622 : memref<1x128x16xf32, #tpu.memory_space<vmem>> -> memref<128x16xf32, #tpu.memory_space<vmem>>
      %dma_wait3A_624 = arith.constant 0 : i32
      %dma_wait3A_625 = tpu.memref_slice %arg8[%dma_wait3A_618, %dma_wait3A_624] : memref<80x128xi32, #tpu.memory_space<vmem>> -> memref<1x128xi32, #tpu.memory_space<vmem>>
      %dma_wait3A_626 = tpu.memref_squeeze %dma_wait3A_625 : memref<1x128xi32, #tpu.memory_space<vmem>> -> memref<128xi32, #tpu.memory_space<vmem>>
      %dma_wait3A_627 = arith.constant 0 : i32
      %dma_wait3A_628 = arith.constant 0 : i32
      %dma_wait3A_629 = tpu.memref_slice %arg6[%arg0, %dma_wait3A_627, %dma_wait3A_628] : memref<2x10240x16xf32, #tpu.memory_space<hbm>> -> memref<1x10240x16xf32, #tpu.memory_space<hbm>>
      %dma_wait3A_630 = tpu.memref_squeeze %dma_wait3A_629 : memref<1x10240x16xf32, #tpu.memory_space<hbm>> -> memref<10240x16xf32, #tpu.memory_space<hbm>>
      %dma_wait3A_631 = arith.constant 0 : i32
      %dma_wait3A_632 = arith.constant 0 : i32
      %dma_wait3A_633 = tpu.memref_slice %dma_wait3A_630[%dma_wait3A_631, %dma_wait3A_632] : memref<10240x16xf32, #tpu.memory_space<hbm>> -> memref<10240x16xf32, #tpu.memory_space<hbm>>
      tpu.wait_indirect_dma semaphore(%arg18 : memref<!tpu.dma_semaphore, #tpu.memory_space<semaphore_mem>>) src(%dma_wait3A_633 : memref<10240x16xf32, #tpu.memory_space<hbm>>) dst(%dma_wait3A_623 : memref<128x16xf32, #tpu.memory_space<vmem>>)
      %add3A_634 = arith.constant 5 : i32
      %add3A_635 = arith.addi %mul3A_472, %add3A_634 : i32
      %dma_start3A_636 = arith.constant 5 : i32
      %dma_start3A_637 = arith.constant 0 : i32
      %dma_start3A_638 = arith.constant 0 : i32
      %dma_start3A_639 = tpu.memref_slice %arg10[%dma_start3A_636, %dma_start3A_637, %dma_start3A_638] : memref<8x128x16xf32, #tpu.memory_space<vmem>> -> memref<1x128x16xf32, #tpu.memory_space<vmem>>
      %dma_start3A_640 = tpu.memref_squeeze %dma_start3A_639 : memref<1x128x16xf32, #tpu.memory_space<vmem>> -> memref<128x16xf32, #tpu.memory_space<vmem>>
      %dma_start3A_641 = arith.constant 0 : i32
      %dma_start3A_642 = tpu.memref_slice %arg9[%add3A_635, %dma_start3A_641] : memref<80x128xi32, #tpu.memory_space<vmem>> -> memref<1x128xi32, #tpu.memory_space<vmem>>
      %dma_start3A_643 = tpu.memref_squeeze %dma_start3A_642 : memref<1x128xi32, #tpu.memory_space<vmem>> -> memref<128xi32, #tpu.memory_space<vmem>>
      %dma_start3A_644 = arith.constant 0 : i32
      %dma_start3A_645 = arith.constant 0 : i32
      %dma_start3A_646 = tpu.memref_slice %arg12[%dma_start3A_644, %dma_start3A_645] : memref<10240x16xf32, #tpu.memory_space<vmem_shared>> -> memref<10240x16xf32, #tpu.memory_space<vmem_shared>>
      tpu.enqueue_indirect_dma source(%dma_start3A_640 : memref<128x16xf32, #tpu.memory_space<vmem>>) target(%dma_start3A_646 : memref<10240x16xf32, #tpu.memory_space<vmem_shared>>) offsets(%dma_start3A_643 : memref<128xi32, #tpu.memory_space<vmem>>) semaphore(%arg18 : memref<!tpu.dma_semaphore, #tpu.memory_space<semaphore_mem>>) {add = true}
      %dma_wait3A_647 = arith.constant 0 : i32
      %dma_wait3A_648 = arith.constant 6 : i32
      %dma_wait3A_649 = arith.constant 0 : i32
      %dma_wait3A_650 = arith.constant 0 : i32
      %dma_wait3A_651 = tpu.memref_slice %arg10[%dma_wait3A_648, %dma_wait3A_649, %dma_wait3A_650] : memref<8x128x16xf32, #tpu.memory_space<vmem>> -> memref<1x128x16xf32, #tpu.memory_space<vmem>>
      %dma_wait3A_652 = tpu.memref_squeeze %dma_wait3A_651 : memref<1x128x16xf32, #tpu.memory_space<vmem>> -> memref<128x16xf32, #tpu.memory_space<vmem>>
      %dma_wait3A_653 = arith.constant 0 : i32
      %dma_wait3A_654 = tpu.memref_slice %arg8[%dma_wait3A_647, %dma_wait3A_653] : memref<80x128xi32, #tpu.memory_space<vmem>> -> memref<1x128xi32, #tpu.memory_space<vmem>>
      %dma_wait3A_655 = tpu.memref_squeeze %dma_wait3A_654 : memref<1x128xi32, #tpu.memory_space<vmem>> -> memref<128xi32, #tpu.memory_space<vmem>>
      %dma_wait3A_656 = arith.constant 0 : i32
      %dma_wait3A_657 = arith.constant 0 : i32
      %dma_wait3A_658 = tpu.memref_slice %arg6[%arg0, %dma_wait3A_656, %dma_wait3A_657] : memref<2x10240x16xf32, #tpu.memory_space<hbm>> -> memref<1x10240x16xf32, #tpu.memory_space<hbm>>
      %dma_wait3A_659 = tpu.memref_squeeze %dma_wait3A_658 : memref<1x10240x16xf32, #tpu.memory_space<hbm>> -> memref<10240x16xf32, #tpu.memory_space<hbm>>
      %dma_wait3A_660 = arith.constant 0 : i32
      %dma_wait3A_661 = arith.constant 0 : i32
      %dma_wait3A_662 = tpu.memref_slice %dma_wait3A_659[%dma_wait3A_660, %dma_wait3A_661] : memref<10240x16xf32, #tpu.memory_space<hbm>> -> memref<10240x16xf32, #tpu.memory_space<hbm>>
      tpu.wait_indirect_dma semaphore(%arg19 : memref<!tpu.dma_semaphore, #tpu.memory_space<semaphore_mem>>) src(%dma_wait3A_662 : memref<10240x16xf32, #tpu.memory_space<hbm>>) dst(%dma_wait3A_652 : memref<128x16xf32, #tpu.memory_space<vmem>>)
      %add3A_663 = arith.constant 6 : i32
      %add3A_664 = arith.addi %mul3A_472, %add3A_663 : i32
      %dma_start3A_665 = arith.constant 6 : i32
      %dma_start3A_666 = arith.constant 0 : i32
      %dma_start3A_667 = arith.constant 0 : i32
      %dma_start3A_668 = tpu.memref_slice %arg10[%dma_start3A_665, %dma_start3A_666, %dma_start3A_667] : memref<8x128x16xf32, #tpu.memory_space<vmem>> -> memref<1x128x16xf32, #tpu.memory_space<vmem>>
      %dma_start3A_669 = tpu.memref_squeeze %dma_start3A_668 : memref<1x128x16xf32, #tpu.memory_space<vmem>> -> memref<128x16xf32, #tpu.memory_space<vmem>>
      %dma_start3A_670 = arith.constant 0 : i32
      %dma_start3A_671 = tpu.memref_slice %arg9[%add3A_664, %dma_start3A_670] : memref<80x128xi32, #tpu.memory_space<vmem>> -> memref<1x128xi32, #tpu.memory_space<vmem>>
      %dma_start3A_672 = tpu.memref_squeeze %dma_start3A_671 : memref<1x128xi32, #tpu.memory_space<vmem>> -> memref<128xi32, #tpu.memory_space<vmem>>
      %dma_start3A_673 = arith.constant 0 : i32
      %dma_start3A_674 = arith.constant 0 : i32
      %dma_start3A_675 = tpu.memref_slice %arg12[%dma_start3A_673, %dma_start3A_674] : memref<10240x16xf32, #tpu.memory_space<vmem_shared>> -> memref<10240x16xf32, #tpu.memory_space<vmem_shared>>
      tpu.enqueue_indirect_dma source(%dma_start3A_669 : memref<128x16xf32, #tpu.memory_space<vmem>>) target(%dma_start3A_675 : memref<10240x16xf32, #tpu.memory_space<vmem_shared>>) offsets(%dma_start3A_672 : memref<128xi32, #tpu.memory_space<vmem>>) semaphore(%arg19 : memref<!tpu.dma_semaphore, #tpu.memory_space<semaphore_mem>>) {add = true}
      %dma_wait3A_676 = arith.constant 0 : i32
      %dma_wait3A_677 = arith.constant 7 : i32
      %dma_wait3A_678 = arith.constant 0 : i32
      %dma_wait3A_679 = arith.constant 0 : i32
      %dma_wait3A_680 = tpu.memref_slice %arg10[%dma_wait3A_677, %dma_wait3A_678, %dma_wait3A_679] : memref<8x128x16xf32, #tpu.memory_space<vmem>> -> memref<1x128x16xf32, #tpu.memory_space<vmem>>
      %dma_wait3A_681 = tpu.memref_squeeze %dma_wait3A_680 : memref<1x128x16xf32, #tpu.memory_space<vmem>> -> memref<128x16xf32, #tpu.memory_space<vmem>>
      %dma_wait3A_682 = arith.constant 0 : i32
      %dma_wait3A_683 = tpu.memref_slice %arg8[%dma_wait3A_676, %dma_wait3A_682] : memref<80x128xi32, #tpu.memory_space<vmem>> -> memref<1x128xi32, #tpu.memory_space<vmem>>
      %dma_wait3A_684 = tpu.memref_squeeze %dma_wait3A_683 : memref<1x128xi32, #tpu.memory_space<vmem>> -> memref<128xi32, #tpu.memory_space<vmem>>
      %dma_wait3A_685 = arith.constant 0 : i32
      %dma_wait3A_686 = arith.constant 0 : i32
      %dma_wait3A_687 = tpu.memref_slice %arg6[%arg0, %dma_wait3A_685, %dma_wait3A_686] : memref<2x10240x16xf32, #tpu.memory_space<hbm>> -> memref<1x10240x16xf32, #tpu.memory_space<hbm>>
      %dma_wait3A_688 = tpu.memref_squeeze %dma_wait3A_687 : memref<1x10240x16xf32, #tpu.memory_space<hbm>> -> memref<10240x16xf32, #tpu.memory_space<hbm>>
      %dma_wait3A_689 = arith.constant 0 : i32
      %dma_wait3A_690 = arith.constant 0 : i32
      %dma_wait3A_691 = tpu.memref_slice %dma_wait3A_688[%dma_wait3A_689, %dma_wait3A_690] : memref<10240x16xf32, #tpu.memory_space<hbm>> -> memref<10240x16xf32, #tpu.memory_space<hbm>>
      tpu.wait_indirect_dma semaphore(%arg20 : memref<!tpu.dma_semaphore, #tpu.memory_space<semaphore_mem>>) src(%dma_wait3A_691 : memref<10240x16xf32, #tpu.memory_space<hbm>>) dst(%dma_wait3A_681 : memref<128x16xf32, #tpu.memory_space<vmem>>)
      %add3A_692 = arith.constant 7 : i32
      %add3A_693 = arith.addi %mul3A_472, %add3A_692 : i32
      %dma_start3A_694 = arith.constant 7 : i32
      %dma_start3A_695 = arith.constant 0 : i32
      %dma_start3A_696 = arith.constant 0 : i32
      %dma_start3A_697 = tpu.memref_slice %arg10[%dma_start3A_694, %dma_start3A_695, %dma_start3A_696] : memref<8x128x16xf32, #tpu.memory_space<vmem>> -> memref<1x128x16xf32, #tpu.memory_space<vmem>>
      %dma_start3A_698 = tpu.memref_squeeze %dma_start3A_697 : memref<1x128x16xf32, #tpu.memory_space<vmem>> -> memref<128x16xf32, #tpu.memory_space<vmem>>
      %dma_start3A_699 = arith.constant 0 : i32
      %dma_start3A_700 = tpu.memref_slice %arg9[%add3A_693, %dma_start3A_699] : memref<80x128xi32, #tpu.memory_space<vmem>> -> memref<1x128xi32, #tpu.memory_space<vmem>>
      %dma_start3A_701 = tpu.memref_squeeze %dma_start3A_700 : memref<1x128xi32, #tpu.memory_space<vmem>> -> memref<128xi32, #tpu.memory_space<vmem>>
      %dma_start3A_702 = arith.constant 0 : i32
      %dma_start3A_703 = arith.constant 0 : i32
      %dma_start3A_704 = tpu.memref_slice %arg12[%dma_start3A_702, %dma_start3A_703] : memref<10240x16xf32, #tpu.memory_space<vmem_shared>> -> memref<10240x16xf32, #tpu.memory_space<vmem_shared>>
      tpu.enqueue_indirect_dma source(%dma_start3A_698 : memref<128x16xf32, #tpu.memory_space<vmem>>) target(%dma_start3A_704 : memref<10240x16xf32, #tpu.memory_space<vmem_shared>>) offsets(%dma_start3A_701 : memref<128xi32, #tpu.memory_space<vmem>>) semaphore(%arg20 : memref<!tpu.dma_semaphore, #tpu.memory_space<semaphore_mem>>) {add = true}
      %dma_wait3A_705 = arith.constant 0 : i32
      %dma_wait3A_706 = arith.constant 0 : i32
      %dma_wait3A_707 = arith.constant 0 : i32
      %dma_wait3A_708 = arith.constant 0 : i32
      %dma_wait3A_709 = tpu.memref_slice %arg10[%dma_wait3A_705, %dma_wait3A_707, %dma_wait3A_708] : memref<8x128x16xf32, #tpu.memory_space<vmem>> -> memref<1x128x16xf32, #tpu.memory_space<vmem>>
      %dma_wait3A_710 = tpu.memref_squeeze %dma_wait3A_709 : memref<1x128x16xf32, #tpu.memory_space<vmem>> -> memref<128x16xf32, #tpu.memory_space<vmem>>
      %dma_wait3A_711 = arith.constant 0 : i32
      %dma_wait3A_712 = tpu.memref_slice %arg9[%dma_wait3A_706, %dma_wait3A_711] : memref<80x128xi32, #tpu.memory_space<vmem>> -> memref<1x128xi32, #tpu.memory_space<vmem>>
      %dma_wait3A_713 = tpu.memref_squeeze %dma_wait3A_712 : memref<1x128xi32, #tpu.memory_space<vmem>> -> memref<128xi32, #tpu.memory_space<vmem>>
      %dma_wait3A_714 = arith.constant 0 : i32
      %dma_wait3A_715 = arith.constant 0 : i32
      %dma_wait3A_716 = tpu.memref_slice %arg12[%dma_wait3A_714, %dma_wait3A_715] : memref<10240x16xf32, #tpu.memory_space<vmem_shared>> -> memref<10240x16xf32, #tpu.memory_space<vmem_shared>>
      tpu.wait_indirect_dma semaphore(%arg13 : memref<!tpu.dma_semaphore, #tpu.memory_space<semaphore_mem>>) src(%dma_wait3A_710 : memref<128x16xf32, #tpu.memory_space<vmem>>) dst(%dma_wait3A_716 : memref<10240x16xf32, #tpu.memory_space<vmem_shared>>)
      %add3A_717 = arith.constant 8 : i32
      %add3A_718 = arith.addi %mul3A_472, %add3A_717 : i32
      %add3A_719 = arith.constant 0 : i32
      %add3A_720 = arith.addi %add3A_718, %add3A_719 : i32
      %dma_start3A_721 = arith.constant 0 : i32
      %dma_start3A_722 = arith.constant 0 : i32
      %dma_start3A_723 = arith.constant 0 : i32
      %dma_start3A_724 = tpu.memref_slice %arg10[%dma_start3A_721, %dma_start3A_722, %dma_start3A_723] : memref<8x128x16xf32, #tpu.memory_space<vmem>> -> memref<1x128x16xf32, #tpu.memory_space<vmem>>
      %dma_start3A_725 = tpu.memref_squeeze %dma_start3A_724 : memref<1x128x16xf32, #tpu.memory_space<vmem>> -> memref<128x16xf32, #tpu.memory_space<vmem>>
      %dma_start3A_726 = arith.constant 0 : i32
      %dma_start3A_727 = tpu.memref_slice %arg8[%add3A_720, %dma_start3A_726] : memref<80x128xi32, #tpu.memory_space<vmem>> -> memref<1x128xi32, #tpu.memory_space<vmem>>
      %dma_start3A_728 = tpu.memref_squeeze %dma_start3A_727 : memref<1x128xi32, #tpu.memory_space<vmem>> -> memref<128xi32, #tpu.memory_space<vmem>>
      %dma_start3A_729 = arith.constant 0 : i32
      %dma_start3A_730 = arith.constant 0 : i32
      %dma_start3A_731 = tpu.memref_slice %arg6[%arg0, %dma_start3A_729, %dma_start3A_730] : memref<2x10240x16xf32, #tpu.memory_space<hbm>> -> memref<1x10240x16xf32, #tpu.memory_space<hbm>>
      %dma_start3A_732 = tpu.memref_squeeze %dma_start3A_731 : memref<1x10240x16xf32, #tpu.memory_space<hbm>> -> memref<10240x16xf32, #tpu.memory_space<hbm>>
      %dma_start3A_733 = arith.constant 0 : i32
      %dma_start3A_734 = arith.constant 0 : i32
      %dma_start3A_735 = tpu.memref_slice %dma_start3A_732[%dma_start3A_733, %dma_start3A_734] : memref<10240x16xf32, #tpu.memory_space<hbm>> -> memref<10240x16xf32, #tpu.memory_space<hbm>>
      tpu.enqueue_indirect_dma source(%dma_start3A_735 : memref<10240x16xf32, #tpu.memory_space<hbm>>) target(%dma_start3A_725 : memref<128x16xf32, #tpu.memory_space<vmem>>) offsets(%dma_start3A_728 : memref<128xi32, #tpu.memory_space<vmem>>) semaphore(%arg13 : memref<!tpu.dma_semaphore, #tpu.memory_space<semaphore_mem>>)
      %dma_wait3A_736 = arith.constant 1 : i32
      %dma_wait3A_737 = arith.constant 0 : i32
      %dma_wait3A_738 = arith.constant 0 : i32
      %dma_wait3A_739 = arith.constant 0 : i32
      %dma_wait3A_740 = tpu.memref_slice %arg10[%dma_wait3A_736, %dma_wait3A_738, %dma_wait3A_739] : memref<8x128x16xf32, #tpu.memory_space<vmem>> -> memref<1x128x16xf32, #tpu.memory_space<vmem>>
      %dma_wait3A_741 = tpu.memref_squeeze %dma_wait3A_740 : memref<1x128x16xf32, #tpu.memory_space<vmem>> -> memref<128x16xf32, #tpu.memory_space<vmem>>
      %dma_wait3A_742 = arith.constant 0 : i32
      %dma_wait3A_743 = tpu.memref_slice %arg9[%dma_wait3A_737, %dma_wait3A_742] : memref<80x128xi32, #tpu.memory_space<vmem>> -> memref<1x128xi32, #tpu.memory_space<vmem>>
      %dma_wait3A_744 = tpu.memref_squeeze %dma_wait3A_743 : memref<1x128xi32, #tpu.memory_space<vmem>> -> memref<128xi32, #tpu.memory_space<vmem>>
      %dma_wait3A_745 = arith.constant 0 : i32
      %dma_wait3A_746 = arith.constant 0 : i32
      %dma_wait3A_747 = tpu.memref_slice %arg12[%dma_wait3A_745, %dma_wait3A_746] : memref<10240x16xf32, #tpu.memory_space<vmem_shared>> -> memref<10240x16xf32, #tpu.memory_space<vmem_shared>>
      tpu.wait_indirect_dma semaphore(%arg14 : memref<!tpu.dma_semaphore, #tpu.memory_space<semaphore_mem>>) src(%dma_wait3A_741 : memref<128x16xf32, #tpu.memory_space<vmem>>) dst(%dma_wait3A_747 : memref<10240x16xf32, #tpu.memory_space<vmem_shared>>)
      %add3A_748 = arith.constant 8 : i32
      %add3A_749 = arith.addi %mul3A_472, %add3A_748 : i32
      %add3A_750 = arith.constant 1 : i32
      %add3A_751 = arith.addi %add3A_749, %add3A_750 : i32
      %dma_start3A_752 = arith.constant 1 : i32
      %dma_start3A_753 = arith.constant 0 : i32
      %dma_start3A_754 = arith.constant 0 : i32
      %dma_start3A_755 = tpu.memref_slice %arg10[%dma_start3A_752, %dma_start3A_753, %dma_start3A_754] : memref<8x128x16xf32, #tpu.memory_space<vmem>> -> memref<1x128x16xf32, #tpu.memory_space<vmem>>
      %dma_start3A_756 = tpu.memref_squeeze %dma_start3A_755 : memref<1x128x16xf32, #tpu.memory_space<vmem>> -> memref<128x16xf32, #tpu.memory_space<vmem>>
      %dma_start3A_757 = arith.constant 0 : i32
      %dma_start3A_758 = tpu.memref_slice %arg8[%add3A_751, %dma_start3A_757] : memref<80x128xi32, #tpu.memory_space<vmem>> -> memref<1x128xi32, #tpu.memory_space<vmem>>
      %dma_start3A_759 = tpu.memref_squeeze %dma_start3A_758 : memref<1x128xi32, #tpu.memory_space<vmem>> -> memref<128xi32, #tpu.memory_space<vmem>>
      %dma_start3A_760 = arith.constant 0 : i32
      %dma_start3A_761 = arith.constant 0 : i32
      %dma_start3A_762 = tpu.memref_slice %arg6[%arg0, %dma_start3A_760, %dma_start3A_761] : memref<2x10240x16xf32, #tpu.memory_space<hbm>> -> memref<1x10240x16xf32, #tpu.memory_space<hbm>>
      %dma_start3A_763 = tpu.memref_squeeze %dma_start3A_762 : memref<1x10240x16xf32, #tpu.memory_space<hbm>> -> memref<10240x16xf32, #tpu.memory_space<hbm>>
      %dma_start3A_764 = arith.constant 0 : i32
      %dma_start3A_765 = arith.constant 0 : i32
      %dma_start3A_766 = tpu.memref_slice %dma_start3A_763[%dma_start3A_764, %dma_start3A_765] : memref<10240x16xf32, #tpu.memory_space<hbm>> -> memref<10240x16xf32, #tpu.memory_space<hbm>>
      tpu.enqueue_indirect_dma source(%dma_start3A_766 : memref<10240x16xf32, #tpu.memory_space<hbm>>) target(%dma_start3A_756 : memref<128x16xf32, #tpu.memory_space<vmem>>) offsets(%dma_start3A_759 : memref<128xi32, #tpu.memory_space<vmem>>) semaphore(%arg14 : memref<!tpu.dma_semaphore, #tpu.memory_space<semaphore_mem>>)
      %dma_wait3A_767 = arith.constant 2 : i32
      %dma_wait3A_768 = arith.constant 0 : i32
      %dma_wait3A_769 = arith.constant 0 : i32
      %dma_wait3A_770 = arith.constant 0 : i32
      %dma_wait3A_771 = tpu.memref_slice %arg10[%dma_wait3A_767, %dma_wait3A_769, %dma_wait3A_770] : memref<8x128x16xf32, #tpu.memory_space<vmem>> -> memref<1x128x16xf32, #tpu.memory_space<vmem>>
      %dma_wait3A_772 = tpu.memref_squeeze %dma_wait3A_771 : memref<1x128x16xf32, #tpu.memory_space<vmem>> -> memref<128x16xf32, #tpu.memory_space<vmem>>
      %dma_wait3A_773 = arith.constant 0 : i32
      %dma_wait3A_774 = tpu.memref_slice %arg9[%dma_wait3A_768, %dma_wait3A_773] : memref<80x128xi32, #tpu.memory_space<vmem>> -> memref<1x128xi32, #tpu.memory_space<vmem>>
      %dma_wait3A_775 = tpu.memref_squeeze %dma_wait3A_774 : memref<1x128xi32, #tpu.memory_space<vmem>> -> memref<128xi32, #tpu.memory_space<vmem>>
      %dma_wait3A_776 = arith.constant 0 : i32
      %dma_wait3A_777 = arith.constant 0 : i32
      %dma_wait3A_778 = tpu.memref_slice %arg12[%dma_wait3A_776, %dma_wait3A_777] : memref<10240x16xf32, #tpu.memory_space<vmem_shared>> -> memref<10240x16xf32, #tpu.memory_space<vmem_shared>>
      tpu.wait_indirect_dma semaphore(%arg15 : memref<!tpu.dma_semaphore, #tpu.memory_space<semaphore_mem>>) src(%dma_wait3A_772 : memref<128x16xf32, #tpu.memory_space<vmem>>) dst(%dma_wait3A_778 : memref<10240x16xf32, #tpu.memory_space<vmem_shared>>)
      %add3A_779 = arith.constant 8 : i32
      %add3A_780 = arith.addi %mul3A_472, %add3A_779 : i32
      %add3A_781 = arith.constant 2 : i32
      %add3A_782 = arith.addi %add3A_780, %add3A_781 : i32
      %dma_start3A_783 = arith.constant 2 : i32
      %dma_start3A_784 = arith.constant 0 : i32
      %dma_start3A_785 = arith.constant 0 : i32
      %dma_start3A_786 = tpu.memref_slice %arg10[%dma_start3A_783, %dma_start3A_784, %dma_start3A_785] : memref<8x128x16xf32, #tpu.memory_space<vmem>> -> memref<1x128x16xf32, #tpu.memory_space<vmem>>
      %dma_start3A_787 = tpu.memref_squeeze %dma_start3A_786 : memref<1x128x16xf32, #tpu.memory_space<vmem>> -> memref<128x16xf32, #tpu.memory_space<vmem>>
      %dma_start3A_788 = arith.constant 0 : i32
      %dma_start3A_789 = tpu.memref_slice %arg8[%add3A_782, %dma_start3A_788] : memref<80x128xi32, #tpu.memory_space<vmem>> -> memref<1x128xi32, #tpu.memory_space<vmem>>
      %dma_start3A_790 = tpu.memref_squeeze %dma_start3A_789 : memref<1x128xi32, #tpu.memory_space<vmem>> -> memref<128xi32, #tpu.memory_space<vmem>>
      %dma_start3A_791 = arith.constant 0 : i32
      %dma_start3A_792 = arith.constant 0 : i32
      %dma_start3A_793 = tpu.memref_slice %arg6[%arg0, %dma_start3A_791, %dma_start3A_792] : memref<2x10240x16xf32, #tpu.memory_space<hbm>> -> memref<1x10240x16xf32, #tpu.memory_space<hbm>>
      %dma_start3A_794 = tpu.memref_squeeze %dma_start3A_793 : memref<1x10240x16xf32, #tpu.memory_space<hbm>> -> memref<10240x16xf32, #tpu.memory_space<hbm>>
      %dma_start3A_795 = arith.constant 0 : i32
      %dma_start3A_796 = arith.constant 0 : i32
      %dma_start3A_797 = tpu.memref_slice %dma_start3A_794[%dma_start3A_795, %dma_start3A_796] : memref<10240x16xf32, #tpu.memory_space<hbm>> -> memref<10240x16xf32, #tpu.memory_space<hbm>>
      tpu.enqueue_indirect_dma source(%dma_start3A_797 : memref<10240x16xf32, #tpu.memory_space<hbm>>) target(%dma_start3A_787 : memref<128x16xf32, #tpu.memory_space<vmem>>) offsets(%dma_start3A_790 : memref<128xi32, #tpu.memory_space<vmem>>) semaphore(%arg15 : memref<!tpu.dma_semaphore, #tpu.memory_space<semaphore_mem>>)
      %dma_wait3A_798 = arith.constant 3 : i32
      %dma_wait3A_799 = arith.constant 0 : i32
      %dma_wait3A_800 = arith.constant 0 : i32
      %dma_wait3A_801 = arith.constant 0 : i32
      %dma_wait3A_802 = tpu.memref_slice %arg10[%dma_wait3A_798, %dma_wait3A_800, %dma_wait3A_801] : memref<8x128x16xf32, #tpu.memory_space<vmem>> -> memref<1x128x16xf32, #tpu.memory_space<vmem>>
      %dma_wait3A_803 = tpu.memref_squeeze %dma_wait3A_802 : memref<1x128x16xf32, #tpu.memory_space<vmem>> -> memref<128x16xf32, #tpu.memory_space<vmem>>
      %dma_wait3A_804 = arith.constant 0 : i32
      %dma_wait3A_805 = tpu.memref_slice %arg9[%dma_wait3A_799, %dma_wait3A_804] : memref<80x128xi32, #tpu.memory_space<vmem>> -> memref<1x128xi32, #tpu.memory_space<vmem>>
      %dma_wait3A_806 = tpu.memref_squeeze %dma_wait3A_805 : memref<1x128xi32, #tpu.memory_space<vmem>> -> memref<128xi32, #tpu.memory_space<vmem>>
      %dma_wait3A_807 = arith.constant 0 : i32
      %dma_wait3A_808 = arith.constant 0 : i32
      %dma_wait3A_809 = tpu.memref_slice %arg12[%dma_wait3A_807, %dma_wait3A_808] : memref<10240x16xf32, #tpu.memory_space<vmem_shared>> -> memref<10240x16xf32, #tpu.memory_space<vmem_shared>>
      tpu.wait_indirect_dma semaphore(%arg16 : memref<!tpu.dma_semaphore, #tpu.memory_space<semaphore_mem>>) src(%dma_wait3A_803 : memref<128x16xf32, #tpu.memory_space<vmem>>) dst(%dma_wait3A_809 : memref<10240x16xf32, #tpu.memory_space<vmem_shared>>)
      %add3A_810 = arith.constant 8 : i32
      %add3A_811 = arith.addi %mul3A_472, %add3A_810 : i32
      %add3A_812 = arith.constant 3 : i32
      %add3A_813 = arith.addi %add3A_811, %add3A_812 : i32
      %dma_start3A_814 = arith.constant 3 : i32
      %dma_start3A_815 = arith.constant 0 : i32
      %dma_start3A_816 = arith.constant 0 : i32
      %dma_start3A_817 = tpu.memref_slice %arg10[%dma_start3A_814, %dma_start3A_815, %dma_start3A_816] : memref<8x128x16xf32, #tpu.memory_space<vmem>> -> memref<1x128x16xf32, #tpu.memory_space<vmem>>
      %dma_start3A_818 = tpu.memref_squeeze %dma_start3A_817 : memref<1x128x16xf32, #tpu.memory_space<vmem>> -> memref<128x16xf32, #tpu.memory_space<vmem>>
      %dma_start3A_819 = arith.constant 0 : i32
      %dma_start3A_820 = tpu.memref_slice %arg8[%add3A_813, %dma_start3A_819] : memref<80x128xi32, #tpu.memory_space<vmem>> -> memref<1x128xi32, #tpu.memory_space<vmem>>
      %dma_start3A_821 = tpu.memref_squeeze %dma_start3A_820 : memref<1x128xi32, #tpu.memory_space<vmem>> -> memref<128xi32, #tpu.memory_space<vmem>>
      %dma_start3A_822 = arith.constant 0 : i32
      %dma_start3A_823 = arith.constant 0 : i32
      %dma_start3A_824 = tpu.memref_slice %arg6[%arg0, %dma_start3A_822, %dma_start3A_823] : memref<2x10240x16xf32, #tpu.memory_space<hbm>> -> memref<1x10240x16xf32, #tpu.memory_space<hbm>>
      %dma_start3A_825 = tpu.memref_squeeze %dma_start3A_824 : memref<1x10240x16xf32, #tpu.memory_space<hbm>> -> memref<10240x16xf32, #tpu.memory_space<hbm>>
      %dma_start3A_826 = arith.constant 0 : i32
      %dma_start3A_827 = arith.constant 0 : i32
      %dma_start3A_828 = tpu.memref_slice %dma_start3A_825[%dma_start3A_826, %dma_start3A_827] : memref<10240x16xf32, #tpu.memory_space<hbm>> -> memref<10240x16xf32, #tpu.memory_space<hbm>>
      tpu.enqueue_indirect_dma source(%dma_start3A_828 : memref<10240x16xf32, #tpu.memory_space<hbm>>) target(%dma_start3A_818 : memref<128x16xf32, #tpu.memory_space<vmem>>) offsets(%dma_start3A_821 : memref<128xi32, #tpu.memory_space<vmem>>) semaphore(%arg16 : memref<!tpu.dma_semaphore, #tpu.memory_space<semaphore_mem>>)
      %dma_wait3A_829 = arith.constant 4 : i32
      %dma_wait3A_830 = arith.constant 0 : i32
      %dma_wait3A_831 = arith.constant 0 : i32
      %dma_wait3A_832 = arith.constant 0 : i32
      %dma_wait3A_833 = tpu.memref_slice %arg10[%dma_wait3A_829, %dma_wait3A_831, %dma_wait3A_832] : memref<8x128x16xf32, #tpu.memory_space<vmem>> -> memref<1x128x16xf32, #tpu.memory_space<vmem>>
      %dma_wait3A_834 = tpu.memref_squeeze %dma_wait3A_833 : memref<1x128x16xf32, #tpu.memory_space<vmem>> -> memref<128x16xf32, #tpu.memory_space<vmem>>
      %dma_wait3A_835 = arith.constant 0 : i32
      %dma_wait3A_836 = tpu.memref_slice %arg9[%dma_wait3A_830, %dma_wait3A_835] : memref<80x128xi32, #tpu.memory_space<vmem>> -> memref<1x128xi32, #tpu.memory_space<vmem>>
      %dma_wait3A_837 = tpu.memref_squeeze %dma_wait3A_836 : memref<1x128xi32, #tpu.memory_space<vmem>> -> memref<128xi32, #tpu.memory_space<vmem>>
      %dma_wait3A_838 = arith.constant 0 : i32
      %dma_wait3A_839 = arith.constant 0 : i32
      %dma_wait3A_840 = tpu.memref_slice %arg12[%dma_wait3A_838, %dma_wait3A_839] : memref<10240x16xf32, #tpu.memory_space<vmem_shared>> -> memref<10240x16xf32, #tpu.memory_space<vmem_shared>>
      tpu.wait_indirect_dma semaphore(%arg17 : memref<!tpu.dma_semaphore, #tpu.memory_space<semaphore_mem>>) src(%dma_wait3A_834 : memref<128x16xf32, #tpu.memory_space<vmem>>) dst(%dma_wait3A_840 : memref<10240x16xf32, #tpu.memory_space<vmem_shared>>)
      %add3A_841 = arith.constant 8 : i32
      %add3A_842 = arith.addi %mul3A_472, %add3A_841 : i32
      %add3A_843 = arith.constant 4 : i32
      %add3A_844 = arith.addi %add3A_842, %add3A_843 : i32
      %dma_start3A_845 = arith.constant 4 : i32
      %dma_start3A_846 = arith.constant 0 : i32
      %dma_start3A_847 = arith.constant 0 : i32
      %dma_start3A_848 = tpu.memref_slice %arg10[%dma_start3A_845, %dma_start3A_846, %dma_start3A_847] : memref<8x128x16xf32, #tpu.memory_space<vmem>> -> memref<1x128x16xf32, #tpu.memory_space<vmem>>
      %dma_start3A_849 = tpu.memref_squeeze %dma_start3A_848 : memref<1x128x16xf32, #tpu.memory_space<vmem>> -> memref<128x16xf32, #tpu.memory_space<vmem>>
      %dma_start3A_850 = arith.constant 0 : i32
      %dma_start3A_851 = tpu.memref_slice %arg8[%add3A_844, %dma_start3A_850] : memref<80x128xi32, #tpu.memory_space<vmem>> -> memref<1x128xi32, #tpu.memory_space<vmem>>
      %dma_start3A_852 = tpu.memref_squeeze %dma_start3A_851 : memref<1x128xi32, #tpu.memory_space<vmem>> -> memref<128xi32, #tpu.memory_space<vmem>>
      %dma_start3A_853 = arith.constant 0 : i32
      %dma_start3A_854 = arith.constant 0 : i32
      %dma_start3A_855 = tpu.memref_slice %arg6[%arg0, %dma_start3A_853, %dma_start3A_854] : memref<2x10240x16xf32, #tpu.memory_space<hbm>> -> memref<1x10240x16xf32, #tpu.memory_space<hbm>>
      %dma_start3A_856 = tpu.memref_squeeze %dma_start3A_855 : memref<1x10240x16xf32, #tpu.memory_space<hbm>> -> memref<10240x16xf32, #tpu.memory_space<hbm>>
      %dma_start3A_857 = arith.constant 0 : i32
      %dma_start3A_858 = arith.constant 0 : i32
      %dma_start3A_859 = tpu.memref_slice %dma_start3A_856[%dma_start3A_857, %dma_start3A_858] : memref<10240x16xf32, #tpu.memory_space<hbm>> -> memref<10240x16xf32, #tpu.memory_space<hbm>>
      tpu.enqueue_indirect_dma source(%dma_start3A_859 : memref<10240x16xf32, #tpu.memory_space<hbm>>) target(%dma_start3A_849 : memref<128x16xf32, #tpu.memory_space<vmem>>) offsets(%dma_start3A_852 : memref<128xi32, #tpu.memory_space<vmem>>) semaphore(%arg17 : memref<!tpu.dma_semaphore, #tpu.memory_space<semaphore_mem>>)
      %dma_wait3A_860 = arith.constant 5 : i32
      %dma_wait3A_861 = arith.constant 0 : i32
      %dma_wait3A_862 = arith.constant 0 : i32
      %dma_wait3A_863 = arith.constant 0 : i32
      %dma_wait3A_864 = tpu.memref_slice %arg10[%dma_wait3A_860, %dma_wait3A_862, %dma_wait3A_863] : memref<8x128x16xf32, #tpu.memory_space<vmem>> -> memref<1x128x16xf32, #tpu.memory_space<vmem>>
      %dma_wait3A_865 = tpu.memref_squeeze %dma_wait3A_864 : memref<1x128x16xf32, #tpu.memory_space<vmem>> -> memref<128x16xf32, #tpu.memory_space<vmem>>
      %dma_wait3A_866 = arith.constant 0 : i32
      %dma_wait3A_867 = tpu.memref_slice %arg9[%dma_wait3A_861, %dma_wait3A_866] : memref<80x128xi32, #tpu.memory_space<vmem>> -> memref<1x128xi32, #tpu.memory_space<vmem>>
      %dma_wait3A_868 = tpu.memref_squeeze %dma_wait3A_867 : memref<1x128xi32, #tpu.memory_space<vmem>> -> memref<128xi32, #tpu.memory_space<vmem>>
      %dma_wait3A_869 = arith.constant 0 : i32
      %dma_wait3A_870 = arith.constant 0 : i32
      %dma_wait3A_871 = tpu.memref_slice %arg12[%dma_wait3A_869, %dma_wait3A_870] : memref<10240x16xf32, #tpu.memory_space<vmem_shared>> -> memref<10240x16xf32, #tpu.memory_space<vmem_shared>>
      tpu.wait_indirect_dma semaphore(%arg18 : memref<!tpu.dma_semaphore, #tpu.memory_space<semaphore_mem>>) src(%dma_wait3A_865 : memref<128x16xf32, #tpu.memory_space<vmem>>) dst(%dma_wait3A_871 : memref<10240x16xf32, #tpu.memory_space<vmem_shared>>)
      %add3A_872 = arith.constant 8 : i32
      %add3A_873 = arith.addi %mul3A_472, %add3A_872 : i32
      %add3A_874 = arith.constant 5 : i32
      %add3A_875 = arith.addi %add3A_873, %add3A_874 : i32
      %dma_start3A_876 = arith.constant 5 : i32
      %dma_start3A_877 = arith.constant 0 : i32
      %dma_start3A_878 = arith.constant 0 : i32
      %dma_start3A_879 = tpu.memref_slice %arg10[%dma_start3A_876, %dma_start3A_877, %dma_start3A_878] : memref<8x128x16xf32, #tpu.memory_space<vmem>> -> memref<1x128x16xf32, #tpu.memory_space<vmem>>
      %dma_start3A_880 = tpu.memref_squeeze %dma_start3A_879 : memref<1x128x16xf32, #tpu.memory_space<vmem>> -> memref<128x16xf32, #tpu.memory_space<vmem>>
      %dma_start3A_881 = arith.constant 0 : i32
      %dma_start3A_882 = tpu.memref_slice %arg8[%add3A_875, %dma_start3A_881] : memref<80x128xi32, #tpu.memory_space<vmem>> -> memref<1x128xi32, #tpu.memory_space<vmem>>
      %dma_start3A_883 = tpu.memref_squeeze %dma_start3A_882 : memref<1x128xi32, #tpu.memory_space<vmem>> -> memref<128xi32, #tpu.memory_space<vmem>>
      %dma_start3A_884 = arith.constant 0 : i32
      %dma_start3A_885 = arith.constant 0 : i32
      %dma_start3A_886 = tpu.memref_slice %arg6[%arg0, %dma_start3A_884, %dma_start3A_885] : memref<2x10240x16xf32, #tpu.memory_space<hbm>> -> memref<1x10240x16xf32, #tpu.memory_space<hbm>>
      %dma_start3A_887 = tpu.memref_squeeze %dma_start3A_886 : memref<1x10240x16xf32, #tpu.memory_space<hbm>> -> memref<10240x16xf32, #tpu.memory_space<hbm>>
      %dma_start3A_888 = arith.constant 0 : i32
      %dma_start3A_889 = arith.constant 0 : i32
      %dma_start3A_890 = tpu.memref_slice %dma_start3A_887[%dma_start3A_888, %dma_start3A_889] : memref<10240x16xf32, #tpu.memory_space<hbm>> -> memref<10240x16xf32, #tpu.memory_space<hbm>>
      tpu.enqueue_indirect_dma source(%dma_start3A_890 : memref<10240x16xf32, #tpu.memory_space<hbm>>) target(%dma_start3A_880 : memref<128x16xf32, #tpu.memory_space<vmem>>) offsets(%dma_start3A_883 : memref<128xi32, #tpu.memory_space<vmem>>) semaphore(%arg18 : memref<!tpu.dma_semaphore, #tpu.memory_space<semaphore_mem>>)
      %dma_wait3A_891 = arith.constant 6 : i32
      %dma_wait3A_892 = arith.constant 0 : i32
      %dma_wait3A_893 = arith.constant 0 : i32
      %dma_wait3A_894 = arith.constant 0 : i32
      %dma_wait3A_895 = tpu.memref_slice %arg10[%dma_wait3A_891, %dma_wait3A_893, %dma_wait3A_894] : memref<8x128x16xf32, #tpu.memory_space<vmem>> -> memref<1x128x16xf32, #tpu.memory_space<vmem>>
      %dma_wait3A_896 = tpu.memref_squeeze %dma_wait3A_895 : memref<1x128x16xf32, #tpu.memory_space<vmem>> -> memref<128x16xf32, #tpu.memory_space<vmem>>
      %dma_wait3A_897 = arith.constant 0 : i32
      %dma_wait3A_898 = tpu.memref_slice %arg9[%dma_wait3A_892, %dma_wait3A_897] : memref<80x128xi32, #tpu.memory_space<vmem>> -> memref<1x128xi32, #tpu.memory_space<vmem>>
      %dma_wait3A_899 = tpu.memref_squeeze %dma_wait3A_898 : memref<1x128xi32, #tpu.memory_space<vmem>> -> memref<128xi32, #tpu.memory_space<vmem>>
      %dma_wait3A_900 = arith.constant 0 : i32
      %dma_wait3A_901 = arith.constant 0 : i32
      %dma_wait3A_902 = tpu.memref_slice %arg12[%dma_wait3A_900, %dma_wait3A_901] : memref<10240x16xf32, #tpu.memory_space<vmem_shared>> -> memref<10240x16xf32, #tpu.memory_space<vmem_shared>>
      tpu.wait_indirect_dma semaphore(%arg19 : memref<!tpu.dma_semaphore, #tpu.memory_space<semaphore_mem>>) src(%dma_wait3A_896 : memref<128x16xf32, #tpu.memory_space<vmem>>) dst(%dma_wait3A_902 : memref<10240x16xf32, #tpu.memory_space<vmem_shared>>)
      %add3A_903 = arith.constant 8 : i32
      %add3A_904 = arith.addi %mul3A_472, %add3A_903 : i32
      %add3A_905 = arith.constant 6 : i32
      %add3A_906 = arith.addi %add3A_904, %add3A_905 : i32
      %dma_start3A_907 = arith.constant 6 : i32
      %dma_start3A_908 = arith.constant 0 : i32
      %dma_start3A_909 = arith.constant 0 : i32
      %dma_start3A_910 = tpu.memref_slice %arg10[%dma_start3A_907, %dma_start3A_908, %dma_start3A_909] : memref<8x128x16xf32, #tpu.memory_space<vmem>> -> memref<1x128x16xf32, #tpu.memory_space<vmem>>
      %dma_start3A_911 = tpu.memref_squeeze %dma_start3A_910 : memref<1x128x16xf32, #tpu.memory_space<vmem>> -> memref<128x16xf32, #tpu.memory_space<vmem>>
      %dma_start3A_912 = arith.constant 0 : i32
      %dma_start3A_913 = tpu.memref_slice %arg8[%add3A_906, %dma_start3A_912] : memref<80x128xi32, #tpu.memory_space<vmem>> -> memref<1x128xi32, #tpu.memory_space<vmem>>
      %dma_start3A_914 = tpu.memref_squeeze %dma_start3A_913 : memref<1x128xi32, #tpu.memory_space<vmem>> -> memref<128xi32, #tpu.memory_space<vmem>>
      %dma_start3A_915 = arith.constant 0 : i32
      %dma_start3A_916 = arith.constant 0 : i32
      %dma_start3A_917 = tpu.memref_slice %arg6[%arg0, %dma_start3A_915, %dma_start3A_916] : memref<2x10240x16xf32, #tpu.memory_space<hbm>> -> memref<1x10240x16xf32, #tpu.memory_space<hbm>>
      %dma_start3A_918 = tpu.memref_squeeze %dma_start3A_917 : memref<1x10240x16xf32, #tpu.memory_space<hbm>> -> memref<10240x16xf32, #tpu.memory_space<hbm>>
      %dma_start3A_919 = arith.constant 0 : i32
      %dma_start3A_920 = arith.constant 0 : i32
      %dma_start3A_921 = tpu.memref_slice %dma_start3A_918[%dma_start3A_919, %dma_start3A_920] : memref<10240x16xf32, #tpu.memory_space<hbm>> -> memref<10240x16xf32, #tpu.memory_space<hbm>>
      tpu.enqueue_indirect_dma source(%dma_start3A_921 : memref<10240x16xf32, #tpu.memory_space<hbm>>) target(%dma_start3A_911 : memref<128x16xf32, #tpu.memory_space<vmem>>) offsets(%dma_start3A_914 : memref<128xi32, #tpu.memory_space<vmem>>) semaphore(%arg19 : memref<!tpu.dma_semaphore, #tpu.memory_space<semaphore_mem>>)
      %dma_wait3A_922 = arith.constant 7 : i32
      %dma_wait3A_923 = arith.constant 0 : i32
      %dma_wait3A_924 = arith.constant 0 : i32
      %dma_wait3A_925 = arith.constant 0 : i32
      %dma_wait3A_926 = tpu.memref_slice %arg10[%dma_wait3A_922, %dma_wait3A_924, %dma_wait3A_925] : memref<8x128x16xf32, #tpu.memory_space<vmem>> -> memref<1x128x16xf32, #tpu.memory_space<vmem>>
      %dma_wait3A_927 = tpu.memref_squeeze %dma_wait3A_926 : memref<1x128x16xf32, #tpu.memory_space<vmem>> -> memref<128x16xf32, #tpu.memory_space<vmem>>
      %dma_wait3A_928 = arith.constant 0 : i32
      %dma_wait3A_929 = tpu.memref_slice %arg9[%dma_wait3A_923, %dma_wait3A_928] : memref<80x128xi32, #tpu.memory_space<vmem>> -> memref<1x128xi32, #tpu.memory_space<vmem>>
      %dma_wait3A_930 = tpu.memref_squeeze %dma_wait3A_929 : memref<1x128xi32, #tpu.memory_space<vmem>> -> memref<128xi32, #tpu.memory_space<vmem>>
      %dma_wait3A_931 = arith.constant 0 : i32
      %dma_wait3A_932 = arith.constant 0 : i32
      %dma_wait3A_933 = tpu.memref_slice %arg12[%dma_wait3A_931, %dma_wait3A_932] : memref<10240x16xf32, #tpu.memory_space<vmem_shared>> -> memref<10240x16xf32, #tpu.memory_space<vmem_shared>>
      tpu.wait_indirect_dma semaphore(%arg20 : memref<!tpu.dma_semaphore, #tpu.memory_space<semaphore_mem>>) src(%dma_wait3A_927 : memref<128x16xf32, #tpu.memory_space<vmem>>) dst(%dma_wait3A_933 : memref<10240x16xf32, #tpu.memory_space<vmem_shared>>)
      %add3A_934 = arith.constant 8 : i32
      %add3A_935 = arith.addi %mul3A_472, %add3A_934 : i32
      %add3A_936 = arith.constant 7 : i32
      %add3A_937 = arith.addi %add3A_935, %add3A_936 : i32
      %dma_start3A_938 = arith.constant 7 : i32
      %dma_start3A_939 = arith.constant 0 : i32
      %dma_start3A_940 = arith.constant 0 : i32
      %dma_start3A_941 = tpu.memref_slice %arg10[%dma_start3A_938, %dma_start3A_939, %dma_start3A_940] : memref<8x128x16xf32, #tpu.memory_space<vmem>> -> memref<1x128x16xf32, #tpu.memory_space<vmem>>
      %dma_start3A_942 = tpu.memref_squeeze %dma_start3A_941 : memref<1x128x16xf32, #tpu.memory_space<vmem>> -> memref<128x16xf32, #tpu.memory_space<vmem>>
      %dma_start3A_943 = arith.constant 0 : i32
      %dma_start3A_944 = tpu.memref_slice %arg8[%add3A_937, %dma_start3A_943] : memref<80x128xi32, #tpu.memory_space<vmem>> -> memref<1x128xi32, #tpu.memory_space<vmem>>
      %dma_start3A_945 = tpu.memref_squeeze %dma_start3A_944 : memref<1x128xi32, #tpu.memory_space<vmem>> -> memref<128xi32, #tpu.memory_space<vmem>>
      %dma_start3A_946 = arith.constant 0 : i32
      %dma_start3A_947 = arith.constant 0 : i32
      %dma_start3A_948 = tpu.memref_slice %arg6[%arg0, %dma_start3A_946, %dma_start3A_947] : memref<2x10240x16xf32, #tpu.memory_space<hbm>> -> memref<1x10240x16xf32, #tpu.memory_space<hbm>>
      %dma_start3A_949 = tpu.memref_squeeze %dma_start3A_948 : memref<1x10240x16xf32, #tpu.memory_space<hbm>> -> memref<10240x16xf32, #tpu.memory_space<hbm>>
      %dma_start3A_950 = arith.constant 0 : i32
      %dma_start3A_951 = arith.constant 0 : i32
      %dma_start3A_952 = tpu.memref_slice %dma_start3A_949[%dma_start3A_950, %dma_start3A_951] : memref<10240x16xf32, #tpu.memory_space<hbm>> -> memref<10240x16xf32, #tpu.memory_space<hbm>>
      tpu.enqueue_indirect_dma source(%dma_start3A_952 : memref<10240x16xf32, #tpu.memory_space<hbm>>) target(%dma_start3A_942 : memref<128x16xf32, #tpu.memory_space<vmem>>) offsets(%dma_start3A_945 : memref<128xi32, #tpu.memory_space<vmem>>) semaphore(%arg20 : memref<!tpu.dma_semaphore, #tpu.memory_space<semaphore_mem>>)
    }
    %scan3A_139 = arith.constant 9 : i32
    %dma_wait3A = arith.constant 0 : i32
    %dma_wait3A_140 = arith.constant 0 : i32
    %dma_wait3A_141 = arith.constant 0 : i32
    %dma_wait3A_142 = arith.constant 0 : i32
    %dma_wait3A_143 = tpu.memref_slice %arg10[%dma_wait3A_140, %dma_wait3A_141, %dma_wait3A_142] : memref<8x128x16xf32, #tpu.memory_space<vmem>> -> memref<1x128x16xf32, #tpu.memory_space<vmem>>
    %dma_wait3A_144 = tpu.memref_squeeze %dma_wait3A_143 : memref<1x128x16xf32, #tpu.memory_space<vmem>> -> memref<128x16xf32, #tpu.memory_space<vmem>>
    %dma_wait3A_145 = arith.constant 0 : i32
    %dma_wait3A_146 = tpu.memref_slice %arg8[%dma_wait3A, %dma_wait3A_145] : memref<80x128xi32, #tpu.memory_space<vmem>> -> memref<1x128xi32, #tpu.memory_space<vmem>>
    %dma_wait3A_147 = tpu.memref_squeeze %dma_wait3A_146 : memref<1x128xi32, #tpu.memory_space<vmem>> -> memref<128xi32, #tpu.memory_space<vmem>>
    %dma_wait3A_148 = arith.constant 0 : i32
    %dma_wait3A_149 = arith.constant 0 : i32
    %dma_wait3A_150 = tpu.memref_slice %arg6[%arg0, %dma_wait3A_148, %dma_wait3A_149] : memref<2x10240x16xf32, #tpu.memory_space<hbm>> -> memref<1x10240x16xf32, #tpu.memory_space<hbm>>
    %dma_wait3A_151 = tpu.memref_squeeze %dma_wait3A_150 : memref<1x10240x16xf32, #tpu.memory_space<hbm>> -> memref<10240x16xf32, #tpu.memory_space<hbm>>
    %dma_wait3A_152 = arith.constant 0 : i32
    %dma_wait3A_153 = arith.constant 0 : i32
    %dma_wait3A_154 = tpu.memref_slice %dma_wait3A_151[%dma_wait3A_152, %dma_wait3A_153] : memref<10240x16xf32, #tpu.memory_space<hbm>> -> memref<10240x16xf32, #tpu.memory_space<hbm>>
    tpu.wait_indirect_dma semaphore(%arg13 : memref<!tpu.dma_semaphore, #tpu.memory_space<semaphore_mem>>) src(%dma_wait3A_154 : memref<10240x16xf32, #tpu.memory_space<hbm>>) dst(%dma_wait3A_144 : memref<128x16xf32, #tpu.memory_space<vmem>>)
    %dma_start3A_155 = arith.constant 0 : i32
    %dma_start3A_156 = arith.constant 72 : i32
    %dma_start3A_157 = arith.constant 0 : i32
    %dma_start3A_158 = arith.constant 0 : i32
    %dma_start3A_159 = tpu.memref_slice %arg10[%dma_start3A_155, %dma_start3A_157, %dma_start3A_158] : memref<8x128x16xf32, #tpu.memory_space<vmem>> -> memref<1x128x16xf32, #tpu.memory_space<vmem>>
    %dma_start3A_160 = tpu.memref_squeeze %dma_start3A_159 : memref<1x128x16xf32, #tpu.memory_space<vmem>> -> memref<128x16xf32, #tpu.memory_space<vmem>>
    %dma_start3A_161 = arith.constant 0 : i32
    %dma_start3A_162 = tpu.memref_slice %arg9[%dma_start3A_156, %dma_start3A_161] : memref<80x128xi32, #tpu.memory_space<vmem>> -> memref<1x128xi32, #tpu.memory_space<vmem>>
    %dma_start3A_163 = tpu.memref_squeeze %dma_start3A_162 : memref<1x128xi32, #tpu.memory_space<vmem>> -> memref<128xi32, #tpu.memory_space<vmem>>
    %dma_start3A_164 = arith.constant 0 : i32
    %dma_start3A_165 = arith.constant 0 : i32
    %dma_start3A_166 = tpu.memref_slice %arg12[%dma_start3A_164, %dma_start3A_165] : memref<10240x16xf32, #tpu.memory_space<vmem_shared>> -> memref<10240x16xf32, #tpu.memory_space<vmem_shared>>
    tpu.enqueue_indirect_dma source(%dma_start3A_160 : memref<128x16xf32, #tpu.memory_space<vmem>>) target(%dma_start3A_166 : memref<10240x16xf32, #tpu.memory_space<vmem_shared>>) offsets(%dma_start3A_163 : memref<128xi32, #tpu.memory_space<vmem>>) semaphore(%arg13 : memref<!tpu.dma_semaphore, #tpu.memory_space<semaphore_mem>>) {add = true}
    %dma_wait3A_167 = arith.constant 0 : i32
    %dma_wait3A_168 = arith.constant 1 : i32
    %dma_wait3A_169 = arith.constant 0 : i32
    %dma_wait3A_170 = arith.constant 0 : i32
    %dma_wait3A_171 = tpu.memref_slice %arg10[%dma_wait3A_168, %dma_wait3A_169, %dma_wait3A_170] : memref<8x128x16xf32, #tpu.memory_space<vmem>> -> memref<1x128x16xf32, #tpu.memory_space<vmem>>
    %dma_wait3A_172 = tpu.memref_squeeze %dma_wait3A_171 : memref<1x128x16xf32, #tpu.memory_space<vmem>> -> memref<128x16xf32, #tpu.memory_space<vmem>>
    %dma_wait3A_173 = arith.constant 0 : i32
    %dma_wait3A_174 = tpu.memref_slice %arg8[%dma_wait3A_167, %dma_wait3A_173] : memref<80x128xi32, #tpu.memory_space<vmem>> -> memref<1x128xi32, #tpu.memory_space<vmem>>
    %dma_wait3A_175 = tpu.memref_squeeze %dma_wait3A_174 : memref<1x128xi32, #tpu.memory_space<vmem>> -> memref<128xi32, #tpu.memory_space<vmem>>
    %dma_wait3A_176 = arith.constant 0 : i32
    %dma_wait3A_177 = arith.constant 0 : i32
    %dma_wait3A_178 = tpu.memref_slice %arg6[%arg0, %dma_wait3A_176, %dma_wait3A_177] : memref<2x10240x16xf32, #tpu.memory_space<hbm>> -> memref<1x10240x16xf32, #tpu.memory_space<hbm>>
    %dma_wait3A_179 = tpu.memref_squeeze %dma_wait3A_178 : memref<1x10240x16xf32, #tpu.memory_space<hbm>> -> memref<10240x16xf32, #tpu.memory_space<hbm>>
    %dma_wait3A_180 = arith.constant 0 : i32
    %dma_wait3A_181 = arith.constant 0 : i32
    %dma_wait3A_182 = tpu.memref_slice %dma_wait3A_179[%dma_wait3A_180, %dma_wait3A_181] : memref<10240x16xf32, #tpu.memory_space<hbm>> -> memref<10240x16xf32, #tpu.memory_space<hbm>>
    tpu.wait_indirect_dma semaphore(%arg14 : memref<!tpu.dma_semaphore, #tpu.memory_space<semaphore_mem>>) src(%dma_wait3A_182 : memref<10240x16xf32, #tpu.memory_space<hbm>>) dst(%dma_wait3A_172 : memref<128x16xf32, #tpu.memory_space<vmem>>)
    %dma_start3A_183 = arith.constant 1 : i32
    %dma_start3A_184 = arith.constant 73 : i32
    %dma_start3A_185 = arith.constant 0 : i32
    %dma_start3A_186 = arith.constant 0 : i32
    %dma_start3A_187 = tpu.memref_slice %arg10[%dma_start3A_183, %dma_start3A_185, %dma_start3A_186] : memref<8x128x16xf32, #tpu.memory_space<vmem>> -> memref<1x128x16xf32, #tpu.memory_space<vmem>>
    %dma_start3A_188 = tpu.memref_squeeze %dma_start3A_187 : memref<1x128x16xf32, #tpu.memory_space<vmem>> -> memref<128x16xf32, #tpu.memory_space<vmem>>
    %dma_start3A_189 = arith.constant 0 : i32
    %dma_start3A_190 = tpu.memref_slice %arg9[%dma_start3A_184, %dma_start3A_189] : memref<80x128xi32, #tpu.memory_space<vmem>> -> memref<1x128xi32, #tpu.memory_space<vmem>>
    %dma_start3A_191 = tpu.memref_squeeze %dma_start3A_190 : memref<1x128xi32, #tpu.memory_space<vmem>> -> memref<128xi32, #tpu.memory_space<vmem>>
    %dma_start3A_192 = arith.constant 0 : i32
    %dma_start3A_193 = arith.constant 0 : i32
    %dma_start3A_194 = tpu.memref_slice %arg12[%dma_start3A_192, %dma_start3A_193] : memref<10240x16xf32, #tpu.memory_space<vmem_shared>> -> memref<10240x16xf32, #tpu.memory_space<vmem_shared>>
    tpu.enqueue_indirect_dma source(%dma_start3A_188 : memref<128x16xf32, #tpu.memory_space<vmem>>) target(%dma_start3A_194 : memref<10240x16xf32, #tpu.memory_space<vmem_shared>>) offsets(%dma_start3A_191 : memref<128xi32, #tpu.memory_space<vmem>>) semaphore(%arg14 : memref<!tpu.dma_semaphore, #tpu.memory_space<semaphore_mem>>) {add = true}
    %dma_wait3A_195 = arith.constant 0 : i32
    %dma_wait3A_196 = arith.constant 2 : i32
    %dma_wait3A_197 = arith.constant 0 : i32
    %dma_wait3A_198 = arith.constant 0 : i32
    %dma_wait3A_199 = tpu.memref_slice %arg10[%dma_wait3A_196, %dma_wait3A_197, %dma_wait3A_198] : memref<8x128x16xf32, #tpu.memory_space<vmem>> -> memref<1x128x16xf32, #tpu.memory_space<vmem>>
    %dma_wait3A_200 = tpu.memref_squeeze %dma_wait3A_199 : memref<1x128x16xf32, #tpu.memory_space<vmem>> -> memref<128x16xf32, #tpu.memory_space<vmem>>
    %dma_wait3A_201 = arith.constant 0 : i32
    %dma_wait3A_202 = tpu.memref_slice %arg8[%dma_wait3A_195, %dma_wait3A_201] : memref<80x128xi32, #tpu.memory_space<vmem>> -> memref<1x128xi32, #tpu.memory_space<vmem>>
    %dma_wait3A_203 = tpu.memref_squeeze %dma_wait3A_202 : memref<1x128xi32, #tpu.memory_space<vmem>> -> memref<128xi32, #tpu.memory_space<vmem>>
    %dma_wait3A_204 = arith.constant 0 : i32
    %dma_wait3A_205 = arith.constant 0 : i32
    %dma_wait3A_206 = tpu.memref_slice %arg6[%arg0, %dma_wait3A_204, %dma_wait3A_205] : memref<2x10240x16xf32, #tpu.memory_space<hbm>> -> memref<1x10240x16xf32, #tpu.memory_space<hbm>>
    %dma_wait3A_207 = tpu.memref_squeeze %dma_wait3A_206 : memref<1x10240x16xf32, #tpu.memory_space<hbm>> -> memref<10240x16xf32, #tpu.memory_space<hbm>>
    %dma_wait3A_208 = arith.constant 0 : i32
    %dma_wait3A_209 = arith.constant 0 : i32
    %dma_wait3A_210 = tpu.memref_slice %dma_wait3A_207[%dma_wait3A_208, %dma_wait3A_209] : memref<10240x16xf32, #tpu.memory_space<hbm>> -> memref<10240x16xf32, #tpu.memory_space<hbm>>
    tpu.wait_indirect_dma semaphore(%arg15 : memref<!tpu.dma_semaphore, #tpu.memory_space<semaphore_mem>>) src(%dma_wait3A_210 : memref<10240x16xf32, #tpu.memory_space<hbm>>) dst(%dma_wait3A_200 : memref<128x16xf32, #tpu.memory_space<vmem>>)
    %dma_start3A_211 = arith.constant 2 : i32
    %dma_start3A_212 = arith.constant 74 : i32
    %dma_start3A_213 = arith.constant 0 : i32
    %dma_start3A_214 = arith.constant 0 : i32
    %dma_start3A_215 = tpu.memref_slice %arg10[%dma_start3A_211, %dma_start3A_213, %dma_start3A_214] : memref<8x128x16xf32, #tpu.memory_space<vmem>> -> memref<1x128x16xf32, #tpu.memory_space<vmem>>
    %dma_start3A_216 = tpu.memref_squeeze %dma_start3A_215 : memref<1x128x16xf32, #tpu.memory_space<vmem>> -> memref<128x16xf32, #tpu.memory_space<vmem>>
    %dma_start3A_217 = arith.constant 0 : i32
    %dma_start3A_218 = tpu.memref_slice %arg9[%dma_start3A_212, %dma_start3A_217] : memref<80x128xi32, #tpu.memory_space<vmem>> -> memref<1x128xi32, #tpu.memory_space<vmem>>
    %dma_start3A_219 = tpu.memref_squeeze %dma_start3A_218 : memref<1x128xi32, #tpu.memory_space<vmem>> -> memref<128xi32, #tpu.memory_space<vmem>>
    %dma_start3A_220 = arith.constant 0 : i32
    %dma_start3A_221 = arith.constant 0 : i32
    %dma_start3A_222 = tpu.memref_slice %arg12[%dma_start3A_220, %dma_start3A_221] : memref<10240x16xf32, #tpu.memory_space<vmem_shared>> -> memref<10240x16xf32, #tpu.memory_space<vmem_shared>>
    tpu.enqueue_indirect_dma source(%dma_start3A_216 : memref<128x16xf32, #tpu.memory_space<vmem>>) target(%dma_start3A_222 : memref<10240x16xf32, #tpu.memory_space<vmem_shared>>) offsets(%dma_start3A_219 : memref<128xi32, #tpu.memory_space<vmem>>) semaphore(%arg15 : memref<!tpu.dma_semaphore, #tpu.memory_space<semaphore_mem>>) {add = true}
    %dma_wait3A_223 = arith.constant 0 : i32
    %dma_wait3A_224 = arith.constant 3 : i32
    %dma_wait3A_225 = arith.constant 0 : i32
    %dma_wait3A_226 = arith.constant 0 : i32
    %dma_wait3A_227 = tpu.memref_slice %arg10[%dma_wait3A_224, %dma_wait3A_225, %dma_wait3A_226] : memref<8x128x16xf32, #tpu.memory_space<vmem>> -> memref<1x128x16xf32, #tpu.memory_space<vmem>>
    %dma_wait3A_228 = tpu.memref_squeeze %dma_wait3A_227 : memref<1x128x16xf32, #tpu.memory_space<vmem>> -> memref<128x16xf32, #tpu.memory_space<vmem>>
    %dma_wait3A_229 = arith.constant 0 : i32
    %dma_wait3A_230 = tpu.memref_slice %arg8[%dma_wait3A_223, %dma_wait3A_229] : memref<80x128xi32, #tpu.memory_space<vmem>> -> memref<1x128xi32, #tpu.memory_space<vmem>>
    %dma_wait3A_231 = tpu.memref_squeeze %dma_wait3A_230 : memref<1x128xi32, #tpu.memory_space<vmem>> -> memref<128xi32, #tpu.memory_space<vmem>>
    %dma_wait3A_232 = arith.constant 0 : i32
    %dma_wait3A_233 = arith.constant 0 : i32
    %dma_wait3A_234 = tpu.memref_slice %arg6[%arg0, %dma_wait3A_232, %dma_wait3A_233] : memref<2x10240x16xf32, #tpu.memory_space<hbm>> -> memref<1x10240x16xf32, #tpu.memory_space<hbm>>
    %dma_wait3A_235 = tpu.memref_squeeze %dma_wait3A_234 : memref<1x10240x16xf32, #tpu.memory_space<hbm>> -> memref<10240x16xf32, #tpu.memory_space<hbm>>
    %dma_wait3A_236 = arith.constant 0 : i32
    %dma_wait3A_237 = arith.constant 0 : i32
    %dma_wait3A_238 = tpu.memref_slice %dma_wait3A_235[%dma_wait3A_236, %dma_wait3A_237] : memref<10240x16xf32, #tpu.memory_space<hbm>> -> memref<10240x16xf32, #tpu.memory_space<hbm>>
    tpu.wait_indirect_dma semaphore(%arg16 : memref<!tpu.dma_semaphore, #tpu.memory_space<semaphore_mem>>) src(%dma_wait3A_238 : memref<10240x16xf32, #tpu.memory_space<hbm>>) dst(%dma_wait3A_228 : memref<128x16xf32, #tpu.memory_space<vmem>>)
    %dma_start3A_239 = arith.constant 3 : i32
    %dma_start3A_240 = arith.constant 75 : i32
    %dma_start3A_241 = arith.constant 0 : i32
    %dma_start3A_242 = arith.constant 0 : i32
    %dma_start3A_243 = tpu.memref_slice %arg10[%dma_start3A_239, %dma_start3A_241, %dma_start3A_242] : memref<8x128x16xf32, #tpu.memory_space<vmem>> -> memref<1x128x16xf32, #tpu.memory_space<vmem>>
    %dma_start3A_244 = tpu.memref_squeeze %dma_start3A_243 : memref<1x128x16xf32, #tpu.memory_space<vmem>> -> memref<128x16xf32, #tpu.memory_space<vmem>>
    %dma_start3A_245 = arith.constant 0 : i32
    %dma_start3A_246 = tpu.memref_slice %arg9[%dma_start3A_240, %dma_start3A_245] : memref<80x128xi32, #tpu.memory_space<vmem>> -> memref<1x128xi32, #tpu.memory_space<vmem>>
    %dma_start3A_247 = tpu.memref_squeeze %dma_start3A_246 : memref<1x128xi32, #tpu.memory_space<vmem>> -> memref<128xi32, #tpu.memory_space<vmem>>
    %dma_start3A_248 = arith.constant 0 : i32
    %dma_start3A_249 = arith.constant 0 : i32
    %dma_start3A_250 = tpu.memref_slice %arg12[%dma_start3A_248, %dma_start3A_249] : memref<10240x16xf32, #tpu.memory_space<vmem_shared>> -> memref<10240x16xf32, #tpu.memory_space<vmem_shared>>
    tpu.enqueue_indirect_dma source(%dma_start3A_244 : memref<128x16xf32, #tpu.memory_space<vmem>>) target(%dma_start3A_250 : memref<10240x16xf32, #tpu.memory_space<vmem_shared>>) offsets(%dma_start3A_247 : memref<128xi32, #tpu.memory_space<vmem>>) semaphore(%arg16 : memref<!tpu.dma_semaphore, #tpu.memory_space<semaphore_mem>>) {add = true}
    %dma_wait3A_251 = arith.constant 0 : i32
    %dma_wait3A_252 = arith.constant 4 : i32
    %dma_wait3A_253 = arith.constant 0 : i32
    %dma_wait3A_254 = arith.constant 0 : i32
    %dma_wait3A_255 = tpu.memref_slice %arg10[%dma_wait3A_252, %dma_wait3A_253, %dma_wait3A_254] : memref<8x128x16xf32, #tpu.memory_space<vmem>> -> memref<1x128x16xf32, #tpu.memory_space<vmem>>
    %dma_wait3A_256 = tpu.memref_squeeze %dma_wait3A_255 : memref<1x128x16xf32, #tpu.memory_space<vmem>> -> memref<128x16xf32, #tpu.memory_space<vmem>>
    %dma_wait3A_257 = arith.constant 0 : i32
    %dma_wait3A_258 = tpu.memref_slice %arg8[%dma_wait3A_251, %dma_wait3A_257] : memref<80x128xi32, #tpu.memory_space<vmem>> -> memref<1x128xi32, #tpu.memory_space<vmem>>
    %dma_wait3A_259 = tpu.memref_squeeze %dma_wait3A_258 : memref<1x128xi32, #tpu.memory_space<vmem>> -> memref<128xi32, #tpu.memory_space<vmem>>
    %dma_wait3A_260 = arith.constant 0 : i32
    %dma_wait3A_261 = arith.constant 0 : i32
    %dma_wait3A_262 = tpu.memref_slice %arg6[%arg0, %dma_wait3A_260, %dma_wait3A_261] : memref<2x10240x16xf32, #tpu.memory_space<hbm>> -> memref<1x10240x16xf32, #tpu.memory_space<hbm>>
    %dma_wait3A_263 = tpu.memref_squeeze %dma_wait3A_262 : memref<1x10240x16xf32, #tpu.memory_space<hbm>> -> memref<10240x16xf32, #tpu.memory_space<hbm>>
    %dma_wait3A_264 = arith.constant 0 : i32
    %dma_wait3A_265 = arith.constant 0 : i32
    %dma_wait3A_266 = tpu.memref_slice %dma_wait3A_263[%dma_wait3A_264, %dma_wait3A_265] : memref<10240x16xf32, #tpu.memory_space<hbm>> -> memref<10240x16xf32, #tpu.memory_space<hbm>>
    tpu.wait_indirect_dma semaphore(%arg17 : memref<!tpu.dma_semaphore, #tpu.memory_space<semaphore_mem>>) src(%dma_wait3A_266 : memref<10240x16xf32, #tpu.memory_space<hbm>>) dst(%dma_wait3A_256 : memref<128x16xf32, #tpu.memory_space<vmem>>)
    %dma_start3A_267 = arith.constant 4 : i32
    %dma_start3A_268 = arith.constant 76 : i32
    %dma_start3A_269 = arith.constant 0 : i32
    %dma_start3A_270 = arith.constant 0 : i32
    %dma_start3A_271 = tpu.memref_slice %arg10[%dma_start3A_267, %dma_start3A_269, %dma_start3A_270] : memref<8x128x16xf32, #tpu.memory_space<vmem>> -> memref<1x128x16xf32, #tpu.memory_space<vmem>>
    %dma_start3A_272 = tpu.memref_squeeze %dma_start3A_271 : memref<1x128x16xf32, #tpu.memory_space<vmem>> -> memref<128x16xf32, #tpu.memory_space<vmem>>
    %dma_start3A_273 = arith.constant 0 : i32
    %dma_start3A_274 = tpu.memref_slice %arg9[%dma_start3A_268, %dma_start3A_273] : memref<80x128xi32, #tpu.memory_space<vmem>> -> memref<1x128xi32, #tpu.memory_space<vmem>>
    %dma_start3A_275 = tpu.memref_squeeze %dma_start3A_274 : memref<1x128xi32, #tpu.memory_space<vmem>> -> memref<128xi32, #tpu.memory_space<vmem>>
    %dma_start3A_276 = arith.constant 0 : i32
    %dma_start3A_277 = arith.constant 0 : i32
    %dma_start3A_278 = tpu.memref_slice %arg12[%dma_start3A_276, %dma_start3A_277] : memref<10240x16xf32, #tpu.memory_space<vmem_shared>> -> memref<10240x16xf32, #tpu.memory_space<vmem_shared>>
    tpu.enqueue_indirect_dma source(%dma_start3A_272 : memref<128x16xf32, #tpu.memory_space<vmem>>) target(%dma_start3A_278 : memref<10240x16xf32, #tpu.memory_space<vmem_shared>>) offsets(%dma_start3A_275 : memref<128xi32, #tpu.memory_space<vmem>>) semaphore(%arg17 : memref<!tpu.dma_semaphore, #tpu.memory_space<semaphore_mem>>) {add = true}
    %dma_wait3A_279 = arith.constant 0 : i32
    %dma_wait3A_280 = arith.constant 5 : i32
    %dma_wait3A_281 = arith.constant 0 : i32
    %dma_wait3A_282 = arith.constant 0 : i32
    %dma_wait3A_283 = tpu.memref_slice %arg10[%dma_wait3A_280, %dma_wait3A_281, %dma_wait3A_282] : memref<8x128x16xf32, #tpu.memory_space<vmem>> -> memref<1x128x16xf32, #tpu.memory_space<vmem>>
    %dma_wait3A_284 = tpu.memref_squeeze %dma_wait3A_283 : memref<1x128x16xf32, #tpu.memory_space<vmem>> -> memref<128x16xf32, #tpu.memory_space<vmem>>
    %dma_wait3A_285 = arith.constant 0 : i32
    %dma_wait3A_286 = tpu.memref_slice %arg8[%dma_wait3A_279, %dma_wait3A_285] : memref<80x128xi32, #tpu.memory_space<vmem>> -> memref<1x128xi32, #tpu.memory_space<vmem>>
    %dma_wait3A_287 = tpu.memref_squeeze %dma_wait3A_286 : memref<1x128xi32, #tpu.memory_space<vmem>> -> memref<128xi32, #tpu.memory_space<vmem>>
    %dma_wait3A_288 = arith.constant 0 : i32
    %dma_wait3A_289 = arith.constant 0 : i32
    %dma_wait3A_290 = tpu.memref_slice %arg6[%arg0, %dma_wait3A_288, %dma_wait3A_289] : memref<2x10240x16xf32, #tpu.memory_space<hbm>> -> memref<1x10240x16xf32, #tpu.memory_space<hbm>>
    %dma_wait3A_291 = tpu.memref_squeeze %dma_wait3A_290 : memref<1x10240x16xf32, #tpu.memory_space<hbm>> -> memref<10240x16xf32, #tpu.memory_space<hbm>>
    %dma_wait3A_292 = arith.constant 0 : i32
    %dma_wait3A_293 = arith.constant 0 : i32
    %dma_wait3A_294 = tpu.memref_slice %dma_wait3A_291[%dma_wait3A_292, %dma_wait3A_293] : memref<10240x16xf32, #tpu.memory_space<hbm>> -> memref<10240x16xf32, #tpu.memory_space<hbm>>
    tpu.wait_indirect_dma semaphore(%arg18 : memref<!tpu.dma_semaphore, #tpu.memory_space<semaphore_mem>>) src(%dma_wait3A_294 : memref<10240x16xf32, #tpu.memory_space<hbm>>) dst(%dma_wait3A_284 : memref<128x16xf32, #tpu.memory_space<vmem>>)
    %dma_start3A_295 = arith.constant 5 : i32
    %dma_start3A_296 = arith.constant 77 : i32
    %dma_start3A_297 = arith.constant 0 : i32
    %dma_start3A_298 = arith.constant 0 : i32
    %dma_start3A_299 = tpu.memref_slice %arg10[%dma_start3A_295, %dma_start3A_297, %dma_start3A_298] : memref<8x128x16xf32, #tpu.memory_space<vmem>> -> memref<1x128x16xf32, #tpu.memory_space<vmem>>
    %dma_start3A_300 = tpu.memref_squeeze %dma_start3A_299 : memref<1x128x16xf32, #tpu.memory_space<vmem>> -> memref<128x16xf32, #tpu.memory_space<vmem>>
    %dma_start3A_301 = arith.constant 0 : i32
    %dma_start3A_302 = tpu.memref_slice %arg9[%dma_start3A_296, %dma_start3A_301] : memref<80x128xi32, #tpu.memory_space<vmem>> -> memref<1x128xi32, #tpu.memory_space<vmem>>
    %dma_start3A_303 = tpu.memref_squeeze %dma_start3A_302 : memref<1x128xi32, #tpu.memory_space<vmem>> -> memref<128xi32, #tpu.memory_space<vmem>>
    %dma_start3A_304 = arith.constant 0 : i32
    %dma_start3A_305 = arith.constant 0 : i32
    %dma_start3A_306 = tpu.memref_slice %arg12[%dma_start3A_304, %dma_start3A_305] : memref<10240x16xf32, #tpu.memory_space<vmem_shared>> -> memref<10240x16xf32, #tpu.memory_space<vmem_shared>>
    tpu.enqueue_indirect_dma source(%dma_start3A_300 : memref<128x16xf32, #tpu.memory_space<vmem>>) target(%dma_start3A_306 : memref<10240x16xf32, #tpu.memory_space<vmem_shared>>) offsets(%dma_start3A_303 : memref<128xi32, #tpu.memory_space<vmem>>) semaphore(%arg18 : memref<!tpu.dma_semaphore, #tpu.memory_space<semaphore_mem>>) {add = true}
    %dma_wait3A_307 = arith.constant 0 : i32
    %dma_wait3A_308 = arith.constant 6 : i32
    %dma_wait3A_309 = arith.constant 0 : i32
    %dma_wait3A_310 = arith.constant 0 : i32
    %dma_wait3A_311 = tpu.memref_slice %arg10[%dma_wait3A_308, %dma_wait3A_309, %dma_wait3A_310] : memref<8x128x16xf32, #tpu.memory_space<vmem>> -> memref<1x128x16xf32, #tpu.memory_space<vmem>>
    %dma_wait3A_312 = tpu.memref_squeeze %dma_wait3A_311 : memref<1x128x16xf32, #tpu.memory_space<vmem>> -> memref<128x16xf32, #tpu.memory_space<vmem>>
    %dma_wait3A_313 = arith.constant 0 : i32
    %dma_wait3A_314 = tpu.memref_slice %arg8[%dma_wait3A_307, %dma_wait3A_313] : memref<80x128xi32, #tpu.memory_space<vmem>> -> memref<1x128xi32, #tpu.memory_space<vmem>>
    %dma_wait3A_315 = tpu.memref_squeeze %dma_wait3A_314 : memref<1x128xi32, #tpu.memory_space<vmem>> -> memref<128xi32, #tpu.memory_space<vmem>>
    %dma_wait3A_316 = arith.constant 0 : i32
    %dma_wait3A_317 = arith.constant 0 : i32
    %dma_wait3A_318 = tpu.memref_slice %arg6[%arg0, %dma_wait3A_316, %dma_wait3A_317] : memref<2x10240x16xf32, #tpu.memory_space<hbm>> -> memref<1x10240x16xf32, #tpu.memory_space<hbm>>
    %dma_wait3A_319 = tpu.memref_squeeze %dma_wait3A_318 : memref<1x10240x16xf32, #tpu.memory_space<hbm>> -> memref<10240x16xf32, #tpu.memory_space<hbm>>
    %dma_wait3A_320 = arith.constant 0 : i32
    %dma_wait3A_321 = arith.constant 0 : i32
    %dma_wait3A_322 = tpu.memref_slice %dma_wait3A_319[%dma_wait3A_320, %dma_wait3A_321] : memref<10240x16xf32, #tpu.memory_space<hbm>> -> memref<10240x16xf32, #tpu.memory_space<hbm>>
    tpu.wait_indirect_dma semaphore(%arg19 : memref<!tpu.dma_semaphore, #tpu.memory_space<semaphore_mem>>) src(%dma_wait3A_322 : memref<10240x16xf32, #tpu.memory_space<hbm>>) dst(%dma_wait3A_312 : memref<128x16xf32, #tpu.memory_space<vmem>>)
    %dma_start3A_323 = arith.constant 6 : i32
    %dma_start3A_324 = arith.constant 78 : i32
    %dma_start3A_325 = arith.constant 0 : i32
    %dma_start3A_326 = arith.constant 0 : i32
    %dma_start3A_327 = tpu.memref_slice %arg10[%dma_start3A_323, %dma_start3A_325, %dma_start3A_326] : memref<8x128x16xf32, #tpu.memory_space<vmem>> -> memref<1x128x16xf32, #tpu.memory_space<vmem>>
    %dma_start3A_328 = tpu.memref_squeeze %dma_start3A_327 : memref<1x128x16xf32, #tpu.memory_space<vmem>> -> memref<128x16xf32, #tpu.memory_space<vmem>>
    %dma_start3A_329 = arith.constant 0 : i32
    %dma_start3A_330 = tpu.memref_slice %arg9[%dma_start3A_324, %dma_start3A_329] : memref<80x128xi32, #tpu.memory_space<vmem>> -> memref<1x128xi32, #tpu.memory_space<vmem>>
    %dma_start3A_331 = tpu.memref_squeeze %dma_start3A_330 : memref<1x128xi32, #tpu.memory_space<vmem>> -> memref<128xi32, #tpu.memory_space<vmem>>
    %dma_start3A_332 = arith.constant 0 : i32
    %dma_start3A_333 = arith.constant 0 : i32
    %dma_start3A_334 = tpu.memref_slice %arg12[%dma_start3A_332, %dma_start3A_333] : memref<10240x16xf32, #tpu.memory_space<vmem_shared>> -> memref<10240x16xf32, #tpu.memory_space<vmem_shared>>
    tpu.enqueue_indirect_dma source(%dma_start3A_328 : memref<128x16xf32, #tpu.memory_space<vmem>>) target(%dma_start3A_334 : memref<10240x16xf32, #tpu.memory_space<vmem_shared>>) offsets(%dma_start3A_331 : memref<128xi32, #tpu.memory_space<vmem>>) semaphore(%arg19 : memref<!tpu.dma_semaphore, #tpu.memory_space<semaphore_mem>>) {add = true}
    %dma_wait3A_335 = arith.constant 0 : i32
    %dma_wait3A_336 = arith.constant 7 : i32
    %dma_wait3A_337 = arith.constant 0 : i32
    %dma_wait3A_338 = arith.constant 0 : i32
    %dma_wait3A_339 = tpu.memref_slice %arg10[%dma_wait3A_336, %dma_wait3A_337, %dma_wait3A_338] : memref<8x128x16xf32, #tpu.memory_space<vmem>> -> memref<1x128x16xf32, #tpu.memory_space<vmem>>
    %dma_wait3A_340 = tpu.memref_squeeze %dma_wait3A_339 : memref<1x128x16xf32, #tpu.memory_space<vmem>> -> memref<128x16xf32, #tpu.memory_space<vmem>>
    %dma_wait3A_341 = arith.constant 0 : i32
    %dma_wait3A_342 = tpu.memref_slice %arg8[%dma_wait3A_335, %dma_wait3A_341] : memref<80x128xi32, #tpu.memory_space<vmem>> -> memref<1x128xi32, #tpu.memory_space<vmem>>
    %dma_wait3A_343 = tpu.memref_squeeze %dma_wait3A_342 : memref<1x128xi32, #tpu.memory_space<vmem>> -> memref<128xi32, #tpu.memory_space<vmem>>
    %dma_wait3A_344 = arith.constant 0 : i32
    %dma_wait3A_345 = arith.constant 0 : i32
    %dma_wait3A_346 = tpu.memref_slice %arg6[%arg0, %dma_wait3A_344, %dma_wait3A_345] : memref<2x10240x16xf32, #tpu.memory_space<hbm>> -> memref<1x10240x16xf32, #tpu.memory_space<hbm>>
    %dma_wait3A_347 = tpu.memref_squeeze %dma_wait3A_346 : memref<1x10240x16xf32, #tpu.memory_space<hbm>> -> memref<10240x16xf32, #tpu.memory_space<hbm>>
    %dma_wait3A_348 = arith.constant 0 : i32
    %dma_wait3A_349 = arith.constant 0 : i32
    %dma_wait3A_350 = tpu.memref_slice %dma_wait3A_347[%dma_wait3A_348, %dma_wait3A_349] : memref<10240x16xf32, #tpu.memory_space<hbm>> -> memref<10240x16xf32, #tpu.memory_space<hbm>>
    tpu.wait_indirect_dma semaphore(%arg20 : memref<!tpu.dma_semaphore, #tpu.memory_space<semaphore_mem>>) src(%dma_wait3A_350 : memref<10240x16xf32, #tpu.memory_space<hbm>>) dst(%dma_wait3A_340 : memref<128x16xf32, #tpu.memory_space<vmem>>)
    %dma_start3A_351 = arith.constant 7 : i32
    %dma_start3A_352 = arith.constant 79 : i32
    %dma_start3A_353 = arith.constant 0 : i32
    %dma_start3A_354 = arith.constant 0 : i32
    %dma_start3A_355 = tpu.memref_slice %arg10[%dma_start3A_351, %dma_start3A_353, %dma_start3A_354] : memref<8x128x16xf32, #tpu.memory_space<vmem>> -> memref<1x128x16xf32, #tpu.memory_space<vmem>>
    %dma_start3A_356 = tpu.memref_squeeze %dma_start3A_355 : memref<1x128x16xf32, #tpu.memory_space<vmem>> -> memref<128x16xf32, #tpu.memory_space<vmem>>
    %dma_start3A_357 = arith.constant 0 : i32
    %dma_start3A_358 = tpu.memref_slice %arg9[%dma_start3A_352, %dma_start3A_357] : memref<80x128xi32, #tpu.memory_space<vmem>> -> memref<1x128xi32, #tpu.memory_space<vmem>>
    %dma_start3A_359 = tpu.memref_squeeze %dma_start3A_358 : memref<1x128xi32, #tpu.memory_space<vmem>> -> memref<128xi32, #tpu.memory_space<vmem>>
    %dma_start3A_360 = arith.constant 0 : i32
    %dma_start3A_361 = arith.constant 0 : i32
    %dma_start3A_362 = tpu.memref_slice %arg12[%dma_start3A_360, %dma_start3A_361] : memref<10240x16xf32, #tpu.memory_space<vmem_shared>> -> memref<10240x16xf32, #tpu.memory_space<vmem_shared>>
    tpu.enqueue_indirect_dma source(%dma_start3A_356 : memref<128x16xf32, #tpu.memory_space<vmem>>) target(%dma_start3A_362 : memref<10240x16xf32, #tpu.memory_space<vmem_shared>>) offsets(%dma_start3A_359 : memref<128xi32, #tpu.memory_space<vmem>>) semaphore(%arg20 : memref<!tpu.dma_semaphore, #tpu.memory_space<semaphore_mem>>) {add = true}
    %dma_wait3A_363 = arith.constant 0 : i32
    %dma_wait3A_364 = arith.constant 0 : i32
    %dma_wait3A_365 = arith.constant 0 : i32
    %dma_wait3A_366 = arith.constant 0 : i32
    %dma_wait3A_367 = tpu.memref_slice %arg10[%dma_wait3A_363, %dma_wait3A_365, %dma_wait3A_366] : memref<8x128x16xf32, #tpu.memory_space<vmem>> -> memref<1x128x16xf32, #tpu.memory_space<vmem>>
    %dma_wait3A_368 = tpu.memref_squeeze %dma_wait3A_367 : memref<1x128x16xf32, #tpu.memory_space<vmem>> -> memref<128x16xf32, #tpu.memory_space<vmem>>
    %dma_wait3A_369 = arith.constant 0 : i32
    %dma_wait3A_370 = tpu.memref_slice %arg9[%dma_wait3A_364, %dma_wait3A_369] : memref<80x128xi32, #tpu.memory_space<vmem>> -> memref<1x128xi32, #tpu.memory_space<vmem>>
    %dma_wait3A_371 = tpu.memref_squeeze %dma_wait3A_370 : memref<1x128xi32, #tpu.memory_space<vmem>> -> memref<128xi32, #tpu.memory_space<vmem>>
    %dma_wait3A_372 = arith.constant 0 : i32
    %dma_wait3A_373 = arith.constant 0 : i32
    %dma_wait3A_374 = tpu.memref_slice %arg12[%dma_wait3A_372, %dma_wait3A_373] : memref<10240x16xf32, #tpu.memory_space<vmem_shared>> -> memref<10240x16xf32, #tpu.memory_space<vmem_shared>>
    tpu.wait_indirect_dma semaphore(%arg13 : memref<!tpu.dma_semaphore, #tpu.memory_space<semaphore_mem>>) src(%dma_wait3A_368 : memref<128x16xf32, #tpu.memory_space<vmem>>) dst(%dma_wait3A_374 : memref<10240x16xf32, #tpu.memory_space<vmem_shared>>)
    %dma_wait3A_375 = arith.constant 1 : i32
    %dma_wait3A_376 = arith.constant 0 : i32
    %dma_wait3A_377 = arith.constant 0 : i32
    %dma_wait3A_378 = arith.constant 0 : i32
    %dma_wait3A_379 = tpu.memref_slice %arg10[%dma_wait3A_375, %dma_wait3A_377, %dma_wait3A_378] : memref<8x128x16xf32, #tpu.memory_space<vmem>> -> memref<1x128x16xf32, #tpu.memory_space<vmem>>
    %dma_wait3A_380 = tpu.memref_squeeze %dma_wait3A_379 : memref<1x128x16xf32, #tpu.memory_space<vmem>> -> memref<128x16xf32, #tpu.memory_space<vmem>>
    %dma_wait3A_381 = arith.constant 0 : i32
    %dma_wait3A_382 = tpu.memref_slice %arg9[%dma_wait3A_376, %dma_wait3A_381] : memref<80x128xi32, #tpu.memory_space<vmem>> -> memref<1x128xi32, #tpu.memory_space<vmem>>
    %dma_wait3A_383 = tpu.memref_squeeze %dma_wait3A_382 : memref<1x128xi32, #tpu.memory_space<vmem>> -> memref<128xi32, #tpu.memory_space<vmem>>
    %dma_wait3A_384 = arith.constant 0 : i32
    %dma_wait3A_385 = arith.constant 0 : i32
    %dma_wait3A_386 = tpu.memref_slice %arg12[%dma_wait3A_384, %dma_wait3A_385] : memref<10240x16xf32, #tpu.memory_space<vmem_shared>> -> memref<10240x16xf32, #tpu.memory_space<vmem_shared>>
    tpu.wait_indirect_dma semaphore(%arg14 : memref<!tpu.dma_semaphore, #tpu.memory_space<semaphore_mem>>) src(%dma_wait3A_380 : memref<128x16xf32, #tpu.memory_space<vmem>>) dst(%dma_wait3A_386 : memref<10240x16xf32, #tpu.memory_space<vmem_shared>>)
    %dma_wait3A_387 = arith.constant 2 : i32
    %dma_wait3A_388 = arith.constant 0 : i32
    %dma_wait3A_389 = arith.constant 0 : i32
    %dma_wait3A_390 = arith.constant 0 : i32
    %dma_wait3A_391 = tpu.memref_slice %arg10[%dma_wait3A_387, %dma_wait3A_389, %dma_wait3A_390] : memref<8x128x16xf32, #tpu.memory_space<vmem>> -> memref<1x128x16xf32, #tpu.memory_space<vmem>>
    %dma_wait3A_392 = tpu.memref_squeeze %dma_wait3A_391 : memref<1x128x16xf32, #tpu.memory_space<vmem>> -> memref<128x16xf32, #tpu.memory_space<vmem>>
    %dma_wait3A_393 = arith.constant 0 : i32
    %dma_wait3A_394 = tpu.memref_slice %arg9[%dma_wait3A_388, %dma_wait3A_393] : memref<80x128xi32, #tpu.memory_space<vmem>> -> memref<1x128xi32, #tpu.memory_space<vmem>>
    %dma_wait3A_395 = tpu.memref_squeeze %dma_wait3A_394 : memref<1x128xi32, #tpu.memory_space<vmem>> -> memref<128xi32, #tpu.memory_space<vmem>>
    %dma_wait3A_396 = arith.constant 0 : i32
    %dma_wait3A_397 = arith.constant 0 : i32
    %dma_wait3A_398 = tpu.memref_slice %arg12[%dma_wait3A_396, %dma_wait3A_397] : memref<10240x16xf32, #tpu.memory_space<vmem_shared>> -> memref<10240x16xf32, #tpu.memory_space<vmem_shared>>
    tpu.wait_indirect_dma semaphore(%arg15 : memref<!tpu.dma_semaphore, #tpu.memory_space<semaphore_mem>>) src(%dma_wait3A_392 : memref<128x16xf32, #tpu.memory_space<vmem>>) dst(%dma_wait3A_398 : memref<10240x16xf32, #tpu.memory_space<vmem_shared>>)
    %dma_wait3A_399 = arith.constant 3 : i32
    %dma_wait3A_400 = arith.constant 0 : i32
    %dma_wait3A_401 = arith.constant 0 : i32
    %dma_wait3A_402 = arith.constant 0 : i32
    %dma_wait3A_403 = tpu.memref_slice %arg10[%dma_wait3A_399, %dma_wait3A_401, %dma_wait3A_402] : memref<8x128x16xf32, #tpu.memory_space<vmem>> -> memref<1x128x16xf32, #tpu.memory_space<vmem>>
    %dma_wait3A_404 = tpu.memref_squeeze %dma_wait3A_403 : memref<1x128x16xf32, #tpu.memory_space<vmem>> -> memref<128x16xf32, #tpu.memory_space<vmem>>
    %dma_wait3A_405 = arith.constant 0 : i32
    %dma_wait3A_406 = tpu.memref_slice %arg9[%dma_wait3A_400, %dma_wait3A_405] : memref<80x128xi32, #tpu.memory_space<vmem>> -> memref<1x128xi32, #tpu.memory_space<vmem>>
    %dma_wait3A_407 = tpu.memref_squeeze %dma_wait3A_406 : memref<1x128xi32, #tpu.memory_space<vmem>> -> memref<128xi32, #tpu.memory_space<vmem>>
    %dma_wait3A_408 = arith.constant 0 : i32
    %dma_wait3A_409 = arith.constant 0 : i32
    %dma_wait3A_410 = tpu.memref_slice %arg12[%dma_wait3A_408, %dma_wait3A_409] : memref<10240x16xf32, #tpu.memory_space<vmem_shared>> -> memref<10240x16xf32, #tpu.memory_space<vmem_shared>>
    tpu.wait_indirect_dma semaphore(%arg16 : memref<!tpu.dma_semaphore, #tpu.memory_space<semaphore_mem>>) src(%dma_wait3A_404 : memref<128x16xf32, #tpu.memory_space<vmem>>) dst(%dma_wait3A_410 : memref<10240x16xf32, #tpu.memory_space<vmem_shared>>)
    %dma_wait3A_411 = arith.constant 4 : i32
    %dma_wait3A_412 = arith.constant 0 : i32
    %dma_wait3A_413 = arith.constant 0 : i32
    %dma_wait3A_414 = arith.constant 0 : i32
    %dma_wait3A_415 = tpu.memref_slice %arg10[%dma_wait3A_411, %dma_wait3A_413, %dma_wait3A_414] : memref<8x128x16xf32, #tpu.memory_space<vmem>> -> memref<1x128x16xf32, #tpu.memory_space<vmem>>
    %dma_wait3A_416 = tpu.memref_squeeze %dma_wait3A_415 : memref<1x128x16xf32, #tpu.memory_space<vmem>> -> memref<128x16xf32, #tpu.memory_space<vmem>>
    %dma_wait3A_417 = arith.constant 0 : i32
    %dma_wait3A_418 = tpu.memref_slice %arg9[%dma_wait3A_412, %dma_wait3A_417] : memref<80x128xi32, #tpu.memory_space<vmem>> -> memref<1x128xi32, #tpu.memory_space<vmem>>
    %dma_wait3A_419 = tpu.memref_squeeze %dma_wait3A_418 : memref<1x128xi32, #tpu.memory_space<vmem>> -> memref<128xi32, #tpu.memory_space<vmem>>
    %dma_wait3A_420 = arith.constant 0 : i32
    %dma_wait3A_421 = arith.constant 0 : i32
    %dma_wait3A_422 = tpu.memref_slice %arg12[%dma_wait3A_420, %dma_wait3A_421] : memref<10240x16xf32, #tpu.memory_space<vmem_shared>> -> memref<10240x16xf32, #tpu.memory_space<vmem_shared>>
    tpu.wait_indirect_dma semaphore(%arg17 : memref<!tpu.dma_semaphore, #tpu.memory_space<semaphore_mem>>) src(%dma_wait3A_416 : memref<128x16xf32, #tpu.memory_space<vmem>>) dst(%dma_wait3A_422 : memref<10240x16xf32, #tpu.memory_space<vmem_shared>>)
    %dma_wait3A_423 = arith.constant 5 : i32
    %dma_wait3A_424 = arith.constant 0 : i32
    %dma_wait3A_425 = arith.constant 0 : i32
    %dma_wait3A_426 = arith.constant 0 : i32
    %dma_wait3A_427 = tpu.memref_slice %arg10[%dma_wait3A_423, %dma_wait3A_425, %dma_wait3A_426] : memref<8x128x16xf32, #tpu.memory_space<vmem>> -> memref<1x128x16xf32, #tpu.memory_space<vmem>>
    %dma_wait3A_428 = tpu.memref_squeeze %dma_wait3A_427 : memref<1x128x16xf32, #tpu.memory_space<vmem>> -> memref<128x16xf32, #tpu.memory_space<vmem>>
    %dma_wait3A_429 = arith.constant 0 : i32
    %dma_wait3A_430 = tpu.memref_slice %arg9[%dma_wait3A_424, %dma_wait3A_429] : memref<80x128xi32, #tpu.memory_space<vmem>> -> memref<1x128xi32, #tpu.memory_space<vmem>>
    %dma_wait3A_431 = tpu.memref_squeeze %dma_wait3A_430 : memref<1x128xi32, #tpu.memory_space<vmem>> -> memref<128xi32, #tpu.memory_space<vmem>>
    %dma_wait3A_432 = arith.constant 0 : i32
    %dma_wait3A_433 = arith.constant 0 : i32
    %dma_wait3A_434 = tpu.memref_slice %arg12[%dma_wait3A_432, %dma_wait3A_433] : memref<10240x16xf32, #tpu.memory_space<vmem_shared>> -> memref<10240x16xf32, #tpu.memory_space<vmem_shared>>
    tpu.wait_indirect_dma semaphore(%arg18 : memref<!tpu.dma_semaphore, #tpu.memory_space<semaphore_mem>>) src(%dma_wait3A_428 : memref<128x16xf32, #tpu.memory_space<vmem>>) dst(%dma_wait3A_434 : memref<10240x16xf32, #tpu.memory_space<vmem_shared>>)
    %dma_wait3A_435 = arith.constant 6 : i32
    %dma_wait3A_436 = arith.constant 0 : i32
    %dma_wait3A_437 = arith.constant 0 : i32
    %dma_wait3A_438 = arith.constant 0 : i32
    %dma_wait3A_439 = tpu.memref_slice %arg10[%dma_wait3A_435, %dma_wait3A_437, %dma_wait3A_438] : memref<8x128x16xf32, #tpu.memory_space<vmem>> -> memref<1x128x16xf32, #tpu.memory_space<vmem>>
    %dma_wait3A_440 = tpu.memref_squeeze %dma_wait3A_439 : memref<1x128x16xf32, #tpu.memory_space<vmem>> -> memref<128x16xf32, #tpu.memory_space<vmem>>
    %dma_wait3A_441 = arith.constant 0 : i32
    %dma_wait3A_442 = tpu.memref_slice %arg9[%dma_wait3A_436, %dma_wait3A_441] : memref<80x128xi32, #tpu.memory_space<vmem>> -> memref<1x128xi32, #tpu.memory_space<vmem>>
    %dma_wait3A_443 = tpu.memref_squeeze %dma_wait3A_442 : memref<1x128xi32, #tpu.memory_space<vmem>> -> memref<128xi32, #tpu.memory_space<vmem>>
    %dma_wait3A_444 = arith.constant 0 : i32
    %dma_wait3A_445 = arith.constant 0 : i32
    %dma_wait3A_446 = tpu.memref_slice %arg12[%dma_wait3A_444, %dma_wait3A_445] : memref<10240x16xf32, #tpu.memory_space<vmem_shared>> -> memref<10240x16xf32, #tpu.memory_space<vmem_shared>>
    tpu.wait_indirect_dma semaphore(%arg19 : memref<!tpu.dma_semaphore, #tpu.memory_space<semaphore_mem>>) src(%dma_wait3A_440 : memref<128x16xf32, #tpu.memory_space<vmem>>) dst(%dma_wait3A_446 : memref<10240x16xf32, #tpu.memory_space<vmem_shared>>)
    %dma_wait3A_447 = arith.constant 7 : i32
    %dma_wait3A_448 = arith.constant 0 : i32
    %dma_wait3A_449 = arith.constant 0 : i32
    %dma_wait3A_450 = arith.constant 0 : i32
    %dma_wait3A_451 = tpu.memref_slice %arg10[%dma_wait3A_447, %dma_wait3A_449, %dma_wait3A_450] : memref<8x128x16xf32, #tpu.memory_space<vmem>> -> memref<1x128x16xf32, #tpu.memory_space<vmem>>
    %dma_wait3A_452 = tpu.memref_squeeze %dma_wait3A_451 : memref<1x128x16xf32, #tpu.memory_space<vmem>> -> memref<128x16xf32, #tpu.memory_space<vmem>>
    %dma_wait3A_453 = arith.constant 0 : i32
    %dma_wait3A_454 = tpu.memref_slice %arg9[%dma_wait3A_448, %dma_wait3A_453] : memref<80x128xi32, #tpu.memory_space<vmem>> -> memref<1x128xi32, #tpu.memory_space<vmem>>
    %dma_wait3A_455 = tpu.memref_squeeze %dma_wait3A_454 : memref<1x128xi32, #tpu.memory_space<vmem>> -> memref<128xi32, #tpu.memory_space<vmem>>
    %dma_wait3A_456 = arith.constant 0 : i32
    %dma_wait3A_457 = arith.constant 0 : i32
    %dma_wait3A_458 = tpu.memref_slice %arg12[%dma_wait3A_456, %dma_wait3A_457] : memref<10240x16xf32, #tpu.memory_space<vmem_shared>> -> memref<10240x16xf32, #tpu.memory_space<vmem_shared>>
    tpu.wait_indirect_dma semaphore(%arg20 : memref<!tpu.dma_semaphore, #tpu.memory_space<semaphore_mem>>) src(%dma_wait3A_452 : memref<128x16xf32, #tpu.memory_space<vmem>>) dst(%dma_wait3A_458 : memref<10240x16xf32, #tpu.memory_space<vmem_shared>>)
    %barrier3A_459 = arith.constant 0 : index
    tpu.barrier barrier_id(%barrier3A_459)
    %mul3A_460 = arith.constant 16 : i32
    %mul3A_461 = arith.muli %arg0, %mul3A_460 : i32
    %mul3A_462 = arith.constant 640 : i32
    %mul3A_463 = arith.muli %arg1, %mul3A_462 : i32
    %mul3A_464 = arith.constant 640 : i32
    %mul3A_465 = arith.muli %arg1, %mul3A_464 : i32
    "tpu.region"() ({
      %run_scoped3A = tpu.sem_alloc : memref<!tpu.dma_semaphore, #tpu.memory_space<semaphore_mem>>
      %dma_start3A_466 = tpu.memref_slice %arg7[%mul3A_465, %mul3A_461] : memref<10240x128xf32, #tpu.memory_space<hbm>> -> memref<640x16xf32, #tpu.memory_space<hbm>>
      %dma_start3A_467 = arith.constant 0 : i32
      %dma_start3A_468 = tpu.memref_slice %arg12[%mul3A_463, %dma_start3A_467] : memref<10240x16xf32, #tpu.memory_space<vmem_shared>> -> memref<640x16xf32, #tpu.memory_space<vmem_shared>>
      tpu.enqueue_dma source(%dma_start3A_468 : memref<640x16xf32, #tpu.memory_space<vmem_shared>>) target(%dma_start3A_466 : memref<640x16xf32, #tpu.memory_space<hbm>>) target_semaphore(%run_scoped3A : memref<!tpu.dma_semaphore, #tpu.memory_space<semaphore_mem>>)
      %dma_wait3A_469 = tpu.memref_slice %arg7[%mul3A_465, %mul3A_461] : memref<10240x128xf32, #tpu.memory_space<hbm>> -> memref<640x16xf32, #tpu.memory_space<hbm>>
      %dma_wait3A_470 = arith.constant 0 : i32
      %dma_wait3A_471 = tpu.memref_slice %arg12[%mul3A_463, %dma_wait3A_470] : memref<10240x16xf32, #tpu.memory_space<vmem_shared>> -> memref<640x16xf32, #tpu.memory_space<vmem_shared>>
      tpu.wait_dma2 semaphore(%run_scoped3A : memref<!tpu.dma_semaphore, #tpu.memory_space<semaphore_mem>>) src(%dma_wait3A_471 : memref<640x16xf32, #tpu.memory_space<vmem_shared>>) dst(%dma_wait3A_469 : memref<640x16xf32, #tpu.memory_space<hbm>>)
      tpu.yield
    }) : () -> ()
    return
  }
}

#map = affine_map<(d0, d1) -> (0, 0, 0)>
#map1 = affine_map<(d0, d1) -> (0, 0)>
module attributes {stable_mosaic.version = 14 : i64} {
  func.func @_edge_body(%arg0: i32, %arg1: i32, %arg2: memref<32x80x128xi32, #tpu.memory_space<hbm>>, %arg3: memref<32x80x128xi32, #tpu.memory_space<hbm>>, %arg4: memref<10240x128xf32, #tpu.memory_space<hbm>>, %arg5: memref<10240x40xf32, #tpu.memory_space<hbm>>, %arg6: memref<2x10240x40xf32, #tpu.memory_space<hbm>>, %arg7: memref<10240x128xf32, #tpu.memory_space<hbm>>, %arg8: memref<80x128xi32, #tpu.memory_space<vmem>>, %arg9: memref<80x128xi32, #tpu.memory_space<vmem>>, %arg10: memref<8x128x40xf32, #tpu.memory_space<vmem>>, %arg11: memref<640x40xf32, #tpu.memory_space<vmem>>, %arg12: memref<10240x40xf32, #tpu.memory_space<vmem_shared>>, %arg13: memref<!tpu.dma_semaphore, #tpu.memory_space<semaphore_mem>>, %arg14: memref<!tpu.dma_semaphore, #tpu.memory_space<semaphore_mem>>, %arg15: memref<!tpu.dma_semaphore, #tpu.memory_space<semaphore_mem>>, %arg16: memref<!tpu.dma_semaphore, #tpu.memory_space<semaphore_mem>>, %arg17: memref<!tpu.dma_semaphore, #tpu.memory_space<semaphore_mem>>, %arg18: memref<!tpu.dma_semaphore, #tpu.memory_space<semaphore_mem>>, %arg19: memref<!tpu.dma_semaphore, #tpu.memory_space<semaphore_mem>>, %arg20: memref<!tpu.dma_semaphore, #tpu.memory_space<semaphore_mem>>) attributes {dimension_semantics = [#tpu.dimension_semantics<core_parallel>, #tpu.dimension_semantics<subcore_parallel>], iteration_bounds = array<i64: 2, 16>, scalar_prefetch = 0 : i64, scratch_operands = 13 : i64, tpu.core_type = #tpu.core_type<sc_vector_subcore>, window_params = [{transform_indices = #map}, {transform_indices = #map}, {transform_indices = #map1}, {transform_indices = #map1}, {transform_indices = #map}, {transform_indices = #map1}]} {
    %mul3A = arith.constant 16 : i32
    %mul3A_0 = arith.muli %arg0, %mul3A : i32
    %add3A = arith.addi %mul3A_0, %arg1 : i32
    %mul3A_1 = arith.constant 640 : i32
    %mul3A_2 = arith.muli %arg1, %mul3A_1 : i32
    %mul3A_3 = arith.constant 640 : i32
    %mul3A_4 = arith.muli %arg1, %mul3A_3 : i32
    "tpu.region"() ({
      %run_scoped3A = tpu.sem_alloc : memref<!tpu.dma_semaphore, #tpu.memory_space<semaphore_mem>>
      %dma_start3A_466 = arith.constant 0 : i32
      %dma_start3A_467 = tpu.memref_slice %arg12[%mul3A_4, %dma_start3A_466] : memref<10240x40xf32, #tpu.memory_space<vmem_shared>> -> memref<640x40xf32, #tpu.memory_space<vmem_shared>>
      %dma_start3A_468 = arith.constant 0 : i32
      %dma_start3A_469 = tpu.memref_slice %arg5[%mul3A_2, %dma_start3A_468] : memref<10240x40xf32, #tpu.memory_space<hbm>> -> memref<640x40xf32, #tpu.memory_space<hbm>>
      tpu.enqueue_dma source(%dma_start3A_469 : memref<640x40xf32, #tpu.memory_space<hbm>>) target(%dma_start3A_467 : memref<640x40xf32, #tpu.memory_space<vmem_shared>>) target_semaphore(%run_scoped3A : memref<!tpu.dma_semaphore, #tpu.memory_space<semaphore_mem>>)
      %dma_wait3A_470 = arith.constant 0 : i32
      %dma_wait3A_471 = tpu.memref_slice %arg12[%mul3A_4, %dma_wait3A_470] : memref<10240x40xf32, #tpu.memory_space<vmem_shared>> -> memref<640x40xf32, #tpu.memory_space<vmem_shared>>
      %dma_wait3A_472 = arith.constant 0 : i32
      %dma_wait3A_473 = tpu.memref_slice %arg5[%mul3A_2, %dma_wait3A_472] : memref<10240x40xf32, #tpu.memory_space<hbm>> -> memref<640x40xf32, #tpu.memory_space<hbm>>
      tpu.wait_dma2 semaphore(%run_scoped3A : memref<!tpu.dma_semaphore, #tpu.memory_space<semaphore_mem>>) src(%dma_wait3A_473 : memref<640x40xf32, #tpu.memory_space<hbm>>) dst(%dma_wait3A_471 : memref<640x40xf32, #tpu.memory_space<vmem_shared>>)
      tpu.yield
    }) : () -> ()
    %mul3A_5 = arith.constant 640 : i32
    %mul3A_6 = arith.muli %arg1, %mul3A_5 : i32
    "tpu.region"() ({
      %run_scoped3A = tpu.sem_alloc : memref<!tpu.dma_semaphore, #tpu.memory_space<semaphore_mem>>
      %dma_start3A_466 = arith.constant 0 : i32
      %dma_start3A_467 = tpu.memref_slice %arg4[%mul3A_6, %dma_start3A_466] : memref<10240x128xf32, #tpu.memory_space<hbm>> -> memref<640x40xf32, #tpu.memory_space<hbm>>
      %dma_start3A_468 = arith.constant 0 : i32
      %dma_start3A_469 = tpu.memref_slice %arg4[%mul3A_6, %dma_start3A_468] : memref<10240x128xf32, #tpu.memory_space<hbm>> -> memref<640x40xf32, #tpu.memory_space<hbm>>
      tpu.enqueue_dma source(%dma_start3A_469 : memref<640x40xf32, #tpu.memory_space<hbm>>) target(%arg11 : memref<640x40xf32, #tpu.memory_space<vmem>>) target_semaphore(%run_scoped3A : memref<!tpu.dma_semaphore, #tpu.memory_space<semaphore_mem>>)
      %dma_wait3A_470 = arith.constant 0 : i32
      %dma_wait3A_471 = tpu.memref_slice %arg4[%mul3A_6, %dma_wait3A_470] : memref<10240x128xf32, #tpu.memory_space<hbm>> -> memref<640x40xf32, #tpu.memory_space<hbm>>
      %dma_wait3A_472 = arith.constant 0 : i32
      %dma_wait3A_473 = tpu.memref_slice %arg4[%mul3A_6, %dma_wait3A_472] : memref<10240x128xf32, #tpu.memory_space<hbm>> -> memref<640x40xf32, #tpu.memory_space<hbm>>
      tpu.wait_dma2 semaphore(%run_scoped3A : memref<!tpu.dma_semaphore, #tpu.memory_space<semaphore_mem>>) src(%dma_wait3A_473 : memref<640x40xf32, #tpu.memory_space<hbm>>) dst(%arg11 : memref<640x40xf32, #tpu.memory_space<vmem>>)
      tpu.yield
    }) : () -> ()
    %mul3A_7 = arith.constant 640 : i32
    %mul3A_8 = arith.muli %arg1, %mul3A_7 : i32
    "tpu.region"() ({
      %run_scoped3A = tpu.sem_alloc : memref<!tpu.dma_semaphore, #tpu.memory_space<semaphore_mem>>
      %dma_start3A_466 = arith.constant 0 : i32
      %dma_start3A_467 = tpu.memref_slice %arg6[%arg0, %mul3A_8, %dma_start3A_466] : memref<2x10240x40xf32, #tpu.memory_space<hbm>> -> memref<1x640x40xf32, #tpu.memory_space<hbm>>
      %dma_start3A_468 = tpu.memref_squeeze %dma_start3A_467 : memref<1x640x40xf32, #tpu.memory_space<hbm>> -> memref<640x40xf32, #tpu.memory_space<hbm>>
      %dma_start3A_469 = arith.constant 0 : i32
      %dma_start3A_470 = tpu.memref_slice %arg6[%arg0, %mul3A_8, %dma_start3A_469] : memref<2x10240x40xf32, #tpu.memory_space<hbm>> -> memref<1x640x40xf32, #tpu.memory_space<hbm>>
      %dma_start3A_471 = tpu.memref_squeeze %dma_start3A_470 : memref<1x640x40xf32, #tpu.memory_space<hbm>> -> memref<640x40xf32, #tpu.memory_space<hbm>>
      tpu.enqueue_dma source(%arg11 : memref<640x40xf32, #tpu.memory_space<vmem>>) target(%dma_start3A_471 : memref<640x40xf32, #tpu.memory_space<hbm>>) target_semaphore(%run_scoped3A : memref<!tpu.dma_semaphore, #tpu.memory_space<semaphore_mem>>)
      %dma_wait3A_472 = arith.constant 0 : i32
      %dma_wait3A_473 = tpu.memref_slice %arg6[%arg0, %mul3A_8, %dma_wait3A_472] : memref<2x10240x40xf32, #tpu.memory_space<hbm>> -> memref<1x640x40xf32, #tpu.memory_space<hbm>>
      %dma_wait3A_474 = tpu.memref_squeeze %dma_wait3A_473 : memref<1x640x40xf32, #tpu.memory_space<hbm>> -> memref<640x40xf32, #tpu.memory_space<hbm>>
      %dma_wait3A_475 = arith.constant 0 : i32
      %dma_wait3A_476 = tpu.memref_slice %arg6[%arg0, %mul3A_8, %dma_wait3A_475] : memref<2x10240x40xf32, #tpu.memory_space<hbm>> -> memref<1x640x40xf32, #tpu.memory_space<hbm>>
      %dma_wait3A_477 = tpu.memref_squeeze %dma_wait3A_476 : memref<1x640x40xf32, #tpu.memory_space<hbm>> -> memref<640x40xf32, #tpu.memory_space<hbm>>
      tpu.wait_dma2 semaphore(%run_scoped3A : memref<!tpu.dma_semaphore, #tpu.memory_space<semaphore_mem>>) src(%arg11 : memref<640x40xf32, #tpu.memory_space<vmem>>) dst(%dma_wait3A_477 : memref<640x40xf32, #tpu.memory_space<hbm>>)
      tpu.yield
    }) : () -> ()
    "tpu.region"() ({
      %run_scoped3A = tpu.sem_alloc : memref<!tpu.dma_semaphore, #tpu.memory_space<semaphore_mem>>
      %dma_start3A_466 = arith.constant 0 : i32
      %dma_start3A_467 = arith.constant 0 : i32
      %dma_start3A_468 = tpu.memref_slice %arg2[%add3A, %dma_start3A_466, %dma_start3A_467] : memref<32x80x128xi32, #tpu.memory_space<hbm>> -> memref<1x80x128xi32, #tpu.memory_space<hbm>>
      %dma_start3A_469 = tpu.memref_squeeze %dma_start3A_468 : memref<1x80x128xi32, #tpu.memory_space<hbm>> -> memref<80x128xi32, #tpu.memory_space<hbm>>
      %dma_start3A_470 = arith.constant 0 : i32
      %dma_start3A_471 = arith.constant 0 : i32
      %dma_start3A_472 = tpu.memref_slice %arg2[%add3A, %dma_start3A_470, %dma_start3A_471] : memref<32x80x128xi32, #tpu.memory_space<hbm>> -> memref<1x80x128xi32, #tpu.memory_space<hbm>>
      %dma_start3A_473 = tpu.memref_squeeze %dma_start3A_472 : memref<1x80x128xi32, #tpu.memory_space<hbm>> -> memref<80x128xi32, #tpu.memory_space<hbm>>
      tpu.enqueue_dma source(%dma_start3A_473 : memref<80x128xi32, #tpu.memory_space<hbm>>) target(%arg8 : memref<80x128xi32, #tpu.memory_space<vmem>>) target_semaphore(%run_scoped3A : memref<!tpu.dma_semaphore, #tpu.memory_space<semaphore_mem>>)
      %dma_wait3A_474 = arith.constant 0 : i32
      %dma_wait3A_475 = arith.constant 0 : i32
      %dma_wait3A_476 = tpu.memref_slice %arg2[%add3A, %dma_wait3A_474, %dma_wait3A_475] : memref<32x80x128xi32, #tpu.memory_space<hbm>> -> memref<1x80x128xi32, #tpu.memory_space<hbm>>
      %dma_wait3A_477 = tpu.memref_squeeze %dma_wait3A_476 : memref<1x80x128xi32, #tpu.memory_space<hbm>> -> memref<80x128xi32, #tpu.memory_space<hbm>>
      %dma_wait3A_478 = arith.constant 0 : i32
      %dma_wait3A_479 = arith.constant 0 : i32
      %dma_wait3A_480 = tpu.memref_slice %arg2[%add3A, %dma_wait3A_478, %dma_wait3A_479] : memref<32x80x128xi32, #tpu.memory_space<hbm>> -> memref<1x80x128xi32, #tpu.memory_space<hbm>>
      %dma_wait3A_481 = tpu.memref_squeeze %dma_wait3A_480 : memref<1x80x128xi32, #tpu.memory_space<hbm>> -> memref<80x128xi32, #tpu.memory_space<hbm>>
      tpu.wait_dma2 semaphore(%run_scoped3A : memref<!tpu.dma_semaphore, #tpu.memory_space<semaphore_mem>>) src(%dma_wait3A_481 : memref<80x128xi32, #tpu.memory_space<hbm>>) dst(%arg8 : memref<80x128xi32, #tpu.memory_space<vmem>>)
      tpu.yield
    }) : () -> ()
    "tpu.region"() ({
      %run_scoped3A = tpu.sem_alloc : memref<!tpu.dma_semaphore, #tpu.memory_space<semaphore_mem>>
      %dma_start3A_466 = arith.constant 0 : i32
      %dma_start3A_467 = arith.constant 0 : i32
      %dma_start3A_468 = tpu.memref_slice %arg3[%add3A, %dma_start3A_466, %dma_start3A_467] : memref<32x80x128xi32, #tpu.memory_space<hbm>> -> memref<1x80x128xi32, #tpu.memory_space<hbm>>
      %dma_start3A_469 = tpu.memref_squeeze %dma_start3A_468 : memref<1x80x128xi32, #tpu.memory_space<hbm>> -> memref<80x128xi32, #tpu.memory_space<hbm>>
      %dma_start3A_470 = arith.constant 0 : i32
      %dma_start3A_471 = arith.constant 0 : i32
      %dma_start3A_472 = tpu.memref_slice %arg3[%add3A, %dma_start3A_470, %dma_start3A_471] : memref<32x80x128xi32, #tpu.memory_space<hbm>> -> memref<1x80x128xi32, #tpu.memory_space<hbm>>
      %dma_start3A_473 = tpu.memref_squeeze %dma_start3A_472 : memref<1x80x128xi32, #tpu.memory_space<hbm>> -> memref<80x128xi32, #tpu.memory_space<hbm>>
      tpu.enqueue_dma source(%dma_start3A_473 : memref<80x128xi32, #tpu.memory_space<hbm>>) target(%arg9 : memref<80x128xi32, #tpu.memory_space<vmem>>) target_semaphore(%run_scoped3A : memref<!tpu.dma_semaphore, #tpu.memory_space<semaphore_mem>>)
      %dma_wait3A_474 = arith.constant 0 : i32
      %dma_wait3A_475 = arith.constant 0 : i32
      %dma_wait3A_476 = tpu.memref_slice %arg3[%add3A, %dma_wait3A_474, %dma_wait3A_475] : memref<32x80x128xi32, #tpu.memory_space<hbm>> -> memref<1x80x128xi32, #tpu.memory_space<hbm>>
      %dma_wait3A_477 = tpu.memref_squeeze %dma_wait3A_476 : memref<1x80x128xi32, #tpu.memory_space<hbm>> -> memref<80x128xi32, #tpu.memory_space<hbm>>
      %dma_wait3A_478 = arith.constant 0 : i32
      %dma_wait3A_479 = arith.constant 0 : i32
      %dma_wait3A_480 = tpu.memref_slice %arg3[%add3A, %dma_wait3A_478, %dma_wait3A_479] : memref<32x80x128xi32, #tpu.memory_space<hbm>> -> memref<1x80x128xi32, #tpu.memory_space<hbm>>
      %dma_wait3A_481 = tpu.memref_squeeze %dma_wait3A_480 : memref<1x80x128xi32, #tpu.memory_space<hbm>> -> memref<80x128xi32, #tpu.memory_space<hbm>>
      tpu.wait_dma2 semaphore(%run_scoped3A : memref<!tpu.dma_semaphore, #tpu.memory_space<semaphore_mem>>) src(%dma_wait3A_481 : memref<80x128xi32, #tpu.memory_space<hbm>>) dst(%arg9 : memref<80x128xi32, #tpu.memory_space<vmem>>)
      tpu.yield
    }) : () -> ()
    %barrier3A = arith.constant 0 : index
    tpu.barrier barrier_id(%barrier3A)
    %dma_start3A = arith.constant 0 : i32
    %dma_start3A_9 = arith.constant 0 : i32
    %dma_start3A_10 = arith.constant 0 : i32
    %dma_start3A_11 = arith.constant 0 : i32
    %dma_start3A_12 = tpu.memref_slice %arg10[%dma_start3A_9, %dma_start3A_10, %dma_start3A_11] : memref<8x128x40xf32, #tpu.memory_space<vmem>> -> memref<1x128x40xf32, #tpu.memory_space<vmem>>
    %dma_start3A_13 = tpu.memref_squeeze %dma_start3A_12 : memref<1x128x40xf32, #tpu.memory_space<vmem>> -> memref<128x40xf32, #tpu.memory_space<vmem>>
    %dma_start3A_14 = arith.constant 0 : i32
    %dma_start3A_15 = tpu.memref_slice %arg8[%dma_start3A, %dma_start3A_14] : memref<80x128xi32, #tpu.memory_space<vmem>> -> memref<1x128xi32, #tpu.memory_space<vmem>>
    %dma_start3A_16 = tpu.memref_squeeze %dma_start3A_15 : memref<1x128xi32, #tpu.memory_space<vmem>> -> memref<128xi32, #tpu.memory_space<vmem>>
    %dma_start3A_17 = arith.constant 0 : i32
    %dma_start3A_18 = arith.constant 0 : i32
    %dma_start3A_19 = tpu.memref_slice %arg6[%arg0, %dma_start3A_17, %dma_start3A_18] : memref<2x10240x40xf32, #tpu.memory_space<hbm>> -> memref<1x10240x40xf32, #tpu.memory_space<hbm>>
    %dma_start3A_20 = tpu.memref_squeeze %dma_start3A_19 : memref<1x10240x40xf32, #tpu.memory_space<hbm>> -> memref<10240x40xf32, #tpu.memory_space<hbm>>
    %dma_start3A_21 = arith.constant 0 : i32
    %dma_start3A_22 = arith.constant 0 : i32
    %dma_start3A_23 = tpu.memref_slice %dma_start3A_20[%dma_start3A_21, %dma_start3A_22] : memref<10240x40xf32, #tpu.memory_space<hbm>> -> memref<10240x40xf32, #tpu.memory_space<hbm>>
    tpu.enqueue_indirect_dma source(%dma_start3A_23 : memref<10240x40xf32, #tpu.memory_space<hbm>>) target(%dma_start3A_13 : memref<128x40xf32, #tpu.memory_space<vmem>>) offsets(%dma_start3A_16 : memref<128xi32, #tpu.memory_space<vmem>>) semaphore(%arg13 : memref<!tpu.dma_semaphore, #tpu.memory_space<semaphore_mem>>)
    %dma_start3A_24 = arith.constant 1 : i32
    %dma_start3A_25 = arith.constant 1 : i32
    %dma_start3A_26 = arith.constant 0 : i32
    %dma_start3A_27 = arith.constant 0 : i32
    %dma_start3A_28 = tpu.memref_slice %arg10[%dma_start3A_25, %dma_start3A_26, %dma_start3A_27] : memref<8x128x40xf32, #tpu.memory_space<vmem>> -> memref<1x128x40xf32, #tpu.memory_space<vmem>>
    %dma_start3A_29 = tpu.memref_squeeze %dma_start3A_28 : memref<1x128x40xf32, #tpu.memory_space<vmem>> -> memref<128x40xf32, #tpu.memory_space<vmem>>
    %dma_start3A_30 = arith.constant 0 : i32
    %dma_start3A_31 = tpu.memref_slice %arg8[%dma_start3A_24, %dma_start3A_30] : memref<80x128xi32, #tpu.memory_space<vmem>> -> memref<1x128xi32, #tpu.memory_space<vmem>>
    %dma_start3A_32 = tpu.memref_squeeze %dma_start3A_31 : memref<1x128xi32, #tpu.memory_space<vmem>> -> memref<128xi32, #tpu.memory_space<vmem>>
    %dma_start3A_33 = arith.constant 0 : i32
    %dma_start3A_34 = arith.constant 0 : i32
    %dma_start3A_35 = tpu.memref_slice %arg6[%arg0, %dma_start3A_33, %dma_start3A_34] : memref<2x10240x40xf32, #tpu.memory_space<hbm>> -> memref<1x10240x40xf32, #tpu.memory_space<hbm>>
    %dma_start3A_36 = tpu.memref_squeeze %dma_start3A_35 : memref<1x10240x40xf32, #tpu.memory_space<hbm>> -> memref<10240x40xf32, #tpu.memory_space<hbm>>
    %dma_start3A_37 = arith.constant 0 : i32
    %dma_start3A_38 = arith.constant 0 : i32
    %dma_start3A_39 = tpu.memref_slice %dma_start3A_36[%dma_start3A_37, %dma_start3A_38] : memref<10240x40xf32, #tpu.memory_space<hbm>> -> memref<10240x40xf32, #tpu.memory_space<hbm>>
    tpu.enqueue_indirect_dma source(%dma_start3A_39 : memref<10240x40xf32, #tpu.memory_space<hbm>>) target(%dma_start3A_29 : memref<128x40xf32, #tpu.memory_space<vmem>>) offsets(%dma_start3A_32 : memref<128xi32, #tpu.memory_space<vmem>>) semaphore(%arg14 : memref<!tpu.dma_semaphore, #tpu.memory_space<semaphore_mem>>)
    %dma_start3A_40 = arith.constant 2 : i32
    %dma_start3A_41 = arith.constant 2 : i32
    %dma_start3A_42 = arith.constant 0 : i32
    %dma_start3A_43 = arith.constant 0 : i32
    %dma_start3A_44 = tpu.memref_slice %arg10[%dma_start3A_41, %dma_start3A_42, %dma_start3A_43] : memref<8x128x40xf32, #tpu.memory_space<vmem>> -> memref<1x128x40xf32, #tpu.memory_space<vmem>>
    %dma_start3A_45 = tpu.memref_squeeze %dma_start3A_44 : memref<1x128x40xf32, #tpu.memory_space<vmem>> -> memref<128x40xf32, #tpu.memory_space<vmem>>
    %dma_start3A_46 = arith.constant 0 : i32
    %dma_start3A_47 = tpu.memref_slice %arg8[%dma_start3A_40, %dma_start3A_46] : memref<80x128xi32, #tpu.memory_space<vmem>> -> memref<1x128xi32, #tpu.memory_space<vmem>>
    %dma_start3A_48 = tpu.memref_squeeze %dma_start3A_47 : memref<1x128xi32, #tpu.memory_space<vmem>> -> memref<128xi32, #tpu.memory_space<vmem>>
    %dma_start3A_49 = arith.constant 0 : i32
    %dma_start3A_50 = arith.constant 0 : i32
    %dma_start3A_51 = tpu.memref_slice %arg6[%arg0, %dma_start3A_49, %dma_start3A_50] : memref<2x10240x40xf32, #tpu.memory_space<hbm>> -> memref<1x10240x40xf32, #tpu.memory_space<hbm>>
    %dma_start3A_52 = tpu.memref_squeeze %dma_start3A_51 : memref<1x10240x40xf32, #tpu.memory_space<hbm>> -> memref<10240x40xf32, #tpu.memory_space<hbm>>
    %dma_start3A_53 = arith.constant 0 : i32
    %dma_start3A_54 = arith.constant 0 : i32
    %dma_start3A_55 = tpu.memref_slice %dma_start3A_52[%dma_start3A_53, %dma_start3A_54] : memref<10240x40xf32, #tpu.memory_space<hbm>> -> memref<10240x40xf32, #tpu.memory_space<hbm>>
    tpu.enqueue_indirect_dma source(%dma_start3A_55 : memref<10240x40xf32, #tpu.memory_space<hbm>>) target(%dma_start3A_45 : memref<128x40xf32, #tpu.memory_space<vmem>>) offsets(%dma_start3A_48 : memref<128xi32, #tpu.memory_space<vmem>>) semaphore(%arg15 : memref<!tpu.dma_semaphore, #tpu.memory_space<semaphore_mem>>)
    %dma_start3A_56 = arith.constant 3 : i32
    %dma_start3A_57 = arith.constant 3 : i32
    %dma_start3A_58 = arith.constant 0 : i32
    %dma_start3A_59 = arith.constant 0 : i32
    %dma_start3A_60 = tpu.memref_slice %arg10[%dma_start3A_57, %dma_start3A_58, %dma_start3A_59] : memref<8x128x40xf32, #tpu.memory_space<vmem>> -> memref<1x128x40xf32, #tpu.memory_space<vmem>>
    %dma_start3A_61 = tpu.memref_squeeze %dma_start3A_60 : memref<1x128x40xf32, #tpu.memory_space<vmem>> -> memref<128x40xf32, #tpu.memory_space<vmem>>
    %dma_start3A_62 = arith.constant 0 : i32
    %dma_start3A_63 = tpu.memref_slice %arg8[%dma_start3A_56, %dma_start3A_62] : memref<80x128xi32, #tpu.memory_space<vmem>> -> memref<1x128xi32, #tpu.memory_space<vmem>>
    %dma_start3A_64 = tpu.memref_squeeze %dma_start3A_63 : memref<1x128xi32, #tpu.memory_space<vmem>> -> memref<128xi32, #tpu.memory_space<vmem>>
    %dma_start3A_65 = arith.constant 0 : i32
    %dma_start3A_66 = arith.constant 0 : i32
    %dma_start3A_67 = tpu.memref_slice %arg6[%arg0, %dma_start3A_65, %dma_start3A_66] : memref<2x10240x40xf32, #tpu.memory_space<hbm>> -> memref<1x10240x40xf32, #tpu.memory_space<hbm>>
    %dma_start3A_68 = tpu.memref_squeeze %dma_start3A_67 : memref<1x10240x40xf32, #tpu.memory_space<hbm>> -> memref<10240x40xf32, #tpu.memory_space<hbm>>
    %dma_start3A_69 = arith.constant 0 : i32
    %dma_start3A_70 = arith.constant 0 : i32
    %dma_start3A_71 = tpu.memref_slice %dma_start3A_68[%dma_start3A_69, %dma_start3A_70] : memref<10240x40xf32, #tpu.memory_space<hbm>> -> memref<10240x40xf32, #tpu.memory_space<hbm>>
    tpu.enqueue_indirect_dma source(%dma_start3A_71 : memref<10240x40xf32, #tpu.memory_space<hbm>>) target(%dma_start3A_61 : memref<128x40xf32, #tpu.memory_space<vmem>>) offsets(%dma_start3A_64 : memref<128xi32, #tpu.memory_space<vmem>>) semaphore(%arg16 : memref<!tpu.dma_semaphore, #tpu.memory_space<semaphore_mem>>)
    %dma_start3A_72 = arith.constant 4 : i32
    %dma_start3A_73 = arith.constant 4 : i32
    %dma_start3A_74 = arith.constant 0 : i32
    %dma_start3A_75 = arith.constant 0 : i32
    %dma_start3A_76 = tpu.memref_slice %arg10[%dma_start3A_73, %dma_start3A_74, %dma_start3A_75] : memref<8x128x40xf32, #tpu.memory_space<vmem>> -> memref<1x128x40xf32, #tpu.memory_space<vmem>>
    %dma_start3A_77 = tpu.memref_squeeze %dma_start3A_76 : memref<1x128x40xf32, #tpu.memory_space<vmem>> -> memref<128x40xf32, #tpu.memory_space<vmem>>
    %dma_start3A_78 = arith.constant 0 : i32
    %dma_start3A_79 = tpu.memref_slice %arg8[%dma_start3A_72, %dma_start3A_78] : memref<80x128xi32, #tpu.memory_space<vmem>> -> memref<1x128xi32, #tpu.memory_space<vmem>>
    %dma_start3A_80 = tpu.memref_squeeze %dma_start3A_79 : memref<1x128xi32, #tpu.memory_space<vmem>> -> memref<128xi32, #tpu.memory_space<vmem>>
    %dma_start3A_81 = arith.constant 0 : i32
    %dma_start3A_82 = arith.constant 0 : i32
    %dma_start3A_83 = tpu.memref_slice %arg6[%arg0, %dma_start3A_81, %dma_start3A_82] : memref<2x10240x40xf32, #tpu.memory_space<hbm>> -> memref<1x10240x40xf32, #tpu.memory_space<hbm>>
    %dma_start3A_84 = tpu.memref_squeeze %dma_start3A_83 : memref<1x10240x40xf32, #tpu.memory_space<hbm>> -> memref<10240x40xf32, #tpu.memory_space<hbm>>
    %dma_start3A_85 = arith.constant 0 : i32
    %dma_start3A_86 = arith.constant 0 : i32
    %dma_start3A_87 = tpu.memref_slice %dma_start3A_84[%dma_start3A_85, %dma_start3A_86] : memref<10240x40xf32, #tpu.memory_space<hbm>> -> memref<10240x40xf32, #tpu.memory_space<hbm>>
    tpu.enqueue_indirect_dma source(%dma_start3A_87 : memref<10240x40xf32, #tpu.memory_space<hbm>>) target(%dma_start3A_77 : memref<128x40xf32, #tpu.memory_space<vmem>>) offsets(%dma_start3A_80 : memref<128xi32, #tpu.memory_space<vmem>>) semaphore(%arg17 : memref<!tpu.dma_semaphore, #tpu.memory_space<semaphore_mem>>)
    %dma_start3A_88 = arith.constant 5 : i32
    %dma_start3A_89 = arith.constant 5 : i32
    %dma_start3A_90 = arith.constant 0 : i32
    %dma_start3A_91 = arith.constant 0 : i32
    %dma_start3A_92 = tpu.memref_slice %arg10[%dma_start3A_89, %dma_start3A_90, %dma_start3A_91] : memref<8x128x40xf32, #tpu.memory_space<vmem>> -> memref<1x128x40xf32, #tpu.memory_space<vmem>>
    %dma_start3A_93 = tpu.memref_squeeze %dma_start3A_92 : memref<1x128x40xf32, #tpu.memory_space<vmem>> -> memref<128x40xf32, #tpu.memory_space<vmem>>
    %dma_start3A_94 = arith.constant 0 : i32
    %dma_start3A_95 = tpu.memref_slice %arg8[%dma_start3A_88, %dma_start3A_94] : memref<80x128xi32, #tpu.memory_space<vmem>> -> memref<1x128xi32, #tpu.memory_space<vmem>>
    %dma_start3A_96 = tpu.memref_squeeze %dma_start3A_95 : memref<1x128xi32, #tpu.memory_space<vmem>> -> memref<128xi32, #tpu.memory_space<vmem>>
    %dma_start3A_97 = arith.constant 0 : i32
    %dma_start3A_98 = arith.constant 0 : i32
    %dma_start3A_99 = tpu.memref_slice %arg6[%arg0, %dma_start3A_97, %dma_start3A_98] : memref<2x10240x40xf32, #tpu.memory_space<hbm>> -> memref<1x10240x40xf32, #tpu.memory_space<hbm>>
    %dma_start3A_100 = tpu.memref_squeeze %dma_start3A_99 : memref<1x10240x40xf32, #tpu.memory_space<hbm>> -> memref<10240x40xf32, #tpu.memory_space<hbm>>
    %dma_start3A_101 = arith.constant 0 : i32
    %dma_start3A_102 = arith.constant 0 : i32
    %dma_start3A_103 = tpu.memref_slice %dma_start3A_100[%dma_start3A_101, %dma_start3A_102] : memref<10240x40xf32, #tpu.memory_space<hbm>> -> memref<10240x40xf32, #tpu.memory_space<hbm>>
    tpu.enqueue_indirect_dma source(%dma_start3A_103 : memref<10240x40xf32, #tpu.memory_space<hbm>>) target(%dma_start3A_93 : memref<128x40xf32, #tpu.memory_space<vmem>>) offsets(%dma_start3A_96 : memref<128xi32, #tpu.memory_space<vmem>>) semaphore(%arg18 : memref<!tpu.dma_semaphore, #tpu.memory_space<semaphore_mem>>)
    %dma_start3A_104 = arith.constant 6 : i32
    %dma_start3A_105 = arith.constant 6 : i32
    %dma_start3A_106 = arith.constant 0 : i32
    %dma_start3A_107 = arith.constant 0 : i32
    %dma_start3A_108 = tpu.memref_slice %arg10[%dma_start3A_105, %dma_start3A_106, %dma_start3A_107] : memref<8x128x40xf32, #tpu.memory_space<vmem>> -> memref<1x128x40xf32, #tpu.memory_space<vmem>>
    %dma_start3A_109 = tpu.memref_squeeze %dma_start3A_108 : memref<1x128x40xf32, #tpu.memory_space<vmem>> -> memref<128x40xf32, #tpu.memory_space<vmem>>
    %dma_start3A_110 = arith.constant 0 : i32
    %dma_start3A_111 = tpu.memref_slice %arg8[%dma_start3A_104, %dma_start3A_110] : memref<80x128xi32, #tpu.memory_space<vmem>> -> memref<1x128xi32, #tpu.memory_space<vmem>>
    %dma_start3A_112 = tpu.memref_squeeze %dma_start3A_111 : memref<1x128xi32, #tpu.memory_space<vmem>> -> memref<128xi32, #tpu.memory_space<vmem>>
    %dma_start3A_113 = arith.constant 0 : i32
    %dma_start3A_114 = arith.constant 0 : i32
    %dma_start3A_115 = tpu.memref_slice %arg6[%arg0, %dma_start3A_113, %dma_start3A_114] : memref<2x10240x40xf32, #tpu.memory_space<hbm>> -> memref<1x10240x40xf32, #tpu.memory_space<hbm>>
    %dma_start3A_116 = tpu.memref_squeeze %dma_start3A_115 : memref<1x10240x40xf32, #tpu.memory_space<hbm>> -> memref<10240x40xf32, #tpu.memory_space<hbm>>
    %dma_start3A_117 = arith.constant 0 : i32
    %dma_start3A_118 = arith.constant 0 : i32
    %dma_start3A_119 = tpu.memref_slice %dma_start3A_116[%dma_start3A_117, %dma_start3A_118] : memref<10240x40xf32, #tpu.memory_space<hbm>> -> memref<10240x40xf32, #tpu.memory_space<hbm>>
    tpu.enqueue_indirect_dma source(%dma_start3A_119 : memref<10240x40xf32, #tpu.memory_space<hbm>>) target(%dma_start3A_109 : memref<128x40xf32, #tpu.memory_space<vmem>>) offsets(%dma_start3A_112 : memref<128xi32, #tpu.memory_space<vmem>>) semaphore(%arg19 : memref<!tpu.dma_semaphore, #tpu.memory_space<semaphore_mem>>)
    %dma_start3A_120 = arith.constant 7 : i32
    %dma_start3A_121 = arith.constant 7 : i32
    %dma_start3A_122 = arith.constant 0 : i32
    %dma_start3A_123 = arith.constant 0 : i32
    %dma_start3A_124 = tpu.memref_slice %arg10[%dma_start3A_121, %dma_start3A_122, %dma_start3A_123] : memref<8x128x40xf32, #tpu.memory_space<vmem>> -> memref<1x128x40xf32, #tpu.memory_space<vmem>>
    %dma_start3A_125 = tpu.memref_squeeze %dma_start3A_124 : memref<1x128x40xf32, #tpu.memory_space<vmem>> -> memref<128x40xf32, #tpu.memory_space<vmem>>
    %dma_start3A_126 = arith.constant 0 : i32
    %dma_start3A_127 = tpu.memref_slice %arg8[%dma_start3A_120, %dma_start3A_126] : memref<80x128xi32, #tpu.memory_space<vmem>> -> memref<1x128xi32, #tpu.memory_space<vmem>>
    %dma_start3A_128 = tpu.memref_squeeze %dma_start3A_127 : memref<1x128xi32, #tpu.memory_space<vmem>> -> memref<128xi32, #tpu.memory_space<vmem>>
    %dma_start3A_129 = arith.constant 0 : i32
    %dma_start3A_130 = arith.constant 0 : i32
    %dma_start3A_131 = tpu.memref_slice %arg6[%arg0, %dma_start3A_129, %dma_start3A_130] : memref<2x10240x40xf32, #tpu.memory_space<hbm>> -> memref<1x10240x40xf32, #tpu.memory_space<hbm>>
    %dma_start3A_132 = tpu.memref_squeeze %dma_start3A_131 : memref<1x10240x40xf32, #tpu.memory_space<hbm>> -> memref<10240x40xf32, #tpu.memory_space<hbm>>
    %dma_start3A_133 = arith.constant 0 : i32
    %dma_start3A_134 = arith.constant 0 : i32
    %dma_start3A_135 = tpu.memref_slice %dma_start3A_132[%dma_start3A_133, %dma_start3A_134] : memref<10240x40xf32, #tpu.memory_space<hbm>> -> memref<10240x40xf32, #tpu.memory_space<hbm>>
    tpu.enqueue_indirect_dma source(%dma_start3A_135 : memref<10240x40xf32, #tpu.memory_space<hbm>>) target(%dma_start3A_125 : memref<128x40xf32, #tpu.memory_space<vmem>>) offsets(%dma_start3A_128 : memref<128xi32, #tpu.memory_space<vmem>>) semaphore(%arg20 : memref<!tpu.dma_semaphore, #tpu.memory_space<semaphore_mem>>)
    %scan3A = arith.constant 0 : i32
    %scan3A_136 = arith.constant 9 : i32
    %scan3A_137 = arith.addi %scan3A, %scan3A_136 : i32
    %scan3A_138 = arith.constant 1 : i32
    scf.for %scan3A_466 = %scan3A to %scan3A_137 step %scan3A_138  : i32 {
      %mul3A_467 = arith.constant 1 : i32
      %mul3A_468 = arith.muli %scan3A_466, %mul3A_467 : i32
      %add3A_469 = arith.constant 0 : i32
      %add3A_470 = arith.addi %add3A_469, %mul3A_468 : i32
      %mul3A_471 = arith.constant 8 : i32
      %mul3A_472 = arith.muli %add3A_470, %mul3A_471 : i32
      %dma_wait3A_473 = arith.constant 0 : i32
      %dma_wait3A_474 = arith.constant 0 : i32
      %dma_wait3A_475 = arith.constant 0 : i32
      %dma_wait3A_476 = arith.constant 0 : i32
      %dma_wait3A_477 = tpu.memref_slice %arg10[%dma_wait3A_474, %dma_wait3A_475, %dma_wait3A_476] : memref<8x128x40xf32, #tpu.memory_space<vmem>> -> memref<1x128x40xf32, #tpu.memory_space<vmem>>
      %dma_wait3A_478 = tpu.memref_squeeze %dma_wait3A_477 : memref<1x128x40xf32, #tpu.memory_space<vmem>> -> memref<128x40xf32, #tpu.memory_space<vmem>>
      %dma_wait3A_479 = arith.constant 0 : i32
      %dma_wait3A_480 = tpu.memref_slice %arg8[%dma_wait3A_473, %dma_wait3A_479] : memref<80x128xi32, #tpu.memory_space<vmem>> -> memref<1x128xi32, #tpu.memory_space<vmem>>
      %dma_wait3A_481 = tpu.memref_squeeze %dma_wait3A_480 : memref<1x128xi32, #tpu.memory_space<vmem>> -> memref<128xi32, #tpu.memory_space<vmem>>
      %dma_wait3A_482 = arith.constant 0 : i32
      %dma_wait3A_483 = arith.constant 0 : i32
      %dma_wait3A_484 = tpu.memref_slice %arg6[%arg0, %dma_wait3A_482, %dma_wait3A_483] : memref<2x10240x40xf32, #tpu.memory_space<hbm>> -> memref<1x10240x40xf32, #tpu.memory_space<hbm>>
      %dma_wait3A_485 = tpu.memref_squeeze %dma_wait3A_484 : memref<1x10240x40xf32, #tpu.memory_space<hbm>> -> memref<10240x40xf32, #tpu.memory_space<hbm>>
      %dma_wait3A_486 = arith.constant 0 : i32
      %dma_wait3A_487 = arith.constant 0 : i32
      %dma_wait3A_488 = tpu.memref_slice %dma_wait3A_485[%dma_wait3A_486, %dma_wait3A_487] : memref<10240x40xf32, #tpu.memory_space<hbm>> -> memref<10240x40xf32, #tpu.memory_space<hbm>>
      tpu.wait_indirect_dma semaphore(%arg13 : memref<!tpu.dma_semaphore, #tpu.memory_space<semaphore_mem>>) src(%dma_wait3A_488 : memref<10240x40xf32, #tpu.memory_space<hbm>>) dst(%dma_wait3A_478 : memref<128x40xf32, #tpu.memory_space<vmem>>)
      %add3A_489 = arith.constant 0 : i32
      %add3A_490 = arith.addi %mul3A_472, %add3A_489 : i32
      %dma_start3A_491 = arith.constant 0 : i32
      %dma_start3A_492 = arith.constant 0 : i32
      %dma_start3A_493 = arith.constant 0 : i32
      %dma_start3A_494 = tpu.memref_slice %arg10[%dma_start3A_491, %dma_start3A_492, %dma_start3A_493] : memref<8x128x40xf32, #tpu.memory_space<vmem>> -> memref<1x128x40xf32, #tpu.memory_space<vmem>>
      %dma_start3A_495 = tpu.memref_squeeze %dma_start3A_494 : memref<1x128x40xf32, #tpu.memory_space<vmem>> -> memref<128x40xf32, #tpu.memory_space<vmem>>
      %dma_start3A_496 = arith.constant 0 : i32
      %dma_start3A_497 = tpu.memref_slice %arg9[%add3A_490, %dma_start3A_496] : memref<80x128xi32, #tpu.memory_space<vmem>> -> memref<1x128xi32, #tpu.memory_space<vmem>>
      %dma_start3A_498 = tpu.memref_squeeze %dma_start3A_497 : memref<1x128xi32, #tpu.memory_space<vmem>> -> memref<128xi32, #tpu.memory_space<vmem>>
      %dma_start3A_499 = arith.constant 0 : i32
      %dma_start3A_500 = arith.constant 0 : i32
      %dma_start3A_501 = tpu.memref_slice %arg12[%dma_start3A_499, %dma_start3A_500] : memref<10240x40xf32, #tpu.memory_space<vmem_shared>> -> memref<10240x40xf32, #tpu.memory_space<vmem_shared>>
      tpu.enqueue_indirect_dma source(%dma_start3A_495 : memref<128x40xf32, #tpu.memory_space<vmem>>) target(%dma_start3A_501 : memref<10240x40xf32, #tpu.memory_space<vmem_shared>>) offsets(%dma_start3A_498 : memref<128xi32, #tpu.memory_space<vmem>>) semaphore(%arg13 : memref<!tpu.dma_semaphore, #tpu.memory_space<semaphore_mem>>) {add = true}
      %dma_wait3A_502 = arith.constant 0 : i32
      %dma_wait3A_503 = arith.constant 1 : i32
      %dma_wait3A_504 = arith.constant 0 : i32
      %dma_wait3A_505 = arith.constant 0 : i32
      %dma_wait3A_506 = tpu.memref_slice %arg10[%dma_wait3A_503, %dma_wait3A_504, %dma_wait3A_505] : memref<8x128x40xf32, #tpu.memory_space<vmem>> -> memref<1x128x40xf32, #tpu.memory_space<vmem>>
      %dma_wait3A_507 = tpu.memref_squeeze %dma_wait3A_506 : memref<1x128x40xf32, #tpu.memory_space<vmem>> -> memref<128x40xf32, #tpu.memory_space<vmem>>
      %dma_wait3A_508 = arith.constant 0 : i32
      %dma_wait3A_509 = tpu.memref_slice %arg8[%dma_wait3A_502, %dma_wait3A_508] : memref<80x128xi32, #tpu.memory_space<vmem>> -> memref<1x128xi32, #tpu.memory_space<vmem>>
      %dma_wait3A_510 = tpu.memref_squeeze %dma_wait3A_509 : memref<1x128xi32, #tpu.memory_space<vmem>> -> memref<128xi32, #tpu.memory_space<vmem>>
      %dma_wait3A_511 = arith.constant 0 : i32
      %dma_wait3A_512 = arith.constant 0 : i32
      %dma_wait3A_513 = tpu.memref_slice %arg6[%arg0, %dma_wait3A_511, %dma_wait3A_512] : memref<2x10240x40xf32, #tpu.memory_space<hbm>> -> memref<1x10240x40xf32, #tpu.memory_space<hbm>>
      %dma_wait3A_514 = tpu.memref_squeeze %dma_wait3A_513 : memref<1x10240x40xf32, #tpu.memory_space<hbm>> -> memref<10240x40xf32, #tpu.memory_space<hbm>>
      %dma_wait3A_515 = arith.constant 0 : i32
      %dma_wait3A_516 = arith.constant 0 : i32
      %dma_wait3A_517 = tpu.memref_slice %dma_wait3A_514[%dma_wait3A_515, %dma_wait3A_516] : memref<10240x40xf32, #tpu.memory_space<hbm>> -> memref<10240x40xf32, #tpu.memory_space<hbm>>
      tpu.wait_indirect_dma semaphore(%arg14 : memref<!tpu.dma_semaphore, #tpu.memory_space<semaphore_mem>>) src(%dma_wait3A_517 : memref<10240x40xf32, #tpu.memory_space<hbm>>) dst(%dma_wait3A_507 : memref<128x40xf32, #tpu.memory_space<vmem>>)
      %add3A_518 = arith.constant 1 : i32
      %add3A_519 = arith.addi %mul3A_472, %add3A_518 : i32
      %dma_start3A_520 = arith.constant 1 : i32
      %dma_start3A_521 = arith.constant 0 : i32
      %dma_start3A_522 = arith.constant 0 : i32
      %dma_start3A_523 = tpu.memref_slice %arg10[%dma_start3A_520, %dma_start3A_521, %dma_start3A_522] : memref<8x128x40xf32, #tpu.memory_space<vmem>> -> memref<1x128x40xf32, #tpu.memory_space<vmem>>
      %dma_start3A_524 = tpu.memref_squeeze %dma_start3A_523 : memref<1x128x40xf32, #tpu.memory_space<vmem>> -> memref<128x40xf32, #tpu.memory_space<vmem>>
      %dma_start3A_525 = arith.constant 0 : i32
      %dma_start3A_526 = tpu.memref_slice %arg9[%add3A_519, %dma_start3A_525] : memref<80x128xi32, #tpu.memory_space<vmem>> -> memref<1x128xi32, #tpu.memory_space<vmem>>
      %dma_start3A_527 = tpu.memref_squeeze %dma_start3A_526 : memref<1x128xi32, #tpu.memory_space<vmem>> -> memref<128xi32, #tpu.memory_space<vmem>>
      %dma_start3A_528 = arith.constant 0 : i32
      %dma_start3A_529 = arith.constant 0 : i32
      %dma_start3A_530 = tpu.memref_slice %arg12[%dma_start3A_528, %dma_start3A_529] : memref<10240x40xf32, #tpu.memory_space<vmem_shared>> -> memref<10240x40xf32, #tpu.memory_space<vmem_shared>>
      tpu.enqueue_indirect_dma source(%dma_start3A_524 : memref<128x40xf32, #tpu.memory_space<vmem>>) target(%dma_start3A_530 : memref<10240x40xf32, #tpu.memory_space<vmem_shared>>) offsets(%dma_start3A_527 : memref<128xi32, #tpu.memory_space<vmem>>) semaphore(%arg14 : memref<!tpu.dma_semaphore, #tpu.memory_space<semaphore_mem>>) {add = true}
      %dma_wait3A_531 = arith.constant 0 : i32
      %dma_wait3A_532 = arith.constant 2 : i32
      %dma_wait3A_533 = arith.constant 0 : i32
      %dma_wait3A_534 = arith.constant 0 : i32
      %dma_wait3A_535 = tpu.memref_slice %arg10[%dma_wait3A_532, %dma_wait3A_533, %dma_wait3A_534] : memref<8x128x40xf32, #tpu.memory_space<vmem>> -> memref<1x128x40xf32, #tpu.memory_space<vmem>>
      %dma_wait3A_536 = tpu.memref_squeeze %dma_wait3A_535 : memref<1x128x40xf32, #tpu.memory_space<vmem>> -> memref<128x40xf32, #tpu.memory_space<vmem>>
      %dma_wait3A_537 = arith.constant 0 : i32
      %dma_wait3A_538 = tpu.memref_slice %arg8[%dma_wait3A_531, %dma_wait3A_537] : memref<80x128xi32, #tpu.memory_space<vmem>> -> memref<1x128xi32, #tpu.memory_space<vmem>>
      %dma_wait3A_539 = tpu.memref_squeeze %dma_wait3A_538 : memref<1x128xi32, #tpu.memory_space<vmem>> -> memref<128xi32, #tpu.memory_space<vmem>>
      %dma_wait3A_540 = arith.constant 0 : i32
      %dma_wait3A_541 = arith.constant 0 : i32
      %dma_wait3A_542 = tpu.memref_slice %arg6[%arg0, %dma_wait3A_540, %dma_wait3A_541] : memref<2x10240x40xf32, #tpu.memory_space<hbm>> -> memref<1x10240x40xf32, #tpu.memory_space<hbm>>
      %dma_wait3A_543 = tpu.memref_squeeze %dma_wait3A_542 : memref<1x10240x40xf32, #tpu.memory_space<hbm>> -> memref<10240x40xf32, #tpu.memory_space<hbm>>
      %dma_wait3A_544 = arith.constant 0 : i32
      %dma_wait3A_545 = arith.constant 0 : i32
      %dma_wait3A_546 = tpu.memref_slice %dma_wait3A_543[%dma_wait3A_544, %dma_wait3A_545] : memref<10240x40xf32, #tpu.memory_space<hbm>> -> memref<10240x40xf32, #tpu.memory_space<hbm>>
      tpu.wait_indirect_dma semaphore(%arg15 : memref<!tpu.dma_semaphore, #tpu.memory_space<semaphore_mem>>) src(%dma_wait3A_546 : memref<10240x40xf32, #tpu.memory_space<hbm>>) dst(%dma_wait3A_536 : memref<128x40xf32, #tpu.memory_space<vmem>>)
      %add3A_547 = arith.constant 2 : i32
      %add3A_548 = arith.addi %mul3A_472, %add3A_547 : i32
      %dma_start3A_549 = arith.constant 2 : i32
      %dma_start3A_550 = arith.constant 0 : i32
      %dma_start3A_551 = arith.constant 0 : i32
      %dma_start3A_552 = tpu.memref_slice %arg10[%dma_start3A_549, %dma_start3A_550, %dma_start3A_551] : memref<8x128x40xf32, #tpu.memory_space<vmem>> -> memref<1x128x40xf32, #tpu.memory_space<vmem>>
      %dma_start3A_553 = tpu.memref_squeeze %dma_start3A_552 : memref<1x128x40xf32, #tpu.memory_space<vmem>> -> memref<128x40xf32, #tpu.memory_space<vmem>>
      %dma_start3A_554 = arith.constant 0 : i32
      %dma_start3A_555 = tpu.memref_slice %arg9[%add3A_548, %dma_start3A_554] : memref<80x128xi32, #tpu.memory_space<vmem>> -> memref<1x128xi32, #tpu.memory_space<vmem>>
      %dma_start3A_556 = tpu.memref_squeeze %dma_start3A_555 : memref<1x128xi32, #tpu.memory_space<vmem>> -> memref<128xi32, #tpu.memory_space<vmem>>
      %dma_start3A_557 = arith.constant 0 : i32
      %dma_start3A_558 = arith.constant 0 : i32
      %dma_start3A_559 = tpu.memref_slice %arg12[%dma_start3A_557, %dma_start3A_558] : memref<10240x40xf32, #tpu.memory_space<vmem_shared>> -> memref<10240x40xf32, #tpu.memory_space<vmem_shared>>
      tpu.enqueue_indirect_dma source(%dma_start3A_553 : memref<128x40xf32, #tpu.memory_space<vmem>>) target(%dma_start3A_559 : memref<10240x40xf32, #tpu.memory_space<vmem_shared>>) offsets(%dma_start3A_556 : memref<128xi32, #tpu.memory_space<vmem>>) semaphore(%arg15 : memref<!tpu.dma_semaphore, #tpu.memory_space<semaphore_mem>>) {add = true}
      %dma_wait3A_560 = arith.constant 0 : i32
      %dma_wait3A_561 = arith.constant 3 : i32
      %dma_wait3A_562 = arith.constant 0 : i32
      %dma_wait3A_563 = arith.constant 0 : i32
      %dma_wait3A_564 = tpu.memref_slice %arg10[%dma_wait3A_561, %dma_wait3A_562, %dma_wait3A_563] : memref<8x128x40xf32, #tpu.memory_space<vmem>> -> memref<1x128x40xf32, #tpu.memory_space<vmem>>
      %dma_wait3A_565 = tpu.memref_squeeze %dma_wait3A_564 : memref<1x128x40xf32, #tpu.memory_space<vmem>> -> memref<128x40xf32, #tpu.memory_space<vmem>>
      %dma_wait3A_566 = arith.constant 0 : i32
      %dma_wait3A_567 = tpu.memref_slice %arg8[%dma_wait3A_560, %dma_wait3A_566] : memref<80x128xi32, #tpu.memory_space<vmem>> -> memref<1x128xi32, #tpu.memory_space<vmem>>
      %dma_wait3A_568 = tpu.memref_squeeze %dma_wait3A_567 : memref<1x128xi32, #tpu.memory_space<vmem>> -> memref<128xi32, #tpu.memory_space<vmem>>
      %dma_wait3A_569 = arith.constant 0 : i32
      %dma_wait3A_570 = arith.constant 0 : i32
      %dma_wait3A_571 = tpu.memref_slice %arg6[%arg0, %dma_wait3A_569, %dma_wait3A_570] : memref<2x10240x40xf32, #tpu.memory_space<hbm>> -> memref<1x10240x40xf32, #tpu.memory_space<hbm>>
      %dma_wait3A_572 = tpu.memref_squeeze %dma_wait3A_571 : memref<1x10240x40xf32, #tpu.memory_space<hbm>> -> memref<10240x40xf32, #tpu.memory_space<hbm>>
      %dma_wait3A_573 = arith.constant 0 : i32
      %dma_wait3A_574 = arith.constant 0 : i32
      %dma_wait3A_575 = tpu.memref_slice %dma_wait3A_572[%dma_wait3A_573, %dma_wait3A_574] : memref<10240x40xf32, #tpu.memory_space<hbm>> -> memref<10240x40xf32, #tpu.memory_space<hbm>>
      tpu.wait_indirect_dma semaphore(%arg16 : memref<!tpu.dma_semaphore, #tpu.memory_space<semaphore_mem>>) src(%dma_wait3A_575 : memref<10240x40xf32, #tpu.memory_space<hbm>>) dst(%dma_wait3A_565 : memref<128x40xf32, #tpu.memory_space<vmem>>)
      %add3A_576 = arith.constant 3 : i32
      %add3A_577 = arith.addi %mul3A_472, %add3A_576 : i32
      %dma_start3A_578 = arith.constant 3 : i32
      %dma_start3A_579 = arith.constant 0 : i32
      %dma_start3A_580 = arith.constant 0 : i32
      %dma_start3A_581 = tpu.memref_slice %arg10[%dma_start3A_578, %dma_start3A_579, %dma_start3A_580] : memref<8x128x40xf32, #tpu.memory_space<vmem>> -> memref<1x128x40xf32, #tpu.memory_space<vmem>>
      %dma_start3A_582 = tpu.memref_squeeze %dma_start3A_581 : memref<1x128x40xf32, #tpu.memory_space<vmem>> -> memref<128x40xf32, #tpu.memory_space<vmem>>
      %dma_start3A_583 = arith.constant 0 : i32
      %dma_start3A_584 = tpu.memref_slice %arg9[%add3A_577, %dma_start3A_583] : memref<80x128xi32, #tpu.memory_space<vmem>> -> memref<1x128xi32, #tpu.memory_space<vmem>>
      %dma_start3A_585 = tpu.memref_squeeze %dma_start3A_584 : memref<1x128xi32, #tpu.memory_space<vmem>> -> memref<128xi32, #tpu.memory_space<vmem>>
      %dma_start3A_586 = arith.constant 0 : i32
      %dma_start3A_587 = arith.constant 0 : i32
      %dma_start3A_588 = tpu.memref_slice %arg12[%dma_start3A_586, %dma_start3A_587] : memref<10240x40xf32, #tpu.memory_space<vmem_shared>> -> memref<10240x40xf32, #tpu.memory_space<vmem_shared>>
      tpu.enqueue_indirect_dma source(%dma_start3A_582 : memref<128x40xf32, #tpu.memory_space<vmem>>) target(%dma_start3A_588 : memref<10240x40xf32, #tpu.memory_space<vmem_shared>>) offsets(%dma_start3A_585 : memref<128xi32, #tpu.memory_space<vmem>>) semaphore(%arg16 : memref<!tpu.dma_semaphore, #tpu.memory_space<semaphore_mem>>) {add = true}
      %dma_wait3A_589 = arith.constant 0 : i32
      %dma_wait3A_590 = arith.constant 4 : i32
      %dma_wait3A_591 = arith.constant 0 : i32
      %dma_wait3A_592 = arith.constant 0 : i32
      %dma_wait3A_593 = tpu.memref_slice %arg10[%dma_wait3A_590, %dma_wait3A_591, %dma_wait3A_592] : memref<8x128x40xf32, #tpu.memory_space<vmem>> -> memref<1x128x40xf32, #tpu.memory_space<vmem>>
      %dma_wait3A_594 = tpu.memref_squeeze %dma_wait3A_593 : memref<1x128x40xf32, #tpu.memory_space<vmem>> -> memref<128x40xf32, #tpu.memory_space<vmem>>
      %dma_wait3A_595 = arith.constant 0 : i32
      %dma_wait3A_596 = tpu.memref_slice %arg8[%dma_wait3A_589, %dma_wait3A_595] : memref<80x128xi32, #tpu.memory_space<vmem>> -> memref<1x128xi32, #tpu.memory_space<vmem>>
      %dma_wait3A_597 = tpu.memref_squeeze %dma_wait3A_596 : memref<1x128xi32, #tpu.memory_space<vmem>> -> memref<128xi32, #tpu.memory_space<vmem>>
      %dma_wait3A_598 = arith.constant 0 : i32
      %dma_wait3A_599 = arith.constant 0 : i32
      %dma_wait3A_600 = tpu.memref_slice %arg6[%arg0, %dma_wait3A_598, %dma_wait3A_599] : memref<2x10240x40xf32, #tpu.memory_space<hbm>> -> memref<1x10240x40xf32, #tpu.memory_space<hbm>>
      %dma_wait3A_601 = tpu.memref_squeeze %dma_wait3A_600 : memref<1x10240x40xf32, #tpu.memory_space<hbm>> -> memref<10240x40xf32, #tpu.memory_space<hbm>>
      %dma_wait3A_602 = arith.constant 0 : i32
      %dma_wait3A_603 = arith.constant 0 : i32
      %dma_wait3A_604 = tpu.memref_slice %dma_wait3A_601[%dma_wait3A_602, %dma_wait3A_603] : memref<10240x40xf32, #tpu.memory_space<hbm>> -> memref<10240x40xf32, #tpu.memory_space<hbm>>
      tpu.wait_indirect_dma semaphore(%arg17 : memref<!tpu.dma_semaphore, #tpu.memory_space<semaphore_mem>>) src(%dma_wait3A_604 : memref<10240x40xf32, #tpu.memory_space<hbm>>) dst(%dma_wait3A_594 : memref<128x40xf32, #tpu.memory_space<vmem>>)
      %add3A_605 = arith.constant 4 : i32
      %add3A_606 = arith.addi %mul3A_472, %add3A_605 : i32
      %dma_start3A_607 = arith.constant 4 : i32
      %dma_start3A_608 = arith.constant 0 : i32
      %dma_start3A_609 = arith.constant 0 : i32
      %dma_start3A_610 = tpu.memref_slice %arg10[%dma_start3A_607, %dma_start3A_608, %dma_start3A_609] : memref<8x128x40xf32, #tpu.memory_space<vmem>> -> memref<1x128x40xf32, #tpu.memory_space<vmem>>
      %dma_start3A_611 = tpu.memref_squeeze %dma_start3A_610 : memref<1x128x40xf32, #tpu.memory_space<vmem>> -> memref<128x40xf32, #tpu.memory_space<vmem>>
      %dma_start3A_612 = arith.constant 0 : i32
      %dma_start3A_613 = tpu.memref_slice %arg9[%add3A_606, %dma_start3A_612] : memref<80x128xi32, #tpu.memory_space<vmem>> -> memref<1x128xi32, #tpu.memory_space<vmem>>
      %dma_start3A_614 = tpu.memref_squeeze %dma_start3A_613 : memref<1x128xi32, #tpu.memory_space<vmem>> -> memref<128xi32, #tpu.memory_space<vmem>>
      %dma_start3A_615 = arith.constant 0 : i32
      %dma_start3A_616 = arith.constant 0 : i32
      %dma_start3A_617 = tpu.memref_slice %arg12[%dma_start3A_615, %dma_start3A_616] : memref<10240x40xf32, #tpu.memory_space<vmem_shared>> -> memref<10240x40xf32, #tpu.memory_space<vmem_shared>>
      tpu.enqueue_indirect_dma source(%dma_start3A_611 : memref<128x40xf32, #tpu.memory_space<vmem>>) target(%dma_start3A_617 : memref<10240x40xf32, #tpu.memory_space<vmem_shared>>) offsets(%dma_start3A_614 : memref<128xi32, #tpu.memory_space<vmem>>) semaphore(%arg17 : memref<!tpu.dma_semaphore, #tpu.memory_space<semaphore_mem>>) {add = true}
      %dma_wait3A_618 = arith.constant 0 : i32
      %dma_wait3A_619 = arith.constant 5 : i32
      %dma_wait3A_620 = arith.constant 0 : i32
      %dma_wait3A_621 = arith.constant 0 : i32
      %dma_wait3A_622 = tpu.memref_slice %arg10[%dma_wait3A_619, %dma_wait3A_620, %dma_wait3A_621] : memref<8x128x40xf32, #tpu.memory_space<vmem>> -> memref<1x128x40xf32, #tpu.memory_space<vmem>>
      %dma_wait3A_623 = tpu.memref_squeeze %dma_wait3A_622 : memref<1x128x40xf32, #tpu.memory_space<vmem>> -> memref<128x40xf32, #tpu.memory_space<vmem>>
      %dma_wait3A_624 = arith.constant 0 : i32
      %dma_wait3A_625 = tpu.memref_slice %arg8[%dma_wait3A_618, %dma_wait3A_624] : memref<80x128xi32, #tpu.memory_space<vmem>> -> memref<1x128xi32, #tpu.memory_space<vmem>>
      %dma_wait3A_626 = tpu.memref_squeeze %dma_wait3A_625 : memref<1x128xi32, #tpu.memory_space<vmem>> -> memref<128xi32, #tpu.memory_space<vmem>>
      %dma_wait3A_627 = arith.constant 0 : i32
      %dma_wait3A_628 = arith.constant 0 : i32
      %dma_wait3A_629 = tpu.memref_slice %arg6[%arg0, %dma_wait3A_627, %dma_wait3A_628] : memref<2x10240x40xf32, #tpu.memory_space<hbm>> -> memref<1x10240x40xf32, #tpu.memory_space<hbm>>
      %dma_wait3A_630 = tpu.memref_squeeze %dma_wait3A_629 : memref<1x10240x40xf32, #tpu.memory_space<hbm>> -> memref<10240x40xf32, #tpu.memory_space<hbm>>
      %dma_wait3A_631 = arith.constant 0 : i32
      %dma_wait3A_632 = arith.constant 0 : i32
      %dma_wait3A_633 = tpu.memref_slice %dma_wait3A_630[%dma_wait3A_631, %dma_wait3A_632] : memref<10240x40xf32, #tpu.memory_space<hbm>> -> memref<10240x40xf32, #tpu.memory_space<hbm>>
      tpu.wait_indirect_dma semaphore(%arg18 : memref<!tpu.dma_semaphore, #tpu.memory_space<semaphore_mem>>) src(%dma_wait3A_633 : memref<10240x40xf32, #tpu.memory_space<hbm>>) dst(%dma_wait3A_623 : memref<128x40xf32, #tpu.memory_space<vmem>>)
      %add3A_634 = arith.constant 5 : i32
      %add3A_635 = arith.addi %mul3A_472, %add3A_634 : i32
      %dma_start3A_636 = arith.constant 5 : i32
      %dma_start3A_637 = arith.constant 0 : i32
      %dma_start3A_638 = arith.constant 0 : i32
      %dma_start3A_639 = tpu.memref_slice %arg10[%dma_start3A_636, %dma_start3A_637, %dma_start3A_638] : memref<8x128x40xf32, #tpu.memory_space<vmem>> -> memref<1x128x40xf32, #tpu.memory_space<vmem>>
      %dma_start3A_640 = tpu.memref_squeeze %dma_start3A_639 : memref<1x128x40xf32, #tpu.memory_space<vmem>> -> memref<128x40xf32, #tpu.memory_space<vmem>>
      %dma_start3A_641 = arith.constant 0 : i32
      %dma_start3A_642 = tpu.memref_slice %arg9[%add3A_635, %dma_start3A_641] : memref<80x128xi32, #tpu.memory_space<vmem>> -> memref<1x128xi32, #tpu.memory_space<vmem>>
      %dma_start3A_643 = tpu.memref_squeeze %dma_start3A_642 : memref<1x128xi32, #tpu.memory_space<vmem>> -> memref<128xi32, #tpu.memory_space<vmem>>
      %dma_start3A_644 = arith.constant 0 : i32
      %dma_start3A_645 = arith.constant 0 : i32
      %dma_start3A_646 = tpu.memref_slice %arg12[%dma_start3A_644, %dma_start3A_645] : memref<10240x40xf32, #tpu.memory_space<vmem_shared>> -> memref<10240x40xf32, #tpu.memory_space<vmem_shared>>
      tpu.enqueue_indirect_dma source(%dma_start3A_640 : memref<128x40xf32, #tpu.memory_space<vmem>>) target(%dma_start3A_646 : memref<10240x40xf32, #tpu.memory_space<vmem_shared>>) offsets(%dma_start3A_643 : memref<128xi32, #tpu.memory_space<vmem>>) semaphore(%arg18 : memref<!tpu.dma_semaphore, #tpu.memory_space<semaphore_mem>>) {add = true}
      %dma_wait3A_647 = arith.constant 0 : i32
      %dma_wait3A_648 = arith.constant 6 : i32
      %dma_wait3A_649 = arith.constant 0 : i32
      %dma_wait3A_650 = arith.constant 0 : i32
      %dma_wait3A_651 = tpu.memref_slice %arg10[%dma_wait3A_648, %dma_wait3A_649, %dma_wait3A_650] : memref<8x128x40xf32, #tpu.memory_space<vmem>> -> memref<1x128x40xf32, #tpu.memory_space<vmem>>
      %dma_wait3A_652 = tpu.memref_squeeze %dma_wait3A_651 : memref<1x128x40xf32, #tpu.memory_space<vmem>> -> memref<128x40xf32, #tpu.memory_space<vmem>>
      %dma_wait3A_653 = arith.constant 0 : i32
      %dma_wait3A_654 = tpu.memref_slice %arg8[%dma_wait3A_647, %dma_wait3A_653] : memref<80x128xi32, #tpu.memory_space<vmem>> -> memref<1x128xi32, #tpu.memory_space<vmem>>
      %dma_wait3A_655 = tpu.memref_squeeze %dma_wait3A_654 : memref<1x128xi32, #tpu.memory_space<vmem>> -> memref<128xi32, #tpu.memory_space<vmem>>
      %dma_wait3A_656 = arith.constant 0 : i32
      %dma_wait3A_657 = arith.constant 0 : i32
      %dma_wait3A_658 = tpu.memref_slice %arg6[%arg0, %dma_wait3A_656, %dma_wait3A_657] : memref<2x10240x40xf32, #tpu.memory_space<hbm>> -> memref<1x10240x40xf32, #tpu.memory_space<hbm>>
      %dma_wait3A_659 = tpu.memref_squeeze %dma_wait3A_658 : memref<1x10240x40xf32, #tpu.memory_space<hbm>> -> memref<10240x40xf32, #tpu.memory_space<hbm>>
      %dma_wait3A_660 = arith.constant 0 : i32
      %dma_wait3A_661 = arith.constant 0 : i32
      %dma_wait3A_662 = tpu.memref_slice %dma_wait3A_659[%dma_wait3A_660, %dma_wait3A_661] : memref<10240x40xf32, #tpu.memory_space<hbm>> -> memref<10240x40xf32, #tpu.memory_space<hbm>>
      tpu.wait_indirect_dma semaphore(%arg19 : memref<!tpu.dma_semaphore, #tpu.memory_space<semaphore_mem>>) src(%dma_wait3A_662 : memref<10240x40xf32, #tpu.memory_space<hbm>>) dst(%dma_wait3A_652 : memref<128x40xf32, #tpu.memory_space<vmem>>)
      %add3A_663 = arith.constant 6 : i32
      %add3A_664 = arith.addi %mul3A_472, %add3A_663 : i32
      %dma_start3A_665 = arith.constant 6 : i32
      %dma_start3A_666 = arith.constant 0 : i32
      %dma_start3A_667 = arith.constant 0 : i32
      %dma_start3A_668 = tpu.memref_slice %arg10[%dma_start3A_665, %dma_start3A_666, %dma_start3A_667] : memref<8x128x40xf32, #tpu.memory_space<vmem>> -> memref<1x128x40xf32, #tpu.memory_space<vmem>>
      %dma_start3A_669 = tpu.memref_squeeze %dma_start3A_668 : memref<1x128x40xf32, #tpu.memory_space<vmem>> -> memref<128x40xf32, #tpu.memory_space<vmem>>
      %dma_start3A_670 = arith.constant 0 : i32
      %dma_start3A_671 = tpu.memref_slice %arg9[%add3A_664, %dma_start3A_670] : memref<80x128xi32, #tpu.memory_space<vmem>> -> memref<1x128xi32, #tpu.memory_space<vmem>>
      %dma_start3A_672 = tpu.memref_squeeze %dma_start3A_671 : memref<1x128xi32, #tpu.memory_space<vmem>> -> memref<128xi32, #tpu.memory_space<vmem>>
      %dma_start3A_673 = arith.constant 0 : i32
      %dma_start3A_674 = arith.constant 0 : i32
      %dma_start3A_675 = tpu.memref_slice %arg12[%dma_start3A_673, %dma_start3A_674] : memref<10240x40xf32, #tpu.memory_space<vmem_shared>> -> memref<10240x40xf32, #tpu.memory_space<vmem_shared>>
      tpu.enqueue_indirect_dma source(%dma_start3A_669 : memref<128x40xf32, #tpu.memory_space<vmem>>) target(%dma_start3A_675 : memref<10240x40xf32, #tpu.memory_space<vmem_shared>>) offsets(%dma_start3A_672 : memref<128xi32, #tpu.memory_space<vmem>>) semaphore(%arg19 : memref<!tpu.dma_semaphore, #tpu.memory_space<semaphore_mem>>) {add = true}
      %dma_wait3A_676 = arith.constant 0 : i32
      %dma_wait3A_677 = arith.constant 7 : i32
      %dma_wait3A_678 = arith.constant 0 : i32
      %dma_wait3A_679 = arith.constant 0 : i32
      %dma_wait3A_680 = tpu.memref_slice %arg10[%dma_wait3A_677, %dma_wait3A_678, %dma_wait3A_679] : memref<8x128x40xf32, #tpu.memory_space<vmem>> -> memref<1x128x40xf32, #tpu.memory_space<vmem>>
      %dma_wait3A_681 = tpu.memref_squeeze %dma_wait3A_680 : memref<1x128x40xf32, #tpu.memory_space<vmem>> -> memref<128x40xf32, #tpu.memory_space<vmem>>
      %dma_wait3A_682 = arith.constant 0 : i32
      %dma_wait3A_683 = tpu.memref_slice %arg8[%dma_wait3A_676, %dma_wait3A_682] : memref<80x128xi32, #tpu.memory_space<vmem>> -> memref<1x128xi32, #tpu.memory_space<vmem>>
      %dma_wait3A_684 = tpu.memref_squeeze %dma_wait3A_683 : memref<1x128xi32, #tpu.memory_space<vmem>> -> memref<128xi32, #tpu.memory_space<vmem>>
      %dma_wait3A_685 = arith.constant 0 : i32
      %dma_wait3A_686 = arith.constant 0 : i32
      %dma_wait3A_687 = tpu.memref_slice %arg6[%arg0, %dma_wait3A_685, %dma_wait3A_686] : memref<2x10240x40xf32, #tpu.memory_space<hbm>> -> memref<1x10240x40xf32, #tpu.memory_space<hbm>>
      %dma_wait3A_688 = tpu.memref_squeeze %dma_wait3A_687 : memref<1x10240x40xf32, #tpu.memory_space<hbm>> -> memref<10240x40xf32, #tpu.memory_space<hbm>>
      %dma_wait3A_689 = arith.constant 0 : i32
      %dma_wait3A_690 = arith.constant 0 : i32
      %dma_wait3A_691 = tpu.memref_slice %dma_wait3A_688[%dma_wait3A_689, %dma_wait3A_690] : memref<10240x40xf32, #tpu.memory_space<hbm>> -> memref<10240x40xf32, #tpu.memory_space<hbm>>
      tpu.wait_indirect_dma semaphore(%arg20 : memref<!tpu.dma_semaphore, #tpu.memory_space<semaphore_mem>>) src(%dma_wait3A_691 : memref<10240x40xf32, #tpu.memory_space<hbm>>) dst(%dma_wait3A_681 : memref<128x40xf32, #tpu.memory_space<vmem>>)
      %add3A_692 = arith.constant 7 : i32
      %add3A_693 = arith.addi %mul3A_472, %add3A_692 : i32
      %dma_start3A_694 = arith.constant 7 : i32
      %dma_start3A_695 = arith.constant 0 : i32
      %dma_start3A_696 = arith.constant 0 : i32
      %dma_start3A_697 = tpu.memref_slice %arg10[%dma_start3A_694, %dma_start3A_695, %dma_start3A_696] : memref<8x128x40xf32, #tpu.memory_space<vmem>> -> memref<1x128x40xf32, #tpu.memory_space<vmem>>
      %dma_start3A_698 = tpu.memref_squeeze %dma_start3A_697 : memref<1x128x40xf32, #tpu.memory_space<vmem>> -> memref<128x40xf32, #tpu.memory_space<vmem>>
      %dma_start3A_699 = arith.constant 0 : i32
      %dma_start3A_700 = tpu.memref_slice %arg9[%add3A_693, %dma_start3A_699] : memref<80x128xi32, #tpu.memory_space<vmem>> -> memref<1x128xi32, #tpu.memory_space<vmem>>
      %dma_start3A_701 = tpu.memref_squeeze %dma_start3A_700 : memref<1x128xi32, #tpu.memory_space<vmem>> -> memref<128xi32, #tpu.memory_space<vmem>>
      %dma_start3A_702 = arith.constant 0 : i32
      %dma_start3A_703 = arith.constant 0 : i32
      %dma_start3A_704 = tpu.memref_slice %arg12[%dma_start3A_702, %dma_start3A_703] : memref<10240x40xf32, #tpu.memory_space<vmem_shared>> -> memref<10240x40xf32, #tpu.memory_space<vmem_shared>>
      tpu.enqueue_indirect_dma source(%dma_start3A_698 : memref<128x40xf32, #tpu.memory_space<vmem>>) target(%dma_start3A_704 : memref<10240x40xf32, #tpu.memory_space<vmem_shared>>) offsets(%dma_start3A_701 : memref<128xi32, #tpu.memory_space<vmem>>) semaphore(%arg20 : memref<!tpu.dma_semaphore, #tpu.memory_space<semaphore_mem>>) {add = true}
      %dma_wait3A_705 = arith.constant 0 : i32
      %dma_wait3A_706 = arith.constant 0 : i32
      %dma_wait3A_707 = arith.constant 0 : i32
      %dma_wait3A_708 = arith.constant 0 : i32
      %dma_wait3A_709 = tpu.memref_slice %arg10[%dma_wait3A_705, %dma_wait3A_707, %dma_wait3A_708] : memref<8x128x40xf32, #tpu.memory_space<vmem>> -> memref<1x128x40xf32, #tpu.memory_space<vmem>>
      %dma_wait3A_710 = tpu.memref_squeeze %dma_wait3A_709 : memref<1x128x40xf32, #tpu.memory_space<vmem>> -> memref<128x40xf32, #tpu.memory_space<vmem>>
      %dma_wait3A_711 = arith.constant 0 : i32
      %dma_wait3A_712 = tpu.memref_slice %arg9[%dma_wait3A_706, %dma_wait3A_711] : memref<80x128xi32, #tpu.memory_space<vmem>> -> memref<1x128xi32, #tpu.memory_space<vmem>>
      %dma_wait3A_713 = tpu.memref_squeeze %dma_wait3A_712 : memref<1x128xi32, #tpu.memory_space<vmem>> -> memref<128xi32, #tpu.memory_space<vmem>>
      %dma_wait3A_714 = arith.constant 0 : i32
      %dma_wait3A_715 = arith.constant 0 : i32
      %dma_wait3A_716 = tpu.memref_slice %arg12[%dma_wait3A_714, %dma_wait3A_715] : memref<10240x40xf32, #tpu.memory_space<vmem_shared>> -> memref<10240x40xf32, #tpu.memory_space<vmem_shared>>
      tpu.wait_indirect_dma semaphore(%arg13 : memref<!tpu.dma_semaphore, #tpu.memory_space<semaphore_mem>>) src(%dma_wait3A_710 : memref<128x40xf32, #tpu.memory_space<vmem>>) dst(%dma_wait3A_716 : memref<10240x40xf32, #tpu.memory_space<vmem_shared>>)
      %add3A_717 = arith.constant 8 : i32
      %add3A_718 = arith.addi %mul3A_472, %add3A_717 : i32
      %add3A_719 = arith.constant 0 : i32
      %add3A_720 = arith.addi %add3A_718, %add3A_719 : i32
      %dma_start3A_721 = arith.constant 0 : i32
      %dma_start3A_722 = arith.constant 0 : i32
      %dma_start3A_723 = arith.constant 0 : i32
      %dma_start3A_724 = tpu.memref_slice %arg10[%dma_start3A_721, %dma_start3A_722, %dma_start3A_723] : memref<8x128x40xf32, #tpu.memory_space<vmem>> -> memref<1x128x40xf32, #tpu.memory_space<vmem>>
      %dma_start3A_725 = tpu.memref_squeeze %dma_start3A_724 : memref<1x128x40xf32, #tpu.memory_space<vmem>> -> memref<128x40xf32, #tpu.memory_space<vmem>>
      %dma_start3A_726 = arith.constant 0 : i32
      %dma_start3A_727 = tpu.memref_slice %arg8[%add3A_720, %dma_start3A_726] : memref<80x128xi32, #tpu.memory_space<vmem>> -> memref<1x128xi32, #tpu.memory_space<vmem>>
      %dma_start3A_728 = tpu.memref_squeeze %dma_start3A_727 : memref<1x128xi32, #tpu.memory_space<vmem>> -> memref<128xi32, #tpu.memory_space<vmem>>
      %dma_start3A_729 = arith.constant 0 : i32
      %dma_start3A_730 = arith.constant 0 : i32
      %dma_start3A_731 = tpu.memref_slice %arg6[%arg0, %dma_start3A_729, %dma_start3A_730] : memref<2x10240x40xf32, #tpu.memory_space<hbm>> -> memref<1x10240x40xf32, #tpu.memory_space<hbm>>
      %dma_start3A_732 = tpu.memref_squeeze %dma_start3A_731 : memref<1x10240x40xf32, #tpu.memory_space<hbm>> -> memref<10240x40xf32, #tpu.memory_space<hbm>>
      %dma_start3A_733 = arith.constant 0 : i32
      %dma_start3A_734 = arith.constant 0 : i32
      %dma_start3A_735 = tpu.memref_slice %dma_start3A_732[%dma_start3A_733, %dma_start3A_734] : memref<10240x40xf32, #tpu.memory_space<hbm>> -> memref<10240x40xf32, #tpu.memory_space<hbm>>
      tpu.enqueue_indirect_dma source(%dma_start3A_735 : memref<10240x40xf32, #tpu.memory_space<hbm>>) target(%dma_start3A_725 : memref<128x40xf32, #tpu.memory_space<vmem>>) offsets(%dma_start3A_728 : memref<128xi32, #tpu.memory_space<vmem>>) semaphore(%arg13 : memref<!tpu.dma_semaphore, #tpu.memory_space<semaphore_mem>>)
      %dma_wait3A_736 = arith.constant 1 : i32
      %dma_wait3A_737 = arith.constant 0 : i32
      %dma_wait3A_738 = arith.constant 0 : i32
      %dma_wait3A_739 = arith.constant 0 : i32
      %dma_wait3A_740 = tpu.memref_slice %arg10[%dma_wait3A_736, %dma_wait3A_738, %dma_wait3A_739] : memref<8x128x40xf32, #tpu.memory_space<vmem>> -> memref<1x128x40xf32, #tpu.memory_space<vmem>>
      %dma_wait3A_741 = tpu.memref_squeeze %dma_wait3A_740 : memref<1x128x40xf32, #tpu.memory_space<vmem>> -> memref<128x40xf32, #tpu.memory_space<vmem>>
      %dma_wait3A_742 = arith.constant 0 : i32
      %dma_wait3A_743 = tpu.memref_slice %arg9[%dma_wait3A_737, %dma_wait3A_742] : memref<80x128xi32, #tpu.memory_space<vmem>> -> memref<1x128xi32, #tpu.memory_space<vmem>>
      %dma_wait3A_744 = tpu.memref_squeeze %dma_wait3A_743 : memref<1x128xi32, #tpu.memory_space<vmem>> -> memref<128xi32, #tpu.memory_space<vmem>>
      %dma_wait3A_745 = arith.constant 0 : i32
      %dma_wait3A_746 = arith.constant 0 : i32
      %dma_wait3A_747 = tpu.memref_slice %arg12[%dma_wait3A_745, %dma_wait3A_746] : memref<10240x40xf32, #tpu.memory_space<vmem_shared>> -> memref<10240x40xf32, #tpu.memory_space<vmem_shared>>
      tpu.wait_indirect_dma semaphore(%arg14 : memref<!tpu.dma_semaphore, #tpu.memory_space<semaphore_mem>>) src(%dma_wait3A_741 : memref<128x40xf32, #tpu.memory_space<vmem>>) dst(%dma_wait3A_747 : memref<10240x40xf32, #tpu.memory_space<vmem_shared>>)
      %add3A_748 = arith.constant 8 : i32
      %add3A_749 = arith.addi %mul3A_472, %add3A_748 : i32
      %add3A_750 = arith.constant 1 : i32
      %add3A_751 = arith.addi %add3A_749, %add3A_750 : i32
      %dma_start3A_752 = arith.constant 1 : i32
      %dma_start3A_753 = arith.constant 0 : i32
      %dma_start3A_754 = arith.constant 0 : i32
      %dma_start3A_755 = tpu.memref_slice %arg10[%dma_start3A_752, %dma_start3A_753, %dma_start3A_754] : memref<8x128x40xf32, #tpu.memory_space<vmem>> -> memref<1x128x40xf32, #tpu.memory_space<vmem>>
      %dma_start3A_756 = tpu.memref_squeeze %dma_start3A_755 : memref<1x128x40xf32, #tpu.memory_space<vmem>> -> memref<128x40xf32, #tpu.memory_space<vmem>>
      %dma_start3A_757 = arith.constant 0 : i32
      %dma_start3A_758 = tpu.memref_slice %arg8[%add3A_751, %dma_start3A_757] : memref<80x128xi32, #tpu.memory_space<vmem>> -> memref<1x128xi32, #tpu.memory_space<vmem>>
      %dma_start3A_759 = tpu.memref_squeeze %dma_start3A_758 : memref<1x128xi32, #tpu.memory_space<vmem>> -> memref<128xi32, #tpu.memory_space<vmem>>
      %dma_start3A_760 = arith.constant 0 : i32
      %dma_start3A_761 = arith.constant 0 : i32
      %dma_start3A_762 = tpu.memref_slice %arg6[%arg0, %dma_start3A_760, %dma_start3A_761] : memref<2x10240x40xf32, #tpu.memory_space<hbm>> -> memref<1x10240x40xf32, #tpu.memory_space<hbm>>
      %dma_start3A_763 = tpu.memref_squeeze %dma_start3A_762 : memref<1x10240x40xf32, #tpu.memory_space<hbm>> -> memref<10240x40xf32, #tpu.memory_space<hbm>>
      %dma_start3A_764 = arith.constant 0 : i32
      %dma_start3A_765 = arith.constant 0 : i32
      %dma_start3A_766 = tpu.memref_slice %dma_start3A_763[%dma_start3A_764, %dma_start3A_765] : memref<10240x40xf32, #tpu.memory_space<hbm>> -> memref<10240x40xf32, #tpu.memory_space<hbm>>
      tpu.enqueue_indirect_dma source(%dma_start3A_766 : memref<10240x40xf32, #tpu.memory_space<hbm>>) target(%dma_start3A_756 : memref<128x40xf32, #tpu.memory_space<vmem>>) offsets(%dma_start3A_759 : memref<128xi32, #tpu.memory_space<vmem>>) semaphore(%arg14 : memref<!tpu.dma_semaphore, #tpu.memory_space<semaphore_mem>>)
      %dma_wait3A_767 = arith.constant 2 : i32
      %dma_wait3A_768 = arith.constant 0 : i32
      %dma_wait3A_769 = arith.constant 0 : i32
      %dma_wait3A_770 = arith.constant 0 : i32
      %dma_wait3A_771 = tpu.memref_slice %arg10[%dma_wait3A_767, %dma_wait3A_769, %dma_wait3A_770] : memref<8x128x40xf32, #tpu.memory_space<vmem>> -> memref<1x128x40xf32, #tpu.memory_space<vmem>>
      %dma_wait3A_772 = tpu.memref_squeeze %dma_wait3A_771 : memref<1x128x40xf32, #tpu.memory_space<vmem>> -> memref<128x40xf32, #tpu.memory_space<vmem>>
      %dma_wait3A_773 = arith.constant 0 : i32
      %dma_wait3A_774 = tpu.memref_slice %arg9[%dma_wait3A_768, %dma_wait3A_773] : memref<80x128xi32, #tpu.memory_space<vmem>> -> memref<1x128xi32, #tpu.memory_space<vmem>>
      %dma_wait3A_775 = tpu.memref_squeeze %dma_wait3A_774 : memref<1x128xi32, #tpu.memory_space<vmem>> -> memref<128xi32, #tpu.memory_space<vmem>>
      %dma_wait3A_776 = arith.constant 0 : i32
      %dma_wait3A_777 = arith.constant 0 : i32
      %dma_wait3A_778 = tpu.memref_slice %arg12[%dma_wait3A_776, %dma_wait3A_777] : memref<10240x40xf32, #tpu.memory_space<vmem_shared>> -> memref<10240x40xf32, #tpu.memory_space<vmem_shared>>
      tpu.wait_indirect_dma semaphore(%arg15 : memref<!tpu.dma_semaphore, #tpu.memory_space<semaphore_mem>>) src(%dma_wait3A_772 : memref<128x40xf32, #tpu.memory_space<vmem>>) dst(%dma_wait3A_778 : memref<10240x40xf32, #tpu.memory_space<vmem_shared>>)
      %add3A_779 = arith.constant 8 : i32
      %add3A_780 = arith.addi %mul3A_472, %add3A_779 : i32
      %add3A_781 = arith.constant 2 : i32
      %add3A_782 = arith.addi %add3A_780, %add3A_781 : i32
      %dma_start3A_783 = arith.constant 2 : i32
      %dma_start3A_784 = arith.constant 0 : i32
      %dma_start3A_785 = arith.constant 0 : i32
      %dma_start3A_786 = tpu.memref_slice %arg10[%dma_start3A_783, %dma_start3A_784, %dma_start3A_785] : memref<8x128x40xf32, #tpu.memory_space<vmem>> -> memref<1x128x40xf32, #tpu.memory_space<vmem>>
      %dma_start3A_787 = tpu.memref_squeeze %dma_start3A_786 : memref<1x128x40xf32, #tpu.memory_space<vmem>> -> memref<128x40xf32, #tpu.memory_space<vmem>>
      %dma_start3A_788 = arith.constant 0 : i32
      %dma_start3A_789 = tpu.memref_slice %arg8[%add3A_782, %dma_start3A_788] : memref<80x128xi32, #tpu.memory_space<vmem>> -> memref<1x128xi32, #tpu.memory_space<vmem>>
      %dma_start3A_790 = tpu.memref_squeeze %dma_start3A_789 : memref<1x128xi32, #tpu.memory_space<vmem>> -> memref<128xi32, #tpu.memory_space<vmem>>
      %dma_start3A_791 = arith.constant 0 : i32
      %dma_start3A_792 = arith.constant 0 : i32
      %dma_start3A_793 = tpu.memref_slice %arg6[%arg0, %dma_start3A_791, %dma_start3A_792] : memref<2x10240x40xf32, #tpu.memory_space<hbm>> -> memref<1x10240x40xf32, #tpu.memory_space<hbm>>
      %dma_start3A_794 = tpu.memref_squeeze %dma_start3A_793 : memref<1x10240x40xf32, #tpu.memory_space<hbm>> -> memref<10240x40xf32, #tpu.memory_space<hbm>>
      %dma_start3A_795 = arith.constant 0 : i32
      %dma_start3A_796 = arith.constant 0 : i32
      %dma_start3A_797 = tpu.memref_slice %dma_start3A_794[%dma_start3A_795, %dma_start3A_796] : memref<10240x40xf32, #tpu.memory_space<hbm>> -> memref<10240x40xf32, #tpu.memory_space<hbm>>
      tpu.enqueue_indirect_dma source(%dma_start3A_797 : memref<10240x40xf32, #tpu.memory_space<hbm>>) target(%dma_start3A_787 : memref<128x40xf32, #tpu.memory_space<vmem>>) offsets(%dma_start3A_790 : memref<128xi32, #tpu.memory_space<vmem>>) semaphore(%arg15 : memref<!tpu.dma_semaphore, #tpu.memory_space<semaphore_mem>>)
      %dma_wait3A_798 = arith.constant 3 : i32
      %dma_wait3A_799 = arith.constant 0 : i32
      %dma_wait3A_800 = arith.constant 0 : i32
      %dma_wait3A_801 = arith.constant 0 : i32
      %dma_wait3A_802 = tpu.memref_slice %arg10[%dma_wait3A_798, %dma_wait3A_800, %dma_wait3A_801] : memref<8x128x40xf32, #tpu.memory_space<vmem>> -> memref<1x128x40xf32, #tpu.memory_space<vmem>>
      %dma_wait3A_803 = tpu.memref_squeeze %dma_wait3A_802 : memref<1x128x40xf32, #tpu.memory_space<vmem>> -> memref<128x40xf32, #tpu.memory_space<vmem>>
      %dma_wait3A_804 = arith.constant 0 : i32
      %dma_wait3A_805 = tpu.memref_slice %arg9[%dma_wait3A_799, %dma_wait3A_804] : memref<80x128xi32, #tpu.memory_space<vmem>> -> memref<1x128xi32, #tpu.memory_space<vmem>>
      %dma_wait3A_806 = tpu.memref_squeeze %dma_wait3A_805 : memref<1x128xi32, #tpu.memory_space<vmem>> -> memref<128xi32, #tpu.memory_space<vmem>>
      %dma_wait3A_807 = arith.constant 0 : i32
      %dma_wait3A_808 = arith.constant 0 : i32
      %dma_wait3A_809 = tpu.memref_slice %arg12[%dma_wait3A_807, %dma_wait3A_808] : memref<10240x40xf32, #tpu.memory_space<vmem_shared>> -> memref<10240x40xf32, #tpu.memory_space<vmem_shared>>
      tpu.wait_indirect_dma semaphore(%arg16 : memref<!tpu.dma_semaphore, #tpu.memory_space<semaphore_mem>>) src(%dma_wait3A_803 : memref<128x40xf32, #tpu.memory_space<vmem>>) dst(%dma_wait3A_809 : memref<10240x40xf32, #tpu.memory_space<vmem_shared>>)
      %add3A_810 = arith.constant 8 : i32
      %add3A_811 = arith.addi %mul3A_472, %add3A_810 : i32
      %add3A_812 = arith.constant 3 : i32
      %add3A_813 = arith.addi %add3A_811, %add3A_812 : i32
      %dma_start3A_814 = arith.constant 3 : i32
      %dma_start3A_815 = arith.constant 0 : i32
      %dma_start3A_816 = arith.constant 0 : i32
      %dma_start3A_817 = tpu.memref_slice %arg10[%dma_start3A_814, %dma_start3A_815, %dma_start3A_816] : memref<8x128x40xf32, #tpu.memory_space<vmem>> -> memref<1x128x40xf32, #tpu.memory_space<vmem>>
      %dma_start3A_818 = tpu.memref_squeeze %dma_start3A_817 : memref<1x128x40xf32, #tpu.memory_space<vmem>> -> memref<128x40xf32, #tpu.memory_space<vmem>>
      %dma_start3A_819 = arith.constant 0 : i32
      %dma_start3A_820 = tpu.memref_slice %arg8[%add3A_813, %dma_start3A_819] : memref<80x128xi32, #tpu.memory_space<vmem>> -> memref<1x128xi32, #tpu.memory_space<vmem>>
      %dma_start3A_821 = tpu.memref_squeeze %dma_start3A_820 : memref<1x128xi32, #tpu.memory_space<vmem>> -> memref<128xi32, #tpu.memory_space<vmem>>
      %dma_start3A_822 = arith.constant 0 : i32
      %dma_start3A_823 = arith.constant 0 : i32
      %dma_start3A_824 = tpu.memref_slice %arg6[%arg0, %dma_start3A_822, %dma_start3A_823] : memref<2x10240x40xf32, #tpu.memory_space<hbm>> -> memref<1x10240x40xf32, #tpu.memory_space<hbm>>
      %dma_start3A_825 = tpu.memref_squeeze %dma_start3A_824 : memref<1x10240x40xf32, #tpu.memory_space<hbm>> -> memref<10240x40xf32, #tpu.memory_space<hbm>>
      %dma_start3A_826 = arith.constant 0 : i32
      %dma_start3A_827 = arith.constant 0 : i32
      %dma_start3A_828 = tpu.memref_slice %dma_start3A_825[%dma_start3A_826, %dma_start3A_827] : memref<10240x40xf32, #tpu.memory_space<hbm>> -> memref<10240x40xf32, #tpu.memory_space<hbm>>
      tpu.enqueue_indirect_dma source(%dma_start3A_828 : memref<10240x40xf32, #tpu.memory_space<hbm>>) target(%dma_start3A_818 : memref<128x40xf32, #tpu.memory_space<vmem>>) offsets(%dma_start3A_821 : memref<128xi32, #tpu.memory_space<vmem>>) semaphore(%arg16 : memref<!tpu.dma_semaphore, #tpu.memory_space<semaphore_mem>>)
      %dma_wait3A_829 = arith.constant 4 : i32
      %dma_wait3A_830 = arith.constant 0 : i32
      %dma_wait3A_831 = arith.constant 0 : i32
      %dma_wait3A_832 = arith.constant 0 : i32
      %dma_wait3A_833 = tpu.memref_slice %arg10[%dma_wait3A_829, %dma_wait3A_831, %dma_wait3A_832] : memref<8x128x40xf32, #tpu.memory_space<vmem>> -> memref<1x128x40xf32, #tpu.memory_space<vmem>>
      %dma_wait3A_834 = tpu.memref_squeeze %dma_wait3A_833 : memref<1x128x40xf32, #tpu.memory_space<vmem>> -> memref<128x40xf32, #tpu.memory_space<vmem>>
      %dma_wait3A_835 = arith.constant 0 : i32
      %dma_wait3A_836 = tpu.memref_slice %arg9[%dma_wait3A_830, %dma_wait3A_835] : memref<80x128xi32, #tpu.memory_space<vmem>> -> memref<1x128xi32, #tpu.memory_space<vmem>>
      %dma_wait3A_837 = tpu.memref_squeeze %dma_wait3A_836 : memref<1x128xi32, #tpu.memory_space<vmem>> -> memref<128xi32, #tpu.memory_space<vmem>>
      %dma_wait3A_838 = arith.constant 0 : i32
      %dma_wait3A_839 = arith.constant 0 : i32
      %dma_wait3A_840 = tpu.memref_slice %arg12[%dma_wait3A_838, %dma_wait3A_839] : memref<10240x40xf32, #tpu.memory_space<vmem_shared>> -> memref<10240x40xf32, #tpu.memory_space<vmem_shared>>
      tpu.wait_indirect_dma semaphore(%arg17 : memref<!tpu.dma_semaphore, #tpu.memory_space<semaphore_mem>>) src(%dma_wait3A_834 : memref<128x40xf32, #tpu.memory_space<vmem>>) dst(%dma_wait3A_840 : memref<10240x40xf32, #tpu.memory_space<vmem_shared>>)
      %add3A_841 = arith.constant 8 : i32
      %add3A_842 = arith.addi %mul3A_472, %add3A_841 : i32
      %add3A_843 = arith.constant 4 : i32
      %add3A_844 = arith.addi %add3A_842, %add3A_843 : i32
      %dma_start3A_845 = arith.constant 4 : i32
      %dma_start3A_846 = arith.constant 0 : i32
      %dma_start3A_847 = arith.constant 0 : i32
      %dma_start3A_848 = tpu.memref_slice %arg10[%dma_start3A_845, %dma_start3A_846, %dma_start3A_847] : memref<8x128x40xf32, #tpu.memory_space<vmem>> -> memref<1x128x40xf32, #tpu.memory_space<vmem>>
      %dma_start3A_849 = tpu.memref_squeeze %dma_start3A_848 : memref<1x128x40xf32, #tpu.memory_space<vmem>> -> memref<128x40xf32, #tpu.memory_space<vmem>>
      %dma_start3A_850 = arith.constant 0 : i32
      %dma_start3A_851 = tpu.memref_slice %arg8[%add3A_844, %dma_start3A_850] : memref<80x128xi32, #tpu.memory_space<vmem>> -> memref<1x128xi32, #tpu.memory_space<vmem>>
      %dma_start3A_852 = tpu.memref_squeeze %dma_start3A_851 : memref<1x128xi32, #tpu.memory_space<vmem>> -> memref<128xi32, #tpu.memory_space<vmem>>
      %dma_start3A_853 = arith.constant 0 : i32
      %dma_start3A_854 = arith.constant 0 : i32
      %dma_start3A_855 = tpu.memref_slice %arg6[%arg0, %dma_start3A_853, %dma_start3A_854] : memref<2x10240x40xf32, #tpu.memory_space<hbm>> -> memref<1x10240x40xf32, #tpu.memory_space<hbm>>
      %dma_start3A_856 = tpu.memref_squeeze %dma_start3A_855 : memref<1x10240x40xf32, #tpu.memory_space<hbm>> -> memref<10240x40xf32, #tpu.memory_space<hbm>>
      %dma_start3A_857 = arith.constant 0 : i32
      %dma_start3A_858 = arith.constant 0 : i32
      %dma_start3A_859 = tpu.memref_slice %dma_start3A_856[%dma_start3A_857, %dma_start3A_858] : memref<10240x40xf32, #tpu.memory_space<hbm>> -> memref<10240x40xf32, #tpu.memory_space<hbm>>
      tpu.enqueue_indirect_dma source(%dma_start3A_859 : memref<10240x40xf32, #tpu.memory_space<hbm>>) target(%dma_start3A_849 : memref<128x40xf32, #tpu.memory_space<vmem>>) offsets(%dma_start3A_852 : memref<128xi32, #tpu.memory_space<vmem>>) semaphore(%arg17 : memref<!tpu.dma_semaphore, #tpu.memory_space<semaphore_mem>>)
      %dma_wait3A_860 = arith.constant 5 : i32
      %dma_wait3A_861 = arith.constant 0 : i32
      %dma_wait3A_862 = arith.constant 0 : i32
      %dma_wait3A_863 = arith.constant 0 : i32
      %dma_wait3A_864 = tpu.memref_slice %arg10[%dma_wait3A_860, %dma_wait3A_862, %dma_wait3A_863] : memref<8x128x40xf32, #tpu.memory_space<vmem>> -> memref<1x128x40xf32, #tpu.memory_space<vmem>>
      %dma_wait3A_865 = tpu.memref_squeeze %dma_wait3A_864 : memref<1x128x40xf32, #tpu.memory_space<vmem>> -> memref<128x40xf32, #tpu.memory_space<vmem>>
      %dma_wait3A_866 = arith.constant 0 : i32
      %dma_wait3A_867 = tpu.memref_slice %arg9[%dma_wait3A_861, %dma_wait3A_866] : memref<80x128xi32, #tpu.memory_space<vmem>> -> memref<1x128xi32, #tpu.memory_space<vmem>>
      %dma_wait3A_868 = tpu.memref_squeeze %dma_wait3A_867 : memref<1x128xi32, #tpu.memory_space<vmem>> -> memref<128xi32, #tpu.memory_space<vmem>>
      %dma_wait3A_869 = arith.constant 0 : i32
      %dma_wait3A_870 = arith.constant 0 : i32
      %dma_wait3A_871 = tpu.memref_slice %arg12[%dma_wait3A_869, %dma_wait3A_870] : memref<10240x40xf32, #tpu.memory_space<vmem_shared>> -> memref<10240x40xf32, #tpu.memory_space<vmem_shared>>
      tpu.wait_indirect_dma semaphore(%arg18 : memref<!tpu.dma_semaphore, #tpu.memory_space<semaphore_mem>>) src(%dma_wait3A_865 : memref<128x40xf32, #tpu.memory_space<vmem>>) dst(%dma_wait3A_871 : memref<10240x40xf32, #tpu.memory_space<vmem_shared>>)
      %add3A_872 = arith.constant 8 : i32
      %add3A_873 = arith.addi %mul3A_472, %add3A_872 : i32
      %add3A_874 = arith.constant 5 : i32
      %add3A_875 = arith.addi %add3A_873, %add3A_874 : i32
      %dma_start3A_876 = arith.constant 5 : i32
      %dma_start3A_877 = arith.constant 0 : i32
      %dma_start3A_878 = arith.constant 0 : i32
      %dma_start3A_879 = tpu.memref_slice %arg10[%dma_start3A_876, %dma_start3A_877, %dma_start3A_878] : memref<8x128x40xf32, #tpu.memory_space<vmem>> -> memref<1x128x40xf32, #tpu.memory_space<vmem>>
      %dma_start3A_880 = tpu.memref_squeeze %dma_start3A_879 : memref<1x128x40xf32, #tpu.memory_space<vmem>> -> memref<128x40xf32, #tpu.memory_space<vmem>>
      %dma_start3A_881 = arith.constant 0 : i32
      %dma_start3A_882 = tpu.memref_slice %arg8[%add3A_875, %dma_start3A_881] : memref<80x128xi32, #tpu.memory_space<vmem>> -> memref<1x128xi32, #tpu.memory_space<vmem>>
      %dma_start3A_883 = tpu.memref_squeeze %dma_start3A_882 : memref<1x128xi32, #tpu.memory_space<vmem>> -> memref<128xi32, #tpu.memory_space<vmem>>
      %dma_start3A_884 = arith.constant 0 : i32
      %dma_start3A_885 = arith.constant 0 : i32
      %dma_start3A_886 = tpu.memref_slice %arg6[%arg0, %dma_start3A_884, %dma_start3A_885] : memref<2x10240x40xf32, #tpu.memory_space<hbm>> -> memref<1x10240x40xf32, #tpu.memory_space<hbm>>
      %dma_start3A_887 = tpu.memref_squeeze %dma_start3A_886 : memref<1x10240x40xf32, #tpu.memory_space<hbm>> -> memref<10240x40xf32, #tpu.memory_space<hbm>>
      %dma_start3A_888 = arith.constant 0 : i32
      %dma_start3A_889 = arith.constant 0 : i32
      %dma_start3A_890 = tpu.memref_slice %dma_start3A_887[%dma_start3A_888, %dma_start3A_889] : memref<10240x40xf32, #tpu.memory_space<hbm>> -> memref<10240x40xf32, #tpu.memory_space<hbm>>
      tpu.enqueue_indirect_dma source(%dma_start3A_890 : memref<10240x40xf32, #tpu.memory_space<hbm>>) target(%dma_start3A_880 : memref<128x40xf32, #tpu.memory_space<vmem>>) offsets(%dma_start3A_883 : memref<128xi32, #tpu.memory_space<vmem>>) semaphore(%arg18 : memref<!tpu.dma_semaphore, #tpu.memory_space<semaphore_mem>>)
      %dma_wait3A_891 = arith.constant 6 : i32
      %dma_wait3A_892 = arith.constant 0 : i32
      %dma_wait3A_893 = arith.constant 0 : i32
      %dma_wait3A_894 = arith.constant 0 : i32
      %dma_wait3A_895 = tpu.memref_slice %arg10[%dma_wait3A_891, %dma_wait3A_893, %dma_wait3A_894] : memref<8x128x40xf32, #tpu.memory_space<vmem>> -> memref<1x128x40xf32, #tpu.memory_space<vmem>>
      %dma_wait3A_896 = tpu.memref_squeeze %dma_wait3A_895 : memref<1x128x40xf32, #tpu.memory_space<vmem>> -> memref<128x40xf32, #tpu.memory_space<vmem>>
      %dma_wait3A_897 = arith.constant 0 : i32
      %dma_wait3A_898 = tpu.memref_slice %arg9[%dma_wait3A_892, %dma_wait3A_897] : memref<80x128xi32, #tpu.memory_space<vmem>> -> memref<1x128xi32, #tpu.memory_space<vmem>>
      %dma_wait3A_899 = tpu.memref_squeeze %dma_wait3A_898 : memref<1x128xi32, #tpu.memory_space<vmem>> -> memref<128xi32, #tpu.memory_space<vmem>>
      %dma_wait3A_900 = arith.constant 0 : i32
      %dma_wait3A_901 = arith.constant 0 : i32
      %dma_wait3A_902 = tpu.memref_slice %arg12[%dma_wait3A_900, %dma_wait3A_901] : memref<10240x40xf32, #tpu.memory_space<vmem_shared>> -> memref<10240x40xf32, #tpu.memory_space<vmem_shared>>
      tpu.wait_indirect_dma semaphore(%arg19 : memref<!tpu.dma_semaphore, #tpu.memory_space<semaphore_mem>>) src(%dma_wait3A_896 : memref<128x40xf32, #tpu.memory_space<vmem>>) dst(%dma_wait3A_902 : memref<10240x40xf32, #tpu.memory_space<vmem_shared>>)
      %add3A_903 = arith.constant 8 : i32
      %add3A_904 = arith.addi %mul3A_472, %add3A_903 : i32
      %add3A_905 = arith.constant 6 : i32
      %add3A_906 = arith.addi %add3A_904, %add3A_905 : i32
      %dma_start3A_907 = arith.constant 6 : i32
      %dma_start3A_908 = arith.constant 0 : i32
      %dma_start3A_909 = arith.constant 0 : i32
      %dma_start3A_910 = tpu.memref_slice %arg10[%dma_start3A_907, %dma_start3A_908, %dma_start3A_909] : memref<8x128x40xf32, #tpu.memory_space<vmem>> -> memref<1x128x40xf32, #tpu.memory_space<vmem>>
      %dma_start3A_911 = tpu.memref_squeeze %dma_start3A_910 : memref<1x128x40xf32, #tpu.memory_space<vmem>> -> memref<128x40xf32, #tpu.memory_space<vmem>>
      %dma_start3A_912 = arith.constant 0 : i32
      %dma_start3A_913 = tpu.memref_slice %arg8[%add3A_906, %dma_start3A_912] : memref<80x128xi32, #tpu.memory_space<vmem>> -> memref<1x128xi32, #tpu.memory_space<vmem>>
      %dma_start3A_914 = tpu.memref_squeeze %dma_start3A_913 : memref<1x128xi32, #tpu.memory_space<vmem>> -> memref<128xi32, #tpu.memory_space<vmem>>
      %dma_start3A_915 = arith.constant 0 : i32
      %dma_start3A_916 = arith.constant 0 : i32
      %dma_start3A_917 = tpu.memref_slice %arg6[%arg0, %dma_start3A_915, %dma_start3A_916] : memref<2x10240x40xf32, #tpu.memory_space<hbm>> -> memref<1x10240x40xf32, #tpu.memory_space<hbm>>
      %dma_start3A_918 = tpu.memref_squeeze %dma_start3A_917 : memref<1x10240x40xf32, #tpu.memory_space<hbm>> -> memref<10240x40xf32, #tpu.memory_space<hbm>>
      %dma_start3A_919 = arith.constant 0 : i32
      %dma_start3A_920 = arith.constant 0 : i32
      %dma_start3A_921 = tpu.memref_slice %dma_start3A_918[%dma_start3A_919, %dma_start3A_920] : memref<10240x40xf32, #tpu.memory_space<hbm>> -> memref<10240x40xf32, #tpu.memory_space<hbm>>
      tpu.enqueue_indirect_dma source(%dma_start3A_921 : memref<10240x40xf32, #tpu.memory_space<hbm>>) target(%dma_start3A_911 : memref<128x40xf32, #tpu.memory_space<vmem>>) offsets(%dma_start3A_914 : memref<128xi32, #tpu.memory_space<vmem>>) semaphore(%arg19 : memref<!tpu.dma_semaphore, #tpu.memory_space<semaphore_mem>>)
      %dma_wait3A_922 = arith.constant 7 : i32
      %dma_wait3A_923 = arith.constant 0 : i32
      %dma_wait3A_924 = arith.constant 0 : i32
      %dma_wait3A_925 = arith.constant 0 : i32
      %dma_wait3A_926 = tpu.memref_slice %arg10[%dma_wait3A_922, %dma_wait3A_924, %dma_wait3A_925] : memref<8x128x40xf32, #tpu.memory_space<vmem>> -> memref<1x128x40xf32, #tpu.memory_space<vmem>>
      %dma_wait3A_927 = tpu.memref_squeeze %dma_wait3A_926 : memref<1x128x40xf32, #tpu.memory_space<vmem>> -> memref<128x40xf32, #tpu.memory_space<vmem>>
      %dma_wait3A_928 = arith.constant 0 : i32
      %dma_wait3A_929 = tpu.memref_slice %arg9[%dma_wait3A_923, %dma_wait3A_928] : memref<80x128xi32, #tpu.memory_space<vmem>> -> memref<1x128xi32, #tpu.memory_space<vmem>>
      %dma_wait3A_930 = tpu.memref_squeeze %dma_wait3A_929 : memref<1x128xi32, #tpu.memory_space<vmem>> -> memref<128xi32, #tpu.memory_space<vmem>>
      %dma_wait3A_931 = arith.constant 0 : i32
      %dma_wait3A_932 = arith.constant 0 : i32
      %dma_wait3A_933 = tpu.memref_slice %arg12[%dma_wait3A_931, %dma_wait3A_932] : memref<10240x40xf32, #tpu.memory_space<vmem_shared>> -> memref<10240x40xf32, #tpu.memory_space<vmem_shared>>
      tpu.wait_indirect_dma semaphore(%arg20 : memref<!tpu.dma_semaphore, #tpu.memory_space<semaphore_mem>>) src(%dma_wait3A_927 : memref<128x40xf32, #tpu.memory_space<vmem>>) dst(%dma_wait3A_933 : memref<10240x40xf32, #tpu.memory_space<vmem_shared>>)
      %add3A_934 = arith.constant 8 : i32
      %add3A_935 = arith.addi %mul3A_472, %add3A_934 : i32
      %add3A_936 = arith.constant 7 : i32
      %add3A_937 = arith.addi %add3A_935, %add3A_936 : i32
      %dma_start3A_938 = arith.constant 7 : i32
      %dma_start3A_939 = arith.constant 0 : i32
      %dma_start3A_940 = arith.constant 0 : i32
      %dma_start3A_941 = tpu.memref_slice %arg10[%dma_start3A_938, %dma_start3A_939, %dma_start3A_940] : memref<8x128x40xf32, #tpu.memory_space<vmem>> -> memref<1x128x40xf32, #tpu.memory_space<vmem>>
      %dma_start3A_942 = tpu.memref_squeeze %dma_start3A_941 : memref<1x128x40xf32, #tpu.memory_space<vmem>> -> memref<128x40xf32, #tpu.memory_space<vmem>>
      %dma_start3A_943 = arith.constant 0 : i32
      %dma_start3A_944 = tpu.memref_slice %arg8[%add3A_937, %dma_start3A_943] : memref<80x128xi32, #tpu.memory_space<vmem>> -> memref<1x128xi32, #tpu.memory_space<vmem>>
      %dma_start3A_945 = tpu.memref_squeeze %dma_start3A_944 : memref<1x128xi32, #tpu.memory_space<vmem>> -> memref<128xi32, #tpu.memory_space<vmem>>
      %dma_start3A_946 = arith.constant 0 : i32
      %dma_start3A_947 = arith.constant 0 : i32
      %dma_start3A_948 = tpu.memref_slice %arg6[%arg0, %dma_start3A_946, %dma_start3A_947] : memref<2x10240x40xf32, #tpu.memory_space<hbm>> -> memref<1x10240x40xf32, #tpu.memory_space<hbm>>
      %dma_start3A_949 = tpu.memref_squeeze %dma_start3A_948 : memref<1x10240x40xf32, #tpu.memory_space<hbm>> -> memref<10240x40xf32, #tpu.memory_space<hbm>>
      %dma_start3A_950 = arith.constant 0 : i32
      %dma_start3A_951 = arith.constant 0 : i32
      %dma_start3A_952 = tpu.memref_slice %dma_start3A_949[%dma_start3A_950, %dma_start3A_951] : memref<10240x40xf32, #tpu.memory_space<hbm>> -> memref<10240x40xf32, #tpu.memory_space<hbm>>
      tpu.enqueue_indirect_dma source(%dma_start3A_952 : memref<10240x40xf32, #tpu.memory_space<hbm>>) target(%dma_start3A_942 : memref<128x40xf32, #tpu.memory_space<vmem>>) offsets(%dma_start3A_945 : memref<128xi32, #tpu.memory_space<vmem>>) semaphore(%arg20 : memref<!tpu.dma_semaphore, #tpu.memory_space<semaphore_mem>>)
    }
    %scan3A_139 = arith.constant 9 : i32
    %dma_wait3A = arith.constant 0 : i32
    %dma_wait3A_140 = arith.constant 0 : i32
    %dma_wait3A_141 = arith.constant 0 : i32
    %dma_wait3A_142 = arith.constant 0 : i32
    %dma_wait3A_143 = tpu.memref_slice %arg10[%dma_wait3A_140, %dma_wait3A_141, %dma_wait3A_142] : memref<8x128x40xf32, #tpu.memory_space<vmem>> -> memref<1x128x40xf32, #tpu.memory_space<vmem>>
    %dma_wait3A_144 = tpu.memref_squeeze %dma_wait3A_143 : memref<1x128x40xf32, #tpu.memory_space<vmem>> -> memref<128x40xf32, #tpu.memory_space<vmem>>
    %dma_wait3A_145 = arith.constant 0 : i32
    %dma_wait3A_146 = tpu.memref_slice %arg8[%dma_wait3A, %dma_wait3A_145] : memref<80x128xi32, #tpu.memory_space<vmem>> -> memref<1x128xi32, #tpu.memory_space<vmem>>
    %dma_wait3A_147 = tpu.memref_squeeze %dma_wait3A_146 : memref<1x128xi32, #tpu.memory_space<vmem>> -> memref<128xi32, #tpu.memory_space<vmem>>
    %dma_wait3A_148 = arith.constant 0 : i32
    %dma_wait3A_149 = arith.constant 0 : i32
    %dma_wait3A_150 = tpu.memref_slice %arg6[%arg0, %dma_wait3A_148, %dma_wait3A_149] : memref<2x10240x40xf32, #tpu.memory_space<hbm>> -> memref<1x10240x40xf32, #tpu.memory_space<hbm>>
    %dma_wait3A_151 = tpu.memref_squeeze %dma_wait3A_150 : memref<1x10240x40xf32, #tpu.memory_space<hbm>> -> memref<10240x40xf32, #tpu.memory_space<hbm>>
    %dma_wait3A_152 = arith.constant 0 : i32
    %dma_wait3A_153 = arith.constant 0 : i32
    %dma_wait3A_154 = tpu.memref_slice %dma_wait3A_151[%dma_wait3A_152, %dma_wait3A_153] : memref<10240x40xf32, #tpu.memory_space<hbm>> -> memref<10240x40xf32, #tpu.memory_space<hbm>>
    tpu.wait_indirect_dma semaphore(%arg13 : memref<!tpu.dma_semaphore, #tpu.memory_space<semaphore_mem>>) src(%dma_wait3A_154 : memref<10240x40xf32, #tpu.memory_space<hbm>>) dst(%dma_wait3A_144 : memref<128x40xf32, #tpu.memory_space<vmem>>)
    %dma_start3A_155 = arith.constant 0 : i32
    %dma_start3A_156 = arith.constant 72 : i32
    %dma_start3A_157 = arith.constant 0 : i32
    %dma_start3A_158 = arith.constant 0 : i32
    %dma_start3A_159 = tpu.memref_slice %arg10[%dma_start3A_155, %dma_start3A_157, %dma_start3A_158] : memref<8x128x40xf32, #tpu.memory_space<vmem>> -> memref<1x128x40xf32, #tpu.memory_space<vmem>>
    %dma_start3A_160 = tpu.memref_squeeze %dma_start3A_159 : memref<1x128x40xf32, #tpu.memory_space<vmem>> -> memref<128x40xf32, #tpu.memory_space<vmem>>
    %dma_start3A_161 = arith.constant 0 : i32
    %dma_start3A_162 = tpu.memref_slice %arg9[%dma_start3A_156, %dma_start3A_161] : memref<80x128xi32, #tpu.memory_space<vmem>> -> memref<1x128xi32, #tpu.memory_space<vmem>>
    %dma_start3A_163 = tpu.memref_squeeze %dma_start3A_162 : memref<1x128xi32, #tpu.memory_space<vmem>> -> memref<128xi32, #tpu.memory_space<vmem>>
    %dma_start3A_164 = arith.constant 0 : i32
    %dma_start3A_165 = arith.constant 0 : i32
    %dma_start3A_166 = tpu.memref_slice %arg12[%dma_start3A_164, %dma_start3A_165] : memref<10240x40xf32, #tpu.memory_space<vmem_shared>> -> memref<10240x40xf32, #tpu.memory_space<vmem_shared>>
    tpu.enqueue_indirect_dma source(%dma_start3A_160 : memref<128x40xf32, #tpu.memory_space<vmem>>) target(%dma_start3A_166 : memref<10240x40xf32, #tpu.memory_space<vmem_shared>>) offsets(%dma_start3A_163 : memref<128xi32, #tpu.memory_space<vmem>>) semaphore(%arg13 : memref<!tpu.dma_semaphore, #tpu.memory_space<semaphore_mem>>) {add = true}
    %dma_wait3A_167 = arith.constant 0 : i32
    %dma_wait3A_168 = arith.constant 1 : i32
    %dma_wait3A_169 = arith.constant 0 : i32
    %dma_wait3A_170 = arith.constant 0 : i32
    %dma_wait3A_171 = tpu.memref_slice %arg10[%dma_wait3A_168, %dma_wait3A_169, %dma_wait3A_170] : memref<8x128x40xf32, #tpu.memory_space<vmem>> -> memref<1x128x40xf32, #tpu.memory_space<vmem>>
    %dma_wait3A_172 = tpu.memref_squeeze %dma_wait3A_171 : memref<1x128x40xf32, #tpu.memory_space<vmem>> -> memref<128x40xf32, #tpu.memory_space<vmem>>
    %dma_wait3A_173 = arith.constant 0 : i32
    %dma_wait3A_174 = tpu.memref_slice %arg8[%dma_wait3A_167, %dma_wait3A_173] : memref<80x128xi32, #tpu.memory_space<vmem>> -> memref<1x128xi32, #tpu.memory_space<vmem>>
    %dma_wait3A_175 = tpu.memref_squeeze %dma_wait3A_174 : memref<1x128xi32, #tpu.memory_space<vmem>> -> memref<128xi32, #tpu.memory_space<vmem>>
    %dma_wait3A_176 = arith.constant 0 : i32
    %dma_wait3A_177 = arith.constant 0 : i32
    %dma_wait3A_178 = tpu.memref_slice %arg6[%arg0, %dma_wait3A_176, %dma_wait3A_177] : memref<2x10240x40xf32, #tpu.memory_space<hbm>> -> memref<1x10240x40xf32, #tpu.memory_space<hbm>>
    %dma_wait3A_179 = tpu.memref_squeeze %dma_wait3A_178 : memref<1x10240x40xf32, #tpu.memory_space<hbm>> -> memref<10240x40xf32, #tpu.memory_space<hbm>>
    %dma_wait3A_180 = arith.constant 0 : i32
    %dma_wait3A_181 = arith.constant 0 : i32
    %dma_wait3A_182 = tpu.memref_slice %dma_wait3A_179[%dma_wait3A_180, %dma_wait3A_181] : memref<10240x40xf32, #tpu.memory_space<hbm>> -> memref<10240x40xf32, #tpu.memory_space<hbm>>
    tpu.wait_indirect_dma semaphore(%arg14 : memref<!tpu.dma_semaphore, #tpu.memory_space<semaphore_mem>>) src(%dma_wait3A_182 : memref<10240x40xf32, #tpu.memory_space<hbm>>) dst(%dma_wait3A_172 : memref<128x40xf32, #tpu.memory_space<vmem>>)
    %dma_start3A_183 = arith.constant 1 : i32
    %dma_start3A_184 = arith.constant 73 : i32
    %dma_start3A_185 = arith.constant 0 : i32
    %dma_start3A_186 = arith.constant 0 : i32
    %dma_start3A_187 = tpu.memref_slice %arg10[%dma_start3A_183, %dma_start3A_185, %dma_start3A_186] : memref<8x128x40xf32, #tpu.memory_space<vmem>> -> memref<1x128x40xf32, #tpu.memory_space<vmem>>
    %dma_start3A_188 = tpu.memref_squeeze %dma_start3A_187 : memref<1x128x40xf32, #tpu.memory_space<vmem>> -> memref<128x40xf32, #tpu.memory_space<vmem>>
    %dma_start3A_189 = arith.constant 0 : i32
    %dma_start3A_190 = tpu.memref_slice %arg9[%dma_start3A_184, %dma_start3A_189] : memref<80x128xi32, #tpu.memory_space<vmem>> -> memref<1x128xi32, #tpu.memory_space<vmem>>
    %dma_start3A_191 = tpu.memref_squeeze %dma_start3A_190 : memref<1x128xi32, #tpu.memory_space<vmem>> -> memref<128xi32, #tpu.memory_space<vmem>>
    %dma_start3A_192 = arith.constant 0 : i32
    %dma_start3A_193 = arith.constant 0 : i32
    %dma_start3A_194 = tpu.memref_slice %arg12[%dma_start3A_192, %dma_start3A_193] : memref<10240x40xf32, #tpu.memory_space<vmem_shared>> -> memref<10240x40xf32, #tpu.memory_space<vmem_shared>>
    tpu.enqueue_indirect_dma source(%dma_start3A_188 : memref<128x40xf32, #tpu.memory_space<vmem>>) target(%dma_start3A_194 : memref<10240x40xf32, #tpu.memory_space<vmem_shared>>) offsets(%dma_start3A_191 : memref<128xi32, #tpu.memory_space<vmem>>) semaphore(%arg14 : memref<!tpu.dma_semaphore, #tpu.memory_space<semaphore_mem>>) {add = true}
    %dma_wait3A_195 = arith.constant 0 : i32
    %dma_wait3A_196 = arith.constant 2 : i32
    %dma_wait3A_197 = arith.constant 0 : i32
    %dma_wait3A_198 = arith.constant 0 : i32
    %dma_wait3A_199 = tpu.memref_slice %arg10[%dma_wait3A_196, %dma_wait3A_197, %dma_wait3A_198] : memref<8x128x40xf32, #tpu.memory_space<vmem>> -> memref<1x128x40xf32, #tpu.memory_space<vmem>>
    %dma_wait3A_200 = tpu.memref_squeeze %dma_wait3A_199 : memref<1x128x40xf32, #tpu.memory_space<vmem>> -> memref<128x40xf32, #tpu.memory_space<vmem>>
    %dma_wait3A_201 = arith.constant 0 : i32
    %dma_wait3A_202 = tpu.memref_slice %arg8[%dma_wait3A_195, %dma_wait3A_201] : memref<80x128xi32, #tpu.memory_space<vmem>> -> memref<1x128xi32, #tpu.memory_space<vmem>>
    %dma_wait3A_203 = tpu.memref_squeeze %dma_wait3A_202 : memref<1x128xi32, #tpu.memory_space<vmem>> -> memref<128xi32, #tpu.memory_space<vmem>>
    %dma_wait3A_204 = arith.constant 0 : i32
    %dma_wait3A_205 = arith.constant 0 : i32
    %dma_wait3A_206 = tpu.memref_slice %arg6[%arg0, %dma_wait3A_204, %dma_wait3A_205] : memref<2x10240x40xf32, #tpu.memory_space<hbm>> -> memref<1x10240x40xf32, #tpu.memory_space<hbm>>
    %dma_wait3A_207 = tpu.memref_squeeze %dma_wait3A_206 : memref<1x10240x40xf32, #tpu.memory_space<hbm>> -> memref<10240x40xf32, #tpu.memory_space<hbm>>
    %dma_wait3A_208 = arith.constant 0 : i32
    %dma_wait3A_209 = arith.constant 0 : i32
    %dma_wait3A_210 = tpu.memref_slice %dma_wait3A_207[%dma_wait3A_208, %dma_wait3A_209] : memref<10240x40xf32, #tpu.memory_space<hbm>> -> memref<10240x40xf32, #tpu.memory_space<hbm>>
    tpu.wait_indirect_dma semaphore(%arg15 : memref<!tpu.dma_semaphore, #tpu.memory_space<semaphore_mem>>) src(%dma_wait3A_210 : memref<10240x40xf32, #tpu.memory_space<hbm>>) dst(%dma_wait3A_200 : memref<128x40xf32, #tpu.memory_space<vmem>>)
    %dma_start3A_211 = arith.constant 2 : i32
    %dma_start3A_212 = arith.constant 74 : i32
    %dma_start3A_213 = arith.constant 0 : i32
    %dma_start3A_214 = arith.constant 0 : i32
    %dma_start3A_215 = tpu.memref_slice %arg10[%dma_start3A_211, %dma_start3A_213, %dma_start3A_214] : memref<8x128x40xf32, #tpu.memory_space<vmem>> -> memref<1x128x40xf32, #tpu.memory_space<vmem>>
    %dma_start3A_216 = tpu.memref_squeeze %dma_start3A_215 : memref<1x128x40xf32, #tpu.memory_space<vmem>> -> memref<128x40xf32, #tpu.memory_space<vmem>>
    %dma_start3A_217 = arith.constant 0 : i32
    %dma_start3A_218 = tpu.memref_slice %arg9[%dma_start3A_212, %dma_start3A_217] : memref<80x128xi32, #tpu.memory_space<vmem>> -> memref<1x128xi32, #tpu.memory_space<vmem>>
    %dma_start3A_219 = tpu.memref_squeeze %dma_start3A_218 : memref<1x128xi32, #tpu.memory_space<vmem>> -> memref<128xi32, #tpu.memory_space<vmem>>
    %dma_start3A_220 = arith.constant 0 : i32
    %dma_start3A_221 = arith.constant 0 : i32
    %dma_start3A_222 = tpu.memref_slice %arg12[%dma_start3A_220, %dma_start3A_221] : memref<10240x40xf32, #tpu.memory_space<vmem_shared>> -> memref<10240x40xf32, #tpu.memory_space<vmem_shared>>
    tpu.enqueue_indirect_dma source(%dma_start3A_216 : memref<128x40xf32, #tpu.memory_space<vmem>>) target(%dma_start3A_222 : memref<10240x40xf32, #tpu.memory_space<vmem_shared>>) offsets(%dma_start3A_219 : memref<128xi32, #tpu.memory_space<vmem>>) semaphore(%arg15 : memref<!tpu.dma_semaphore, #tpu.memory_space<semaphore_mem>>) {add = true}
    %dma_wait3A_223 = arith.constant 0 : i32
    %dma_wait3A_224 = arith.constant 3 : i32
    %dma_wait3A_225 = arith.constant 0 : i32
    %dma_wait3A_226 = arith.constant 0 : i32
    %dma_wait3A_227 = tpu.memref_slice %arg10[%dma_wait3A_224, %dma_wait3A_225, %dma_wait3A_226] : memref<8x128x40xf32, #tpu.memory_space<vmem>> -> memref<1x128x40xf32, #tpu.memory_space<vmem>>
    %dma_wait3A_228 = tpu.memref_squeeze %dma_wait3A_227 : memref<1x128x40xf32, #tpu.memory_space<vmem>> -> memref<128x40xf32, #tpu.memory_space<vmem>>
    %dma_wait3A_229 = arith.constant 0 : i32
    %dma_wait3A_230 = tpu.memref_slice %arg8[%dma_wait3A_223, %dma_wait3A_229] : memref<80x128xi32, #tpu.memory_space<vmem>> -> memref<1x128xi32, #tpu.memory_space<vmem>>
    %dma_wait3A_231 = tpu.memref_squeeze %dma_wait3A_230 : memref<1x128xi32, #tpu.memory_space<vmem>> -> memref<128xi32, #tpu.memory_space<vmem>>
    %dma_wait3A_232 = arith.constant 0 : i32
    %dma_wait3A_233 = arith.constant 0 : i32
    %dma_wait3A_234 = tpu.memref_slice %arg6[%arg0, %dma_wait3A_232, %dma_wait3A_233] : memref<2x10240x40xf32, #tpu.memory_space<hbm>> -> memref<1x10240x40xf32, #tpu.memory_space<hbm>>
    %dma_wait3A_235 = tpu.memref_squeeze %dma_wait3A_234 : memref<1x10240x40xf32, #tpu.memory_space<hbm>> -> memref<10240x40xf32, #tpu.memory_space<hbm>>
    %dma_wait3A_236 = arith.constant 0 : i32
    %dma_wait3A_237 = arith.constant 0 : i32
    %dma_wait3A_238 = tpu.memref_slice %dma_wait3A_235[%dma_wait3A_236, %dma_wait3A_237] : memref<10240x40xf32, #tpu.memory_space<hbm>> -> memref<10240x40xf32, #tpu.memory_space<hbm>>
    tpu.wait_indirect_dma semaphore(%arg16 : memref<!tpu.dma_semaphore, #tpu.memory_space<semaphore_mem>>) src(%dma_wait3A_238 : memref<10240x40xf32, #tpu.memory_space<hbm>>) dst(%dma_wait3A_228 : memref<128x40xf32, #tpu.memory_space<vmem>>)
    %dma_start3A_239 = arith.constant 3 : i32
    %dma_start3A_240 = arith.constant 75 : i32
    %dma_start3A_241 = arith.constant 0 : i32
    %dma_start3A_242 = arith.constant 0 : i32
    %dma_start3A_243 = tpu.memref_slice %arg10[%dma_start3A_239, %dma_start3A_241, %dma_start3A_242] : memref<8x128x40xf32, #tpu.memory_space<vmem>> -> memref<1x128x40xf32, #tpu.memory_space<vmem>>
    %dma_start3A_244 = tpu.memref_squeeze %dma_start3A_243 : memref<1x128x40xf32, #tpu.memory_space<vmem>> -> memref<128x40xf32, #tpu.memory_space<vmem>>
    %dma_start3A_245 = arith.constant 0 : i32
    %dma_start3A_246 = tpu.memref_slice %arg9[%dma_start3A_240, %dma_start3A_245] : memref<80x128xi32, #tpu.memory_space<vmem>> -> memref<1x128xi32, #tpu.memory_space<vmem>>
    %dma_start3A_247 = tpu.memref_squeeze %dma_start3A_246 : memref<1x128xi32, #tpu.memory_space<vmem>> -> memref<128xi32, #tpu.memory_space<vmem>>
    %dma_start3A_248 = arith.constant 0 : i32
    %dma_start3A_249 = arith.constant 0 : i32
    %dma_start3A_250 = tpu.memref_slice %arg12[%dma_start3A_248, %dma_start3A_249] : memref<10240x40xf32, #tpu.memory_space<vmem_shared>> -> memref<10240x40xf32, #tpu.memory_space<vmem_shared>>
    tpu.enqueue_indirect_dma source(%dma_start3A_244 : memref<128x40xf32, #tpu.memory_space<vmem>>) target(%dma_start3A_250 : memref<10240x40xf32, #tpu.memory_space<vmem_shared>>) offsets(%dma_start3A_247 : memref<128xi32, #tpu.memory_space<vmem>>) semaphore(%arg16 : memref<!tpu.dma_semaphore, #tpu.memory_space<semaphore_mem>>) {add = true}
    %dma_wait3A_251 = arith.constant 0 : i32
    %dma_wait3A_252 = arith.constant 4 : i32
    %dma_wait3A_253 = arith.constant 0 : i32
    %dma_wait3A_254 = arith.constant 0 : i32
    %dma_wait3A_255 = tpu.memref_slice %arg10[%dma_wait3A_252, %dma_wait3A_253, %dma_wait3A_254] : memref<8x128x40xf32, #tpu.memory_space<vmem>> -> memref<1x128x40xf32, #tpu.memory_space<vmem>>
    %dma_wait3A_256 = tpu.memref_squeeze %dma_wait3A_255 : memref<1x128x40xf32, #tpu.memory_space<vmem>> -> memref<128x40xf32, #tpu.memory_space<vmem>>
    %dma_wait3A_257 = arith.constant 0 : i32
    %dma_wait3A_258 = tpu.memref_slice %arg8[%dma_wait3A_251, %dma_wait3A_257] : memref<80x128xi32, #tpu.memory_space<vmem>> -> memref<1x128xi32, #tpu.memory_space<vmem>>
    %dma_wait3A_259 = tpu.memref_squeeze %dma_wait3A_258 : memref<1x128xi32, #tpu.memory_space<vmem>> -> memref<128xi32, #tpu.memory_space<vmem>>
    %dma_wait3A_260 = arith.constant 0 : i32
    %dma_wait3A_261 = arith.constant 0 : i32
    %dma_wait3A_262 = tpu.memref_slice %arg6[%arg0, %dma_wait3A_260, %dma_wait3A_261] : memref<2x10240x40xf32, #tpu.memory_space<hbm>> -> memref<1x10240x40xf32, #tpu.memory_space<hbm>>
    %dma_wait3A_263 = tpu.memref_squeeze %dma_wait3A_262 : memref<1x10240x40xf32, #tpu.memory_space<hbm>> -> memref<10240x40xf32, #tpu.memory_space<hbm>>
    %dma_wait3A_264 = arith.constant 0 : i32
    %dma_wait3A_265 = arith.constant 0 : i32
    %dma_wait3A_266 = tpu.memref_slice %dma_wait3A_263[%dma_wait3A_264, %dma_wait3A_265] : memref<10240x40xf32, #tpu.memory_space<hbm>> -> memref<10240x40xf32, #tpu.memory_space<hbm>>
    tpu.wait_indirect_dma semaphore(%arg17 : memref<!tpu.dma_semaphore, #tpu.memory_space<semaphore_mem>>) src(%dma_wait3A_266 : memref<10240x40xf32, #tpu.memory_space<hbm>>) dst(%dma_wait3A_256 : memref<128x40xf32, #tpu.memory_space<vmem>>)
    %dma_start3A_267 = arith.constant 4 : i32
    %dma_start3A_268 = arith.constant 76 : i32
    %dma_start3A_269 = arith.constant 0 : i32
    %dma_start3A_270 = arith.constant 0 : i32
    %dma_start3A_271 = tpu.memref_slice %arg10[%dma_start3A_267, %dma_start3A_269, %dma_start3A_270] : memref<8x128x40xf32, #tpu.memory_space<vmem>> -> memref<1x128x40xf32, #tpu.memory_space<vmem>>
    %dma_start3A_272 = tpu.memref_squeeze %dma_start3A_271 : memref<1x128x40xf32, #tpu.memory_space<vmem>> -> memref<128x40xf32, #tpu.memory_space<vmem>>
    %dma_start3A_273 = arith.constant 0 : i32
    %dma_start3A_274 = tpu.memref_slice %arg9[%dma_start3A_268, %dma_start3A_273] : memref<80x128xi32, #tpu.memory_space<vmem>> -> memref<1x128xi32, #tpu.memory_space<vmem>>
    %dma_start3A_275 = tpu.memref_squeeze %dma_start3A_274 : memref<1x128xi32, #tpu.memory_space<vmem>> -> memref<128xi32, #tpu.memory_space<vmem>>
    %dma_start3A_276 = arith.constant 0 : i32
    %dma_start3A_277 = arith.constant 0 : i32
    %dma_start3A_278 = tpu.memref_slice %arg12[%dma_start3A_276, %dma_start3A_277] : memref<10240x40xf32, #tpu.memory_space<vmem_shared>> -> memref<10240x40xf32, #tpu.memory_space<vmem_shared>>
    tpu.enqueue_indirect_dma source(%dma_start3A_272 : memref<128x40xf32, #tpu.memory_space<vmem>>) target(%dma_start3A_278 : memref<10240x40xf32, #tpu.memory_space<vmem_shared>>) offsets(%dma_start3A_275 : memref<128xi32, #tpu.memory_space<vmem>>) semaphore(%arg17 : memref<!tpu.dma_semaphore, #tpu.memory_space<semaphore_mem>>) {add = true}
    %dma_wait3A_279 = arith.constant 0 : i32
    %dma_wait3A_280 = arith.constant 5 : i32
    %dma_wait3A_281 = arith.constant 0 : i32
    %dma_wait3A_282 = arith.constant 0 : i32
    %dma_wait3A_283 = tpu.memref_slice %arg10[%dma_wait3A_280, %dma_wait3A_281, %dma_wait3A_282] : memref<8x128x40xf32, #tpu.memory_space<vmem>> -> memref<1x128x40xf32, #tpu.memory_space<vmem>>
    %dma_wait3A_284 = tpu.memref_squeeze %dma_wait3A_283 : memref<1x128x40xf32, #tpu.memory_space<vmem>> -> memref<128x40xf32, #tpu.memory_space<vmem>>
    %dma_wait3A_285 = arith.constant 0 : i32
    %dma_wait3A_286 = tpu.memref_slice %arg8[%dma_wait3A_279, %dma_wait3A_285] : memref<80x128xi32, #tpu.memory_space<vmem>> -> memref<1x128xi32, #tpu.memory_space<vmem>>
    %dma_wait3A_287 = tpu.memref_squeeze %dma_wait3A_286 : memref<1x128xi32, #tpu.memory_space<vmem>> -> memref<128xi32, #tpu.memory_space<vmem>>
    %dma_wait3A_288 = arith.constant 0 : i32
    %dma_wait3A_289 = arith.constant 0 : i32
    %dma_wait3A_290 = tpu.memref_slice %arg6[%arg0, %dma_wait3A_288, %dma_wait3A_289] : memref<2x10240x40xf32, #tpu.memory_space<hbm>> -> memref<1x10240x40xf32, #tpu.memory_space<hbm>>
    %dma_wait3A_291 = tpu.memref_squeeze %dma_wait3A_290 : memref<1x10240x40xf32, #tpu.memory_space<hbm>> -> memref<10240x40xf32, #tpu.memory_space<hbm>>
    %dma_wait3A_292 = arith.constant 0 : i32
    %dma_wait3A_293 = arith.constant 0 : i32
    %dma_wait3A_294 = tpu.memref_slice %dma_wait3A_291[%dma_wait3A_292, %dma_wait3A_293] : memref<10240x40xf32, #tpu.memory_space<hbm>> -> memref<10240x40xf32, #tpu.memory_space<hbm>>
    tpu.wait_indirect_dma semaphore(%arg18 : memref<!tpu.dma_semaphore, #tpu.memory_space<semaphore_mem>>) src(%dma_wait3A_294 : memref<10240x40xf32, #tpu.memory_space<hbm>>) dst(%dma_wait3A_284 : memref<128x40xf32, #tpu.memory_space<vmem>>)
    %dma_start3A_295 = arith.constant 5 : i32
    %dma_start3A_296 = arith.constant 77 : i32
    %dma_start3A_297 = arith.constant 0 : i32
    %dma_start3A_298 = arith.constant 0 : i32
    %dma_start3A_299 = tpu.memref_slice %arg10[%dma_start3A_295, %dma_start3A_297, %dma_start3A_298] : memref<8x128x40xf32, #tpu.memory_space<vmem>> -> memref<1x128x40xf32, #tpu.memory_space<vmem>>
    %dma_start3A_300 = tpu.memref_squeeze %dma_start3A_299 : memref<1x128x40xf32, #tpu.memory_space<vmem>> -> memref<128x40xf32, #tpu.memory_space<vmem>>
    %dma_start3A_301 = arith.constant 0 : i32
    %dma_start3A_302 = tpu.memref_slice %arg9[%dma_start3A_296, %dma_start3A_301] : memref<80x128xi32, #tpu.memory_space<vmem>> -> memref<1x128xi32, #tpu.memory_space<vmem>>
    %dma_start3A_303 = tpu.memref_squeeze %dma_start3A_302 : memref<1x128xi32, #tpu.memory_space<vmem>> -> memref<128xi32, #tpu.memory_space<vmem>>
    %dma_start3A_304 = arith.constant 0 : i32
    %dma_start3A_305 = arith.constant 0 : i32
    %dma_start3A_306 = tpu.memref_slice %arg12[%dma_start3A_304, %dma_start3A_305] : memref<10240x40xf32, #tpu.memory_space<vmem_shared>> -> memref<10240x40xf32, #tpu.memory_space<vmem_shared>>
    tpu.enqueue_indirect_dma source(%dma_start3A_300 : memref<128x40xf32, #tpu.memory_space<vmem>>) target(%dma_start3A_306 : memref<10240x40xf32, #tpu.memory_space<vmem_shared>>) offsets(%dma_start3A_303 : memref<128xi32, #tpu.memory_space<vmem>>) semaphore(%arg18 : memref<!tpu.dma_semaphore, #tpu.memory_space<semaphore_mem>>) {add = true}
    %dma_wait3A_307 = arith.constant 0 : i32
    %dma_wait3A_308 = arith.constant 6 : i32
    %dma_wait3A_309 = arith.constant 0 : i32
    %dma_wait3A_310 = arith.constant 0 : i32
    %dma_wait3A_311 = tpu.memref_slice %arg10[%dma_wait3A_308, %dma_wait3A_309, %dma_wait3A_310] : memref<8x128x40xf32, #tpu.memory_space<vmem>> -> memref<1x128x40xf32, #tpu.memory_space<vmem>>
    %dma_wait3A_312 = tpu.memref_squeeze %dma_wait3A_311 : memref<1x128x40xf32, #tpu.memory_space<vmem>> -> memref<128x40xf32, #tpu.memory_space<vmem>>
    %dma_wait3A_313 = arith.constant 0 : i32
    %dma_wait3A_314 = tpu.memref_slice %arg8[%dma_wait3A_307, %dma_wait3A_313] : memref<80x128xi32, #tpu.memory_space<vmem>> -> memref<1x128xi32, #tpu.memory_space<vmem>>
    %dma_wait3A_315 = tpu.memref_squeeze %dma_wait3A_314 : memref<1x128xi32, #tpu.memory_space<vmem>> -> memref<128xi32, #tpu.memory_space<vmem>>
    %dma_wait3A_316 = arith.constant 0 : i32
    %dma_wait3A_317 = arith.constant 0 : i32
    %dma_wait3A_318 = tpu.memref_slice %arg6[%arg0, %dma_wait3A_316, %dma_wait3A_317] : memref<2x10240x40xf32, #tpu.memory_space<hbm>> -> memref<1x10240x40xf32, #tpu.memory_space<hbm>>
    %dma_wait3A_319 = tpu.memref_squeeze %dma_wait3A_318 : memref<1x10240x40xf32, #tpu.memory_space<hbm>> -> memref<10240x40xf32, #tpu.memory_space<hbm>>
    %dma_wait3A_320 = arith.constant 0 : i32
    %dma_wait3A_321 = arith.constant 0 : i32
    %dma_wait3A_322 = tpu.memref_slice %dma_wait3A_319[%dma_wait3A_320, %dma_wait3A_321] : memref<10240x40xf32, #tpu.memory_space<hbm>> -> memref<10240x40xf32, #tpu.memory_space<hbm>>
    tpu.wait_indirect_dma semaphore(%arg19 : memref<!tpu.dma_semaphore, #tpu.memory_space<semaphore_mem>>) src(%dma_wait3A_322 : memref<10240x40xf32, #tpu.memory_space<hbm>>) dst(%dma_wait3A_312 : memref<128x40xf32, #tpu.memory_space<vmem>>)
    %dma_start3A_323 = arith.constant 6 : i32
    %dma_start3A_324 = arith.constant 78 : i32
    %dma_start3A_325 = arith.constant 0 : i32
    %dma_start3A_326 = arith.constant 0 : i32
    %dma_start3A_327 = tpu.memref_slice %arg10[%dma_start3A_323, %dma_start3A_325, %dma_start3A_326] : memref<8x128x40xf32, #tpu.memory_space<vmem>> -> memref<1x128x40xf32, #tpu.memory_space<vmem>>
    %dma_start3A_328 = tpu.memref_squeeze %dma_start3A_327 : memref<1x128x40xf32, #tpu.memory_space<vmem>> -> memref<128x40xf32, #tpu.memory_space<vmem>>
    %dma_start3A_329 = arith.constant 0 : i32
    %dma_start3A_330 = tpu.memref_slice %arg9[%dma_start3A_324, %dma_start3A_329] : memref<80x128xi32, #tpu.memory_space<vmem>> -> memref<1x128xi32, #tpu.memory_space<vmem>>
    %dma_start3A_331 = tpu.memref_squeeze %dma_start3A_330 : memref<1x128xi32, #tpu.memory_space<vmem>> -> memref<128xi32, #tpu.memory_space<vmem>>
    %dma_start3A_332 = arith.constant 0 : i32
    %dma_start3A_333 = arith.constant 0 : i32
    %dma_start3A_334 = tpu.memref_slice %arg12[%dma_start3A_332, %dma_start3A_333] : memref<10240x40xf32, #tpu.memory_space<vmem_shared>> -> memref<10240x40xf32, #tpu.memory_space<vmem_shared>>
    tpu.enqueue_indirect_dma source(%dma_start3A_328 : memref<128x40xf32, #tpu.memory_space<vmem>>) target(%dma_start3A_334 : memref<10240x40xf32, #tpu.memory_space<vmem_shared>>) offsets(%dma_start3A_331 : memref<128xi32, #tpu.memory_space<vmem>>) semaphore(%arg19 : memref<!tpu.dma_semaphore, #tpu.memory_space<semaphore_mem>>) {add = true}
    %dma_wait3A_335 = arith.constant 0 : i32
    %dma_wait3A_336 = arith.constant 7 : i32
    %dma_wait3A_337 = arith.constant 0 : i32
    %dma_wait3A_338 = arith.constant 0 : i32
    %dma_wait3A_339 = tpu.memref_slice %arg10[%dma_wait3A_336, %dma_wait3A_337, %dma_wait3A_338] : memref<8x128x40xf32, #tpu.memory_space<vmem>> -> memref<1x128x40xf32, #tpu.memory_space<vmem>>
    %dma_wait3A_340 = tpu.memref_squeeze %dma_wait3A_339 : memref<1x128x40xf32, #tpu.memory_space<vmem>> -> memref<128x40xf32, #tpu.memory_space<vmem>>
    %dma_wait3A_341 = arith.constant 0 : i32
    %dma_wait3A_342 = tpu.memref_slice %arg8[%dma_wait3A_335, %dma_wait3A_341] : memref<80x128xi32, #tpu.memory_space<vmem>> -> memref<1x128xi32, #tpu.memory_space<vmem>>
    %dma_wait3A_343 = tpu.memref_squeeze %dma_wait3A_342 : memref<1x128xi32, #tpu.memory_space<vmem>> -> memref<128xi32, #tpu.memory_space<vmem>>
    %dma_wait3A_344 = arith.constant 0 : i32
    %dma_wait3A_345 = arith.constant 0 : i32
    %dma_wait3A_346 = tpu.memref_slice %arg6[%arg0, %dma_wait3A_344, %dma_wait3A_345] : memref<2x10240x40xf32, #tpu.memory_space<hbm>> -> memref<1x10240x40xf32, #tpu.memory_space<hbm>>
    %dma_wait3A_347 = tpu.memref_squeeze %dma_wait3A_346 : memref<1x10240x40xf32, #tpu.memory_space<hbm>> -> memref<10240x40xf32, #tpu.memory_space<hbm>>
    %dma_wait3A_348 = arith.constant 0 : i32
    %dma_wait3A_349 = arith.constant 0 : i32
    %dma_wait3A_350 = tpu.memref_slice %dma_wait3A_347[%dma_wait3A_348, %dma_wait3A_349] : memref<10240x40xf32, #tpu.memory_space<hbm>> -> memref<10240x40xf32, #tpu.memory_space<hbm>>
    tpu.wait_indirect_dma semaphore(%arg20 : memref<!tpu.dma_semaphore, #tpu.memory_space<semaphore_mem>>) src(%dma_wait3A_350 : memref<10240x40xf32, #tpu.memory_space<hbm>>) dst(%dma_wait3A_340 : memref<128x40xf32, #tpu.memory_space<vmem>>)
    %dma_start3A_351 = arith.constant 7 : i32
    %dma_start3A_352 = arith.constant 79 : i32
    %dma_start3A_353 = arith.constant 0 : i32
    %dma_start3A_354 = arith.constant 0 : i32
    %dma_start3A_355 = tpu.memref_slice %arg10[%dma_start3A_351, %dma_start3A_353, %dma_start3A_354] : memref<8x128x40xf32, #tpu.memory_space<vmem>> -> memref<1x128x40xf32, #tpu.memory_space<vmem>>
    %dma_start3A_356 = tpu.memref_squeeze %dma_start3A_355 : memref<1x128x40xf32, #tpu.memory_space<vmem>> -> memref<128x40xf32, #tpu.memory_space<vmem>>
    %dma_start3A_357 = arith.constant 0 : i32
    %dma_start3A_358 = tpu.memref_slice %arg9[%dma_start3A_352, %dma_start3A_357] : memref<80x128xi32, #tpu.memory_space<vmem>> -> memref<1x128xi32, #tpu.memory_space<vmem>>
    %dma_start3A_359 = tpu.memref_squeeze %dma_start3A_358 : memref<1x128xi32, #tpu.memory_space<vmem>> -> memref<128xi32, #tpu.memory_space<vmem>>
    %dma_start3A_360 = arith.constant 0 : i32
    %dma_start3A_361 = arith.constant 0 : i32
    %dma_start3A_362 = tpu.memref_slice %arg12[%dma_start3A_360, %dma_start3A_361] : memref<10240x40xf32, #tpu.memory_space<vmem_shared>> -> memref<10240x40xf32, #tpu.memory_space<vmem_shared>>
    tpu.enqueue_indirect_dma source(%dma_start3A_356 : memref<128x40xf32, #tpu.memory_space<vmem>>) target(%dma_start3A_362 : memref<10240x40xf32, #tpu.memory_space<vmem_shared>>) offsets(%dma_start3A_359 : memref<128xi32, #tpu.memory_space<vmem>>) semaphore(%arg20 : memref<!tpu.dma_semaphore, #tpu.memory_space<semaphore_mem>>) {add = true}
    %dma_wait3A_363 = arith.constant 0 : i32
    %dma_wait3A_364 = arith.constant 0 : i32
    %dma_wait3A_365 = arith.constant 0 : i32
    %dma_wait3A_366 = arith.constant 0 : i32
    %dma_wait3A_367 = tpu.memref_slice %arg10[%dma_wait3A_363, %dma_wait3A_365, %dma_wait3A_366] : memref<8x128x40xf32, #tpu.memory_space<vmem>> -> memref<1x128x40xf32, #tpu.memory_space<vmem>>
    %dma_wait3A_368 = tpu.memref_squeeze %dma_wait3A_367 : memref<1x128x40xf32, #tpu.memory_space<vmem>> -> memref<128x40xf32, #tpu.memory_space<vmem>>
    %dma_wait3A_369 = arith.constant 0 : i32
    %dma_wait3A_370 = tpu.memref_slice %arg9[%dma_wait3A_364, %dma_wait3A_369] : memref<80x128xi32, #tpu.memory_space<vmem>> -> memref<1x128xi32, #tpu.memory_space<vmem>>
    %dma_wait3A_371 = tpu.memref_squeeze %dma_wait3A_370 : memref<1x128xi32, #tpu.memory_space<vmem>> -> memref<128xi32, #tpu.memory_space<vmem>>
    %dma_wait3A_372 = arith.constant 0 : i32
    %dma_wait3A_373 = arith.constant 0 : i32
    %dma_wait3A_374 = tpu.memref_slice %arg12[%dma_wait3A_372, %dma_wait3A_373] : memref<10240x40xf32, #tpu.memory_space<vmem_shared>> -> memref<10240x40xf32, #tpu.memory_space<vmem_shared>>
    tpu.wait_indirect_dma semaphore(%arg13 : memref<!tpu.dma_semaphore, #tpu.memory_space<semaphore_mem>>) src(%dma_wait3A_368 : memref<128x40xf32, #tpu.memory_space<vmem>>) dst(%dma_wait3A_374 : memref<10240x40xf32, #tpu.memory_space<vmem_shared>>)
    %dma_wait3A_375 = arith.constant 1 : i32
    %dma_wait3A_376 = arith.constant 0 : i32
    %dma_wait3A_377 = arith.constant 0 : i32
    %dma_wait3A_378 = arith.constant 0 : i32
    %dma_wait3A_379 = tpu.memref_slice %arg10[%dma_wait3A_375, %dma_wait3A_377, %dma_wait3A_378] : memref<8x128x40xf32, #tpu.memory_space<vmem>> -> memref<1x128x40xf32, #tpu.memory_space<vmem>>
    %dma_wait3A_380 = tpu.memref_squeeze %dma_wait3A_379 : memref<1x128x40xf32, #tpu.memory_space<vmem>> -> memref<128x40xf32, #tpu.memory_space<vmem>>
    %dma_wait3A_381 = arith.constant 0 : i32
    %dma_wait3A_382 = tpu.memref_slice %arg9[%dma_wait3A_376, %dma_wait3A_381] : memref<80x128xi32, #tpu.memory_space<vmem>> -> memref<1x128xi32, #tpu.memory_space<vmem>>
    %dma_wait3A_383 = tpu.memref_squeeze %dma_wait3A_382 : memref<1x128xi32, #tpu.memory_space<vmem>> -> memref<128xi32, #tpu.memory_space<vmem>>
    %dma_wait3A_384 = arith.constant 0 : i32
    %dma_wait3A_385 = arith.constant 0 : i32
    %dma_wait3A_386 = tpu.memref_slice %arg12[%dma_wait3A_384, %dma_wait3A_385] : memref<10240x40xf32, #tpu.memory_space<vmem_shared>> -> memref<10240x40xf32, #tpu.memory_space<vmem_shared>>
    tpu.wait_indirect_dma semaphore(%arg14 : memref<!tpu.dma_semaphore, #tpu.memory_space<semaphore_mem>>) src(%dma_wait3A_380 : memref<128x40xf32, #tpu.memory_space<vmem>>) dst(%dma_wait3A_386 : memref<10240x40xf32, #tpu.memory_space<vmem_shared>>)
    %dma_wait3A_387 = arith.constant 2 : i32
    %dma_wait3A_388 = arith.constant 0 : i32
    %dma_wait3A_389 = arith.constant 0 : i32
    %dma_wait3A_390 = arith.constant 0 : i32
    %dma_wait3A_391 = tpu.memref_slice %arg10[%dma_wait3A_387, %dma_wait3A_389, %dma_wait3A_390] : memref<8x128x40xf32, #tpu.memory_space<vmem>> -> memref<1x128x40xf32, #tpu.memory_space<vmem>>
    %dma_wait3A_392 = tpu.memref_squeeze %dma_wait3A_391 : memref<1x128x40xf32, #tpu.memory_space<vmem>> -> memref<128x40xf32, #tpu.memory_space<vmem>>
    %dma_wait3A_393 = arith.constant 0 : i32
    %dma_wait3A_394 = tpu.memref_slice %arg9[%dma_wait3A_388, %dma_wait3A_393] : memref<80x128xi32, #tpu.memory_space<vmem>> -> memref<1x128xi32, #tpu.memory_space<vmem>>
    %dma_wait3A_395 = tpu.memref_squeeze %dma_wait3A_394 : memref<1x128xi32, #tpu.memory_space<vmem>> -> memref<128xi32, #tpu.memory_space<vmem>>
    %dma_wait3A_396 = arith.constant 0 : i32
    %dma_wait3A_397 = arith.constant 0 : i32
    %dma_wait3A_398 = tpu.memref_slice %arg12[%dma_wait3A_396, %dma_wait3A_397] : memref<10240x40xf32, #tpu.memory_space<vmem_shared>> -> memref<10240x40xf32, #tpu.memory_space<vmem_shared>>
    tpu.wait_indirect_dma semaphore(%arg15 : memref<!tpu.dma_semaphore, #tpu.memory_space<semaphore_mem>>) src(%dma_wait3A_392 : memref<128x40xf32, #tpu.memory_space<vmem>>) dst(%dma_wait3A_398 : memref<10240x40xf32, #tpu.memory_space<vmem_shared>>)
    %dma_wait3A_399 = arith.constant 3 : i32
    %dma_wait3A_400 = arith.constant 0 : i32
    %dma_wait3A_401 = arith.constant 0 : i32
    %dma_wait3A_402 = arith.constant 0 : i32
    %dma_wait3A_403 = tpu.memref_slice %arg10[%dma_wait3A_399, %dma_wait3A_401, %dma_wait3A_402] : memref<8x128x40xf32, #tpu.memory_space<vmem>> -> memref<1x128x40xf32, #tpu.memory_space<vmem>>
    %dma_wait3A_404 = tpu.memref_squeeze %dma_wait3A_403 : memref<1x128x40xf32, #tpu.memory_space<vmem>> -> memref<128x40xf32, #tpu.memory_space<vmem>>
    %dma_wait3A_405 = arith.constant 0 : i32
    %dma_wait3A_406 = tpu.memref_slice %arg9[%dma_wait3A_400, %dma_wait3A_405] : memref<80x128xi32, #tpu.memory_space<vmem>> -> memref<1x128xi32, #tpu.memory_space<vmem>>
    %dma_wait3A_407 = tpu.memref_squeeze %dma_wait3A_406 : memref<1x128xi32, #tpu.memory_space<vmem>> -> memref<128xi32, #tpu.memory_space<vmem>>
    %dma_wait3A_408 = arith.constant 0 : i32
    %dma_wait3A_409 = arith.constant 0 : i32
    %dma_wait3A_410 = tpu.memref_slice %arg12[%dma_wait3A_408, %dma_wait3A_409] : memref<10240x40xf32, #tpu.memory_space<vmem_shared>> -> memref<10240x40xf32, #tpu.memory_space<vmem_shared>>
    tpu.wait_indirect_dma semaphore(%arg16 : memref<!tpu.dma_semaphore, #tpu.memory_space<semaphore_mem>>) src(%dma_wait3A_404 : memref<128x40xf32, #tpu.memory_space<vmem>>) dst(%dma_wait3A_410 : memref<10240x40xf32, #tpu.memory_space<vmem_shared>>)
    %dma_wait3A_411 = arith.constant 4 : i32
    %dma_wait3A_412 = arith.constant 0 : i32
    %dma_wait3A_413 = arith.constant 0 : i32
    %dma_wait3A_414 = arith.constant 0 : i32
    %dma_wait3A_415 = tpu.memref_slice %arg10[%dma_wait3A_411, %dma_wait3A_413, %dma_wait3A_414] : memref<8x128x40xf32, #tpu.memory_space<vmem>> -> memref<1x128x40xf32, #tpu.memory_space<vmem>>
    %dma_wait3A_416 = tpu.memref_squeeze %dma_wait3A_415 : memref<1x128x40xf32, #tpu.memory_space<vmem>> -> memref<128x40xf32, #tpu.memory_space<vmem>>
    %dma_wait3A_417 = arith.constant 0 : i32
    %dma_wait3A_418 = tpu.memref_slice %arg9[%dma_wait3A_412, %dma_wait3A_417] : memref<80x128xi32, #tpu.memory_space<vmem>> -> memref<1x128xi32, #tpu.memory_space<vmem>>
    %dma_wait3A_419 = tpu.memref_squeeze %dma_wait3A_418 : memref<1x128xi32, #tpu.memory_space<vmem>> -> memref<128xi32, #tpu.memory_space<vmem>>
    %dma_wait3A_420 = arith.constant 0 : i32
    %dma_wait3A_421 = arith.constant 0 : i32
    %dma_wait3A_422 = tpu.memref_slice %arg12[%dma_wait3A_420, %dma_wait3A_421] : memref<10240x40xf32, #tpu.memory_space<vmem_shared>> -> memref<10240x40xf32, #tpu.memory_space<vmem_shared>>
    tpu.wait_indirect_dma semaphore(%arg17 : memref<!tpu.dma_semaphore, #tpu.memory_space<semaphore_mem>>) src(%dma_wait3A_416 : memref<128x40xf32, #tpu.memory_space<vmem>>) dst(%dma_wait3A_422 : memref<10240x40xf32, #tpu.memory_space<vmem_shared>>)
    %dma_wait3A_423 = arith.constant 5 : i32
    %dma_wait3A_424 = arith.constant 0 : i32
    %dma_wait3A_425 = arith.constant 0 : i32
    %dma_wait3A_426 = arith.constant 0 : i32
    %dma_wait3A_427 = tpu.memref_slice %arg10[%dma_wait3A_423, %dma_wait3A_425, %dma_wait3A_426] : memref<8x128x40xf32, #tpu.memory_space<vmem>> -> memref<1x128x40xf32, #tpu.memory_space<vmem>>
    %dma_wait3A_428 = tpu.memref_squeeze %dma_wait3A_427 : memref<1x128x40xf32, #tpu.memory_space<vmem>> -> memref<128x40xf32, #tpu.memory_space<vmem>>
    %dma_wait3A_429 = arith.constant 0 : i32
    %dma_wait3A_430 = tpu.memref_slice %arg9[%dma_wait3A_424, %dma_wait3A_429] : memref<80x128xi32, #tpu.memory_space<vmem>> -> memref<1x128xi32, #tpu.memory_space<vmem>>
    %dma_wait3A_431 = tpu.memref_squeeze %dma_wait3A_430 : memref<1x128xi32, #tpu.memory_space<vmem>> -> memref<128xi32, #tpu.memory_space<vmem>>
    %dma_wait3A_432 = arith.constant 0 : i32
    %dma_wait3A_433 = arith.constant 0 : i32
    %dma_wait3A_434 = tpu.memref_slice %arg12[%dma_wait3A_432, %dma_wait3A_433] : memref<10240x40xf32, #tpu.memory_space<vmem_shared>> -> memref<10240x40xf32, #tpu.memory_space<vmem_shared>>
    tpu.wait_indirect_dma semaphore(%arg18 : memref<!tpu.dma_semaphore, #tpu.memory_space<semaphore_mem>>) src(%dma_wait3A_428 : memref<128x40xf32, #tpu.memory_space<vmem>>) dst(%dma_wait3A_434 : memref<10240x40xf32, #tpu.memory_space<vmem_shared>>)
    %dma_wait3A_435 = arith.constant 6 : i32
    %dma_wait3A_436 = arith.constant 0 : i32
    %dma_wait3A_437 = arith.constant 0 : i32
    %dma_wait3A_438 = arith.constant 0 : i32
    %dma_wait3A_439 = tpu.memref_slice %arg10[%dma_wait3A_435, %dma_wait3A_437, %dma_wait3A_438] : memref<8x128x40xf32, #tpu.memory_space<vmem>> -> memref<1x128x40xf32, #tpu.memory_space<vmem>>
    %dma_wait3A_440 = tpu.memref_squeeze %dma_wait3A_439 : memref<1x128x40xf32, #tpu.memory_space<vmem>> -> memref<128x40xf32, #tpu.memory_space<vmem>>
    %dma_wait3A_441 = arith.constant 0 : i32
    %dma_wait3A_442 = tpu.memref_slice %arg9[%dma_wait3A_436, %dma_wait3A_441] : memref<80x128xi32, #tpu.memory_space<vmem>> -> memref<1x128xi32, #tpu.memory_space<vmem>>
    %dma_wait3A_443 = tpu.memref_squeeze %dma_wait3A_442 : memref<1x128xi32, #tpu.memory_space<vmem>> -> memref<128xi32, #tpu.memory_space<vmem>>
    %dma_wait3A_444 = arith.constant 0 : i32
    %dma_wait3A_445 = arith.constant 0 : i32
    %dma_wait3A_446 = tpu.memref_slice %arg12[%dma_wait3A_444, %dma_wait3A_445] : memref<10240x40xf32, #tpu.memory_space<vmem_shared>> -> memref<10240x40xf32, #tpu.memory_space<vmem_shared>>
    tpu.wait_indirect_dma semaphore(%arg19 : memref<!tpu.dma_semaphore, #tpu.memory_space<semaphore_mem>>) src(%dma_wait3A_440 : memref<128x40xf32, #tpu.memory_space<vmem>>) dst(%dma_wait3A_446 : memref<10240x40xf32, #tpu.memory_space<vmem_shared>>)
    %dma_wait3A_447 = arith.constant 7 : i32
    %dma_wait3A_448 = arith.constant 0 : i32
    %dma_wait3A_449 = arith.constant 0 : i32
    %dma_wait3A_450 = arith.constant 0 : i32
    %dma_wait3A_451 = tpu.memref_slice %arg10[%dma_wait3A_447, %dma_wait3A_449, %dma_wait3A_450] : memref<8x128x40xf32, #tpu.memory_space<vmem>> -> memref<1x128x40xf32, #tpu.memory_space<vmem>>
    %dma_wait3A_452 = tpu.memref_squeeze %dma_wait3A_451 : memref<1x128x40xf32, #tpu.memory_space<vmem>> -> memref<128x40xf32, #tpu.memory_space<vmem>>
    %dma_wait3A_453 = arith.constant 0 : i32
    %dma_wait3A_454 = tpu.memref_slice %arg9[%dma_wait3A_448, %dma_wait3A_453] : memref<80x128xi32, #tpu.memory_space<vmem>> -> memref<1x128xi32, #tpu.memory_space<vmem>>
    %dma_wait3A_455 = tpu.memref_squeeze %dma_wait3A_454 : memref<1x128xi32, #tpu.memory_space<vmem>> -> memref<128xi32, #tpu.memory_space<vmem>>
    %dma_wait3A_456 = arith.constant 0 : i32
    %dma_wait3A_457 = arith.constant 0 : i32
    %dma_wait3A_458 = tpu.memref_slice %arg12[%dma_wait3A_456, %dma_wait3A_457] : memref<10240x40xf32, #tpu.memory_space<vmem_shared>> -> memref<10240x40xf32, #tpu.memory_space<vmem_shared>>
    tpu.wait_indirect_dma semaphore(%arg20 : memref<!tpu.dma_semaphore, #tpu.memory_space<semaphore_mem>>) src(%dma_wait3A_452 : memref<128x40xf32, #tpu.memory_space<vmem>>) dst(%dma_wait3A_458 : memref<10240x40xf32, #tpu.memory_space<vmem_shared>>)
    %barrier3A_459 = arith.constant 0 : index
    tpu.barrier barrier_id(%barrier3A_459)
    %mul3A_460 = arith.constant 64 : i32
    %mul3A_461 = arith.muli %arg0, %mul3A_460 : i32
    %mul3A_462 = arith.constant 640 : i32
    %mul3A_463 = arith.muli %arg1, %mul3A_462 : i32
    %mul3A_464 = arith.constant 640 : i32
    %mul3A_465 = arith.muli %arg1, %mul3A_464 : i32
    "tpu.region"() ({
      %run_scoped3A = tpu.sem_alloc : memref<!tpu.dma_semaphore, #tpu.memory_space<semaphore_mem>>
      %dma_start3A_466 = tpu.memref_slice %arg7[%mul3A_465, %mul3A_461] : memref<10240x128xf32, #tpu.memory_space<hbm>> -> memref<640x40xf32, #tpu.memory_space<hbm>>
      %dma_start3A_467 = arith.constant 0 : i32
      %dma_start3A_468 = tpu.memref_slice %arg12[%mul3A_463, %dma_start3A_467] : memref<10240x40xf32, #tpu.memory_space<vmem_shared>> -> memref<640x40xf32, #tpu.memory_space<vmem_shared>>
      tpu.enqueue_dma source(%dma_start3A_468 : memref<640x40xf32, #tpu.memory_space<vmem_shared>>) target(%dma_start3A_466 : memref<640x40xf32, #tpu.memory_space<hbm>>) target_semaphore(%run_scoped3A : memref<!tpu.dma_semaphore, #tpu.memory_space<semaphore_mem>>)
      %dma_wait3A_469 = tpu.memref_slice %arg7[%mul3A_465, %mul3A_461] : memref<10240x128xf32, #tpu.memory_space<hbm>> -> memref<640x40xf32, #tpu.memory_space<hbm>>
      %dma_wait3A_470 = arith.constant 0 : i32
      %dma_wait3A_471 = tpu.memref_slice %arg12[%mul3A_463, %dma_wait3A_470] : memref<10240x40xf32, #tpu.memory_space<vmem_shared>> -> memref<640x40xf32, #tpu.memory_space<vmem_shared>>
      tpu.wait_dma2 semaphore(%run_scoped3A : memref<!tpu.dma_semaphore, #tpu.memory_space<semaphore_mem>>) src(%dma_wait3A_471 : memref<640x40xf32, #tpu.memory_space<vmem_shared>>) dst(%dma_wait3A_469 : memref<640x40xf32, #tpu.memory_space<hbm>>)
      tpu.yield
    }) : () -> ()
    return
  }
}

module attributes {stable_mosaic.version = 14 : i64} {
  func.func @_b1_body(%arg0: memref<10240x128xf32, #tpu.memory_space<vmem>>, %arg1: memref<10000x128xf32, #tpu.memory_space<vmem>>, %arg2: memref<128x128xf32, #tpu.memory_space<vmem>>, %arg3: memref<10240x128xf32, #tpu.memory_space<vmem>>, %arg4: memref<10000x1xf32, #tpu.memory_space<vmem>>) attributes {dimension_semantics = [], scalar_prefetch = 0 : i64, scratch_operands = 0 : i64, tpu.core_type = #tpu.core_type<tc>} {
    %get3A = arith.constant 0 : index
    %get3A_0 = arith.constant 0 : index
    %get3A_1 = vector.load %arg0[%get3A, %get3A_0] : memref<10240x128xf32, #tpu.memory_space<vmem>>, vector<10240x1xf32>
    %get3A_2 = arith.constant 0 : index
    %get3A_3 = arith.constant 16 : index
    %get3A_4 = vector.load %arg0[%get3A_2, %get3A_3] : memref<10240x128xf32, #tpu.memory_space<vmem>>, vector<10240x1xf32>
    %add3A = arith.addf %get3A_1, %get3A_4 : vector<10240x1xf32>
    %add3A_5 = arith.constant 1.000000e+00 : f32
    %add3A_6 = vector.broadcast %add3A_5 : f32 to vector<10240x1xf32>
    %add3A_7 = arith.addf %add3A, %add3A_6 : vector<10240x1xf32>
    %rsqrt3A = math.rsqrt %add3A_7 : vector<10240x1xf32>
    %get3A_8 = arith.constant 0 : index
    %get3A_9 = arith.constant 0 : index
    %get3A_10 = vector.load %arg1[%get3A_8, %get3A_9] : memref<10000x128xf32, #tpu.memory_space<vmem>>, vector<10000x128xf32>
    %get3A_11 = arith.constant 0 : index
    %get3A_12 = arith.constant 0 : index
    %get3A_13 = vector.load %arg2[%get3A_11, %get3A_12] : memref<128x128xf32, #tpu.memory_space<vmem>>, vector<128x128xf32>
    %dot_general3A = arith.constant dense<0.000000e+00> : vector<10000x128xf32>
    %dot_general3A_14 = tpu.matmul %get3A_10, %get3A_13, %dot_general3A {dimension_numbers = #tpu.dot_dimension_numbers<[1], [0], [0], [1], [0, 0, 1, 1], [], []>, transpose_lhs_hint = false} : vector<10000x128xf32>, vector<128x128xf32>, vector<10000x128xf32> -> vector<10000x128xf32>
    %slice3A = vector.extract_strided_slice %rsqrt3A {offsets = [0, 0], sizes = [10000, 1], strides = [1, 1]} : vector<10240x1xf32> to vector<10000x1xf32>
    %mul3A = vector.broadcast %slice3A : vector<10000x1xf32> to vector<10000x128xf32>
    %mul3A_15 = arith.mulf %dot_general3A_14, %mul3A : vector<10000x128xf32>
    %swap3A = arith.constant 0 : index
    %swap3A_16 = arith.constant 0 : index
    %swap3A_17 = vector.load %arg3[%swap3A, %swap3A_16] : memref<10240x128xf32, #tpu.memory_space<vmem>>, vector<10000x128xf32>
    tpu.vector_store %arg3[%swap3A, %swap3A_16], %mul3A_15 {strides = array<i32>} : memref<10240x128xf32, #tpu.memory_space<vmem>>, vector<10000x128xf32>,
    %broadcast_in_dim3A = arith.constant 0.000000e+00 : f32
    %broadcast_in_dim3A_18 = vector.broadcast %broadcast_in_dim3A : f32 to vector<240x128xf32>
    %swap3A_19 = arith.constant 10000 : index
    %swap3A_20 = arith.constant 0 : index
    %swap3A_21 = vector.load %arg3[%swap3A_19, %swap3A_20] : memref<10240x128xf32, #tpu.memory_space<vmem>>, vector<240x128xf32>
    tpu.vector_store %arg3[%swap3A_19, %swap3A_20], %broadcast_in_dim3A_18 {strides = array<i32>} : memref<10240x128xf32, #tpu.memory_space<vmem>>, vector<240x128xf32>,
    %slice3A_22 = vector.extract_strided_slice %rsqrt3A {offsets = [0, 0], sizes = [10000, 1], strides = [1, 1]} : vector<10240x1xf32> to vector<10000x1xf32>
    %swap3A_23 = arith.constant 0 : index
    %swap3A_24 = arith.constant 0 : index
    %swap3A_25 = vector.load %arg4[%swap3A_23, %swap3A_24] : memref<10000x1xf32, #tpu.memory_space<vmem>>, vector<10000x1xf32>
    tpu.vector_store %arg4[%swap3A_23, %swap3A_24], %slice3A_22 {strides = array<i32>} : memref<10000x1xf32, #tpu.memory_space<vmem>>, vector<10000x1xf32>,
    return
  }
}

module attributes {stable_mosaic.version = 14 : i64} {
  func.func @_b2_body(%arg0: memref<10240x128xf32, #tpu.memory_space<vmem>>, %arg1: memref<10240x128xf32, #tpu.memory_space<vmem>>, %arg2: memref<10000x1xf32, #tpu.memory_space<vmem>>, %arg3: memref<16x128xf32, #tpu.memory_space<vmem>>, %arg4: memref<1x16xf32, #tpu.memory_space<vmem>>, %arg5: memref<10240x128xf32, #tpu.memory_space<vmem>>) attributes {dimension_semantics = [], scalar_prefetch = 0 : i64, scratch_operands = 0 : i64, tpu.core_type = #tpu.core_type<tc>} {
    %get3A = arith.constant 0 : index
    %get3A_0 = arith.constant 0 : index
    %get3A_1 = vector.load %arg2[%get3A, %get3A_0] : memref<10000x1xf32, #tpu.memory_space<vmem>>, vector<10000x1xf32>
    %get3A_2 = arith.constant 0 : index
    %get3A_3 = arith.constant 0 : index
    %get3A_4 = vector.load %arg0[%get3A_2, %get3A_3] : memref<10240x128xf32, #tpu.memory_space<vmem>>, vector<10000x16xf32>
    %get3A_5 = arith.constant 0 : index
    %get3A_6 = arith.constant 16 : index
    %get3A_7 = vector.load %arg0[%get3A_5, %get3A_6] : memref<10240x128xf32, #tpu.memory_space<vmem>>, vector<10000x16xf32>
    %add3A = arith.addf %get3A_4, %get3A_7 : vector<10000x16xf32>
    %get3A_8 = arith.constant 0 : index
    %get3A_9 = arith.constant 0 : index
    %get3A_10 = vector.load %arg1[%get3A_8, %get3A_9] : memref<10240x128xf32, #tpu.memory_space<vmem>>, vector<10000x16xf32>
    %add3A_11 = arith.addf %add3A, %get3A_10 : vector<10000x16xf32>
    %mul3A = vector.broadcast %get3A_1 : vector<10000x1xf32> to vector<10000x16xf32>
    %mul3A_12 = arith.mulf %add3A_11, %mul3A : vector<10000x16xf32>
    %get3A_13 = arith.constant 0 : index
    %get3A_14 = arith.constant 0 : index
    %get3A_15 = vector.load %arg4[%get3A_13, %get3A_14] : memref<1x16xf32, #tpu.memory_space<vmem>>, vector<1x16xf32>
    %add3A_16 = vector.broadcast %get3A_15 : vector<1x16xf32> to vector<10000x16xf32>
    %add3A_17 = arith.addf %mul3A_12, %add3A_16 : vector<10000x16xf32>
    %get3A_18 = arith.constant 0 : index
    %get3A_19 = arith.constant 0 : index
    %get3A_20 = vector.load %arg3[%get3A_18, %get3A_19] : memref<16x128xf32, #tpu.memory_space<vmem>>, vector<16x128xf32>
    %dot_general3A = arith.constant dense<0.000000e+00> : vector<10000x128xf32>
    %dot_general3A_21 = tpu.matmul %add3A_17, %get3A_20, %dot_general3A {dimension_numbers = #tpu.dot_dimension_numbers<[1], [0], [0], [1], [0, 0, 1, 1], [], []>, transpose_lhs_hint = false} : vector<10000x16xf32>, vector<16x128xf32>, vector<10000x128xf32> -> vector<10000x128xf32>
    %mul3A_22 = vector.broadcast %get3A_1 : vector<10000x1xf32> to vector<10000x128xf32>
    %mul3A_23 = arith.mulf %dot_general3A_21, %mul3A_22 : vector<10000x128xf32>
    %swap3A = arith.constant 0 : index
    %swap3A_24 = arith.constant 0 : index
    %swap3A_25 = vector.load %arg5[%swap3A, %swap3A_24] : memref<10240x128xf32, #tpu.memory_space<vmem>>, vector<10000x128xf32>
    tpu.vector_store %arg5[%swap3A, %swap3A_24], %mul3A_23 {strides = array<i32>} : memref<10240x128xf32, #tpu.memory_space<vmem>>, vector<10000x128xf32>,
    %broadcast_in_dim3A = arith.constant 0.000000e+00 : f32
    %broadcast_in_dim3A_26 = vector.broadcast %broadcast_in_dim3A : f32 to vector<240x128xf32>
    %swap3A_27 = arith.constant 10000 : index
    %swap3A_28 = arith.constant 0 : index
    %swap3A_29 = vector.load %arg5[%swap3A_27, %swap3A_28] : memref<10240x128xf32, #tpu.memory_space<vmem>>, vector<240x128xf32>
    tpu.vector_store %arg5[%swap3A_27, %swap3A_28], %broadcast_in_dim3A_26 {strides = array<i32>} : memref<10240x128xf32, #tpu.memory_space<vmem>>, vector<240x128xf32>,
    return
  }
}

module attributes {stable_mosaic.version = 14 : i64} {
  func.func @_b3_body(%arg0: memref<10240x128xf32, #tpu.memory_space<vmem>>, %arg1: memref<10240x128xf32, #tpu.memory_space<vmem>>, %arg2: memref<10000x1xf32, #tpu.memory_space<vmem>>, %arg3: memref<1x40xf32, #tpu.memory_space<vmem>>, %arg4: memref<10000x40xf32, #tpu.memory_space<vmem>>) attributes {dimension_semantics = [], scalar_prefetch = 0 : i64, scratch_operands = 0 : i64, tpu.core_type = #tpu.core_type<tc>} {
    %get3A = arith.constant 0 : index
    %get3A_0 = arith.constant 0 : index
    %get3A_1 = vector.load %arg0[%get3A, %get3A_0] : memref<10240x128xf32, #tpu.memory_space<vmem>>, vector<10000x40xf32>
    %get3A_2 = arith.constant 0 : index
    %get3A_3 = arith.constant 64 : index
    %get3A_4 = vector.load %arg0[%get3A_2, %get3A_3] : memref<10240x128xf32, #tpu.memory_space<vmem>>, vector<10000x40xf32>
    %add3A = arith.addf %get3A_1, %get3A_4 : vector<10000x40xf32>
    %get3A_5 = arith.constant 0 : index
    %get3A_6 = arith.constant 0 : index
    %get3A_7 = vector.load %arg1[%get3A_5, %get3A_6] : memref<10240x128xf32, #tpu.memory_space<vmem>>, vector<10000x40xf32>
    %add3A_8 = arith.addf %add3A, %get3A_7 : vector<10000x40xf32>
    %get3A_9 = arith.constant 0 : index
    %get3A_10 = arith.constant 0 : index
    %get3A_11 = vector.load %arg2[%get3A_9, %get3A_10] : memref<10000x1xf32, #tpu.memory_space<vmem>>, vector<10000x1xf32>
    %mul3A = vector.broadcast %get3A_11 : vector<10000x1xf32> to vector<10000x40xf32>
    %mul3A_12 = arith.mulf %add3A_8, %mul3A : vector<10000x40xf32>
    %get3A_13 = arith.constant 0 : index
    %get3A_14 = arith.constant 0 : index
    %get3A_15 = vector.load %arg3[%get3A_13, %get3A_14] : memref<1x40xf32, #tpu.memory_space<vmem>>, vector<1x40xf32>
    %add3A_16 = vector.broadcast %get3A_15 : vector<1x40xf32> to vector<10000x40xf32>
    %add3A_17 = arith.addf %mul3A_12, %add3A_16 : vector<10000x40xf32>
    %swap3A = arith.constant 0 : index
    %swap3A_18 = arith.constant 0 : index
    %swap3A_19 = vector.load %arg4[%swap3A, %swap3A_18] : memref<10000x40xf32, #tpu.memory_space<vmem>>, vector<10000x40xf32>
    tpu.vector_store %arg4[%swap3A, %swap3A_18], %add3A_17 {strides = array<i32>} : memref<10000x40xf32, #tpu.memory_space<vmem>>, vector<10000x40xf32>,
    return
  }
}

</mosaic_0001>

<sc_bundles>
// kernel: kernel.11.cloned.1.call-start
scs
__scs_entry_jumppad:
0x0: {  	(pc) =	sbr.rel $0x88, $3  }
0x1: {  	(tag) =	ssettag $0x0;
	lr =	simm.s32 $0x1  }
0x2: {  	[smem:$0x3F9B] =	sst lr;
	_ =	strace $0xD0000000  }
0x3: {  	_ = 	snop  }
0x4: {  	_ = 	snop  }
0x5: {  	_ = 	snop  }
0x6: {  	_ = 	snop  }
0x7: {  	_ = 	snop  }
__scs_overlays_trampoline_lowered:
0x8: {  	[smem:$0x3FAA] =	sst s0  }
0x9: {  	[smem:$0x3FAB] =	sst s1  }
0xa: {  	[smem:$0x3FAC] =	sst s2  }
0xb: {  	[smem:$0x3FAD] =	sst s3  }
0xc: {  	[smem:$0x3FAE] =	sst s4  }
0xd: {  	[smem:$0x3FAF] =	sst s5  }
0xe: {  	[smem:$0x3FB0] =	sst s6  }
0xf: {  	[smem:$0x3FB1] =	sst s7  }
0x10: {  	[smem:$0x3FB2] =	sst s8  }
0x11: {  	[smem:$0x3FB3] =	sst s9;
	s0 =	simm.s32 @!p0 $0x0  }
0x12: {  	s1 =	sld [smem:$0x3F99];
	s0 =	simm.s32 @p0 $0x1  }
0x13: {  	[smem:$0x3FB4] =	sst s0;
	s0 =	simm.s32 @!p1 $0x0  }
0x14: {  	s2 =	sld [smem:$0x3F98];
	s0 =	simm.s32 @p1 $0x1  }
0x15: {  	[smem:$0x3FB5] =	sst s0;
	s0 =	simm.s32 @!p2 $0x0  }
0x16: {  	s3 =	sld [smem:$0x3FDB];
	s0 =	simm.s32 @p2 $0x1  }
0x17: {  	s4 =	simm.s32 $0x1BF5;
	[smem:$0x3FB7] =	sst s0  }
0x18: {  	s0 =	sld [smem:$0x3F9A];
	_ =	swait.ge [sflag:s4], $0x0  }
0x19: {  	s7 =	sld [smem:$0x3F9B]  }
0x1a: {  	s8 =	sadd.s32 $0xFFFFE003, lr  }
0x1b: {  	s9 =	sadd.s32 $0xFFFFFEF7, lr;
	s5 =	simm.s32 $0xFFFFFFFF;
	p2 =	slt.u32 s8, $0xFFFFF086  }
0x1c: {  	p1 =	slt.u32 s9, $0xF7A;
	s5 =	simm.s32 @!p2 $0x0  }
0x1d: {  	s5 =	simm.s32 @p1 $0x1;
	p0 =	seq.s32 s7, s2  }
0x1e: {  	s7 =	smul.u32 @!p0 $0xF7A, s2;
	p2 =	seq.s32 @!p0 s5, $0x0  }
0x1f: {  	s9 =	smul.u32 $0xF7A, s1;
	s8 =	simm.s32 @!p0 $0x1BF5;
	p2 =	por !p2, p0  }
0x20: {  	[sflag:s8] =	ssyncset.s32 @!p0 $0xFFFFF086;
	s6 =	sadd.s32 @!p0 s3, s7;
	s7 =	simm.s32 @!p0 $0x108  }
0x21: {  	s3 =	sadd.s32 s3, s9;
	s6 =	sadd.s32 @!p0 $0x88, s6;
	s7 =	simm.s32 @p2 $0x1082  }
0x22: {  	[simem:s7], [sflag:s8] =	dma.local @!p0 [hbm:s6], $0xF7A  }
0x23: {  	s9 =	sor.u32 $0xD0000000, s2;
	s6 =	simm.s32 $0x108;
	_ =	swait.ge @!p0 [sflag:s8], $0x0  }
0x24: {  	s3 =	sadd.s32 $0x88, s3;
	s6 =	simm.s32 @!p1 $0x1082;
	[sflag:s4] =	ssyncset.s32 $0xFFFFF086  }
0x25: {  	[simem:s6], [sflag:s4] =	dma.local [hbm:s3], $0xF7A  }
0x26: {  	[smem:$0x3F9B] =	sst s1;
	(tag) =	ssettag s2;
	_ =	strace s9  }
0x27: {  	s1 =	sld [smem:$0x3FAB]  }
0x28: {  	s2 =	sld [smem:$0x3FAC]  }
0x29: {  	s4 =	sld [smem:$0x3FAE]  }
0x2a: {  	p0 =	seq.s32 s5, $0x0;
	s5 =	sld [smem:$0x3FAF]  }
0x2b: {  	s6 =	sld [smem:$0x3FB0]  }
0x2c: {  	s7 =	sld [smem:$0x3FB1]  }
0x2d: {  	s3 =	simm.s32 $0x108;
	s8 =	sld [smem:$0x3FB2]  }
0x2e: {  	s3 =	simm.s32 @!p0 $0x1082;
	s9 =	sld [smem:$0x3FB3]  }
0x2f: {  	lr =	sadd.s32 s0, s3;
	s0 =	sld [smem:$0x3FAA]  }
0x30: {  	s3 =	sld [smem:$0x3FAD]  }
0x31: {  	[smem:$0x3FB6] =	sst s10  }
0x32: {  	s10 =	sld [smem:$0x3FB4];
	_ =	sdelay $0x3  }
0x33: {  	p0 =	seq.s32 s10, $0x1;
	s10 =	sld [smem:$0x3FB6];
	_ =	sdelay $0x3  }
0x34: {  	[smem:$0x3FB6] =	sst s10  }
0x35: {  	s10 =	sld [smem:$0x3FB5];
	_ =	sdelay $0x3  }
0x36: {  	p1 =	seq.s32 s10, $0x1;
	s10 =	sld [smem:$0x3FB6];
	_ =	sdelay $0x3  }
0x37: {  	[smem:$0x3FB6] =	sst s10  }
0x38: {  	s10 =	sld [smem:$0x3FB7]  }
0x39: {  	_ = 	snop;
	(pc) =	sbr.ind lr, $3  }
0x3a: {  	_ = 	snop  }
0x3b: {  	_ = 	snop  }
0x3c: {  	p2 =	seq.s32 s10, $0x1;
	s10 =	sld [smem:$0x3FB6]  }
0x3d: {  	_ =	shalt  }
0x3e: {  	_ =	shalt  }
0x3f: {  	_ =	shalt  }
0x40: {  	_ =	shalt  }
0x41: {  	_ =	shalt  }
0x42: {  	_ =	shalt  }
0x43: {  	_ =	shalt  }
0x44: {  	_ =	shalt  }
0x45: {  	_ =	shalt  }
0x46: {  	_ =	shalt  }
0x47: {  	_ =	shalt  }
0x48: {  	_ =	shalt  }
0x49: {  	_ =	shalt  }
0x4a: {  	_ =	shalt  }
0x4b: {  	_ =	shalt  }
0x4c: {  	_ =	shalt  }
0x4d: {  	_ =	shalt  }
0x4e: {  	_ =	shalt  }
0x4f: {  	_ =	shalt  }
0x50: {  	_ =	shalt  }
0x51: {  	_ =	shalt  }
0x52: {  	_ =	shalt  }
0x53: {  	_ =	shalt  }
0x54: {  	_ =	shalt  }
0x55: {  	_ =	shalt  }
0x56: {  	_ =	shalt  }
0x57: {  	_ =	shalt  }
0x58: {  	_ =	shalt  }
0x59: {  	_ =	shalt  }
0x5a: {  	_ =	shalt  }
0x5b: {  	_ =	shalt  }
0x5c: {  	_ =	shalt  }
0x5d: {  	_ =	shalt  }
0x5e: {  	_ =	shalt  }
0x5f: {  	_ =	shalt  }
0x60: {  	_ =	shalt  }
0x61: {  	_ =	shalt  }
0x62: {  	_ =	shalt  }
0x63: {  	_ =	shalt  }
0x64: {  	_ =	shalt  }
0x65: {  	_ =	shalt  }
0x66: {  	_ =	shalt  }
0x67: {  	_ =	shalt  }
0x68: {  	_ =	shalt  }
0x69: {  	_ =	shalt  }
0x6a: {  	_ =	shalt  }
0x6b: {  	_ =	shalt  }
0x6c: {  	_ =	shalt  }
0x6d: {  	_ =	shalt  }
0x6e: {  	_ =	shalt  }
0x6f: {  	_ =	shalt  }
0x70: {  	_ =	shalt  }
0x71: {  	_ =	shalt  }
0x72: {  	_ =	shalt  }
0x73: {  	_ =	shalt  }
0x74: {  	_ =	shalt  }
0x75: {  	_ =	shalt  }
0x76: {  	_ =	shalt  }
0x77: {  	_ =	shalt  }
0x78: {  	_ =	shalt  }
0x79: {  	_ =	shalt  }
0x7a: {  	_ =	shalt  }
0x7b: {  	_ =	shalt  }
0x7c: {  	_ =	shalt  }
0x7d: {  	_ =	shalt  }
0x7e: {  	_ =	shalt  }
0x7f: {  	_ =	shalt  }
0x80: {  	_ =	shalt  }
0x81: {  	_ =	shalt  }
0x82: {  	_ =	shalt  }
0x83: {  	_ =	shalt  }
0x84: {  	_ =	shalt  }
0x85: {  	_ =	shalt  }
0x86: {  	_ =	shalt  }
0x87: {  	_ =	shalt  }
.Lfunc_end0:
.L_simem_size_0:
called_computation.1_lowered:
.L_overlay_start_0:
0x88: {  	s2 =	sld [smem:$0x3FD9]  }
0x89: {  	s3 =	sld [smem:$0x3FFE];
	_ =	sdelay $0x1  }
0x8a: {  	s1 =	srdreg.scid  }
0x8b: {  	s0 =	sand.u32 $0x1, s1  }
0x8c: {  	s17 =	sshll.u32 s0, $0xA;
	s2 =	sadd.s32 s3, s2  }
0x8d: {  	s2 =	sadd.s32 s2, s17  }
0x8e: {  	[smem:$0x3FC2] =	sst s2  }
0x8f: {  	_ = 	snop  }
0x90: {  	s2 =	sld [smem:$0x3FD0];
	(tm) =	ssettm $0x1  }
0x91: {  	s18 =	sld [smem:$0x3FFB];
	_ =	sdelay $0x3  }
0x92: {  	_ =	strace s18  }
0x93: {  	s3 =	sld [smem:$0x3FFC];
	_ =	sdelay $0x3  }
0x94: {  	_ =	strace s3  }
0x95: {  	s3 =	sld [smem:$0x3FFD];
	_ =	sdelay $0x3  }
0x96: {  	_ =	strace s3  }
0x97: {  	_ =	strace $0x8FFFFFFF  }
0x98: {  	s19 =	sld [smem:$0x3FDB];
	_ =	sdelay $0x1  }
0x99: {  	s4 =	simm.s32 $_scs_section_size  }
0x9a: {  	s5 =	simm.s32 $_size__tile_overlayer_lowered;
	s6 =	simm.s32 $_tile_overlayer_lowered  }
0x9b: {  	s22 =	simm.s32 $0x1BFF;
	s21 =	sshll.u32 s6, $0x1;
	s3 =	sadd.s32 s4, s19  }
0x9c: {  	s7 =	simm.s32 $0x0;
	s20 =	sshll.u32 s5, $0x1;
	s5 =	sadd.s32 s21, s3  }
0x9d: {  	[timem:s7], [sflag:s22] =	dma.local [hbm:s5], s20  }
0x9e: {  	_ =	swait.ge [sflag:s22], s20  }
0x9f: {  	s4 =	ssub.s32 $0x0, s20;
	[sflag:s22] =	ssyncset.done $0x0  }
0xa0: {  	[sflag:s22] =	ssyncadd.s32 s4;
	_ =	sdelay $0x1  }
0xa1: {  	s23 =	simm.s32 $0x1B8B  }
0xa2: {  	_ =	swait.ge [sflag:s23], $0x1  }
0xa3: {  	[sflag:s23] =	ssyncset.done $0x0  }
0xa4: {  	s25 =	simm.s32 $0x1B8E;
	s24 =	sld [smem:$0x3FFE];
	[sflag:s23] =	ssyncadd.s32 $0xFFFFFFFF  }
0xa5: {  	s26 =	simm.s32 $execute0_lowered;
	[smem:$0x3FD2] =	sst s25  }
0xa6: {  	s5 =	sshll.u32 s26, $0x1;
	_ =	strace $0x80000049;
	[dreg:$0x1] =	wrdreg $0xFFFFFFFF  }
0xa7: {  	s28 =	simm.s32 $_size_execute0_lowered;
	s3 =	sadd.s32 s3, s5;
	[dreg:$0x0] =	wrdreg $0x0  }
0xa8: {  	s5 =	sshll.u32 s28, $0x1;
	[dreg:$0x2] =	wrdreg s3  }
0xa9: {  	[dreg:$0x3] =	wrdreg s5  }
0xaa: {  	[dreg:$0x4] =	wrdreg $0xC0  }
0xab: {  	_ =	task [dreg:s7], $0x5FFFF  }
0xac: {  	[dreg:$0x1] =	wrdreg $0xFFFFFFFF  }
0xad: {  	[dreg:$0x0] =	wrdreg $0x60  }
0xae: {  	[dreg:$0x2] =	wrdreg s24  }
0xaf: {  	[dreg:$0x3] =	wrdreg s2  }
0xb0: {  	[dreg:$0x4] =	wrdreg $0xB8000  }
0xb1: {  	[dreg:$0x5] =	wrdreg $0x9  }
0xb2: {  	_ =	task.clear_ibuf [dreg:s7], $0x6FFFF;
	_ =	strace $0x90000049  }
0xb3: {  	s29 =	simm.s32 $0x9;
	_ =	strace $0x8000004B  }
0xb4: {  	_ =	swait.ge [sflag:s29], $0x1  }
0xb5: {  	[sflag:s29] =	ssyncadd.s32 $0xFFFFFFFF  }
0xb6: {  	_ =	strace $0x9000004B  }
0xb7: {  	_ =	sfence  }
0xb8: {  	s30 =	sld [smem:$0x0];
	_ =	sdelay $0x2  }
0xb9: {  	s31 =	sshll.u32 s1, $0xD;
	s1 =	sshrl.u32 s1, $0x2  }
0xba: {  	s3 =	sand.u32 $0x4000, s31;
	s1 =	sadd.s32 s1, s30  }
0xbb: {  	s0 =	sor.u32 s3, s0;
	s1 =	sshll.u32 s1, $0x11  }
0xbc: {  	s0 =	sor.u32 s1, s0  }
0xbd: {  	s0 =	sadd.s32 $0x8F2B, s0  }
0xbe: {  	[sflag:s0] =	ssyncadd.remote.s32 $0x1  }
0xbf: {  	_ =	sfence.sel $0xFFFF  }
0xc0: {  	[dreg:$0x0] =	wrdreg $0xFFFFFFFF;
	(pc) =	sbr.abs _section_cstart, $3  }
0xc1: {  	[dreg:$0x1] =	wrdreg $0xFFFFFFFF  }
0xc2: {  	_ =	task.clear_ibuf [dreg:s7], $0x2FFFF;
	_ =	strace $0x9FFFFFFF  }
0xc3: {  	(tm) =	ssettm $0x7FFFFFFF  }
tec
execute0_lowered:
.L_overlay_start_1:
0x0: {  	(tag) =	ssettag $0x1  }
0x1: {  	s1 =	rddreg [dreg:$0x0]  }
0x2: {  	s0 =	srdreg.scid;
	s6 =	rddreg [dreg:$0x1]  }
0x3: {  	s15 =	stileid.u32;
	s2 =	rddreg [dreg:$0x2]  }
0x4: {  	s16 =	simm.s32 $0x80;
	s17 =	simm.s32 $0x9000;
	s19 =	simm.s32 $0x5000  }
0x5: {  	s20 =	simm.s32 $0x5800;
	s22 =	simm.s32 $0x6000;
	s29 =	simm.s32 $0x7800  }
0x6: {  	s31 =	simm.s32 $0x8000;
	s18 =	simm.s32 $0x1;
	s21 =	simm.s32 $0x2  }
0x7: {  	s28 =	simm.s32 $0x5;
	s30 =	simm.s32 $0x6;
	s5 =	smul.u32 $0x14000, s15  }
0x8: {  	s0 =	sand.u32 $0x1, s0;
	s8 =	smul.u32 $0x2800, s15;
	s13 =	sadd.s32 $0x3AA00, s1  }
0x9: {  	s25 =	sshll.u32 s15, $0x6;
	s4 =	sshll.u32 s0, $0x4;
	s23 =	ssub.s32 $0x2, s0  }
0xa: {  	s0 =	smul.u32 $0x28000, s0;
	s3 =	sor.u32 s15, s4;
	s9 =	sshrl.u32 s5, $0x3  }
0xb: {  	s11 =	sshrl.u32 s8, $0x3;
	s4 =	sor.u32 s4, s5;
	s12 =	sshrl.u32 s23, $0x1  }
0xc: {  	s14 =	sadd.s32 s8, s2;
	s5 =	sor.u32 $0x1C09, s25;
	s15 =	simm.s32 $0x10  }
0xd: {  	s25 =	simm.s32 $0x4;
	s7 =	smul.u32 $0x500, s3;
	s3 =	simm.s32 $0x0  }
0xe: {  	s9 =	sadd.s32 s9, s1;
	s11 =	sadd.s32 s11, s1;
	s4 =	sshrl.u32 s4, $0x3  }
0xf: {  	s24 =	ssub.s32 s23, s12;
	s8 =	sadd.s32 s8, s0;
	s0 =	sshrl.u32 s0, $0x3  }
0x10: {  	s23 =	simm.s32 $0x3;
	[smem:$0x7FF] =	sst s3;
	s11 =	sadd.s32 $0x35A00, s11  }
0x11: {  	s8 =	sshrl.u32 s8, $0x3;
	s9 =	sadd.s32 $0xDA00, s9;
	s12 =	smax.u32 s24, $0x1  }
0x12: {  	s24 =	simm.s32 $0x6800;
	_ =	strace $0x8000004A;
	[dreg:$0x4] =	wrdreg s11  }
0x13: {  	s10 =	sadd.s32 s7, s1;
	[dreg:$0x5] =	wrdreg s9;
	s8 =	sadd.s32 s13, s8  }
0x14: {  	s1 =	sadd.s32 s4, s1;
	s6 =	sadd.s32 s6, s7;
	[dreg:$0x6] =	wrdreg s8  }
0x15: {  	s4 =	simm.s32 $0x8;
	s26 =	sadd.s32 $0x3A00, s10;
	[dreg:$0x8] =	wrdreg s6  }
0x16: {  	s10 =	sadd.s32 s13, s0;
	s11 =	sadd.s32 $0x44A00, s1;
	s13 =	sshrl.u32 s14, $0x3  }
0x17: {  	s14 =	simm.s32 $0x9;
	s0 =	simm.s32 $0x8800;
	s1 =	simm.s32 $0x7  }
0x18: {  	s6 =	simm.s32 $0x0;
	[dreg:$0x7] =	wrdreg s26;
	s26 =	simm.s32 $0x7000  }
.LBB2_1:
0x19: {  	s7 =	rddreg [dreg:$0x4]  }
0x1a: {  	[spmem:s13], [sflag:s5] =	dma.local [hbm:s7], $0x500  }
0x1b: {  	_ =	swait.ge [sflag:s14], $0x500  }
0x1c: {  	[sflag:s14] =	ssyncset.done $0x0  }
0x1d: {  	s8 =	rddreg [dreg:$0x5];
	[sflag:s14] =	ssyncadd.s32 $0xFFFFFB00  }
0x1e: {  	[tilespmem:s17], [sflag:$0x9] =	stream.strided.gather [hbm4b:s8+s15], $0x2800, s16, s15, $0x38;
	[tilespmem:$0xE000] =	vst v63  }
0x1f: {  	_ =	swait.ge [sflag:s14], $0x2800  }
0x20: {  	[sflag:s14] =	ssyncset.done $0x0  }
0x21: {  	s9 =	rddreg [dreg:$0x6];
	[sflag:s14] =	ssyncadd.s32 $0xFFFFD800  }
0x22: {  	[hbm4b:s9+s3] =	stream.linear.scatter [tilespmem:s17], [sflag:$0x9], $0x2800, $0x38;
	[tilespmem:$0xE000] =	vst v63  }
0x23: {  	_ =	swait.ge [sflag:s14], $0x2800  }
0x24: {  	[sflag:s14] =	ssyncset.done $0x0  }
0x25: {  	s8 =	rddreg [dreg:$0x7];
	[sflag:s14] =	ssyncadd.s32 $0xFFFFD800  }
0x26: {  	[tilespmem:s3], [sflag:$0x9] =	stream.linear.gather [hbm4b:s8+s3], $0x2800, $0x38;
	[tilespmem:$0xE000] =	vst v63  }
0x27: {  	_ =	swait.ge [sflag:s14], $0x2800  }
0x28: {  	[sflag:s14] =	ssyncset.done $0x0  }
0x29: {  	s8 =	simm.s32 $0x2800;
	s9 =	rddreg [dreg:$0x8];
	[sflag:s14] =	ssyncadd.s32 $0xFFFFD800  }
0x2a: {  	[tilespmem:s8], [sflag:$0x9] =	stream.linear.gather [hbm4b:s9+s3], $0x2800, $0x38;
	[tilespmem:$0xE000] =	vst v63  }
0x2b: {  	_ =	swait.ge [sflag:s14], $0x2800  }
0x2c: {  	[sflag:s14] =	ssyncset.done $0x0  }
0x2d: {  	[sflag:s14] =	ssyncadd.s32 $0xFFFFD800  }
0x2e: {  	[bflag:$0x0] =	sbarrier.arrive $0xFFFF  }
0x2f: {  	[tilespmem:s19], [sflag:$0x1] =	stream.indirect.gather [hbm4b:s10+s16], $0x10, s3, s16, $0xb8;
	[tilespmem:$0xE000] =	vst v63  }
0x30: {  	_ = 	snop  }
0x31: {  	[tilespmem:s20], [sflag:$0x2] =	stream.indirect.gather [hbm4b:s10+s16], $0x10, s16, s16, $0xb8;
	[tilespmem:$0xE000] =	vst v63  }
0x32: {  	s9 =	simm.s32 $0x100  }
0x33: {  	[tilespmem:s22], [sflag:$0x3] =	stream.indirect.gather [hbm4b:s10+s16], $0x10, s9, s16, $0xb8;
	[tilespmem:$0xE000] =	vst v63  }
0x34: {  	s8 =	simm.s32 $0x180  }
0x35: {  	[tilespmem:s24], [sflag:$0x4] =	stream.indirect.gather [hbm4b:s10+s16], $0x10, s8, s16, $0xb8;
	[tilespmem:$0xE000] =	vst v63  }
0x36: {  	s9 =	simm.s32 $0x200  }
0x37: {  	[tilespmem:s26], [sflag:$0x5] =	stream.indirect.gather [hbm4b:s10+s16], $0x10, s9, s16, $0xb8;
	[tilespmem:$0xE000] =	vst v63  }
0x38: {  	s8 =	simm.s32 $0x280  }
0x39: {  	[tilespmem:s29], [sflag:$0x6] =	stream.indirect.gather [hbm4b:s10+s16], $0x10, s8, s16, $0xb8;
	[tilespmem:$0xE000] =	vst v63  }
0x3a: {  	s9 =	simm.s32 $0x300  }
0x3b: {  	[tilespmem:s31], [sflag:$0x7] =	stream.indirect.gather [hbm4b:s10+s16], $0x10, s9, s16, $0xb8;
	[tilespmem:$0xE000] =	vst v63  }
0x3c: {  	s8 =	simm.s32 $0x380  }
0x3d: {  	[tilespmem:s0], [sflag:$0x8] =	stream.indirect.gather [hbm4b:s10+s16], $0x10, s8, s16, $0xb8;
	[tilespmem:$0xE000] =	vst v63  }
0x3e: {  	_ =	swait.ge [sflag:s18], $0x800  }
0x3f: {  	[sflag:s18] =	ssyncset.done $0x0  }
0x40: {  	s9 =	simm.s32 $0x2800;
	[sflag:s18] =	ssyncadd.s32 $0xFFFFF800  }
0x41: {  	[spmem:s2] =	stream.indirect.scatter.add.f32 [tilespmem:s19], [sflag:$0x1], $0x10, s9, s16, $0xb8;
	[tilespmem:$0xE000] =	vst v63  }
0x42: {  	_ =	swait.ge [sflag:s21], $0x800  }
0x43: {  	[sflag:s21] =	ssyncset.done $0x0  }
0x44: {  	s8 =	simm.s32 $0x2880;
	[sflag:s21] =	ssyncadd.s32 $0xFFFFF800  }
0x45: {  	[spmem:s2] =	stream.indirect.scatter.add.f32 [tilespmem:s20], [sflag:$0x2], $0x10, s8, s16, $0xb8;
	[tilespmem:$0xE000] =	vst v63  }
0x46: {  	_ =	swait.ge [sflag:s23], $0x800  }
0x47: {  	[sflag:s23] =	ssyncset.done $0x0  }
0x48: {  	s9 =	simm.s32 $0x2900;
	[sflag:s23] =	ssyncadd.s32 $0xFFFFF800  }
0x49: {  	[spmem:s2] =	stream.indirect.scatter.add.f32 [tilespmem:s22], [sflag:$0x3], $0x10, s9, s16, $0xb8;
	[tilespmem:$0xE000] =	vst v63  }
0x4a: {  	_ =	swait.ge [sflag:s25], $0x800  }
0x4b: {  	[sflag:s25] =	ssyncset.done $0x0  }
0x4c: {  	s8 =	simm.s32 $0x2980;
	[sflag:s25] =	ssyncadd.s32 $0xFFFFF800  }
0x4d: {  	[spmem:s2] =	stream.indirect.scatter.add.f32 [tilespmem:s24], [sflag:$0x4], $0x10, s8, s16, $0xb8;
	[tilespmem:$0xE000] =	vst v63  }
0x4e: {  	_ =	swait.ge [sflag:s28], $0x800  }
0x4f: {  	[sflag:s28] =	ssyncset.done $0x0  }
0x50: {  	s9 =	simm.s32 $0x2A00;
	[sflag:s28] =	ssyncadd.s32 $0xFFFFF800  }
0x51: {  	[spmem:s2] =	stream.indirect.scatter.add.f32 [tilespmem:s26], [sflag:$0x5], $0x10, s9, s16, $0xb8;
	[tilespmem:$0xE000] =	vst v63  }
0x52: {  	_ =	swait.ge [sflag:s30], $0x800  }
0x53: {  	[sflag:s30] =	ssyncset.done $0x0  }
0x54: {  	s8 =	simm.s32 $0x2A80;
	[sflag:s30] =	ssyncadd.s32 $0xFFFFF800  }
0x55: {  	[spmem:s2] =	stream.indirect.scatter.add.f32 [tilespmem:s29], [sflag:$0x6], $0x10, s8, s16, $0xb8;
	[tilespmem:$0xE000] =	vst v63  }
0x56: {  	_ =	swait.ge [sflag:s1], $0x800  }
0x57: {  	[sflag:s1] =	ssyncset.done $0x0  }
0x58: {  	s9 =	simm.s32 $0x2B00;
	[sflag:s1] =	ssyncadd.s32 $0xFFFFF800  }
0x59: {  	[spmem:s2] =	stream.indirect.scatter.add.f32 [tilespmem:s31], [sflag:$0x7], $0x10, s9, s16, $0xb8;
	[tilespmem:$0xE000] =	vst v63  }
0x5a: {  	_ =	swait.ge [sflag:s4], $0x800  }
0x5b: {  	[sflag:s4] =	ssyncset.done $0x0  }
0x5c: {  	s8 =	simm.s32 $0x2B80;
	[sflag:s4] =	ssyncadd.s32 $0xFFFFF800  }
0x5d: {  	[spmem:s2] =	stream.indirect.scatter.add.f32 [tilespmem:s0], [sflag:$0x8], $0x10, s8, s16, $0xb8;
	[tilespmem:$0xE000] =	vst v63  }
0x5e: {  	_ =	swait.ge [sflag:s18], $0x800  }
0x5f: {  	[sflag:s18] =	ssyncset.done $0x0  }
0x60: {  	s9 =	simm.s32 $0x400;
	[sflag:s18] =	ssyncadd.s32 $0xFFFFF800  }
0x61: {  	[tilespmem:s19], [sflag:$0x1] =	stream.indirect.gather [hbm4b:s10+s16], $0x10, s9, s16, $0xb8;
	[tilespmem:$0xE000] =	vst v63  }
0x62: {  	_ =	swait.ge [sflag:s21], $0x800  }
0x63: {  	[sflag:s21] =	ssyncset.done $0x0  }
0x64: {  	s8 =	simm.s32 $0x480;
	[sflag:s21] =	ssyncadd.s32 $0xFFFFF800  }
0x65: {  	[tilespmem:s20], [sflag:$0x2] =	stream.indirect.gather [hbm4b:s10+s16], $0x10, s8, s16, $0xb8;
	[tilespmem:$0xE000] =	vst v63  }
0x66: {  	_ =	swait.ge [sflag:s23], $0x800  }
0x67: {  	[sflag:s23] =	ssyncset.done $0x0  }
0x68: {  	s9 =	simm.s32 $0x500;
	[sflag:s23] =	ssyncadd.s32 $0xFFFFF800  }
0x69: {  	[tilespmem:s22], [sflag:$0x3] =	stream.indirect.gather [hbm4b:s10+s16], $0x10, s9, s16, $0xb8;
	[tilespmem:$0xE000] =	vst v63  }
0x6a: {  	_ =	swait.ge [sflag:s25], $0x800  }
0x6b: {  	[sflag:s25] =	ssyncset.done $0x0  }
0x6c: {  	s8 =	simm.s32 $0x580;
	[sflag:s25] =	ssyncadd.s32 $0xFFFFF800  }
0x6d: {  	[tilespmem:s24], [sflag:$0x4] =	stream.indirect.gather [hbm4b:s10+s16], $0x10, s8, s16, $0xb8;
	[tilespmem:$0xE000] =	vst v63  }
0x6e: {  	_ =	swait.ge [sflag:s28], $0x800  }
0x6f: {  	[sflag:s28] =	ssyncset.done $0x0  }
0x70: {  	s9 =	simm.s32 $0x600;
	[sflag:s28] =	ssyncadd.s32 $0xFFFFF800  }
0x71: {  	[tilespmem:s26], [sflag:$0x5] =	stream.indirect.gather [hbm4b:s10+s16], $0x10, s9, s16, $0xb8;
	[tilespmem:$0xE000] =	vst v63  }
0x72: {  	_ =	swait.ge [sflag:s30], $0x800  }
0x73: {  	[sflag:s30] =	ssyncset.done $0x0  }
0x74: {  	s8 =	simm.s32 $0x680;
	[sflag:s30] =	ssyncadd.s32 $0xFFFFF800  }
0x75: {  	[tilespmem:s29], [sflag:$0x6] =	stream.indirect.gather [hbm4b:s10+s16], $0x10, s8, s16, $0xb8;
	[tilespmem:$0xE000] =	vst v63  }
0x76: {  	_ =	swait.ge [sflag:s1], $0x800  }
0x77: {  	[sflag:s1] =	ssyncset.done $0x0  }
0x78: {  	s9 =	simm.s32 $0x700;
	[sflag:s1] =	ssyncadd.s32 $0xFFFFF800  }
0x79: {  	[tilespmem:s31], [sflag:$0x7] =	stream.indirect.gather [hbm4b:s10+s16], $0x10, s9, s16, $0xb8;
	[tilespmem:$0xE000] =	vst v63  }
0x7a: {  	_ =	swait.ge [sflag:s4], $0x800  }
0x7b: {  	[sflag:s4] =	ssyncset.done $0x0  }
0x7c: {  	s7 =	simm.s32 $0x1000;
	s8 =	simm.s32 $0x780;
	[sflag:s4] =	ssyncadd.s32 $0xFFFFF800  }
.LBB2_2:
0x7d: {  	[tilespmem:s0], [sflag:$0x8] =	stream.indirect.gather [hbm4b:s10+s16], $0x10, s8, s16, $0xb8;
	[tilespmem:$0xE000] =	vst v63  }
0x7e: {  	s8 =	smov.u32 s7  }
0x7f: {  	p0 =	sne.s32 s7, $0x8000;
	s7 =	sadd.s32 $0x1000, s7;
	_ =	swait.ge [sflag:s18], $0x800  }
0x80: {  	s8 =	sshra.s32 s8, $0x2;
	[sflag:s18] =	ssyncset.done $0x0  }
0x81: {  	s9 =	sadd.s32 $0x2800, s8;
	[sflag:s18] =	ssyncadd.s32 $0xFFFFF800  }
0x82: {  	[spmem:s2] =	stream.indirect.scatter.add.f32 [tilespmem:s19], [sflag:$0x1], $0x10, s9, s16, $0xb8;
	[tilespmem:$0xE000] =	vst v63  }
0x83: {  	_ =	swait.ge [sflag:s21], $0x800  }
0x84: {  	[sflag:s21] =	ssyncset.done $0x0  }
0x85: {  	s9 =	sadd.s32 $0x2880, s8;
	[sflag:s21] =	ssyncadd.s32 $0xFFFFF800  }
0x86: {  	[spmem:s2] =	stream.indirect.scatter.add.f32 [tilespmem:s20], [sflag:$0x2], $0x10, s9, s16, $0xb8;
	[tilespmem:$0xE000] =	vst v63  }
0x87: {  	_ =	swait.ge [sflag:s23], $0x800  }
0x88: {  	[sflag:s23] =	ssyncset.done $0x0  }
0x89: {  	s9 =	sadd.s32 $0x2900, s8;
	[sflag:s23] =	ssyncadd.s32 $0xFFFFF800  }
0x8a: {  	[spmem:s2] =	stream.indirect.scatter.add.f32 [tilespmem:s22], [sflag:$0x3], $0x10, s9, s16, $0xb8;
	[tilespmem:$0xE000] =	vst v63  }
0x8b: {  	_ =	swait.ge [sflag:s25], $0x800  }
0x8c: {  	[sflag:s25] =	ssyncset.done $0x0  }
0x8d: {  	s9 =	sadd.s32 $0x2980, s8;
	[sflag:s25] =	ssyncadd.s32 $0xFFFFF800  }
0x8e: {  	[spmem:s2] =	stream.indirect.scatter.add.f32 [tilespmem:s24], [sflag:$0x4], $0x10, s9, s16, $0xb8;
	[tilespmem:$0xE000] =	vst v63  }
0x8f: {  	_ =	swait.ge [sflag:s28], $0x800  }
0x90: {  	[sflag:s28] =	ssyncset.done $0x0  }
0x91: {  	s9 =	sadd.s32 $0x2A00, s8;
	[sflag:s28] =	ssyncadd.s32 $0xFFFFF800  }
0x92: {  	[spmem:s2] =	stream.indirect.scatter.add.f32 [tilespmem:s26], [sflag:$0x5], $0x10, s9, s16, $0xb8;
	[tilespmem:$0xE000] =	vst v63  }
0x93: {  	_ =	swait.ge [sflag:s30], $0x800  }
0x94: {  	[sflag:s30] =	ssyncset.done $0x0  }
0x95: {  	s9 =	sadd.s32 $0x2A80, s8;
	[sflag:s30] =	ssyncadd.s32 $0xFFFFF800  }
0x96: {  	[spmem:s2] =	stream.indirect.scatter.add.f32 [tilespmem:s29], [sflag:$0x6], $0x10, s9, s16, $0xb8;
	[tilespmem:$0xE000] =	vst v63  }
0x97: {  	_ =	swait.ge [sflag:s1], $0x800  }
0x98: {  	[sflag:s1] =	ssyncset.done $0x0  }
0x99: {  	s9 =	sadd.s32 $0x2B00, s8;
	[sflag:s1] =	ssyncadd.s32 $0xFFFFF800  }
0x9a: {  	[spmem:s2] =	stream.indirect.scatter.add.f32 [tilespmem:s31], [sflag:$0x7], $0x10, s9, s16, $0xb8;
	[tilespmem:$0xE000] =	vst v63  }
0x9b: {  	_ =	swait.ge [sflag:s4], $0x800  }
0x9c: {  	[sflag:s4] =	ssyncset.done $0x0  }
0x9d: {  	s9 =	sadd.s32 $0x2B80, s8;
	[sflag:s4] =	ssyncadd.s32 $0xFFFFF800  }
0x9e: {  	[spmem:s2] =	stream.indirect.scatter.add.f32 [tilespmem:s0], [sflag:$0x8], $0x10, s9, s16, $0xb8;
	[tilespmem:$0xE000] =	vst v63  }
0x9f: {  	_ =	swait.ge [sflag:s18], $0x800  }
0xa0: {  	[sflag:s18] =	ssyncset.done $0x0  }
0xa1: {  	s9 =	sadd.s32 $0x400, s8;
	[sflag:s18] =	ssyncadd.s32 $0xFFFFF800  }
0xa2: {  	[tilespmem:s19], [sflag:$0x1] =	stream.indirect.gather [hbm4b:s10+s16], $0x10, s9, s16, $0xb8;
	[tilespmem:$0xE000] =	vst v63  }
0xa3: {  	_ =	swait.ge [sflag:s21], $0x800  }
0xa4: {  	[sflag:s21] =	ssyncset.done $0x0  }
0xa5: {  	s9 =	sadd.s32 $0x480, s8;
	[sflag:s21] =	ssyncadd.s32 $0xFFFFF800  }
0xa6: {  	[tilespmem:s20], [sflag:$0x2] =	stream.indirect.gather [hbm4b:s10+s16], $0x10, s9, s16, $0xb8;
	[tilespmem:$0xE000] =	vst v63  }
0xa7: {  	_ =	swait.ge [sflag:s23], $0x800  }
0xa8: {  	[sflag:s23] =	ssyncset.done $0x0  }
0xa9: {  	s9 =	sadd.s32 $0x500, s8;
	[sflag:s23] =	ssyncadd.s32 $0xFFFFF800  }
0xaa: {  	[tilespmem:s22], [sflag:$0x3] =	stream.indirect.gather [hbm4b:s10+s16], $0x10, s9, s16, $0xb8;
	[tilespmem:$0xE000] =	vst v63  }
0xab: {  	_ =	swait.ge [sflag:s25], $0x800  }
0xac: {  	[sflag:s25] =	ssyncset.done $0x0  }
0xad: {  	s9 =	sadd.s32 $0x580, s8;
	[sflag:s25] =	ssyncadd.s32 $0xFFFFF800  }
0xae: {  	[tilespmem:s24], [sflag:$0x4] =	stream.indirect.gather [hbm4b:s10+s16], $0x10, s9, s16, $0xb8;
	[tilespmem:$0xE000] =	vst v63  }
0xaf: {  	_ =	swait.ge [sflag:s28], $0x800  }
0xb0: {  	[sflag:s28] =	ssyncset.done $0x0  }
0xb1: {  	s9 =	sadd.s32 $0x600, s8;
	[sflag:s28] =	ssyncadd.s32 $0xFFFFF800  }
0xb2: {  	[tilespmem:s26], [sflag:$0x5] =	stream.indirect.gather [hbm4b:s10+s16], $0x10, s9, s16, $0xb8;
	[tilespmem:$0xE000] =	vst v63  }
0xb3: {  	_ =	swait.ge [sflag:s30], $0x800  }
0xb4: {  	[sflag:s30] =	ssyncset.done $0x0  }
0xb5: {  	s9 =	sadd.s32 $0x680, s8;
	[sflag:s30] =	ssyncadd.s32 $0xFFFFF800  }
0xb6: {  	[tilespmem:s29], [sflag:$0x6] =	stream.indirect.gather [hbm4b:s10+s16], $0x10, s9, s16, $0xb8;
	[tilespmem:$0xE000] =	vst v63  }
0xb7: {  	_ =	swait.ge [sflag:s1], $0x800  }
0xb8: {  	[sflag:s1] =	ssyncset.done $0x0  }
.Ltmp0:
0xb9: {  	s9 =	sadd.s32 $0x700, s8;
	[sflag:s1] =	ssyncadd.s32 $0xFFFFF800;
	(pc) =	sbr.rel @p0 .LBB2_2-.Ltmp0, $4  }
0xba: {  	[tilespmem:s31], [sflag:$0x7] =	stream.indirect.gather [hbm4b:s10+s16], $0x10, s9, s16, $0xb8;
	[tilespmem:$0xE000] =	vst v63  }
0xbb: {  	_ =	swait.ge [sflag:s4], $0x800  }
0xbc: {  	[sflag:s4] =	ssyncset.done $0x0  }
0xbd: {  	s8 =	sadd.s32 $0x780, s8;
	[sflag:s4] =	ssyncadd.s32 $0xFFFFF800  }
0xbe: {  	[tilespmem:s0], [sflag:$0x8] =	stream.indirect.gather [hbm4b:s10+s16], $0x10, s8, s16, $0xb8;
	[tilespmem:$0xE000] =	vst v63  }
0xbf: {  	_ =	swait.ge [sflag:s18], $0x800  }
0xc0: {  	[sflag:s18] =	ssyncset.done $0x0  }
0xc1: {  	s7 =	simm.s32 $0x4C00;
	[sflag:s18] =	ssyncadd.s32 $0xFFFFF800  }
0xc2: {  	[spmem:s2] =	stream.indirect.scatter.add.f32 [tilespmem:s19], [sflag:$0x1], $0x10, s7, s16, $0xb8;
	[tilespmem:$0xE000] =	vst v63  }
0xc3: {  	_ =	swait.ge [sflag:s21], $0x800  }
0xc4: {  	[sflag:s21] =	ssyncset.done $0x0  }
0xc5: {  	s9 =	simm.s32 $0x4C80;
	[sflag:s21] =	ssyncadd.s32 $0xFFFFF800  }
0xc6: {  	[spmem:s2] =	stream.indirect.scatter.add.f32 [tilespmem:s20], [sflag:$0x2], $0x10, s9, s16, $0xb8;
	[tilespmem:$0xE000] =	vst v63  }
0xc7: {  	_ =	swait.ge [sflag:s23], $0x800  }
0xc8: {  	[sflag:s23] =	ssyncset.done $0x0  }
0xc9: {  	s8 =	simm.s32 $0x4D00;
	[sflag:s23] =	ssyncadd.s32 $0xFFFFF800  }
0xca: {  	[spmem:s2] =	stream.indirect.scatter.add.f32 [tilespmem:s22], [sflag:$0x3], $0x10, s8, s16, $0xb8;
	[tilespmem:$0xE000] =	vst v63  }
0xcb: {  	_ =	swait.ge [sflag:s25], $0x800  }
0xcc: {  	[sflag:s25] =	ssyncset.done $0x0  }
0xcd: {  	s9 =	simm.s32 $0x4D80;
	[sflag:s25] =	ssyncadd.s32 $0xFFFFF800  }
0xce: {  	[spmem:s2] =	stream.indirect.scatter.add.f32 [tilespmem:s24], [sflag:$0x4], $0x10, s9, s16, $0xb8;
	[tilespmem:$0xE000] =	vst v63  }
0xcf: {  	_ =	swait.ge [sflag:s28], $0x800  }
0xd0: {  	[sflag:s28] =	ssyncset.done $0x0  }
0xd1: {  	s8 =	simm.s32 $0x4E00;
	[sflag:s28] =	ssyncadd.s32 $0xFFFFF800  }
0xd2: {  	[spmem:s2] =	stream.indirect.scatter.add.f32 [tilespmem:s26], [sflag:$0x5], $0x10, s8, s16, $0xb8;
	[tilespmem:$0xE000] =	vst v63  }
0xd3: {  	_ =	swait.ge [sflag:s30], $0x800  }
0xd4: {  	[sflag:s30] =	ssyncset.done $0x0  }
0xd5: {  	s9 =	simm.s32 $0x4E80;
	[sflag:s30] =	ssyncadd.s32 $0xFFFFF800  }
0xd6: {  	[spmem:s2] =	stream.indirect.scatter.add.f32 [tilespmem:s29], [sflag:$0x6], $0x10, s9, s16, $0xb8;
	[tilespmem:$0xE000] =	vst v63  }
0xd7: {  	_ =	swait.ge [sflag:s1], $0x800  }
0xd8: {  	[sflag:s1] =	ssyncset.done $0x0  }
0xd9: {  	s8 =	simm.s32 $0x4F00;
	[sflag:s1] =	ssyncadd.s32 $0xFFFFF800  }
0xda: {  	[spmem:s2] =	stream.indirect.scatter.add.f32 [tilespmem:s31], [sflag:$0x7], $0x10, s8, s16, $0xb8;
	[tilespmem:$0xE000] =	vst v63  }
0xdb: {  	_ =	swait.ge [sflag:s4], $0x800  }
0xdc: {  	[sflag:s4] =	ssyncset.done $0x0  }
0xdd: {  	s9 =	simm.s32 $0x4F80;
	[sflag:s4] =	ssyncadd.s32 $0xFFFFF800  }
0xde: {  	[spmem:s2] =	stream.indirect.scatter.add.f32 [tilespmem:s0], [sflag:$0x8], $0x10, s9, s16, $0xb8;
	[tilespmem:$0xE000] =	vst v63  }
0xdf: {  	_ =	swait.ge [sflag:s18], $0x800  }
0xe0: {  	[sflag:s18] =	ssyncset.done $0x0  }
0xe1: {  	[sflag:s18] =	ssyncadd.s32 $0xFFFFF800  }
0xe2: {  	_ =	swait.ge [sflag:s21], $0x800  }
0xe3: {  	[sflag:s21] =	ssyncset.done $0x0  }
0xe4: {  	[sflag:s21] =	ssyncadd.s32 $0xFFFFF800  }
0xe5: {  	_ =	swait.ge [sflag:s23], $0x800  }
0xe6: {  	[sflag:s23] =	ssyncset.done $0x0  }
0xe7: {  	[sflag:s23] =	ssyncadd.s32 $0xFFFFF800  }
0xe8: {  	_ =	swait.ge [sflag:s25], $0x800  }
0xe9: {  	[sflag:s25] =	ssyncset.done $0x0  }
0xea: {  	[sflag:s25] =	ssyncadd.s32 $0xFFFFF800  }
0xeb: {  	_ =	swait.ge [sflag:s28], $0x800  }
0xec: {  	[sflag:s28] =	ssyncset.done $0x0  }
0xed: {  	[sflag:s28] =	ssyncadd.s32 $0xFFFFF800  }
0xee: {  	_ =	swait.ge [sflag:s30], $0x800  }
0xef: {  	[sflag:s30] =	ssyncset.done $0x0  }
0xf0: {  	[sflag:s30] =	ssyncadd.s32 $0xFFFFF800  }
0xf1: {  	_ =	swait.ge [sflag:s1], $0x800  }
0xf2: {  	[sflag:s1] =	ssyncset.done $0x0  }
0xf3: {  	[sflag:s1] =	ssyncadd.s32 $0xFFFFF800  }
0xf4: {  	_ =	swait.ge [sflag:s4], $0x800  }
0xf5: {  	s6 =	sadd.s32 $0x1, s6;
	[sflag:s4] =	ssyncset.done $0x0  }
0xf6: {  	p0 =	sne.s32 s6, s12;
	[sflag:s4] =	ssyncadd.s32 $0xFFFFF800  }
.Ltmp1:
0xf7: {  	[bflag:$0x0] =	sbarrier.arrive $0xFFFF;
	(pc) =	sbr.rel @p0 .LBB2_1-.Ltmp1, $4  }
0xf8: {  	[hbm:s11@s15], [sflag:s5] =	dma.strided [spmem:s13@s21], $0x500, s18, $0x2   }
0xf9: {  	_ =	swait.ge [sflag:s14], $0x500  }
0xfa: {  	[sflag:s14] =	ssyncset.done $0x0  }
0xfb: {  	[sflag:s14] =	ssyncadd.s32 $0xFFFFFB00  }
0xfc: {  	_ =	sfence.sel $0x180000  }
0xfd: {  	[bflag:$0x0] =	sbarrier.arrive $0xFFFF  }
0xfe: {  	_ =	strace $0x9000004A  }
0xff: {  	s0 =	stileid.u32;
	[bflag:$0x2] =	sbarrier.arrive $0xFFFF  }
0x100: {  	p0 =	sne.s32 s0, $0x0;
	s0 =	rddreg [dreg:$0x3]  }
0x101: {  	s0 =	sadd.s32 @!p0 $0x100000, s0  }
0x102: {  	[sflag:s0] =	ssyncadd.tile.s32 @!p0 $0x1;
	_ =	shalt  }
.Lfunc_end2:
_tile_overlayer_lowered:
.L_overlay_start_2:
0x103: {  	(tag) =	ssettag $0x2  }
0x104: {  	s0 =	rddreg [dreg:$0x0];
	s2 =	stileid.u32  }
0x105: {  	s1 =	rddreg [dreg:$0x1];
	p0 =	sne.s32 s2, $0x0  }
0x106: {  	s3 =	rddreg [dreg:$0x2];
	[bflag:$0x3] =	sbarrier.arrive $0xFFFF;
	s2 =	simm.s32 @!p0 $0x1C09  }
0x107: {  	[timem:s3], [sflag:s2] =	dma.local @!p0 [hbm:s0], s1  }
0x108: {  	s0 =	simm.s32 @!p0 $0x9  }
0x109: {  	_ =	swait.ge @!p0 [sflag:s0], s1  }
0x10a: {  	s1 =	ssub.s32 @!p0 $0x0, s1;
	[sflag:s0] =	ssyncset.done @!p0 $0x0  }
0x10b: {  	[sflag:s0] =	ssyncadd.s32 @!p0 s1  }
0x10c: {  	[bflag:$0x3] =	sbarrier.arrive $0xFFFF  }
0x10d: {  	_ =	shalt  }

// kernel: kernel.14.cloned.1.call-start
scs
__scs_entry_jumppad:
0x0: {  	(pc) =	sbr.rel $0x88, $3  }
0x1: {  	(tag) =	ssettag $0x0;
	lr =	simm.s32 $0x1  }
0x2: {  	[smem:$0x3F9B] =	sst lr;
	_ =	strace $0xD0000000  }
0x3: {  	_ = 	snop  }
0x4: {  	_ = 	snop  }
0x5: {  	_ = 	snop  }
0x6: {  	_ = 	snop  }
0x7: {  	_ = 	snop  }
__scs_overlays_trampoline_lowered:
0x8: {  	[smem:$0x3FAA] =	sst s0  }
0x9: {  	[smem:$0x3FAB] =	sst s1  }
0xa: {  	[smem:$0x3FAC] =	sst s2  }
0xb: {  	[smem:$0x3FAD] =	sst s3  }
0xc: {  	[smem:$0x3FAE] =	sst s4  }
0xd: {  	[smem:$0x3FAF] =	sst s5  }
0xe: {  	[smem:$0x3FB0] =	sst s6  }
0xf: {  	[smem:$0x3FB1] =	sst s7  }
0x10: {  	[smem:$0x3FB2] =	sst s8  }
0x11: {  	[smem:$0x3FB3] =	sst s9;
	s0 =	simm.s32 @!p0 $0x0  }
0x12: {  	s1 =	sld [smem:$0x3F99];
	s0 =	simm.s32 @p0 $0x1  }
0x13: {  	[smem:$0x3FB4] =	sst s0;
	s0 =	simm.s32 @!p1 $0x0  }
0x14: {  	s2 =	sld [smem:$0x3F98];
	s0 =	simm.s32 @p1 $0x1  }
0x15: {  	[smem:$0x3FB5] =	sst s0;
	s0 =	simm.s32 @!p2 $0x0  }
0x16: {  	s3 =	sld [smem:$0x3FDB];
	s0 =	simm.s32 @p2 $0x1  }
0x17: {  	s4 =	simm.s32 $0x1BF5;
	[smem:$0x3FB7] =	sst s0  }
0x18: {  	s0 =	sld [smem:$0x3F9A];
	_ =	swait.ge [sflag:s4], $0x0  }
0x19: {  	s7 =	sld [smem:$0x3F9B]  }
0x1a: {  	s8 =	sadd.s32 $0xFFFFE003, lr  }
0x1b: {  	s9 =	sadd.s32 $0xFFFFFEF7, lr;
	s5 =	simm.s32 $0xFFFFFFFF;
	p2 =	slt.u32 s8, $0xFFFFF086  }
0x1c: {  	p1 =	slt.u32 s9, $0xF7A;
	s5 =	simm.s32 @!p2 $0x0  }
0x1d: {  	s5 =	simm.s32 @p1 $0x1;
	p0 =	seq.s32 s7, s2  }
0x1e: {  	s7 =	smul.u32 @!p0 $0xF7A, s2;
	p2 =	seq.s32 @!p0 s5, $0x0  }
0x1f: {  	s9 =	smul.u32 $0xF7A, s1;
	s8 =	simm.s32 @!p0 $0x1BF5;
	p2 =	por !p2, p0  }
0x20: {  	[sflag:s8] =	ssyncset.s32 @!p0 $0xFFFFF086;
	s6 =	sadd.s32 @!p0 s3, s7;
	s7 =	simm.s32 @!p0 $0x108  }
0x21: {  	s3 =	sadd.s32 s3, s9;
	s6 =	sadd.s32 @!p0 $0x88, s6;
	s7 =	simm.s32 @p2 $0x1082  }
0x22: {  	[simem:s7], [sflag:s8] =	dma.local @!p0 [hbm:s6], $0xF7A  }
0x23: {  	s9 =	sor.u32 $0xD0000000, s2;
	s6 =	simm.s32 $0x108;
	_ =	swait.ge @!p0 [sflag:s8], $0x0  }
0x24: {  	s3 =	sadd.s32 $0x88, s3;
	s6 =	simm.s32 @!p1 $0x1082;
	[sflag:s4] =	ssyncset.s32 $0xFFFFF086  }
0x25: {  	[simem:s6], [sflag:s4] =	dma.local [hbm:s3], $0xF7A  }
0x26: {  	[smem:$0x3F9B] =	sst s1;
	(tag) =	ssettag s2;
	_ =	strace s9  }
0x27: {  	s1 =	sld [smem:$0x3FAB]  }
0x28: {  	s2 =	sld [smem:$0x3FAC]  }
0x29: {  	s4 =	sld [smem:$0x3FAE]  }
0x2a: {  	p0 =	seq.s32 s5, $0x0;
	s5 =	sld [smem:$0x3FAF]  }
0x2b: {  	s6 =	sld [smem:$0x3FB0]  }
0x2c: {  	s7 =	sld [smem:$0x3FB1]  }
0x2d: {  	s3 =	simm.s32 $0x108;
	s8 =	sld [smem:$0x3FB2]  }
0x2e: {  	s3 =	simm.s32 @!p0 $0x1082;
	s9 =	sld [smem:$0x3FB3]  }
0x2f: {  	lr =	sadd.s32 s0, s3;
	s0 =	sld [smem:$0x3FAA]  }
0x30: {  	s3 =	sld [smem:$0x3FAD]  }
0x31: {  	[smem:$0x3FB6] =	sst s10  }
0x32: {  	s10 =	sld [smem:$0x3FB4];
	_ =	sdelay $0x3  }
0x33: {  	p0 =	seq.s32 s10, $0x1;
	s10 =	sld [smem:$0x3FB6];
	_ =	sdelay $0x3  }
0x34: {  	[smem:$0x3FB6] =	sst s10  }
0x35: {  	s10 =	sld [smem:$0x3FB5];
	_ =	sdelay $0x3  }
0x36: {  	p1 =	seq.s32 s10, $0x1;
	s10 =	sld [smem:$0x3FB6];
	_ =	sdelay $0x3  }
0x37: {  	[smem:$0x3FB6] =	sst s10  }
0x38: {  	s10 =	sld [smem:$0x3FB7]  }
0x39: {  	_ = 	snop;
	(pc) =	sbr.ind lr, $3  }
0x3a: {  	_ = 	snop  }
0x3b: {  	_ = 	snop  }
0x3c: {  	p2 =	seq.s32 s10, $0x1;
	s10 =	sld [smem:$0x3FB6]  }
0x3d: {  	_ =	shalt  }
0x3e: {  	_ =	shalt  }
0x3f: {  	_ =	shalt  }
0x40: {  	_ =	shalt  }
0x41: {  	_ =	shalt  }
0x42: {  	_ =	shalt  }
0x43: {  	_ =	shalt  }
0x44: {  	_ =	shalt  }
0x45: {  	_ =	shalt  }
0x46: {  	_ =	shalt  }
0x47: {  	_ =	shalt  }
0x48: {  	_ =	shalt  }
0x49: {  	_ =	shalt  }
0x4a: {  	_ =	shalt  }
0x4b: {  	_ =	shalt  }
0x4c: {  	_ =	shalt  }
0x4d: {  	_ =	shalt  }
0x4e: {  	_ =	shalt  }
0x4f: {  	_ =	shalt  }
0x50: {  	_ =	shalt  }
0x51: {  	_ =	shalt  }
0x52: {  	_ =	shalt  }
0x53: {  	_ =	shalt  }
0x54: {  	_ =	shalt  }
0x55: {  	_ =	shalt  }
0x56: {  	_ =	shalt  }
0x57: {  	_ =	shalt  }
0x58: {  	_ =	shalt  }
0x59: {  	_ =	shalt  }
0x5a: {  	_ =	shalt  }
0x5b: {  	_ =	shalt  }
0x5c: {  	_ =	shalt  }
0x5d: {  	_ =	shalt  }
0x5e: {  	_ =	shalt  }
0x5f: {  	_ =	shalt  }
0x60: {  	_ =	shalt  }
0x61: {  	_ =	shalt  }
0x62: {  	_ =	shalt  }
0x63: {  	_ =	shalt  }
0x64: {  	_ =	shalt  }
0x65: {  	_ =	shalt  }
0x66: {  	_ =	shalt  }
0x67: {  	_ =	shalt  }
0x68: {  	_ =	shalt  }
0x69: {  	_ =	shalt  }
0x6a: {  	_ =	shalt  }
0x6b: {  	_ =	shalt  }
0x6c: {  	_ =	shalt  }
0x6d: {  	_ =	shalt  }
0x6e: {  	_ =	shalt  }
0x6f: {  	_ =	shalt  }
0x70: {  	_ =	shalt  }
0x71: {  	_ =	shalt  }
0x72: {  	_ =	shalt  }
0x73: {  	_ =	shalt  }
0x74: {  	_ =	shalt  }
0x75: {  	_ =	shalt  }
0x76: {  	_ =	shalt  }
0x77: {  	_ =	shalt  }
0x78: {  	_ =	shalt  }
0x79: {  	_ =	shalt  }
0x7a: {  	_ =	shalt  }
0x7b: {  	_ =	shalt  }
0x7c: {  	_ =	shalt  }
0x7d: {  	_ =	shalt  }
0x7e: {  	_ =	shalt  }
0x7f: {  	_ =	shalt  }
0x80: {  	_ =	shalt  }
0x81: {  	_ =	shalt  }
0x82: {  	_ =	shalt  }
0x83: {  	_ =	shalt  }
0x84: {  	_ =	shalt  }
0x85: {  	_ =	shalt  }
0x86: {  	_ =	shalt  }
0x87: {  	_ =	shalt  }
.Lfunc_end0:
.L_simem_size_0:
called_computation.2_lowered:
.L_overlay_start_0:
0x88: {  	s2 =	sld [smem:$0x3FD9]  }
0x89: {  	s3 =	sld [smem:$0x3FFE];
	_ =	sdelay $0x1  }
0x8a: {  	s1 =	srdreg.scid  }
0x8b: {  	s0 =	sand.u32 $0x1, s1  }
0x8c: {  	s17 =	sshll.u32 s0, $0xA;
	s2 =	sadd.s32 s3, s2  }
0x8d: {  	s2 =	sadd.s32 s2, s17  }
0x8e: {  	[smem:$0x3FC2] =	sst s2  }
0x8f: {  	_ = 	snop  }
0x90: {  	s2 =	sld [smem:$0x3FD0];
	(tm) =	ssettm $0x1  }
0x91: {  	s18 =	sld [smem:$0x3FFB];
	_ =	sdelay $0x3  }
0x92: {  	_ =	strace s18  }
0x93: {  	s3 =	sld [smem:$0x3FFC];
	_ =	sdelay $0x3  }
0x94: {  	_ =	strace s3  }
0x95: {  	s3 =	sld [smem:$0x3FFD];
	_ =	sdelay $0x3  }
0x96: {  	_ =	strace s3  }
0x97: {  	_ =	strace $0x8FFFFFFF  }
0x98: {  	s19 =	sld [smem:$0x3FDB];
	_ =	sdelay $0x1  }
0x99: {  	s4 =	simm.s32 $_scs_section_size  }
0x9a: {  	s5 =	simm.s32 $_size__tile_overlayer_lowered;
	s6 =	simm.s32 $_tile_overlayer_lowered  }
0x9b: {  	s22 =	simm.s32 $0x1BFF;
	s21 =	sshll.u32 s6, $0x1;
	s3 =	sadd.s32 s4, s19  }
0x9c: {  	s7 =	simm.s32 $0x0;
	s20 =	sshll.u32 s5, $0x1;
	s5 =	sadd.s32 s21, s3  }
0x9d: {  	[timem:s7], [sflag:s22] =	dma.local [hbm:s5], s20  }
0x9e: {  	_ =	swait.ge [sflag:s22], s20  }
0x9f: {  	s4 =	ssub.s32 $0x0, s20;
	[sflag:s22] =	ssyncset.done $0x0  }
0xa0: {  	[sflag:s22] =	ssyncadd.s32 s4;
	_ =	sdelay $0x1  }
0xa1: {  	s23 =	simm.s32 $0x1B8B  }
0xa2: {  	_ =	swait.ge [sflag:s23], $0x1  }
0xa3: {  	[sflag:s23] =	ssyncset.done $0x0  }
0xa4: {  	s25 =	simm.s32 $0x1B8E;
	s24 =	sld [smem:$0x3FFE];
	[sflag:s23] =	ssyncadd.s32 $0xFFFFFFFF  }
0xa5: {  	s26 =	simm.s32 $execute0_lowered;
	[smem:$0x3FD2] =	sst s25  }
0xa6: {  	s5 =	sshll.u32 s26, $0x1;
	_ =	strace $0x8000004C;
	[dreg:$0x1] =	wrdreg $0xFFFFFFFF  }
0xa7: {  	s28 =	simm.s32 $_size_execute0_lowered;
	s3 =	sadd.s32 s3, s5;
	[dreg:$0x0] =	wrdreg $0x0  }
0xa8: {  	s5 =	sshll.u32 s28, $0x1;
	[dreg:$0x2] =	wrdreg s3  }
0xa9: {  	[dreg:$0x3] =	wrdreg s5  }
0xaa: {  	[dreg:$0x4] =	wrdreg $0xC0  }
0xab: {  	_ =	task [dreg:s7], $0x5FFFF  }
0xac: {  	[dreg:$0x1] =	wrdreg $0xFFFFFFFF  }
0xad: {  	[dreg:$0x0] =	wrdreg $0x60  }
0xae: {  	[dreg:$0x2] =	wrdreg s24  }
0xaf: {  	[dreg:$0x3] =	wrdreg s2  }
0xb0: {  	[dreg:$0x4] =	wrdreg $0x154000  }
0xb1: {  	[dreg:$0x5] =	wrdreg $0x9  }
0xb2: {  	_ =	task.clear_ibuf [dreg:s7], $0x6FFFF;
	_ =	strace $0x9000004C  }
0xb3: {  	s29 =	simm.s32 $0x9;
	_ =	strace $0x8000004E  }
0xb4: {  	_ =	swait.ge [sflag:s29], $0x1  }
0xb5: {  	[sflag:s29] =	ssyncadd.s32 $0xFFFFFFFF  }
0xb6: {  	_ =	strace $0x9000004E  }
0xb7: {  	_ =	sfence  }
0xb8: {  	s30 =	sld [smem:$0x0];
	_ =	sdelay $0x2  }
0xb9: {  	s31 =	sshll.u32 s1, $0xD;
	s1 =	sshrl.u32 s1, $0x2  }
0xba: {  	s3 =	sand.u32 $0x4000, s31;
	s1 =	sadd.s32 s1, s30  }
0xbb: {  	s0 =	sor.u32 s3, s0;
	s1 =	sshll.u32 s1, $0x11  }
0xbc: {  	s0 =	sor.u32 s1, s0  }
0xbd: {  	s0 =	sadd.s32 $0x8F2B, s0  }
0xbe: {  	[sflag:s0] =	ssyncadd.remote.s32 $0x1  }
0xbf: {  	_ =	sfence.sel $0xFFFF  }
0xc0: {  	[dreg:$0x0] =	wrdreg $0xFFFFFFFF;
	(pc) =	sbr.abs _section_cstart, $3  }
0xc1: {  	[dreg:$0x1] =	wrdreg $0xFFFFFFFF  }
0xc2: {  	_ =	task.clear_ibuf [dreg:s7], $0x2FFFF;
	_ =	strace $0x9FFFFFFF  }
0xc3: {  	(tm) =	ssettm $0x7FFFFFFF  }
tec
execute0_lowered:
.L_overlay_start_1:
0x0: {  	(tag) =	ssettag $0x1  }
0x1: {  	s0 =	srdreg.scid;
	s1 =	rddreg [dreg:$0x0]  }
0x2: {  	s15 =	stileid.u32;
	s4 =	rddreg [dreg:$0x1]  }
0x3: {  	s16 =	simm.s32 $0x80;
	s17 =	simm.s32 $0xF000;
	s19 =	simm.s32 $0x5000  }
0x4: {  	s20 =	simm.s32 $0x6400;
	s22 =	simm.s32 $0x7800;
	s29 =	simm.s32 $0xB400  }
0x5: {  	s31 =	simm.s32 $0xC800;
	s18 =	simm.s32 $0x2;
	s21 =	simm.s32 $0x3  }
0x6: {  	s28 =	simm.s32 $0x6;
	s30 =	simm.s32 $0x7;
	s5 =	smul.u32 $0x14000, s15  }
0x7: {  	s0 =	sand.u32 $0x1, s0;
	s7 =	smul.u32 $0x6400, s15;
	s12 =	sadd.s32 $0x42200, s1  }
0x8: {  	s25 =	sshll.u32 s15, $0x6;
	s2 =	sshll.u32 s0, $0x4;
	s11 =	sshll.u32 s0, $0x6  }
0x9: {  	s23 =	ssub.s32 $0x2, s0;
	s0 =	smul.u32 $0x64000, s0;
	s3 =	sor.u32 s15, s2  }
0xa: {  	s2 =	rddreg [dreg:$0x2];
	s9 =	sshrl.u32 s5, $0x3;
	s10 =	sshrl.u32 s7, $0x3  }
0xb: {  	s5 =	sor.u32 s11, s5;
	s13 =	sshrl.u32 s23, $0x1;
	s15 =	simm.s32 $0x1  }
0xc: {  	s6 =	smul.u32 $0x500, s3;
	s3 =	simm.s32 $0x0;
	s9 =	sadd.s32 s9, s1  }
0xd: {  	s10 =	sadd.s32 s10, s1;
	s5 =	sshrl.u32 s5, $0x3;
	s13 =	ssub.s32 s23, s13  }
0xe: {  	s14 =	sadd.s32 s7, s2;
	s7 =	sadd.s32 s7, s0;
	s0 =	sshrl.u32 s0, $0x3  }
0xf: {  	s23 =	simm.s32 $0x4;
	[smem:$0x7FF] =	sst s3;
	s24 =	sadd.s32 $0x35A00, s10  }
0x10: {  	s9 =	sadd.s32 $0xDA00, s9;
	s7 =	sshrl.u32 s7, $0x3;
	s10 =	sadd.s32 s12, s0  }
0x11: {  	s0 =	simm.s32 $0xDC00;
	_ =	strace $0x8000004D;
	s8 =	sadd.s32 s6, s1  }
0x12: {  	s1 =	sadd.s32 s5, s1;
	[dreg:$0x4] =	wrdreg s24;
	s5 =	sor.u32 $0x1C09, s25  }
0x13: {  	[dreg:$0x5] =	wrdreg s9;
	s7 =	sadd.s32 s12, s7;
	s9 =	sadd.s32 s4, s6  }
0x14: {  	s12 =	smax.u32 s13, $0x1;
	s13 =	sshrl.u32 s14, $0x3;
	s14 =	simm.s32 $0x9  }
0x15: {  	s24 =	simm.s32 $0x8C00;
	s25 =	simm.s32 $0x5;
	s4 =	simm.s32 $0x0  }
0x16: {  	[dreg:$0x6] =	wrdreg s7;
	s26 =	sadd.s32 $0x3A00, s8;
	s11 =	sadd.s32 $0x5B200, s1  }
0x17: {  	s1 =	simm.s32 $0x8;
	[dreg:$0x7] =	wrdreg s26;
	s26 =	simm.s32 $0xA000  }
.LBB2_1:
0x18: {  	s6 =	rddreg [dreg:$0x4]  }
0x19: {  	[spmem:s13], [sflag:s5] =	dma.local [hbm:s6], $0xC80  }
0x1a: {  	_ =	swait.ge [sflag:s14], $0xC80  }
0x1b: {  	[sflag:s14] =	ssyncset.done $0x0  }
0x1c: {  	s7 =	simm.s32 $0x28;
	s8 =	rddreg [dreg:$0x5];
	[sflag:s14] =	ssyncadd.s32 $0xFFFFF380  }
0x1d: {  	[tilespmem:s17], [sflag:$0x9] =	stream.strided.gather [hbm4b:s8+s7], $0x6400, s16, s7, $0x38;
	[tilespmem:$0x1B800] =	vst v63  }
0x1e: {  	_ =	swait.ge [sflag:s14], $0x6400  }
0x1f: {  	[sflag:s14] =	ssyncset.done $0x0  }
0x20: {  	s7 =	rddreg [dreg:$0x6];
	[sflag:s14] =	ssyncadd.s32 $0xFFFF9C00  }
0x21: {  	[hbm4b:s7+s3] =	stream.linear.scatter [tilespmem:s17], [sflag:$0x9], $0x6400, $0x38;
	[tilespmem:$0x1B800] =	vst v63  }
0x22: {  	_ =	swait.ge [sflag:s14], $0x6400  }
0x23: {  	[sflag:s14] =	ssyncset.done $0x0  }
0x24: {  	s8 =	rddreg [dreg:$0x7];
	[sflag:s14] =	ssyncadd.s32 $0xFFFF9C00  }
0x25: {  	[tilespmem:s3], [sflag:$0x9] =	stream.linear.gather [hbm4b:s8+s3], $0x2800, $0x38;
	[tilespmem:$0x1B800] =	vst v63  }
0x26: {  	_ =	swait.ge [sflag:s14], $0x2800  }
0x27: {  	[sflag:s14] =	ssyncset.done $0x0  }
0x28: {  	s7 =	simm.s32 $0x2800;
	[sflag:s14] =	ssyncadd.s32 $0xFFFFD800  }
0x29: {  	[tilespmem:s7], [sflag:$0x9] =	stream.linear.gather [hbm4b:s9+s3], $0x2800, $0x38;
	[tilespmem:$0x1B800] =	vst v63  }
0x2a: {  	_ =	swait.ge [sflag:s14], $0x2800  }
0x2b: {  	[sflag:s14] =	ssyncset.done $0x0  }
0x2c: {  	[sflag:s14] =	ssyncadd.s32 $0xFFFFD800  }
0x2d: {  	[bflag:$0x0] =	sbarrier.arrive $0xFFFF  }
0x2e: {  	[tilespmem:s19], [sflag:$0x1] =	stream.indirect.gather [hbm4b:s10+s16], $0x28, s3, s16, $0xb8;
	[tilespmem:$0x1B800] =	vst v63  }
0x2f: {  	_ = 	snop  }
0x30: {  	[tilespmem:s20], [sflag:$0x2] =	stream.indirect.gather [hbm4b:s10+s16], $0x28, s16, s16, $0xb8;
	[tilespmem:$0x1B800] =	vst v63  }
0x31: {  	s8 =	simm.s32 $0x100  }
0x32: {  	[tilespmem:s22], [sflag:$0x3] =	stream.indirect.gather [hbm4b:s10+s16], $0x28, s8, s16, $0xb8;
	[tilespmem:$0x1B800] =	vst v63  }
0x33: {  	s7 =	simm.s32 $0x180  }
0x34: {  	[tilespmem:s24], [sflag:$0x4] =	stream.indirect.gather [hbm4b:s10+s16], $0x28, s7, s16, $0xb8;
	[tilespmem:$0x1B800] =	vst v63  }
0x35: {  	s8 =	simm.s32 $0x200  }
0x36: {  	[tilespmem:s26], [sflag:$0x5] =	stream.indirect.gather [hbm4b:s10+s16], $0x28, s8, s16, $0xb8;
	[tilespmem:$0x1B800] =	vst v63  }
0x37: {  	s7 =	simm.s32 $0x280  }
0x38: {  	[tilespmem:s29], [sflag:$0x6] =	stream.indirect.gather [hbm4b:s10+s16], $0x28, s7, s16, $0xb8;
	[tilespmem:$0x1B800] =	vst v63  }
0x39: {  	s8 =	simm.s32 $0x300  }
0x3a: {  	[tilespmem:s31], [sflag:$0x7] =	stream.indirect.gather [hbm4b:s10+s16], $0x28, s8, s16, $0xb8;
	[tilespmem:$0x1B800] =	vst v63  }
0x3b: {  	s7 =	simm.s32 $0x380  }
0x3c: {  	[tilespmem:s0], [sflag:$0x8] =	stream.indirect.gather [hbm4b:s10+s16], $0x28, s7, s16, $0xb8;
	[tilespmem:$0x1B800] =	vst v63  }
0x3d: {  	_ =	swait.ge [sflag:s15], $0x1400  }
0x3e: {  	[sflag:s15] =	ssyncset.done $0x0  }
0x3f: {  	s8 =	simm.s32 $0x2800;
	[sflag:s15] =	ssyncadd.s32 $0xFFFFEC00  }
0x40: {  	[spmem:s2] =	stream.indirect.scatter.add.f32 [tilespmem:s19], [sflag:$0x1], $0x28, s8, s16, $0xb8;
	[tilespmem:$0x1B800] =	vst v63  }
0x41: {  	_ =	swait.ge [sflag:s18], $0x1400  }
0x42: {  	[sflag:s18] =	ssyncset.done $0x0  }
0x43: {  	s7 =	simm.s32 $0x2880;
	[sflag:s18] =	ssyncadd.s32 $0xFFFFEC00  }
0x44: {  	[spmem:s2] =	stream.indirect.scatter.add.f32 [tilespmem:s20], [sflag:$0x2], $0x28, s7, s16, $0xb8;
	[tilespmem:$0x1B800] =	vst v63  }
0x45: {  	_ =	swait.ge [sflag:s21], $0x1400  }
0x46: {  	[sflag:s21] =	ssyncset.done $0x0  }
0x47: {  	s8 =	simm.s32 $0x2900;
	[sflag:s21] =	ssyncadd.s32 $0xFFFFEC00  }
0x48: {  	[spmem:s2] =	stream.indirect.scatter.add.f32 [tilespmem:s22], [sflag:$0x3], $0x28, s8, s16, $0xb8;
	[tilespmem:$0x1B800] =	vst v63  }
0x49: {  	_ =	swait.ge [sflag:s23], $0x1400  }
0x4a: {  	[sflag:s23] =	ssyncset.done $0x0  }
0x4b: {  	s7 =	simm.s32 $0x2980;
	[sflag:s23] =	ssyncadd.s32 $0xFFFFEC00  }
0x4c: {  	[spmem:s2] =	stream.indirect.scatter.add.f32 [tilespmem:s24], [sflag:$0x4], $0x28, s7, s16, $0xb8;
	[tilespmem:$0x1B800] =	vst v63  }
0x4d: {  	_ =	swait.ge [sflag:s25], $0x1400  }
0x4e: {  	[sflag:s25] =	ssyncset.done $0x0  }
0x4f: {  	s8 =	simm.s32 $0x2A00;
	[sflag:s25] =	ssyncadd.s32 $0xFFFFEC00  }
0x50: {  	[spmem:s2] =	stream.indirect.scatter.add.f32 [tilespmem:s26], [sflag:$0x5], $0x28, s8, s16, $0xb8;
	[tilespmem:$0x1B800] =	vst v63  }
0x51: {  	_ =	swait.ge [sflag:s28], $0x1400  }
0x52: {  	[sflag:s28] =	ssyncset.done $0x0  }
0x53: {  	s7 =	simm.s32 $0x2A80;
	[sflag:s28] =	ssyncadd.s32 $0xFFFFEC00  }
0x54: {  	[spmem:s2] =	stream.indirect.scatter.add.f32 [tilespmem:s29], [sflag:$0x6], $0x28, s7, s16, $0xb8;
	[tilespmem:$0x1B800] =	vst v63  }
0x55: {  	_ =	swait.ge [sflag:s30], $0x1400  }
0x56: {  	[sflag:s30] =	ssyncset.done $0x0  }
0x57: {  	s8 =	simm.s32 $0x2B00;
	[sflag:s30] =	ssyncadd.s32 $0xFFFFEC00  }
0x58: {  	[spmem:s2] =	stream.indirect.scatter.add.f32 [tilespmem:s31], [sflag:$0x7], $0x28, s8, s16, $0xb8;
	[tilespmem:$0x1B800] =	vst v63  }
0x59: {  	_ =	swait.ge [sflag:s1], $0x1400  }
0x5a: {  	[sflag:s1] =	ssyncset.done $0x0  }
0x5b: {  	s7 =	simm.s32 $0x2B80;
	[sflag:s1] =	ssyncadd.s32 $0xFFFFEC00  }
0x5c: {  	[spmem:s2] =	stream.indirect.scatter.add.f32 [tilespmem:s0], [sflag:$0x8], $0x28, s7, s16, $0xb8;
	[tilespmem:$0x1B800] =	vst v63  }
0x5d: {  	_ =	swait.ge [sflag:s15], $0x1400  }
0x5e: {  	[sflag:s15] =	ssyncset.done $0x0  }
0x5f: {  	s8 =	simm.s32 $0x400;
	[sflag:s15] =	ssyncadd.s32 $0xFFFFEC00  }
0x60: {  	[tilespmem:s19], [sflag:$0x1] =	stream.indirect.gather [hbm4b:s10+s16], $0x28, s8, s16, $0xb8;
	[tilespmem:$0x1B800] =	vst v63  }
0x61: {  	_ =	swait.ge [sflag:s18], $0x1400  }
0x62: {  	[sflag:s18] =	ssyncset.done $0x0  }
0x63: {  	s7 =	simm.s32 $0x480;
	[sflag:s18] =	ssyncadd.s32 $0xFFFFEC00  }
0x64: {  	[tilespmem:s20], [sflag:$0x2] =	stream.indirect.gather [hbm4b:s10+s16], $0x28, s7, s16, $0xb8;
	[tilespmem:$0x1B800] =	vst v63  }
0x65: {  	_ =	swait.ge [sflag:s21], $0x1400  }
0x66: {  	[sflag:s21] =	ssyncset.done $0x0  }
0x67: {  	s8 =	simm.s32 $0x500;
	[sflag:s21] =	ssyncadd.s32 $0xFFFFEC00  }
0x68: {  	[tilespmem:s22], [sflag:$0x3] =	stream.indirect.gather [hbm4b:s10+s16], $0x28, s8, s16, $0xb8;
	[tilespmem:$0x1B800] =	vst v63  }
0x69: {  	_ =	swait.ge [sflag:s23], $0x1400  }
0x6a: {  	[sflag:s23] =	ssyncset.done $0x0  }
0x6b: {  	s7 =	simm.s32 $0x580;
	[sflag:s23] =	ssyncadd.s32 $0xFFFFEC00  }
0x6c: {  	[tilespmem:s24], [sflag:$0x4] =	stream.indirect.gather [hbm4b:s10+s16], $0x28, s7, s16, $0xb8;
	[tilespmem:$0x1B800] =	vst v63  }
0x6d: {  	_ =	swait.ge [sflag:s25], $0x1400  }
0x6e: {  	[sflag:s25] =	ssyncset.done $0x0  }
0x6f: {  	s8 =	simm.s32 $0x600;
	[sflag:s25] =	ssyncadd.s32 $0xFFFFEC00  }
0x70: {  	[tilespmem:s26], [sflag:$0x5] =	stream.indirect.gather [hbm4b:s10+s16], $0x28, s8, s16, $0xb8;
	[tilespmem:$0x1B800] =	vst v63  }
0x71: {  	_ =	swait.ge [sflag:s28], $0x1400  }
0x72: {  	[sflag:s28] =	ssyncset.done $0x0  }
0x73: {  	s7 =	simm.s32 $0x680;
	[sflag:s28] =	ssyncadd.s32 $0xFFFFEC00  }
0x74: {  	[tilespmem:s29], [sflag:$0x6] =	stream.indirect.gather [hbm4b:s10+s16], $0x28, s7, s16, $0xb8;
	[tilespmem:$0x1B800] =	vst v63  }
0x75: {  	_ =	swait.ge [sflag:s30], $0x1400  }
0x76: {  	[sflag:s30] =	ssyncset.done $0x0  }
0x77: {  	s8 =	simm.s32 $0x700;
	[sflag:s30] =	ssyncadd.s32 $0xFFFFEC00  }
0x78: {  	[tilespmem:s31], [sflag:$0x7] =	stream.indirect.gather [hbm4b:s10+s16], $0x28, s8, s16, $0xb8;
	[tilespmem:$0x1B800] =	vst v63  }
0x79: {  	_ =	swait.ge [sflag:s1], $0x1400  }
0x7a: {  	[sflag:s1] =	ssyncset.done $0x0  }
0x7b: {  	s6 =	simm.s32 $0x1000;
	s7 =	simm.s32 $0x780;
	[sflag:s1] =	ssyncadd.s32 $0xFFFFEC00  }
.LBB2_2:
0x7c: {  	[tilespmem:s0], [sflag:$0x8] =	stream.indirect.gather [hbm4b:s10+s16], $0x28, s7, s16, $0xb8;
	[tilespmem:$0x1B800] =	vst v63  }
0x7d: {  	s7 =	smov.u32 s6  }
0x7e: {  	p0 =	sne.s32 s6, $0x8000;
	s6 =	sadd.s32 $0x1000, s6;
	_ =	swait.ge [sflag:s15], $0x1400  }
0x7f: {  	s7 =	sshra.s32 s7, $0x2;
	[sflag:s15] =	ssyncset.done $0x0  }
0x80: {  	s8 =	sadd.s32 $0x2800, s7;
	[sflag:s15] =	ssyncadd.s32 $0xFFFFEC00  }
0x81: {  	[spmem:s2] =	stream.indirect.scatter.add.f32 [tilespmem:s19], [sflag:$0x1], $0x28, s8, s16, $0xb8;
	[tilespmem:$0x1B800] =	vst v63  }
0x82: {  	_ =	swait.ge [sflag:s18], $0x1400  }
0x83: {  	[sflag:s18] =	ssyncset.done $0x0  }
0x84: {  	s8 =	sadd.s32 $0x2880, s7;
	[sflag:s18] =	ssyncadd.s32 $0xFFFFEC00  }
0x85: {  	[spmem:s2] =	stream.indirect.scatter.add.f32 [tilespmem:s20], [sflag:$0x2], $0x28, s8, s16, $0xb8;
	[tilespmem:$0x1B800] =	vst v63  }
0x86: {  	_ =	swait.ge [sflag:s21], $0x1400  }
0x87: {  	[sflag:s21] =	ssyncset.done $0x0  }
0x88: {  	s8 =	sadd.s32 $0x2900, s7;
	[sflag:s21] =	ssyncadd.s32 $0xFFFFEC00  }
0x89: {  	[spmem:s2] =	stream.indirect.scatter.add.f32 [tilespmem:s22], [sflag:$0x3], $0x28, s8, s16, $0xb8;
	[tilespmem:$0x1B800] =	vst v63  }
0x8a: {  	_ =	swait.ge [sflag:s23], $0x1400  }
0x8b: {  	[sflag:s23] =	ssyncset.done $0x0  }
0x8c: {  	s8 =	sadd.s32 $0x2980, s7;
	[sflag:s23] =	ssyncadd.s32 $0xFFFFEC00  }
0x8d: {  	[spmem:s2] =	stream.indirect.scatter.add.f32 [tilespmem:s24], [sflag:$0x4], $0x28, s8, s16, $0xb8;
	[tilespmem:$0x1B800] =	vst v63  }
0x8e: {  	_ =	swait.ge [sflag:s25], $0x1400  }
0x8f: {  	[sflag:s25] =	ssyncset.done $0x0  }
0x90: {  	s8 =	sadd.s32 $0x2A00, s7;
	[sflag:s25] =	ssyncadd.s32 $0xFFFFEC00  }
0x91: {  	[spmem:s2] =	stream.indirect.scatter.add.f32 [tilespmem:s26], [sflag:$0x5], $0x28, s8, s16, $0xb8;
	[tilespmem:$0x1B800] =	vst v63  }
0x92: {  	_ =	swait.ge [sflag:s28], $0x1400  }
0x93: {  	[sflag:s28] =	ssyncset.done $0x0  }
0x94: {  	s8 =	sadd.s32 $0x2A80, s7;
	[sflag:s28] =	ssyncadd.s32 $0xFFFFEC00  }
0x95: {  	[spmem:s2] =	stream.indirect.scatter.add.f32 [tilespmem:s29], [sflag:$0x6], $0x28, s8, s16, $0xb8;
	[tilespmem:$0x1B800] =	vst v63  }
0x96: {  	_ =	swait.ge [sflag:s30], $0x1400  }
0x97: {  	[sflag:s30] =	ssyncset.done $0x0  }
0x98: {  	s8 =	sadd.s32 $0x2B00, s7;
	[sflag:s30] =	ssyncadd.s32 $0xFFFFEC00  }
0x99: {  	[spmem:s2] =	stream.indirect.scatter.add.f32 [tilespmem:s31], [sflag:$0x7], $0x28, s8, s16, $0xb8;
	[tilespmem:$0x1B800] =	vst v63  }
0x9a: {  	_ =	swait.ge [sflag:s1], $0x1400  }
0x9b: {  	[sflag:s1] =	ssyncset.done $0x0  }
0x9c: {  	s8 =	sadd.s32 $0x2B80, s7;
	[sflag:s1] =	ssyncadd.s32 $0xFFFFEC00  }
0x9d: {  	[spmem:s2] =	stream.indirect.scatter.add.f32 [tilespmem:s0], [sflag:$0x8], $0x28, s8, s16, $0xb8;
	[tilespmem:$0x1B800] =	vst v63  }
0x9e: {  	_ =	swait.ge [sflag:s15], $0x1400  }
0x9f: {  	[sflag:s15] =	ssyncset.done $0x0  }
0xa0: {  	s8 =	sadd.s32 $0x400, s7;
	[sflag:s15] =	ssyncadd.s32 $0xFFFFEC00  }
0xa1: {  	[tilespmem:s19], [sflag:$0x1] =	stream.indirect.gather [hbm4b:s10+s16], $0x28, s8, s16, $0xb8;
	[tilespmem:$0x1B800] =	vst v63  }
0xa2: {  	_ =	swait.ge [sflag:s18], $0x1400  }
0xa3: {  	[sflag:s18] =	ssyncset.done $0x0  }
0xa4: {  	s8 =	sadd.s32 $0x480, s7;
	[sflag:s18] =	ssyncadd.s32 $0xFFFFEC00  }
0xa5: {  	[tilespmem:s20], [sflag:$0x2] =	stream.indirect.gather [hbm4b:s10+s16], $0x28, s8, s16, $0xb8;
	[tilespmem:$0x1B800] =	vst v63  }
0xa6: {  	_ =	swait.ge [sflag:s21], $0x1400  }
0xa7: {  	[sflag:s21] =	ssyncset.done $0x0  }
0xa8: {  	s8 =	sadd.s32 $0x500, s7;
	[sflag:s21] =	ssyncadd.s32 $0xFFFFEC00  }
0xa9: {  	[tilespmem:s22], [sflag:$0x3] =	stream.indirect.gather [hbm4b:s10+s16], $0x28, s8, s16, $0xb8;
	[tilespmem:$0x1B800] =	vst v63  }
0xaa: {  	_ =	swait.ge [sflag:s23], $0x1400  }
0xab: {  	[sflag:s23] =	ssyncset.done $0x0  }
0xac: {  	s8 =	sadd.s32 $0x580, s7;
	[sflag:s23] =	ssyncadd.s32 $0xFFFFEC00  }
0xad: {  	[tilespmem:s24], [sflag:$0x4] =	stream.indirect.gather [hbm4b:s10+s16], $0x28, s8, s16, $0xb8;
	[tilespmem:$0x1B800] =	vst v63  }
0xae: {  	_ =	swait.ge [sflag:s25], $0x1400  }
0xaf: {  	[sflag:s25] =	ssyncset.done $0x0  }
0xb0: {  	s8 =	sadd.s32 $0x600, s7;
	[sflag:s25] =	ssyncadd.s32 $0xFFFFEC00  }
0xb1: {  	[tilespmem:s26], [sflag:$0x5] =	stream.indirect.gather [hbm4b:s10+s16], $0x28, s8, s16, $0xb8;
	[tilespmem:$0x1B800] =	vst v63  }
0xb2: {  	_ =	swait.ge [sflag:s28], $0x1400  }
0xb3: {  	[sflag:s28] =	ssyncset.done $0x0  }
0xb4: {  	s8 =	sadd.s32 $0x680, s7;
	[sflag:s28] =	ssyncadd.s32 $0xFFFFEC00  }
0xb5: {  	[tilespmem:s29], [sflag:$0x6] =	stream.indirect.gather [hbm4b:s10+s16], $0x28, s8, s16, $0xb8;
	[tilespmem:$0x1B800] =	vst v63  }
0xb6: {  	_ =	swait.ge [sflag:s30], $0x1400  }
0xb7: {  	[sflag:s30] =	ssyncset.done $0x0  }
.Ltmp0:
0xb8: {  	s8 =	sadd.s32 $0x700, s7;
	[sflag:s30] =	ssyncadd.s32 $0xFFFFEC00;
	(pc) =	sbr.rel @p0 .LBB2_2-.Ltmp0, $4  }
0xb9: {  	[tilespmem:s31], [sflag:$0x7] =	stream.indirect.gather [hbm4b:s10+s16], $0x28, s8, s16, $0xb8;
	[tilespmem:$0x1B800] =	vst v63  }
0xba: {  	_ =	swait.ge [sflag:s1], $0x1400  }
0xbb: {  	[sflag:s1] =	ssyncset.done $0x0  }
0xbc: {  	s7 =	sadd.s32 $0x780, s7;
	[sflag:s1] =	ssyncadd.s32 $0xFFFFEC00  }
0xbd: {  	[tilespmem:s0], [sflag:$0x8] =	stream.indirect.gather [hbm4b:s10+s16], $0x28, s7, s16, $0xb8;
	[tilespmem:$0x1B800] =	vst v63  }
0xbe: {  	_ =	swait.ge [sflag:s15], $0x1400  }
0xbf: {  	[sflag:s15] =	ssyncset.done $0x0  }
0xc0: {  	s6 =	simm.s32 $0x4C00;
	[sflag:s15] =	ssyncadd.s32 $0xFFFFEC00  }
0xc1: {  	[spmem:s2] =	stream.indirect.scatter.add.f32 [tilespmem:s19], [sflag:$0x1], $0x28, s6, s16, $0xb8;
	[tilespmem:$0x1B800] =	vst v63  }
0xc2: {  	_ =	swait.ge [sflag:s18], $0x1400  }
0xc3: {  	[sflag:s18] =	ssyncset.done $0x0  }
0xc4: {  	s7 =	simm.s32 $0x4C80;
	[sflag:s18] =	ssyncadd.s32 $0xFFFFEC00  }
0xc5: {  	[spmem:s2] =	stream.indirect.scatter.add.f32 [tilespmem:s20], [sflag:$0x2], $0x28, s7, s16, $0xb8;
	[tilespmem:$0x1B800] =	vst v63  }
0xc6: {  	_ =	swait.ge [sflag:s21], $0x1400  }
0xc7: {  	[sflag:s21] =	ssyncset.done $0x0  }
0xc8: {  	s8 =	simm.s32 $0x4D00;
	[sflag:s21] =	ssyncadd.s32 $0xFFFFEC00  }
0xc9: {  	[spmem:s2] =	stream.indirect.scatter.add.f32 [tilespmem:s22], [sflag:$0x3], $0x28, s8, s16, $0xb8;
	[tilespmem:$0x1B800] =	vst v63  }
0xca: {  	_ =	swait.ge [sflag:s23], $0x1400  }
0xcb: {  	[sflag:s23] =	ssyncset.done $0x0  }
0xcc: {  	s7 =	simm.s32 $0x4D80;
	[sflag:s23] =	ssyncadd.s32 $0xFFFFEC00  }
0xcd: {  	[spmem:s2] =	stream.indirect.scatter.add.f32 [tilespmem:s24], [sflag:$0x4], $0x28, s7, s16, $0xb8;
	[tilespmem:$0x1B800] =	vst v63  }
0xce: {  	_ =	swait.ge [sflag:s25], $0x1400  }
0xcf: {  	[sflag:s25] =	ssyncset.done $0x0  }
0xd0: {  	s8 =	simm.s32 $0x4E00;
	[sflag:s25] =	ssyncadd.s32 $0xFFFFEC00  }
0xd1: {  	[spmem:s2] =	stream.indirect.scatter.add.f32 [tilespmem:s26], [sflag:$0x5], $0x28, s8, s16, $0xb8;
	[tilespmem:$0x1B800] =	vst v63  }
0xd2: {  	_ =	swait.ge [sflag:s28], $0x1400  }
0xd3: {  	[sflag:s28] =	ssyncset.done $0x0  }
0xd4: {  	s7 =	simm.s32 $0x4E80;
	[sflag:s28] =	ssyncadd.s32 $0xFFFFEC00  }
0xd5: {  	[spmem:s2] =	stream.indirect.scatter.add.f32 [tilespmem:s29], [sflag:$0x6], $0x28, s7, s16, $0xb8;
	[tilespmem:$0x1B800] =	vst v63  }
0xd6: {  	_ =	swait.ge [sflag:s30], $0x1400  }
0xd7: {  	[sflag:s30] =	ssyncset.done $0x0  }
0xd8: {  	s8 =	simm.s32 $0x4F00;
	[sflag:s30] =	ssyncadd.s32 $0xFFFFEC00  }
0xd9: {  	[spmem:s2] =	stream.indirect.scatter.add.f32 [tilespmem:s31], [sflag:$0x7], $0x28, s8, s16, $0xb8;
	[tilespmem:$0x1B800] =	vst v63  }
0xda: {  	_ =	swait.ge [sflag:s1], $0x1400  }
0xdb: {  	[sflag:s1] =	ssyncset.done $0x0  }
0xdc: {  	s7 =	simm.s32 $0x4F80;
	[sflag:s1] =	ssyncadd.s32 $0xFFFFEC00  }
0xdd: {  	[spmem:s2] =	stream.indirect.scatter.add.f32 [tilespmem:s0], [sflag:$0x8], $0x28, s7, s16, $0xb8;
	[tilespmem:$0x1B800] =	vst v63  }
0xde: {  	_ =	swait.ge [sflag:s15], $0x1400  }
0xdf: {  	[sflag:s15] =	ssyncset.done $0x0  }
0xe0: {  	[sflag:s15] =	ssyncadd.s32 $0xFFFFEC00  }
0xe1: {  	_ =	swait.ge [sflag:s18], $0x1400  }
0xe2: {  	[sflag:s18] =	ssyncset.done $0x0  }
0xe3: {  	[sflag:s18] =	ssyncadd.s32 $0xFFFFEC00  }
0xe4: {  	_ =	swait.ge [sflag:s21], $0x1400  }
0xe5: {  	[sflag:s21] =	ssyncset.done $0x0  }
0xe6: {  	[sflag:s21] =	ssyncadd.s32 $0xFFFFEC00  }
0xe7: {  	_ =	swait.ge [sflag:s23], $0x1400  }
0xe8: {  	[sflag:s23] =	ssyncset.done $0x0  }
0xe9: {  	[sflag:s23] =	ssyncadd.s32 $0xFFFFEC00  }
0xea: {  	_ =	swait.ge [sflag:s25], $0x1400  }
0xeb: {  	[sflag:s25] =	ssyncset.done $0x0  }
0xec: {  	[sflag:s25] =	ssyncadd.s32 $0xFFFFEC00  }
0xed: {  	_ =	swait.ge [sflag:s28], $0x1400  }
0xee: {  	[sflag:s28] =	ssyncset.done $0x0  }
0xef: {  	[sflag:s28] =	ssyncadd.s32 $0xFFFFEC00  }
0xf0: {  	_ =	swait.ge [sflag:s30], $0x1400  }
0xf1: {  	[sflag:s30] =	ssyncset.done $0x0  }
0xf2: {  	[sflag:s30] =	ssyncadd.s32 $0xFFFFEC00  }
0xf3: {  	_ =	swait.ge [sflag:s1], $0x1400  }
0xf4: {  	s4 =	sadd.s32 $0x1, s4;
	[sflag:s1] =	ssyncset.done $0x0  }
0xf5: {  	p0 =	sne.s32 s4, s12;
	[sflag:s1] =	ssyncadd.s32 $0xFFFFEC00  }
.Ltmp1:
0xf6: {  	s8 =	simm.s32 $0x10;
	[bflag:$0x0] =	sbarrier.arrive $0xFFFF;
	(pc) =	sbr.rel @p0 .LBB2_1-.Ltmp1, $4  }
0xf7: {  	[hbm:s11@s8], [sflag:s5] =	dma.strided [spmem:s13@s25], $0xC80, s15, $0x5   }
0xf8: {  	_ =	swait.ge [sflag:s14], $0xC80  }
0xf9: {  	[sflag:s14] =	ssyncset.done $0x0  }
0xfa: {  	[sflag:s14] =	ssyncadd.s32 $0xFFFFF380  }
0xfb: {  	_ =	sfence.sel $0x180000  }
0xfc: {  	[bflag:$0x0] =	sbarrier.arrive $0xFFFF  }
0xfd: {  	_ =	strace $0x9000004D  }
0xfe: {  	s0 =	stileid.u32;
	[bflag:$0x2] =	sbarrier.arrive $0xFFFF  }
0xff: {  	p0 =	sne.s32 s0, $0x0;
	s0 =	rddreg [dreg:$0x3]  }
0x100: {  	s0 =	sadd.s32 @!p0 $0x100000, s0  }
0x101: {  	[sflag:s0] =	ssyncadd.tile.s32 @!p0 $0x1;
	_ =	shalt  }
.Lfunc_end2:
_tile_overlayer_lowered:
.L_overlay_start_2:
0x102: {  	(tag) =	ssettag $0x2  }
0x103: {  	s0 =	rddreg [dreg:$0x0];
	s2 =	stileid.u32  }
0x104: {  	s1 =	rddreg [dreg:$0x1];
	p0 =	sne.s32 s2, $0x0  }
0x105: {  	s3 =	rddreg [dreg:$0x2];
	[bflag:$0x3] =	sbarrier.arrive $0xFFFF;
	s2 =	simm.s32 @!p0 $0x1C09  }
0x106: {  	[timem:s3], [sflag:s2] =	dma.local @!p0 [hbm:s0], s1  }
0x107: {  	s0 =	simm.s32 @!p0 $0x9  }
0x108: {  	_ =	swait.ge @!p0 [sflag:s0], s1  }
0x109: {  	s1 =	ssub.s32 @!p0 $0x0, s1;
	[sflag:s0] =	ssyncset.done @!p0 $0x0  }
0x10a: {  	[sflag:s0] =	ssyncadd.s32 @!p0 s1  }
0x10b: {  	[bflag:$0x3] =	sbarrier.arrive $0xFFFF  }
0x10c: {  	_ =	shalt  }

// kernel: kernel.8.cloned.1.call-start
scs
__scs_entry_jumppad:
0x0: {  	(pc) =	sbr.rel $0x88, $3  }
0x1: {  	(tag) =	ssettag $0x0;
	lr =	simm.s32 $0x1  }
0x2: {  	[smem:$0x3F9B] =	sst lr;
	_ =	strace $0xD0000000  }
0x3: {  	_ = 	snop  }
0x4: {  	_ = 	snop  }
0x5: {  	_ = 	snop  }
0x6: {  	_ = 	snop  }
0x7: {  	_ = 	snop  }
__scs_overlays_trampoline_lowered:
0x8: {  	[smem:$0x3FAA] =	sst s0  }
0x9: {  	[smem:$0x3FAB] =	sst s1  }
0xa: {  	[smem:$0x3FAC] =	sst s2  }
0xb: {  	[smem:$0x3FAD] =	sst s3  }
0xc: {  	[smem:$0x3FAE] =	sst s4  }
0xd: {  	[smem:$0x3FAF] =	sst s5  }
0xe: {  	[smem:$0x3FB0] =	sst s6  }
0xf: {  	[smem:$0x3FB1] =	sst s7  }
0x10: {  	[smem:$0x3FB2] =	sst s8  }
0x11: {  	[smem:$0x3FB3] =	sst s9;
	s0 =	simm.s32 @!p0 $0x0  }
0x12: {  	s1 =	sld [smem:$0x3F99];
	s0 =	simm.s32 @p0 $0x1  }
0x13: {  	[smem:$0x3FB4] =	sst s0;
	s0 =	simm.s32 @!p1 $0x0  }
0x14: {  	s2 =	sld [smem:$0x3F98];
	s0 =	simm.s32 @p1 $0x1  }
0x15: {  	[smem:$0x3FB5] =	sst s0;
	s0 =	simm.s32 @!p2 $0x0  }
0x16: {  	s3 =	sld [smem:$0x3FDB];
	s0 =	simm.s32 @p2 $0x1  }
0x17: {  	s4 =	simm.s32 $0x1BF5;
	[smem:$0x3FB7] =	sst s0  }
0x18: {  	s0 =	sld [smem:$0x3F9A];
	_ =	swait.ge [sflag:s4], $0x0  }
0x19: {  	s7 =	sld [smem:$0x3F9B]  }
0x1a: {  	s8 =	sadd.s32 $0xFFFFE003, lr  }
0x1b: {  	s9 =	sadd.s32 $0xFFFFFEF7, lr;
	s5 =	simm.s32 $0xFFFFFFFF;
	p2 =	slt.u32 s8, $0xFFFFF086  }
0x1c: {  	p1 =	slt.u32 s9, $0xF7A;
	s5 =	simm.s32 @!p2 $0x0  }
0x1d: {  	s5 =	simm.s32 @p1 $0x1;
	p0 =	seq.s32 s7, s2  }
0x1e: {  	s7 =	smul.u32 @!p0 $0xF7A, s2;
	p2 =	seq.s32 @!p0 s5, $0x0  }
0x1f: {  	s9 =	smul.u32 $0xF7A, s1;
	s8 =	simm.s32 @!p0 $0x1BF5;
	p2 =	por !p2, p0  }
0x20: {  	[sflag:s8] =	ssyncset.s32 @!p0 $0xFFFFF086;
	s6 =	sadd.s32 @!p0 s3, s7;
	s7 =	simm.s32 @!p0 $0x108  }
0x21: {  	s3 =	sadd.s32 s3, s9;
	s6 =	sadd.s32 @!p0 $0x88, s6;
	s7 =	simm.s32 @p2 $0x1082  }
0x22: {  	[simem:s7], [sflag:s8] =	dma.local @!p0 [hbm:s6], $0xF7A  }
0x23: {  	s9 =	sor.u32 $0xD0000000, s2;
	s6 =	simm.s32 $0x108;
	_ =	swait.ge @!p0 [sflag:s8], $0x0  }
0x24: {  	s3 =	sadd.s32 $0x88, s3;
	s6 =	simm.s32 @!p1 $0x1082;
	[sflag:s4] =	ssyncset.s32 $0xFFFFF086  }
0x25: {  	[simem:s6], [sflag:s4] =	dma.local [hbm:s3], $0xF7A  }
0x26: {  	[smem:$0x3F9B] =	sst s1;
	(tag) =	ssettag s2;
	_ =	strace s9  }
0x27: {  	s1 =	sld [smem:$0x3FAB]  }
0x28: {  	s2 =	sld [smem:$0x3FAC]  }
0x29: {  	s4 =	sld [smem:$0x3FAE]  }
0x2a: {  	p0 =	seq.s32 s5, $0x0;
	s5 =	sld [smem:$0x3FAF]  }
0x2b: {  	s6 =	sld [smem:$0x3FB0]  }
0x2c: {  	s7 =	sld [smem:$0x3FB1]  }
0x2d: {  	s3 =	simm.s32 $0x108;
	s8 =	sld [smem:$0x3FB2]  }
0x2e: {  	s3 =	simm.s32 @!p0 $0x1082;
	s9 =	sld [smem:$0x3FB3]  }
0x2f: {  	lr =	sadd.s32 s0, s3;
	s0 =	sld [smem:$0x3FAA]  }
0x30: {  	s3 =	sld [smem:$0x3FAD]  }
0x31: {  	[smem:$0x3FB6] =	sst s10  }
0x32: {  	s10 =	sld [smem:$0x3FB4];
	_ =	sdelay $0x3  }
0x33: {  	p0 =	seq.s32 s10, $0x1;
	s10 =	sld [smem:$0x3FB6];
	_ =	sdelay $0x3  }
0x34: {  	[smem:$0x3FB6] =	sst s10  }
0x35: {  	s10 =	sld [smem:$0x3FB5];
	_ =	sdelay $0x3  }
0x36: {  	p1 =	seq.s32 s10, $0x1;
	s10 =	sld [smem:$0x3FB6];
	_ =	sdelay $0x3  }
0x37: {  	[smem:$0x3FB6] =	sst s10  }
0x38: {  	s10 =	sld [smem:$0x3FB7]  }
0x39: {  	_ = 	snop;
	(pc) =	sbr.ind lr, $3  }
0x3a: {  	_ = 	snop  }
0x3b: {  	_ = 	snop  }
0x3c: {  	p2 =	seq.s32 s10, $0x1;
	s10 =	sld [smem:$0x3FB6]  }
0x3d: {  	_ =	shalt  }
0x3e: {  	_ =	shalt  }
0x3f: {  	_ =	shalt  }
0x40: {  	_ =	shalt  }
0x41: {  	_ =	shalt  }
0x42: {  	_ =	shalt  }
0x43: {  	_ =	shalt  }
0x44: {  	_ =	shalt  }
0x45: {  	_ =	shalt  }
0x46: {  	_ =	shalt  }
0x47: {  	_ =	shalt  }
0x48: {  	_ =	shalt  }
0x49: {  	_ =	shalt  }
0x4a: {  	_ =	shalt  }
0x4b: {  	_ =	shalt  }
0x4c: {  	_ =	shalt  }
0x4d: {  	_ =	shalt  }
0x4e: {  	_ =	shalt  }
0x4f: {  	_ =	shalt  }
0x50: {  	_ =	shalt  }
0x51: {  	_ =	shalt  }
0x52: {  	_ =	shalt  }
0x53: {  	_ =	shalt  }
0x54: {  	_ =	shalt  }
0x55: {  	_ =	shalt  }
0x56: {  	_ =	shalt  }
0x57: {  	_ =	shalt  }
0x58: {  	_ =	shalt  }
0x59: {  	_ =	shalt  }
0x5a: {  	_ =	shalt  }
0x5b: {  	_ =	shalt  }
0x5c: {  	_ =	shalt  }
0x5d: {  	_ =	shalt  }
0x5e: {  	_ =	shalt  }
0x5f: {  	_ =	shalt  }
0x60: {  	_ =	shalt  }
0x61: {  	_ =	shalt  }
0x62: {  	_ =	shalt  }
0x63: {  	_ =	shalt  }
0x64: {  	_ =	shalt  }
0x65: {  	_ =	shalt  }
0x66: {  	_ =	shalt  }
0x67: {  	_ =	shalt  }
0x68: {  	_ =	shalt  }
0x69: {  	_ =	shalt  }
0x6a: {  	_ =	shalt  }
0x6b: {  	_ =	shalt  }
0x6c: {  	_ =	shalt  }
0x6d: {  	_ =	shalt  }
0x6e: {  	_ =	shalt  }
0x6f: {  	_ =	shalt  }
0x70: {  	_ =	shalt  }
0x71: {  	_ =	shalt  }
0x72: {  	_ =	shalt  }
0x73: {  	_ =	shalt  }
0x74: {  	_ =	shalt  }
0x75: {  	_ =	shalt  }
0x76: {  	_ =	shalt  }
0x77: {  	_ =	shalt  }
0x78: {  	_ =	shalt  }
0x79: {  	_ =	shalt  }
0x7a: {  	_ =	shalt  }
0x7b: {  	_ =	shalt  }
0x7c: {  	_ =	shalt  }
0x7d: {  	_ =	shalt  }
0x7e: {  	_ =	shalt  }
0x7f: {  	_ =	shalt  }
0x80: {  	_ =	shalt  }
0x81: {  	_ =	shalt  }
0x82: {  	_ =	shalt  }
0x83: {  	_ =	shalt  }
0x84: {  	_ =	shalt  }
0x85: {  	_ =	shalt  }
0x86: {  	_ =	shalt  }
0x87: {  	_ =	shalt  }
.Lfunc_end0:
.L_simem_size_0:
called_computation_lowered:
.L_overlay_start_0:
0x88: {  	s2 =	sld [smem:$0x3FD9]  }
0x89: {  	s3 =	sld [smem:$0x3FFE];
	_ =	sdelay $0x1  }
0x8a: {  	s1 =	srdreg.scid  }
0x8b: {  	s0 =	sand.u32 $0x1, s1  }
0x8c: {  	s17 =	sshll.u32 s0, $0xA;
	s2 =	sadd.s32 s3, s2  }
0x8d: {  	s2 =	sadd.s32 s2, s17  }
0x8e: {  	[smem:$0x3FC2] =	sst s2  }
0x8f: {  	_ = 	snop  }
0x90: {  	s2 =	sld [smem:$0x3FD0];
	(tm) =	ssettm $0x1  }
0x91: {  	s18 =	sld [smem:$0x3FFB];
	_ =	sdelay $0x3  }
0x92: {  	_ =	strace s18  }
0x93: {  	s3 =	sld [smem:$0x3FFC];
	_ =	sdelay $0x3  }
0x94: {  	_ =	strace s3  }
0x95: {  	s3 =	sld [smem:$0x3FFD];
	_ =	sdelay $0x3  }
0x96: {  	_ =	strace s3  }
0x97: {  	_ =	strace $0x8FFFFFFF  }
0x98: {  	s19 =	sld [smem:$0x3FDB];
	_ =	sdelay $0x1  }
0x99: {  	s4 =	simm.s32 $_scs_section_size  }
0x9a: {  	s5 =	simm.s32 $_size__tile_overlayer_lowered;
	s6 =	simm.s32 $_tile_overlayer_lowered  }
0x9b: {  	s22 =	simm.s32 $0x1BFF;
	s21 =	sshll.u32 s6, $0x1;
	s3 =	sadd.s32 s4, s19  }
0x9c: {  	s7 =	simm.s32 $0x0;
	s20 =	sshll.u32 s5, $0x1;
	s5 =	sadd.s32 s21, s3  }
0x9d: {  	[timem:s7], [sflag:s22] =	dma.local [hbm:s5], s20  }
0x9e: {  	_ =	swait.ge [sflag:s22], s20  }
0x9f: {  	s4 =	ssub.s32 $0x0, s20;
	[sflag:s22] =	ssyncset.done $0x0  }
0xa0: {  	[sflag:s22] =	ssyncadd.s32 s4;
	_ =	sdelay $0x1  }
0xa1: {  	s23 =	simm.s32 $0x1B8B  }
0xa2: {  	_ =	swait.ge [sflag:s23], $0x1  }
0xa3: {  	[sflag:s23] =	ssyncset.done $0x0  }
0xa4: {  	s25 =	simm.s32 $0x1B8E;
	s24 =	sld [smem:$0x3FFE];
	[sflag:s23] =	ssyncadd.s32 $0xFFFFFFFF  }
0xa5: {  	s26 =	simm.s32 $execute0_lowered;
	[smem:$0x3FD2] =	sst s25  }
0xa6: {  	s5 =	sshll.u32 s26, $0x1;
	_ =	strace $0x80000046;
	[dreg:$0x1] =	wrdreg $0xFFFFFFFF  }
0xa7: {  	s28 =	simm.s32 $_size_execute0_lowered;
	s3 =	sadd.s32 s3, s5;
	[dreg:$0x0] =	wrdreg $0x0  }
0xa8: {  	s5 =	sshll.u32 s28, $0x1;
	[dreg:$0x2] =	wrdreg s3  }
0xa9: {  	[dreg:$0x3] =	wrdreg s5  }
0xaa: {  	[dreg:$0x4] =	wrdreg $0xC0  }
0xab: {  	_ =	task [dreg:s7], $0x5FFFF  }
0xac: {  	[dreg:$0x1] =	wrdreg $0xFFFFFFFF  }
0xad: {  	[dreg:$0x0] =	wrdreg $0x60  }
0xae: {  	[dreg:$0x2] =	wrdreg s2  }
0xaf: {  	[dreg:$0x3] =	wrdreg s24  }
0xb0: {  	[dreg:$0x4] =	wrdreg $0x53000  }
0xb1: {  	[dreg:$0x5] =	wrdreg $0x9  }
0xb2: {  	_ =	task.clear_ibuf [dreg:s7], $0x6FFFF;
	_ =	strace $0x90000046  }
0xb3: {  	s29 =	simm.s32 $0x9;
	_ =	strace $0x80000048  }
0xb4: {  	_ =	swait.ge [sflag:s29], $0x1  }
0xb5: {  	[sflag:s29] =	ssyncadd.s32 $0xFFFFFFFF  }
0xb6: {  	_ =	strace $0x90000048  }
0xb7: {  	_ =	sfence  }
0xb8: {  	s30 =	sld [smem:$0x0];
	_ =	sdelay $0x2  }
0xb9: {  	s31 =	sshll.u32 s1, $0xD;
	s1 =	sshrl.u32 s1, $0x2  }
0xba: {  	s3 =	sand.u32 $0x4000, s31;
	s1 =	sadd.s32 s1, s30  }
0xbb: {  	s0 =	sor.u32 s3, s0;
	s1 =	sshll.u32 s1, $0x11  }
0xbc: {  	s0 =	sor.u32 s1, s0  }
0xbd: {  	s0 =	sadd.s32 $0x8F2B, s0  }
0xbe: {  	[sflag:s0] =	ssyncadd.remote.s32 $0x1  }
0xbf: {  	_ =	sfence.sel $0xFFFF  }
0xc0: {  	[dreg:$0x0] =	wrdreg $0xFFFFFFFF;
	(pc) =	sbr.abs _section_cstart, $3  }
0xc1: {  	[dreg:$0x1] =	wrdreg $0xFFFFFFFF  }
0xc2: {  	_ =	task.clear_ibuf [dreg:s7], $0x2FFFF;
	_ =	strace $0x9FFFFFFF  }
0xc3: {  	(tm) =	ssettm $0x7FFFFFFF  }
tec
execute0_lowered:
.L_overlay_start_1:
0x0: {  	(tag) =	ssettag $0x1  }
0x1: {  	s8 =	rddreg [dreg:$0x0]  }
0x2: {  	s5 =	rddreg [dreg:$0x1]  }
0x3: {  	s2 =	rddreg [dreg:$0x2]  }
0x4: {  	s0 =	rddreg [dreg:$0x3];
	s3 =	simm.s32 $0x0;
	s1 =	stileid.u32  }
0x5: {  	s4 =	srdreg.scid;
	s13 =	simm.s32 $0x2800;
	s14 =	simm.s32 $0x80  }
0x6: {  	s15 =	simm.s32 $0x1;
	s16 =	simm.s32 $0x2B00;
	s17 =	simm.s32 $0x10  }
0x7: {  	s18 =	simm.s32 $0x0;
	[smem:$0x7FF] =	sst s3;
	s6 =	smul.u32 $0x280, s1  }
0x8: {  	s7 =	sand.u32 $0x1, s4;
	s9 =	smul.u32 $0x14000, s1;
	s4 =	sadd.s32 $0xE000, s5  }
0x9: {  	s31 =	sshll.u32 s1, $0x6;
	_ =	strace $0x80000047;
	s11 =	sshll.u32 s7, $0x4  }
0xa: {  	s7 =	ssub.s32 $0x2, s7;
	s10 =	sshrl.u32 s6, $0x3;
	s9 =	sor.u32 s11, s9  }
0xb: {  	s12 =	sshrl.u32 s7, $0x1;
	s11 =	sor.u32 s1, s11;
	s10 =	sadd.s32 s10, s5  }
0xc: {  	s9 =	sshrl.u32 s9, $0x3;
	s12 =	ssub.s32 s7, s12;
	s11 =	smul.u32 $0x500, s11  }
0xd: {  	s7 =	sor.u32 $0x1C02, s31;
	s9 =	sadd.s32 s9, s5;
	s5 =	sadd.s32 s6, s2  }
0xe: {  	v0 =	vlaneseq.u32;
	s6 =	sadd.s32 $0xDA00, s10;
	s10 =	smax.u32 s12, $0x1;
	s12 =	simm.s32 $0x2  }
0xf: {  	v0 =	vmul.u32 $0x10, v0;
	s8 =	sadd.s32 s8, s11;
	s9 =	sadd.s32 $0xE200, s9;
	s11 =	sshrl.u32 s5, $0x3  }
.LBB2_1:
0x10: {  	[spmem:s11], [sflag:s7] =	dma.local [hbm:s6], $0x50  }
0x11: {  	_ =	swait.ge [sflag:s12], $0x50  }
0x12: {  	[sflag:s12] =	ssyncset.done $0x0  }
0x13: {  	[sflag:s12] =	ssyncadd.s32 $0xFFFFFFB0  }
0x14: {  	[tilespmem:s13], [sflag:$0x2] =	stream.linear.gather [hbm4b:s4+s3], $0x80, $0x38;
	[tilespmem:$0x5580] =	vst v63  }
0x15: {  	_ =	swait.ge [sflag:s12], $0x80  }
0x16: {  	[sflag:s12] =	ssyncset.done $0x0  }
0x17: {  	[sflag:s12] =	ssyncadd.s32 $0xFFFFFF80  }
0x18: {  	[tilespmem:s3], [sflag:$0x2] =	stream.linear.gather [hbm4b:s8+s3], $0x2800, $0x38;
	[tilespmem:$0x5580] =	vst v63  }
0x19: {  	_ =	swait.ge [sflag:s12], $0x2800  }
0x1a: {  	[sflag:s12] =	ssyncset.done $0x0  }
0x1b: {  	[sflag:s12] =	ssyncadd.s32 $0xFFFFD800  }
0x1c: {  	s19 =	simm.s32 $0x0;
	[bflag:$0x0] =	sbarrier.arrive $0xFFFF  }
.LBB2_2:
0x1d: {  	p0 =	sne.s32 s19, $0x9E00  }
.Ltmp0:
0x1e: {  	_ = 	snop;
	(pc) =	sbr.rel @p0 .LBB2_2-.Ltmp0, $3  }
0x1f: {  	_ =	sdelay $0x1  }
0x20: {  	s20 =	sshra.s32 s19, $0x2;
	s19 =	sadd.s32 $0x200, s19  }
0x21: {  	[spmem:s2] =	stream.indirect.scatter.add.f32 [tilespmem:s13], [sflag:$0x1], $0x1, s20, s14, $0xb8;
	[tilespmem:$0x5580] =	vst v63  }
0x22: {  	_ =	swait.ge [sflag:s15], $0x80  }
0x23: {  	s19 =	simm.s32 $0x4F;
	[sflag:s15] =	ssyncset.done $0x0  }
.LBB2_4:
0x24: {  	p0 =	sne.s32 s19, $0x1;
	s19 =	sadd.s32 $0xFFFFFFFF, s19;
	[sflag:s15] =	ssyncadd.s32 $0xFFFFFF80  }
.Ltmp1:
0x25: {  	(pc) =	sbr.rel @p0 .LBB2_4-.Ltmp1, $3  }
0x26: {  	_ =	sdelay $0x1  }
0x27: {  	_ =	swait.ge [sflag:s15], $0x80  }
0x28: {  	[sflag:s15] =	ssyncset.done $0x0  }
0x29: {  	[sflag:s15] =	ssyncadd.s32 $0xFFFFFF80  }
0x2a: {  	s19 =	simm.s32 $0x2880;
	[bflag:$0x0] =	sbarrier.arrive $0xFFFF  }
0x2b: {  	[tilespmem:s19], [sflag:$0x2] =	stream.linear.gather [spmem:s5], $0x280, $0x38;
	[tilespmem:$0x5580] =	vst v63  }
0x2c: {  	s20 =	simm.s32 $0x0;
	_ =	swait.ge [sflag:s12], $0x280  }
0x2d: {  	v1 =	vmov s20;
	[sflag:s12] =	ssyncset.done $0x0  }
0x2e: {  	v2 =	vshll.u32 v1, $0x4;
	[sflag:s12] =	ssyncadd.s32 $0xFFFFFD80  }
0x2f: {  	s20 =	simm.s32 $0x10;
	v2 =	vor.u32 v0, v2;
	v1 =	vld [tilespmem:s19+$0x0]  }
.LBB2_6:
0x30: {  	p0 =	sne.s32 s20, $0x270  }
.Ltmp2:
0x31: {  	_ = 	snop;
	(pc) =	sbr.rel @p0 .LBB2_6-.Ltmp2, $4  }
0x32: {  	_ = 	snop  }
0x33: {  	v3 =	vmov s20;
	s20 =	sadd.s32 $0x10, s20  }
0x34: {  	s19 =	sadd.s32 $0x10, s19;
	v3 =	vshll.u32 v3, $0x4;
	[tilespmem:v2+s16+$0x0] =	vst.idx.msk $0xffff, v1  }
0x35: {  	v2 =	vor.u32 v0, v3;
	v1 =	vld [tilespmem:s19+$0x0]  }
0x36: {  	_ =	sdelay $0x1  }
0x37: {  	s18 =	sadd.s32 $0x1, s18  }
0x38: {  	p0 =	sne.s32 s18, s10  }
.Ltmp3:
0x39: {  	[tilespmem:v2+s16+$0x0] =	vst.idx.msk $0xffff, v1;
	(pc) =	sbr.rel @p0 .LBB2_1-.Ltmp3, $4  }
0x3a: {  	[hbm4b:s9+s17] =	stream.strided.scatter [tilespmem:s16], [sflag:$0x2], $0x2800, s14, s17, $0x38;
	[tilespmem:$0x5580] =	vst v63  }
0x3b: {  	_ =	swait.ge [sflag:s12], $0x2800  }
0x3c: {  	[sflag:s12] =	ssyncset.done $0x0  }
0x3d: {  	[sflag:s12] =	ssyncadd.s32 $0xFFFFD800  }
0x3e: {  	_ =	sfence.sel $0x180000  }
0x3f: {  	[bflag:$0x0] =	sbarrier.arrive $0xFFFF  }
0x40: {  	p0 =	sne.s32 s1, $0x0;
	_ =	strace $0x90000047  }
0x41: {  	s0 =	sadd.s32 @!p0 $0x100000, s0;
	[bflag:$0x2] =	sbarrier.arrive $0xFFFF  }
0x42: {  	[sflag:s0] =	ssyncadd.tile.s32 @!p0 $0x1;
	_ =	shalt  }
.Lfunc_end2:
_tile_overlayer_lowered:
.L_overlay_start_2:
0x43: {  	(tag) =	ssettag $0x2  }
0x44: {  	s0 =	rddreg [dreg:$0x0];
	s2 =	stileid.u32  }
0x45: {  	s1 =	rddreg [dreg:$0x1];
	p0 =	sne.s32 s2, $0x0  }
0x46: {  	s3 =	rddreg [dreg:$0x2];
	[bflag:$0x3] =	sbarrier.arrive $0xFFFF;
	s2 =	simm.s32 @!p0 $0x1C02  }
0x47: {  	[timem:s3], [sflag:s2] =	dma.local @!p0 [hbm:s0], s1  }
0x48: {  	s0 =	simm.s32 @!p0 $0x2  }
0x49: {  	_ =	swait.ge @!p0 [sflag:s0], s1  }
0x4a: {  	s1 =	ssub.s32 @!p0 $0x0, s1;
	[sflag:s0] =	ssyncset.done @!p0 $0x0  }
0x4b: {  	[sflag:s0] =	ssyncadd.s32 @!p0 s1  }
0x4c: {  	[bflag:$0x3] =	sbarrier.arrive $0xFFFF  }
0x4d: {  	_ =	shalt  }

</sc_bundles>
